<compile_context>
chip_gen: v7x
topology: tpu7x:2x2x1
jax: 0.10.2.dev20260603
libtpu: 0.0.44.dev20260713+nightly
codegen_flags: <defaults>
</compile_context>

<pallas_src>
import functools

import jax
import jax.numpy as jnp
from jax import lax
from jax.experimental import pallas as pl
from jax.experimental.pallas import tpu as pltpu
from jax.experimental.pallas import tpu_sc as plsc

HIDDEN = 1024
FFN = 2048
MOE_FFN = 512
E = 8
TOP_K = 2
T = 2048
A = T * TOP_K
BLK = 256
BLK_SHIFT = 8
NPAD = A + E * BLK
NBLK = NPAD // BLK
TOK_BLK = 512




H2 = HIDDEN // 2
_HI_MASK = -65536


def _pack_bf16_pair(lo_f32, hi_f32):
    lo = lax.bitcast_convert_type(
        lo_f32.astype(jnp.bfloat16).astype(jnp.float32), jnp.int32)
    hi = lax.bitcast_convert_type(
        hi_f32.astype(jnp.bfloat16).astype(jnp.float32), jnp.int32)
    return lax.shift_right_logical(lo, 16) | (hi & _HI_MASK)


def _unpack_bf16_pair(words):
    lo = lax.bitcast_convert_type(words << 16, jnp.float32)
    hi = lax.bitcast_convert_type(words & _HI_MASK, jnp.float32)
    return lo, hi


def _router_body(x_ref, wr_ref, tk_ref, w_ref, xp_ref):
    logits = jnp.dot(x_ref[...], wr_ref[...], preferred_element_type=jnp.float32)
    iota = lax.broadcasted_iota(jnp.int32, logits.shape, 1)
    v1 = jnp.max(logits, axis=1, keepdims=True)
    idx1 = jnp.min(jnp.where(logits == v1, iota, E), axis=1, keepdims=True)
    sel1 = iota == idx1
    masked = jnp.where(sel1, -jnp.inf, logits)
    v2 = jnp.max(masked, axis=1, keepdims=True)
    idx2 = jnp.min(jnp.where(masked == v2, iota, E), axis=1, keepdims=True)
    e2 = jnp.exp(v2 - v1)
    w1 = 1.0 / (1.0 + e2)
    w2 = 1.0 - w1
    tk_ref[...] = jnp.concatenate([idx1, idx2], axis=1)
    w_ref[...] = jnp.concatenate([w1, w2], axis=1)
    xp_ref[...] = _pack_bf16_pair(x_ref[:, 0:H2], x_ref[:, H2:HIDDEN])


def _router(x, wr):
    n = T // TOK_BLK
    return pl.pallas_call(
        _router_body,
        grid=(n,),
        in_specs=[
            pl.BlockSpec((TOK_BLK, HIDDEN), lambda t: (t, 0)),
            pl.BlockSpec((HIDDEN, E), lambda t: (0, 0)),
        ],
        out_specs=[
            pl.BlockSpec((TOK_BLK, TOP_K), lambda t: (t, 0)),
            pl.BlockSpec((TOK_BLK, TOP_K), lambda t: (t, 0)),
            pl.BlockSpec((TOK_BLK, H2), lambda t: (t, 0)),
        ],
        out_shape=[
            jax.ShapeDtypeStruct((T, TOP_K), jnp.int32),
            jax.ShapeDtypeStruct((T, TOP_K), jnp.float32),
            jax.ShapeDtypeStruct((T, H2), jnp.int32),
        ],
    )(x, wr)


def _shared_combine_body(x_ref, wg_ref, wu_ref, wd_ref, w_ref, y0_ref, y1_ref,
                         out_ref):
    x = x_ref[...]
    g = jnp.dot(x, wg_ref[...], preferred_element_type=jnp.float32)
    u = jnp.dot(x, wu_ref[...], preferred_element_type=jnp.float32)
    h = g * jax.nn.sigmoid(g) * u
    sh = jnp.dot(h, wd_ref[...], preferred_element_type=jnp.float32)
    w = w_ref[...]
    w0 = w[:, 0:1]
    w1 = w[:, 1:2]
    y0lo, y0hi = _unpack_bf16_pair(y0_ref[...])
    y1lo, y1hi = _unpack_bf16_pair(y1_ref[...])
    out_ref[:, 0:H2] = sh[:, 0:H2] + w0 * y0lo + w1 * y1lo
    out_ref[:, H2:HIDDEN] = sh[:, H2:HIDDEN] + w0 * y0hi + w1 * y1hi


def _shared_combine(x, wg, wu, wd, w2, yg):
    n = T // TOK_BLK
    return pl.pallas_call(
        _shared_combine_body,
        grid=(n,),
        in_specs=[
            pl.BlockSpec((TOK_BLK, HIDDEN), lambda t: (t, 0)),
            pl.BlockSpec((HIDDEN, FFN), lambda t: (0, 0)),
            pl.BlockSpec((HIDDEN, FFN), lambda t: (0, 0)),
            pl.BlockSpec((FFN, HIDDEN), lambda t: (0, 0)),
            pl.BlockSpec((TOK_BLK, TOP_K), lambda t: (t, 0)),
            pl.BlockSpec((TOK_BLK, H2), lambda t: (t, 0)),
            pl.BlockSpec((TOK_BLK, H2), lambda t, n=n: (t + n, 0)),
        ],
        out_specs=pl.BlockSpec((TOK_BLK, HIDDEN), lambda t: (t, 0)),
        out_shape=jax.ShapeDtypeStruct((T, HIDDEN), jnp.float32),
    )(x, wg, wu, wd, w2, yg, yg)



NW2 = 32
APT2 = A // NW2
VPT = APT2 // 16
NVREG = A // 16


def _routing_sc(x, tkT):
    mesh = plsc.VectorSubcoreMesh(
        core_axis_name="c", subcore_axis_name="s", num_cores=2)

    @functools.partial(
        pl.kernel,
        out_type=[
            jax.ShapeDtypeStruct((NPAD, H2), jnp.int32),
            jax.ShapeDtypeStruct((A,), jnp.int32),
            jax.ShapeDtypeStruct((48,), jnp.int32),
        ],
        mesh=mesh,
        scratch_types=[
            pltpu.VMEM((A,), jnp.int32),
            pltpu.VMEM((1, APT2), jnp.int32),
            pltpu.VMEM((APT2, H2), jnp.int32),
            pltpu.VMEM((16,), jnp.int32),
            pltpu.SemaphoreType.DMA,
        ],
        compiler_params=pltpu.CompilerParams(needs_layout_passes=False),
    )
    def routing(xb_hbm, tkT_hbm, sx_hbm, ip_hbm, be_hbm,
                eids_v, pos_v, rows_v, stage_v, sem):
        wid = lax.axis_index("s") * 2 + lax.axis_index("c")
        iota = lax.iota(jnp.int32, 16)

        k_tok0 = lax.rem(wid, NW2 // TOP_K) * APT2
        ld0 = pltpu.async_copy(xb_hbm.at[pl.ds(k_tok0, APT2)], rows_v, sem)

        pltpu.sync_copy(tkT_hbm, eids_v)

        def scan_body(jj, carry):
            cnt, pre = carry
            pre = jnp.where(jj == wid * VPT, cnt, pre)
            v = eids_v[pl.ds(jj * 16, 16)]
            for e in range(E):
                ce = plsc.all_reduce_population_count(v == e)
                cnt = cnt + jnp.where(iota == e, ce, 0)
            return cnt, pre

        cnt, pre = lax.fori_loop(
            0, NVREG, scan_body,
            (jnp.zeros(16, jnp.int32), jnp.zeros(16, jnp.int32)))
        tot = cnt
        padded = ((tot + (BLK - 1)) >> BLK_SHIFT) << BLK_SHIFT
        pstart = plsc.cumsum(padded) - padded
        base = pstart + pre

        @pl.when(wid == 0)
        def _():
            sblk = pstart >> BLK_SHIFT
            eblk = sblk + (padded >> BLK_SHIFT)
            for bj in range(3):
                bvec = bj * 16 + iota
                be = jnp.zeros(16, jnp.int32)
                for e in range(1, E):
                    s_e = jnp.sum(jnp.where(iota == e, sblk, 0))
                    e_e = jnp.sum(jnp.where(iota == e, eblk, 0))
                    be = be + jnp.where((bvec >= s_e) & (bvec < e_e), e, 0)
                stage_v[...] = be
                pltpu.sync_copy(stage_v, be_hbm.at[pl.ds(bj * 16, 16)])

        pos_ref = pos_v.at[0]
        for j in range(APT2 // 16):
            v = eids_v[pl.ds(wid * APT2 + j * 16, 16)]
            pos = jnp.zeros(16, jnp.int32)
            for e in range(E):
                m = v == e
                mi = jnp.where(m, 1, 0)
                excl = plsc.cumsum(mi) - mi
                b_e = jnp.sum(jnp.where(iota == e, base, 0))
                pos = pos + mi * (b_e + excl)
                c_e = plsc.all_reduce_population_count(m)
                base = base + jnp.where(iota == e, c_e, 0)
            pos_ref[pl.ds(j * 16, 16)] = pos
        pltpu.sync_copy(pos_ref, ip_hbm.at[pl.ds(wid * APT2, APT2)])
        ld0.wait()
        pltpu.async_copy(rows_v, sx_hbm.at[pos_ref], sem).wait()

    return routing(x, tkT)



def _gmm_body(be_ref, xs_ref, wg_ref, wu_ref, wd_ref, y_ref):
    xlo, xhi = _unpack_bf16_pair(xs_ref[...])
    wg = wg_ref[0]
    wu = wu_ref[0]
    g = (jnp.dot(xlo, wg[0:H2], preferred_element_type=jnp.float32)
         + jnp.dot(xhi, wg[H2:HIDDEN], preferred_element_type=jnp.float32))
    u = (jnp.dot(xlo, wu[0:H2], preferred_element_type=jnp.float32)
         + jnp.dot(xhi, wu[H2:HIDDEN], preferred_element_type=jnp.float32))
    h = g * jax.nn.sigmoid(g) * u
    y = jnp.dot(h, wd_ref[0], preferred_element_type=jnp.float32)
    y_ref[...] = _pack_bf16_pair(y[:, 0:H2], y[:, H2:HIDDEN])


def _gmm(blk_exp, sorted_x, weg, weu, wed):
    grid_spec = pltpu.PrefetchScalarGridSpec(
        num_scalar_prefetch=1,
        grid=(NBLK,),
        in_specs=[
            pl.BlockSpec((BLK, H2), lambda b, be: (b, 0)),
            pl.BlockSpec((1, HIDDEN, MOE_FFN), lambda b, be: (be[b], 0, 0)),
            pl.BlockSpec((1, HIDDEN, MOE_FFN), lambda b, be: (be[b], 0, 0)),
            pl.BlockSpec((1, MOE_FFN, HIDDEN), lambda b, be: (be[b], 0, 0)),
        ],
        out_specs=pl.BlockSpec((BLK, H2), lambda b, be: (b, 0)),
    )
    return pl.pallas_call(
        _gmm_body,
        grid_spec=grid_spec,
        out_shape=jax.ShapeDtypeStruct((NPAD, H2), jnp.int32),
    )(blk_exp, sorted_x, weg, weu, wed)



def _gather_sc(y_out, ip):
    mesh = plsc.VectorSubcoreMesh(
        core_axis_name="c", subcore_axis_name="s", num_cores=2)

    @functools.partial(
        pl.kernel,
        out_type=jax.ShapeDtypeStruct((A, H2), jnp.int32),
        mesh=mesh,
        scratch_types=[
            pltpu.VMEM((1, 128), jnp.int32),
            pltpu.VMEM((128, H2), jnp.int32),
            pltpu.SemaphoreType.DMA,
        ],
        compiler_params=pltpu.CompilerParams(needs_layout_passes=False),
    )
    def gatherk(y_hbm, ip_hbm, yg_hbm, idx_v, gbuf_v, sem):
        wid = lax.axis_index("s") * 2 + lax.axis_index("c")
        base = wid * 128
        idx_ref = idx_v.at[0]
        pltpu.sync_copy(ip_hbm.at[pl.ds(base, 128)], idx_ref)
        pltpu.async_copy(y_hbm.at[idx_ref], gbuf_v, sem).wait()
        pltpu.sync_copy(gbuf_v, yg_hbm.at[pl.ds(base, 128)])

    return gatherk(y_out, ip)



def kernel(hidden_states, W_router, Ws_gate, Ws_up, Ws_down,
           We_gate, We_up, We_down):
    orig_shape = hidden_states.shape
    x = hidden_states.reshape(-1, HIDDEN)

    tk2, w2, xpack = _router(x, W_router)
    tkT = jnp.transpose(tk2).reshape(A)

    sorted_x, ip, blk_exp = _routing_sc(xpack, tkT)
    y_out = _gmm(blk_exp, sorted_x, We_gate, We_up, We_down)
    yg = _gather_sc(y_out, ip)
    out = _shared_combine(x, Ws_gate, Ws_up, Ws_down, w2, yg)
    return out.reshape(orig_shape)

# --- scband reference (transcript-rebuilt; emitter-appended) ---
"""Pipeline reference for scband-hunyuan-mo-e-44573170598020 (READ-ONLY COPY).

The authoritative reference and input builder live on the scoring server;
editing this copy changes nothing except your own understanding.
"""

import jax, jax.numpy as jnp
import numpy as np

HIDDEN = 1024
FFN = 2048
MOE_FFN = 512
E = 8
TOP_K = 2
T = 2048


def setup_inputs(seed: int = 0) -> dict:
    key = jax.random.key(seed)
    ks = jax.random.split(key, 8)
    s = 0.02
    return {
        "hidden_states": jax.random.normal(ks[0], (T, HIDDEN), dtype=jnp.float32),
        "W_router": jax.random.normal(ks[1], (HIDDEN, E), dtype=jnp.float32) * s,
        "Ws_gate": jax.random.normal(ks[2], (HIDDEN, FFN), dtype=jnp.float32) * s,
        "Ws_up": jax.random.normal(ks[3], (HIDDEN, FFN), dtype=jnp.float32) * s,
        "Ws_down": jax.random.normal(ks[4], (FFN, HIDDEN), dtype=jnp.float32) * s,
        "We_gate": jax.random.normal(ks[5], (E, HIDDEN, MOE_FFN), dtype=jnp.float32) * s,
        "We_up": jax.random.normal(ks[6], (E, HIDDEN, MOE_FFN), dtype=jnp.float32) * s,
        "We_down": jax.random.normal(ks[7], (E, MOE_FFN, HIDDEN), dtype=jnp.float32) * s,
    }


def _gated_mlp(x, Wg, Wu, Wd):
    return (jax.nn.silu(x @ Wg) * (x @ Wu)) @ Wd


def reference(hidden_states, W_router, Ws_gate, Ws_up, Ws_down, We_gate, We_up, We_down):
    orig_shape = hidden_states.shape
    x = hidden_states.reshape(-1, HIDDEN)
    # shared expert (always-on gated MLP)
    shared_out = _gated_mlp(x, Ws_gate, Ws_up, Ws_down)
    # router
    router_logits = x @ W_router
    top_vals, top_idx = jax.lax.top_k(router_logits, TOP_K)
    # RenormalizeMoeRoutingMethod: softmax over the selected top-k logits
    routing_weights = jax.nn.softmax(top_vals, axis=-1)
    # expert computation with dense per-expert masking (faithful MoE combine)
    moe_out = jnp.zeros_like(x)
    for e in range(E):
        coef = jnp.sum(jnp.where(top_idx == e, routing_weights, 0.0), axis=-1)
        y = _gated_mlp(x, We_gate[e], We_up[e], We_down[e])
        moe_out = moe_out + coef[:, None] * y
    final = shared_out + moe_out
    return final.reshape(orig_shape)

if __name__ == "__main__":
    import jax
    _d = setup_inputs()
    print(jax.jit(kernel)(*tuple(_d.values())))

</pallas_src>

<mosaic_0001>
#map = affine_map<(d0, d1) -> (0, 0)>
#map1 = affine_map<(d0, d1) -> (0)>
module attributes {stable_mosaic.version = 14 : i64} {
  func.func @gatherk(%arg0: i32, %arg1: i32, %arg2: memref<6144x512xi32, #tpu.memory_space<hbm>>, %arg3: memref<4096xi32, #tpu.memory_space<hbm>>, %arg4: memref<4096x512xi32, #tpu.memory_space<hbm>>, %arg5: memref<1x128xi32, #tpu.memory_space<vmem>>, %arg6: memref<128x512xi32, #tpu.memory_space<vmem>>, %arg7: memref<!tpu.dma_semaphore, #tpu.memory_space<semaphore_mem>>) attributes {dimension_semantics = [#tpu.dimension_semantics<core_parallel>, #tpu.dimension_semantics<subcore_parallel>], iteration_bounds = array<i64: 2, 16>, scalar_prefetch = 0 : i64, scratch_operands = 3 : i64, tpu.core_type = #tpu.core_type<sc_vector_subcore>, window_params = [{transform_indices = #map}, {transform_indices = #map1}, {transform_indices = #map}]} {
    %mul3A = arith.constant 2 : i32
    %mul3A_0 = arith.muli %arg1, %mul3A : i32
    %add3A = arith.addi %mul3A_0, %arg0 : i32
    %mul3A_1 = arith.constant 128 : i32
    %mul3A_2 = arith.muli %add3A, %mul3A_1 : i32
    %run_scoped3A = arith.constant 0 : i32
    "tpu.region"() ({
      %run_scoped3A_15 = tpu.sem_alloc : memref<!tpu.dma_semaphore, #tpu.memory_space<semaphore_mem>>
      %dma_start3A_16 = arith.constant 0 : i32
      %dma_start3A_17 = tpu.memref_slice %arg5[%run_scoped3A, %dma_start3A_16] : memref<1x128xi32, #tpu.memory_space<vmem>> -> memref<1x128xi32, #tpu.memory_space<vmem>>
      %dma_start3A_18 = tpu.memref_squeeze %dma_start3A_17 : memref<1x128xi32, #tpu.memory_space<vmem>> -> memref<128xi32, #tpu.memory_space<vmem>>
      %dma_start3A_19 = tpu.memref_slice %arg3[%mul3A_2] : memref<4096xi32, #tpu.memory_space<hbm>> -> memref<128xi32, #tpu.memory_space<hbm>>
      %dma_start3A_20 = arith.constant 0 : i32
      %dma_start3A_21 = tpu.memref_slice %arg5[%run_scoped3A, %dma_start3A_20] : memref<1x128xi32, #tpu.memory_space<vmem>> -> memref<1x128xi32, #tpu.memory_space<vmem>>
      %dma_start3A_22 = tpu.memref_squeeze %dma_start3A_21 : memref<1x128xi32, #tpu.memory_space<vmem>> -> memref<128xi32, #tpu.memory_space<vmem>>
      %dma_start3A_23 = tpu.memref_slice %arg3[%mul3A_2] : memref<4096xi32, #tpu.memory_space<hbm>> -> memref<128xi32, #tpu.memory_space<hbm>>
      tpu.enqueue_dma source(%dma_start3A_23 : memref<128xi32, #tpu.memory_space<hbm>>) target(%dma_start3A_22 : memref<128xi32, #tpu.memory_space<vmem>>) target_semaphore(%run_scoped3A_15 : memref<!tpu.dma_semaphore, #tpu.memory_space<semaphore_mem>>)
      %dma_wait3A_24 = arith.constant 0 : i32
      %dma_wait3A_25 = tpu.memref_slice %arg5[%run_scoped3A, %dma_wait3A_24] : memref<1x128xi32, #tpu.memory_space<vmem>> -> memref<1x128xi32, #tpu.memory_space<vmem>>
      %dma_wait3A_26 = tpu.memref_squeeze %dma_wait3A_25 : memref<1x128xi32, #tpu.memory_space<vmem>> -> memref<128xi32, #tpu.memory_space<vmem>>
      %dma_wait3A_27 = tpu.memref_slice %arg3[%mul3A_2] : memref<4096xi32, #tpu.memory_space<hbm>> -> memref<128xi32, #tpu.memory_space<hbm>>
      %dma_wait3A_28 = arith.constant 0 : i32
      %dma_wait3A_29 = tpu.memref_slice %arg5[%run_scoped3A, %dma_wait3A_28] : memref<1x128xi32, #tpu.memory_space<vmem>> -> memref<1x128xi32, #tpu.memory_space<vmem>>
      %dma_wait3A_30 = tpu.memref_squeeze %dma_wait3A_29 : memref<1x128xi32, #tpu.memory_space<vmem>> -> memref<128xi32, #tpu.memory_space<vmem>>
      %dma_wait3A_31 = tpu.memref_slice %arg3[%mul3A_2] : memref<4096xi32, #tpu.memory_space<hbm>> -> memref<128xi32, #tpu.memory_space<hbm>>
      tpu.wait_dma2 semaphore(%run_scoped3A_15 : memref<!tpu.dma_semaphore, #tpu.memory_space<semaphore_mem>>) src(%dma_wait3A_31 : memref<128xi32, #tpu.memory_space<hbm>>) dst(%dma_wait3A_30 : memref<128xi32, #tpu.memory_space<vmem>>)
      tpu.yield
    }) : () -> ()
    %dma_start3A = arith.constant 0 : i32
    %dma_start3A_3 = arith.constant 0 : i32
    %dma_start3A_4 = tpu.memref_slice %arg5[%dma_start3A, %dma_start3A_3] : memref<1x128xi32, #tpu.memory_space<vmem>> -> memref<1x128xi32, #tpu.memory_space<vmem>>
    %dma_start3A_5 = tpu.memref_squeeze %dma_start3A_4 : memref<1x128xi32, #tpu.memory_space<vmem>> -> memref<128xi32, #tpu.memory_space<vmem>>
    %dma_start3A_6 = arith.constant 0 : i32
    %dma_start3A_7 = arith.constant 0 : i32
    %dma_start3A_8 = tpu.memref_slice %arg2[%dma_start3A_6, %dma_start3A_7] : memref<6144x512xi32, #tpu.memory_space<hbm>> -> memref<6144x512xi32, #tpu.memory_space<hbm>>
    tpu.enqueue_indirect_dma source(%dma_start3A_8 : memref<6144x512xi32, #tpu.memory_space<hbm>>) target(%arg6 : memref<128x512xi32, #tpu.memory_space<vmem>>) offsets(%dma_start3A_5 : memref<128xi32, #tpu.memory_space<vmem>>) semaphore(%arg7 : memref<!tpu.dma_semaphore, #tpu.memory_space<semaphore_mem>>)
    %dma_wait3A = arith.constant 0 : i32
    %dma_wait3A_9 = arith.constant 0 : i32
    %dma_wait3A_10 = tpu.memref_slice %arg5[%dma_wait3A, %dma_wait3A_9] : memref<1x128xi32, #tpu.memory_space<vmem>> -> memref<1x128xi32, #tpu.memory_space<vmem>>
    %dma_wait3A_11 = tpu.memref_squeeze %dma_wait3A_10 : memref<1x128xi32, #tpu.memory_space<vmem>> -> memref<128xi32, #tpu.memory_space<vmem>>
    %dma_wait3A_12 = arith.constant 0 : i32
    %dma_wait3A_13 = arith.constant 0 : i32
    %dma_wait3A_14 = tpu.memref_slice %arg2[%dma_wait3A_12, %dma_wait3A_13] : memref<6144x512xi32, #tpu.memory_space<hbm>> -> memref<6144x512xi32, #tpu.memory_space<hbm>>
    tpu.wait_indirect_dma semaphore(%arg7 : memref<!tpu.dma_semaphore, #tpu.memory_space<semaphore_mem>>) src(%dma_wait3A_14 : memref<6144x512xi32, #tpu.memory_space<hbm>>) dst(%arg6 : memref<128x512xi32, #tpu.memory_space<vmem>>)
    "tpu.region"() ({
      %run_scoped3A_15 = tpu.sem_alloc : memref<!tpu.dma_semaphore, #tpu.memory_space<semaphore_mem>>
      %dma_start3A_16 = arith.constant 0 : i32
      %dma_start3A_17 = tpu.memref_slice %arg4[%mul3A_2, %dma_start3A_16] : memref<4096x512xi32, #tpu.memory_space<hbm>> -> memref<128x512xi32, #tpu.memory_space<hbm>>
      %dma_start3A_18 = arith.constant 0 : i32
      %dma_start3A_19 = tpu.memref_slice %arg4[%mul3A_2, %dma_start3A_18] : memref<4096x512xi32, #tpu.memory_space<hbm>> -> memref<128x512xi32, #tpu.memory_space<hbm>>
      tpu.enqueue_dma source(%arg6 : memref<128x512xi32, #tpu.memory_space<vmem>>) target(%dma_start3A_19 : memref<128x512xi32, #tpu.memory_space<hbm>>) target_semaphore(%run_scoped3A_15 : memref<!tpu.dma_semaphore, #tpu.memory_space<semaphore_mem>>)
      %dma_wait3A_20 = arith.constant 0 : i32
      %dma_wait3A_21 = tpu.memref_slice %arg4[%mul3A_2, %dma_wait3A_20] : memref<4096x512xi32, #tpu.memory_space<hbm>> -> memref<128x512xi32, #tpu.memory_space<hbm>>
      %dma_wait3A_22 = arith.constant 0 : i32
      %dma_wait3A_23 = tpu.memref_slice %arg4[%mul3A_2, %dma_wait3A_22] : memref<4096x512xi32, #tpu.memory_space<hbm>> -> memref<128x512xi32, #tpu.memory_space<hbm>>
      tpu.wait_dma2 semaphore(%run_scoped3A_15 : memref<!tpu.dma_semaphore, #tpu.memory_space<semaphore_mem>>) src(%arg6 : memref<128x512xi32, #tpu.memory_space<vmem>>) dst(%dma_wait3A_23 : memref<128x512xi32, #tpu.memory_space<hbm>>)
      tpu.yield
    }) : () -> ()
    return
  }
}

#map = affine_map<(d0, d1) -> (0, 0)>
#map1 = affine_map<(d0, d1) -> (0)>
module attributes {stable_mosaic.version = 14 : i64} {
  func.func @routing(%arg0: i32, %arg1: i32, %arg2: memref<2048x512xi32, #tpu.memory_space<hbm>>, %arg3: memref<4096xi32, #tpu.memory_space<hbm>>, %arg4: memref<6144x512xi32, #tpu.memory_space<hbm>>, %arg5: memref<4096xi32, #tpu.memory_space<hbm>>, %arg6: memref<48xi32, #tpu.memory_space<hbm>>, %arg7: memref<4096xi32, #tpu.memory_space<vmem>>, %arg8: memref<1x128xi32, #tpu.memory_space<vmem>>, %arg9: memref<128x512xi32, #tpu.memory_space<vmem>>, %arg10: memref<16xi32, #tpu.memory_space<vmem>>, %arg11: memref<!tpu.dma_semaphore, #tpu.memory_space<semaphore_mem>>) attributes {dimension_semantics = [#tpu.dimension_semantics<core_parallel>, #tpu.dimension_semantics<subcore_parallel>], iteration_bounds = array<i64: 2, 16>, scalar_prefetch = 0 : i64, scratch_operands = 5 : i64, tpu.core_type = #tpu.core_type<sc_vector_subcore>, window_params = [{transform_indices = #map}, {transform_indices = #map1}, {transform_indices = #map}, {transform_indices = #map1}, {transform_indices = #map1}]} {
    %mul3A = arith.constant 2 : i32
    %mul3A_0 = arith.muli %arg1, %mul3A : i32
    %add3A = arith.addi %mul3A_0, %arg0 : i32
    %iota3A = tpu.iota {dimensions = array<i32: 0>} : vector<16xi32>
    %rem3A = arith.constant 16 : i32
    %rem3A_1 = arith.remsi %add3A, %rem3A : i32
    %mul3A_2 = arith.constant 128 : i32
    %mul3A_3 = arith.muli %rem3A_1, %mul3A_2 : i32
    %dma_start3A = arith.constant 0 : i32
    %dma_start3A_4 = tpu.memref_slice %arg2[%mul3A_3, %dma_start3A] : memref<2048x512xi32, #tpu.memory_space<hbm>> -> memref<128x512xi32, #tpu.memory_space<hbm>>
    %dma_start3A_5 = arith.constant 0 : i32
    %dma_start3A_6 = tpu.memref_slice %arg2[%mul3A_3, %dma_start3A_5] : memref<2048x512xi32, #tpu.memory_space<hbm>> -> memref<128x512xi32, #tpu.memory_space<hbm>>
    tpu.enqueue_dma source(%dma_start3A_6 : memref<128x512xi32, #tpu.memory_space<hbm>>) target(%arg9 : memref<128x512xi32, #tpu.memory_space<vmem>>) target_semaphore(%arg11 : memref<!tpu.dma_semaphore, #tpu.memory_space<semaphore_mem>>)
    "tpu.region"() ({
      %run_scoped3A_2328 = tpu.sem_alloc : memref<!tpu.dma_semaphore, #tpu.memory_space<semaphore_mem>>
      tpu.enqueue_dma source(%arg3 : memref<4096xi32, #tpu.memory_space<hbm>>) target(%arg7 : memref<4096xi32, #tpu.memory_space<vmem>>) target_semaphore(%run_scoped3A_2328 : memref<!tpu.dma_semaphore, #tpu.memory_space<semaphore_mem>>)
      tpu.wait_dma2 semaphore(%run_scoped3A_2328 : memref<!tpu.dma_semaphore, #tpu.memory_space<semaphore_mem>>) src(%arg3 : memref<4096xi32, #tpu.memory_space<hbm>>) dst(%arg7 : memref<4096xi32, #tpu.memory_space<vmem>>)
      tpu.yield
    }) : () -> ()
    %broadcast_in_dim3A = arith.constant 0 : i32
    %broadcast_in_dim3A_7 = vector.broadcast %broadcast_in_dim3A : i32 to vector<16xi32>
    %broadcast_in_dim3A_8 = arith.constant 0 : i32
    %broadcast_in_dim3A_9 = vector.broadcast %broadcast_in_dim3A_8 : i32 to vector<16xi32>
    %scan3A = arith.constant 0 : i32
    %scan3A_10 = arith.constant 256 : i32
    %scan3A_11 = arith.addi %scan3A, %scan3A_10 : i32
    %scan3A_12 = arith.constant 1 : i32
    %scan3A_13:2 = scf.for %scan3A_2328 = %scan3A to %scan3A_11 step %scan3A_12 iter_args(%scan3A_2329 = %broadcast_in_dim3A_7, %scan3A_2330 = %broadcast_in_dim3A_9) -> (vector<16xi32>, vector<16xi32>)  : i32 {
      %mul3A_2331 = arith.constant 8 : i32
      %mul3A_2332 = arith.muli %add3A, %mul3A_2331 : i32
      %eq3A_2333 = arith.cmpi eq, %scan3A_2328, %mul3A_2332 : i32
      %select_n3A_2334 = arith.select %eq3A_2333, %scan3A_2329, %scan3A_2330 : vector<16xi32>
      %mul3A_2335 = arith.constant 16 : i32
      %mul3A_2336 = arith.muli %scan3A_2328, %mul3A_2335 : i32
      %get3A_2337 = arith.index_cast %mul3A_2336 : i32 to index
      %get3A_2338 = tpu.vector_load %arg7[%get3A_2337] {strides = array<i32>} : memref<4096xi32, #tpu.memory_space<vmem>>, vector<16xi32>,
      %eq3A_2339 = arith.constant 0 : i32
      %eq3A_2340 = vector.broadcast %eq3A_2339 : i32 to vector<16xi32>
      %eq3A_2341 = arith.cmpi eq, %get3A_2338, %eq3A_2340 : vector<16xi32>
      %all_reduce_population_count3A_2342 = tpu.all_reduce %eq3A_2341 {dim = 0 : i64, kind = #tpu.reduction_kind<sum>} : vector<16xi1> -> vector<16xi32>
      %eq3A_2343 = arith.constant 0 : i32
      %eq3A_2344 = vector.broadcast %eq3A_2343 : i32 to vector<16xi32>
      %eq3A_2345 = arith.cmpi eq, %iota3A, %eq3A_2344 : vector<16xi32>
      %jit3A_2346 = arith.constant 0 : i32
      %broadcast_in_dim3A_2347 = vector.broadcast %jit3A_2346 : i32 to vector<16xi32>
      %select_n3A_2348 = arith.select %eq3A_2345, %all_reduce_population_count3A_2342, %broadcast_in_dim3A_2347 : vector<16xi1>, vector<16xi32>
      %add3A_2349 = arith.addi %scan3A_2329, %select_n3A_2348 : vector<16xi32>
      %eq3A_2350 = arith.constant 1 : i32
      %eq3A_2351 = vector.broadcast %eq3A_2350 : i32 to vector<16xi32>
      %eq3A_2352 = arith.cmpi eq, %get3A_2338, %eq3A_2351 : vector<16xi32>
      %all_reduce_population_count3A_2353 = tpu.all_reduce %eq3A_2352 {dim = 0 : i64, kind = #tpu.reduction_kind<sum>} : vector<16xi1> -> vector<16xi32>
      %eq3A_2354 = arith.constant 1 : i32
      %eq3A_2355 = vector.broadcast %eq3A_2354 : i32 to vector<16xi32>
      %eq3A_2356 = arith.cmpi eq, %iota3A, %eq3A_2355 : vector<16xi32>
      %jit3A_2357 = arith.constant 0 : i32
      %broadcast_in_dim3A_2358 = vector.broadcast %jit3A_2357 : i32 to vector<16xi32>
      %select_n3A_2359 = arith.select %eq3A_2356, %all_reduce_population_count3A_2353, %broadcast_in_dim3A_2358 : vector<16xi1>, vector<16xi32>
      %add3A_2360 = arith.addi %add3A_2349, %select_n3A_2359 : vector<16xi32>
      %eq3A_2361 = arith.constant 2 : i32
      %eq3A_2362 = vector.broadcast %eq3A_2361 : i32 to vector<16xi32>
      %eq3A_2363 = arith.cmpi eq, %get3A_2338, %eq3A_2362 : vector<16xi32>
      %all_reduce_population_count3A_2364 = tpu.all_reduce %eq3A_2363 {dim = 0 : i64, kind = #tpu.reduction_kind<sum>} : vector<16xi1> -> vector<16xi32>
      %eq3A_2365 = arith.constant 2 : i32
      %eq3A_2366 = vector.broadcast %eq3A_2365 : i32 to vector<16xi32>
      %eq3A_2367 = arith.cmpi eq, %iota3A, %eq3A_2366 : vector<16xi32>
      %jit3A_2368 = arith.constant 0 : i32
      %broadcast_in_dim3A_2369 = vector.broadcast %jit3A_2368 : i32 to vector<16xi32>
      %select_n3A_2370 = arith.select %eq3A_2367, %all_reduce_population_count3A_2364, %broadcast_in_dim3A_2369 : vector<16xi1>, vector<16xi32>
      %add3A_2371 = arith.addi %add3A_2360, %select_n3A_2370 : vector<16xi32>
      %eq3A_2372 = arith.constant 3 : i32
      %eq3A_2373 = vector.broadcast %eq3A_2372 : i32 to vector<16xi32>
      %eq3A_2374 = arith.cmpi eq, %get3A_2338, %eq3A_2373 : vector<16xi32>
      %all_reduce_population_count3A_2375 = tpu.all_reduce %eq3A_2374 {dim = 0 : i64, kind = #tpu.reduction_kind<sum>} : vector<16xi1> -> vector<16xi32>
      %eq3A_2376 = arith.constant 3 : i32
      %eq3A_2377 = vector.broadcast %eq3A_2376 : i32 to vector<16xi32>
      %eq3A_2378 = arith.cmpi eq, %iota3A, %eq3A_2377 : vector<16xi32>
      %jit3A_2379 = arith.constant 0 : i32
      %broadcast_in_dim3A_2380 = vector.broadcast %jit3A_2379 : i32 to vector<16xi32>
      %select_n3A_2381 = arith.select %eq3A_2378, %all_reduce_population_count3A_2375, %broadcast_in_dim3A_2380 : vector<16xi1>, vector<16xi32>
      %add3A_2382 = arith.addi %add3A_2371, %select_n3A_2381 : vector<16xi32>
      %eq3A_2383 = arith.constant 4 : i32
      %eq3A_2384 = vector.broadcast %eq3A_2383 : i32 to vector<16xi32>
      %eq3A_2385 = arith.cmpi eq, %get3A_2338, %eq3A_2384 : vector<16xi32>
      %all_reduce_population_count3A_2386 = tpu.all_reduce %eq3A_2385 {dim = 0 : i64, kind = #tpu.reduction_kind<sum>} : vector<16xi1> -> vector<16xi32>
      %eq3A_2387 = arith.constant 4 : i32
      %eq3A_2388 = vector.broadcast %eq3A_2387 : i32 to vector<16xi32>
      %eq3A_2389 = arith.cmpi eq, %iota3A, %eq3A_2388 : vector<16xi32>
      %jit3A_2390 = arith.constant 0 : i32
      %broadcast_in_dim3A_2391 = vector.broadcast %jit3A_2390 : i32 to vector<16xi32>
      %select_n3A_2392 = arith.select %eq3A_2389, %all_reduce_population_count3A_2386, %broadcast_in_dim3A_2391 : vector<16xi1>, vector<16xi32>
      %add3A_2393 = arith.addi %add3A_2382, %select_n3A_2392 : vector<16xi32>
      %eq3A_2394 = arith.constant 5 : i32
      %eq3A_2395 = vector.broadcast %eq3A_2394 : i32 to vector<16xi32>
      %eq3A_2396 = arith.cmpi eq, %get3A_2338, %eq3A_2395 : vector<16xi32>
      %all_reduce_population_count3A_2397 = tpu.all_reduce %eq3A_2396 {dim = 0 : i64, kind = #tpu.reduction_kind<sum>} : vector<16xi1> -> vector<16xi32>
      %eq3A_2398 = arith.constant 5 : i32
      %eq3A_2399 = vector.broadcast %eq3A_2398 : i32 to vector<16xi32>
      %eq3A_2400 = arith.cmpi eq, %iota3A, %eq3A_2399 : vector<16xi32>
      %jit3A_2401 = arith.constant 0 : i32
      %broadcast_in_dim3A_2402 = vector.broadcast %jit3A_2401 : i32 to vector<16xi32>
      %select_n3A_2403 = arith.select %eq3A_2400, %all_reduce_population_count3A_2397, %broadcast_in_dim3A_2402 : vector<16xi1>, vector<16xi32>
      %add3A_2404 = arith.addi %add3A_2393, %select_n3A_2403 : vector<16xi32>
      %eq3A_2405 = arith.constant 6 : i32
      %eq3A_2406 = vector.broadcast %eq3A_2405 : i32 to vector<16xi32>
      %eq3A_2407 = arith.cmpi eq, %get3A_2338, %eq3A_2406 : vector<16xi32>
      %all_reduce_population_count3A_2408 = tpu.all_reduce %eq3A_2407 {dim = 0 : i64, kind = #tpu.reduction_kind<sum>} : vector<16xi1> -> vector<16xi32>
      %eq3A_2409 = arith.constant 6 : i32
      %eq3A_2410 = vector.broadcast %eq3A_2409 : i32 to vector<16xi32>
      %eq3A_2411 = arith.cmpi eq, %iota3A, %eq3A_2410 : vector<16xi32>
      %jit3A_2412 = arith.constant 0 : i32
      %broadcast_in_dim3A_2413 = vector.broadcast %jit3A_2412 : i32 to vector<16xi32>
      %select_n3A_2414 = arith.select %eq3A_2411, %all_reduce_population_count3A_2408, %broadcast_in_dim3A_2413 : vector<16xi1>, vector<16xi32>
      %add3A_2415 = arith.addi %add3A_2404, %select_n3A_2414 : vector<16xi32>
      %eq3A_2416 = arith.constant 7 : i32
      %eq3A_2417 = vector.broadcast %eq3A_2416 : i32 to vector<16xi32>
      %eq3A_2418 = arith.cmpi eq, %get3A_2338, %eq3A_2417 : vector<16xi32>
      %all_reduce_population_count3A_2419 = tpu.all_reduce %eq3A_2418 {dim = 0 : i64, kind = #tpu.reduction_kind<sum>} : vector<16xi1> -> vector<16xi32>
      %eq3A_2420 = arith.constant 7 : i32
      %eq3A_2421 = vector.broadcast %eq3A_2420 : i32 to vector<16xi32>
      %eq3A_2422 = arith.cmpi eq, %iota3A, %eq3A_2421 : vector<16xi32>
      %jit3A_2423 = arith.constant 0 : i32
      %broadcast_in_dim3A_2424 = vector.broadcast %jit3A_2423 : i32 to vector<16xi32>
      %select_n3A_2425 = arith.select %eq3A_2422, %all_reduce_population_count3A_2419, %broadcast_in_dim3A_2424 : vector<16xi1>, vector<16xi32>
      %add3A_2426 = arith.addi %add3A_2415, %select_n3A_2425 : vector<16xi32>
      scf.yield %add3A_2426, %select_n3A_2334 : vector<16xi32>, vector<16xi32>
    }
    %scan3A_14 = arith.constant 256 : i32
    %add3A_15 = arith.constant 255 : i32
    %add3A_16 = vector.broadcast %add3A_15 : i32 to vector<16xi32>
    %add3A_17 = arith.addi %scan3A_13#0, %add3A_16 : vector<16xi32>
    %shift_right_arithmetic3A = arith.constant 8 : i32
    %shift_right_arithmetic3A_18 = vector.broadcast %shift_right_arithmetic3A : i32 to vector<16xi32>
    %shift_right_arithmetic3A_19 = arith.shrsi %add3A_17, %shift_right_arithmetic3A_18 : vector<16xi32>
    %shift_left3A = arith.constant 8 : i32
    %shift_left3A_20 = vector.broadcast %shift_left3A : i32 to vector<16xi32>
    %shift_left3A_21 = arith.shli %shift_right_arithmetic3A_19, %shift_left3A_20 : vector<16xi32>
    %broadcast_in_dim3A_22 = arith.constant true
    %broadcast_in_dim3A_23 = vector.broadcast %broadcast_in_dim3A_22 : i1 to vector<16xi1>
    %masked_cumsum3A = tpu.scan <sum>, %shift_left3A_21 masked %broadcast_in_dim3A_23 : vector<16xi32>, vector<16xi1> -> vector<16xi32>
    %sub3A = arith.subi %masked_cumsum3A, %shift_left3A_21 : vector<16xi32>
    %add3A_24 = arith.addi %sub3A, %scan3A_13#1 : vector<16xi32>
    %eq3A = arith.constant 0 : i32
    %eq3A_25 = arith.cmpi eq, %add3A, %eq3A : i32
    %convert_element_type3A = arith.extui %eq3A_25 : i1 to i32
    %cond3A = arith.constant 0 : i32
    %cond3A_26 = arith.cmpi ne, %convert_element_type3A, %cond3A : i32
    scf.if %cond3A_26 {
      %shift_right_arithmetic3A_2328 = arith.constant 8 : i32
      %shift_right_arithmetic3A_2329 = vector.broadcast %shift_right_arithmetic3A_2328 : i32 to vector<16xi32>
      %shift_right_arithmetic3A_2330 = arith.shrsi %sub3A, %shift_right_arithmetic3A_2329 : vector<16xi32>
      %shift_right_arithmetic3A_2331 = arith.constant 8 : i32
      %shift_right_arithmetic3A_2332 = vector.broadcast %shift_right_arithmetic3A_2331 : i32 to vector<16xi32>
      %shift_right_arithmetic3A_2333 = arith.shrsi %shift_left3A_21, %shift_right_arithmetic3A_2332 : vector<16xi32>
      %add3A_2334 = arith.addi %shift_right_arithmetic3A_2330, %shift_right_arithmetic3A_2333 : vector<16xi32>
      %add3A_2335 = arith.constant 0 : i32
      %add3A_2336 = vector.broadcast %add3A_2335 : i32 to vector<16xi32>
      %add3A_2337 = arith.addi %add3A_2336, %iota3A : vector<16xi32>
      %broadcast_in_dim3A_2338 = arith.constant 0 : i32
      %broadcast_in_dim3A_2339 = vector.broadcast %broadcast_in_dim3A_2338 : i32 to vector<16xi32>
      %eq3A_2340 = arith.constant 1 : i32
      %eq3A_2341 = vector.broadcast %eq3A_2340 : i32 to vector<16xi32>
      %eq3A_2342 = arith.cmpi eq, %iota3A, %eq3A_2341 : vector<16xi32>
      %jit3A_2343 = arith.constant 0 : i32
      %broadcast_in_dim3A_2344 = vector.broadcast %jit3A_2343 : i32 to vector<16xi32>
      %select_n3A_2345 = arith.select %eq3A_2342, %shift_right_arithmetic3A_2330, %broadcast_in_dim3A_2344 : vector<16xi1>, vector<16xi32>
      %reduce_sum3A_2346 = arith.constant true
      %reduce_sum3A_2347 = vector.broadcast %reduce_sum3A_2346 : i1 to vector<16xi1>
      %reduce_sum3A_2348 = tpu.scan <sum>, %select_n3A_2345 masked %reduce_sum3A_2347 : vector<16xi32>, vector<16xi1> -> vector<16xi32>
      %reduce_sum3A_2349 = vector.extract %reduce_sum3A_2348[15] : i32 from vector<16xi32>
      %eq3A_2350 = arith.constant 1 : i32
      %eq3A_2351 = vector.broadcast %eq3A_2350 : i32 to vector<16xi32>
      %eq3A_2352 = arith.cmpi eq, %iota3A, %eq3A_2351 : vector<16xi32>
      %jit3A_2353 = arith.constant 0 : i32
      %broadcast_in_dim3A_2354 = vector.broadcast %jit3A_2353 : i32 to vector<16xi32>
      %select_n3A_2355 = arith.select %eq3A_2352, %add3A_2334, %broadcast_in_dim3A_2354 : vector<16xi1>, vector<16xi32>
      %reduce_sum3A_2356 = arith.constant true
      %reduce_sum3A_2357 = vector.broadcast %reduce_sum3A_2356 : i1 to vector<16xi1>
      %reduce_sum3A_2358 = tpu.scan <sum>, %select_n3A_2355 masked %reduce_sum3A_2357 : vector<16xi32>, vector<16xi1> -> vector<16xi32>
      %reduce_sum3A_2359 = vector.extract %reduce_sum3A_2358[15] : i32 from vector<16xi32>
      %ge3A = vector.broadcast %reduce_sum3A_2349 : i32 to vector<16xi32>
      %ge3A_2360 = arith.cmpi sge, %add3A_2337, %ge3A : vector<16xi32>
      %lt3A = vector.broadcast %reduce_sum3A_2359 : i32 to vector<16xi32>
      %lt3A_2361 = arith.cmpi slt, %add3A_2337, %lt3A : vector<16xi32>
      %and3A = arith.andi %ge3A_2360, %lt3A_2361 : vector<16xi1>
      %jit3A_2362 = arith.constant 1 : i32
      %jit3A_2363 = arith.constant 0 : i32
      %broadcast_in_dim3A_2364 = vector.broadcast %jit3A_2362 : i32 to vector<16xi32>
      %broadcast_in_dim3A_2365 = vector.broadcast %jit3A_2363 : i32 to vector<16xi32>
      %select_n3A_2366 = arith.select %and3A, %broadcast_in_dim3A_2364, %broadcast_in_dim3A_2365 : vector<16xi1>, vector<16xi32>
      %add3A_2367 = arith.addi %broadcast_in_dim3A_2339, %select_n3A_2366 : vector<16xi32>
      %eq3A_2368 = arith.constant 2 : i32
      %eq3A_2369 = vector.broadcast %eq3A_2368 : i32 to vector<16xi32>
      %eq3A_2370 = arith.cmpi eq, %iota3A, %eq3A_2369 : vector<16xi32>
      %jit3A_2371 = arith.constant 0 : i32
      %broadcast_in_dim3A_2372 = vector.broadcast %jit3A_2371 : i32 to vector<16xi32>
      %select_n3A_2373 = arith.select %eq3A_2370, %shift_right_arithmetic3A_2330, %broadcast_in_dim3A_2372 : vector<16xi1>, vector<16xi32>
      %reduce_sum3A_2374 = arith.constant true
      %reduce_sum3A_2375 = vector.broadcast %reduce_sum3A_2374 : i1 to vector<16xi1>
      %reduce_sum3A_2376 = tpu.scan <sum>, %select_n3A_2373 masked %reduce_sum3A_2375 : vector<16xi32>, vector<16xi1> -> vector<16xi32>
      %reduce_sum3A_2377 = vector.extract %reduce_sum3A_2376[15] : i32 from vector<16xi32>
      %eq3A_2378 = arith.constant 2 : i32
      %eq3A_2379 = vector.broadcast %eq3A_2378 : i32 to vector<16xi32>
      %eq3A_2380 = arith.cmpi eq, %iota3A, %eq3A_2379 : vector<16xi32>
      %jit3A_2381 = arith.constant 0 : i32
      %broadcast_in_dim3A_2382 = vector.broadcast %jit3A_2381 : i32 to vector<16xi32>
      %select_n3A_2383 = arith.select %eq3A_2380, %add3A_2334, %broadcast_in_dim3A_2382 : vector<16xi1>, vector<16xi32>
      %reduce_sum3A_2384 = arith.constant true
      %reduce_sum3A_2385 = vector.broadcast %reduce_sum3A_2384 : i1 to vector<16xi1>
      %reduce_sum3A_2386 = tpu.scan <sum>, %select_n3A_2383 masked %reduce_sum3A_2385 : vector<16xi32>, vector<16xi1> -> vector<16xi32>
      %reduce_sum3A_2387 = vector.extract %reduce_sum3A_2386[15] : i32 from vector<16xi32>
      %ge3A_2388 = vector.broadcast %reduce_sum3A_2377 : i32 to vector<16xi32>
      %ge3A_2389 = arith.cmpi sge, %add3A_2337, %ge3A_2388 : vector<16xi32>
      %lt3A_2390 = vector.broadcast %reduce_sum3A_2387 : i32 to vector<16xi32>
      %lt3A_2391 = arith.cmpi slt, %add3A_2337, %lt3A_2390 : vector<16xi32>
      %and3A_2392 = arith.andi %ge3A_2389, %lt3A_2391 : vector<16xi1>
      %jit3A_2393 = arith.constant 2 : i32
      %jit3A_2394 = arith.constant 0 : i32
      %broadcast_in_dim3A_2395 = vector.broadcast %jit3A_2393 : i32 to vector<16xi32>
      %broadcast_in_dim3A_2396 = vector.broadcast %jit3A_2394 : i32 to vector<16xi32>
      %select_n3A_2397 = arith.select %and3A_2392, %broadcast_in_dim3A_2395, %broadcast_in_dim3A_2396 : vector<16xi1>, vector<16xi32>
      %add3A_2398 = arith.addi %add3A_2367, %select_n3A_2397 : vector<16xi32>
      %eq3A_2399 = arith.constant 3 : i32
      %eq3A_2400 = vector.broadcast %eq3A_2399 : i32 to vector<16xi32>
      %eq3A_2401 = arith.cmpi eq, %iota3A, %eq3A_2400 : vector<16xi32>
      %jit3A_2402 = arith.constant 0 : i32
      %broadcast_in_dim3A_2403 = vector.broadcast %jit3A_2402 : i32 to vector<16xi32>
      %select_n3A_2404 = arith.select %eq3A_2401, %shift_right_arithmetic3A_2330, %broadcast_in_dim3A_2403 : vector<16xi1>, vector<16xi32>
      %reduce_sum3A_2405 = arith.constant true
      %reduce_sum3A_2406 = vector.broadcast %reduce_sum3A_2405 : i1 to vector<16xi1>
      %reduce_sum3A_2407 = tpu.scan <sum>, %select_n3A_2404 masked %reduce_sum3A_2406 : vector<16xi32>, vector<16xi1> -> vector<16xi32>
      %reduce_sum3A_2408 = vector.extract %reduce_sum3A_2407[15] : i32 from vector<16xi32>
      %eq3A_2409 = arith.constant 3 : i32
      %eq3A_2410 = vector.broadcast %eq3A_2409 : i32 to vector<16xi32>
      %eq3A_2411 = arith.cmpi eq, %iota3A, %eq3A_2410 : vector<16xi32>
      %jit3A_2412 = arith.constant 0 : i32
      %broadcast_in_dim3A_2413 = vector.broadcast %jit3A_2412 : i32 to vector<16xi32>
      %select_n3A_2414 = arith.select %eq3A_2411, %add3A_2334, %broadcast_in_dim3A_2413 : vector<16xi1>, vector<16xi32>
      %reduce_sum3A_2415 = arith.constant true
      %reduce_sum3A_2416 = vector.broadcast %reduce_sum3A_2415 : i1 to vector<16xi1>
      %reduce_sum3A_2417 = tpu.scan <sum>, %select_n3A_2414 masked %reduce_sum3A_2416 : vector<16xi32>, vector<16xi1> -> vector<16xi32>
      %reduce_sum3A_2418 = vector.extract %reduce_sum3A_2417[15] : i32 from vector<16xi32>
      %ge3A_2419 = vector.broadcast %reduce_sum3A_2408 : i32 to vector<16xi32>
      %ge3A_2420 = arith.cmpi sge, %add3A_2337, %ge3A_2419 : vector<16xi32>
      %lt3A_2421 = vector.broadcast %reduce_sum3A_2418 : i32 to vector<16xi32>
      %lt3A_2422 = arith.cmpi slt, %add3A_2337, %lt3A_2421 : vector<16xi32>
      %and3A_2423 = arith.andi %ge3A_2420, %lt3A_2422 : vector<16xi1>
      %jit3A_2424 = arith.constant 3 : i32
      %jit3A_2425 = arith.constant 0 : i32
      %broadcast_in_dim3A_2426 = vector.broadcast %jit3A_2424 : i32 to vector<16xi32>
      %broadcast_in_dim3A_2427 = vector.broadcast %jit3A_2425 : i32 to vector<16xi32>
      %select_n3A_2428 = arith.select %and3A_2423, %broadcast_in_dim3A_2426, %broadcast_in_dim3A_2427 : vector<16xi1>, vector<16xi32>
      %add3A_2429 = arith.addi %add3A_2398, %select_n3A_2428 : vector<16xi32>
      %eq3A_2430 = arith.constant 4 : i32
      %eq3A_2431 = vector.broadcast %eq3A_2430 : i32 to vector<16xi32>
      %eq3A_2432 = arith.cmpi eq, %iota3A, %eq3A_2431 : vector<16xi32>
      %jit3A_2433 = arith.constant 0 : i32
      %broadcast_in_dim3A_2434 = vector.broadcast %jit3A_2433 : i32 to vector<16xi32>
      %select_n3A_2435 = arith.select %eq3A_2432, %shift_right_arithmetic3A_2330, %broadcast_in_dim3A_2434 : vector<16xi1>, vector<16xi32>
      %reduce_sum3A_2436 = arith.constant true
      %reduce_sum3A_2437 = vector.broadcast %reduce_sum3A_2436 : i1 to vector<16xi1>
      %reduce_sum3A_2438 = tpu.scan <sum>, %select_n3A_2435 masked %reduce_sum3A_2437 : vector<16xi32>, vector<16xi1> -> vector<16xi32>
      %reduce_sum3A_2439 = vector.extract %reduce_sum3A_2438[15] : i32 from vector<16xi32>
      %eq3A_2440 = arith.constant 4 : i32
      %eq3A_2441 = vector.broadcast %eq3A_2440 : i32 to vector<16xi32>
      %eq3A_2442 = arith.cmpi eq, %iota3A, %eq3A_2441 : vector<16xi32>
      %jit3A_2443 = arith.constant 0 : i32
      %broadcast_in_dim3A_2444 = vector.broadcast %jit3A_2443 : i32 to vector<16xi32>
      %select_n3A_2445 = arith.select %eq3A_2442, %add3A_2334, %broadcast_in_dim3A_2444 : vector<16xi1>, vector<16xi32>
      %reduce_sum3A_2446 = arith.constant true
      %reduce_sum3A_2447 = vector.broadcast %reduce_sum3A_2446 : i1 to vector<16xi1>
      %reduce_sum3A_2448 = tpu.scan <sum>, %select_n3A_2445 masked %reduce_sum3A_2447 : vector<16xi32>, vector<16xi1> -> vector<16xi32>
      %reduce_sum3A_2449 = vector.extract %reduce_sum3A_2448[15] : i32 from vector<16xi32>
      %ge3A_2450 = vector.broadcast %reduce_sum3A_2439 : i32 to vector<16xi32>
      %ge3A_2451 = arith.cmpi sge, %add3A_2337, %ge3A_2450 : vector<16xi32>
      %lt3A_2452 = vector.broadcast %reduce_sum3A_2449 : i32 to vector<16xi32>
      %lt3A_2453 = arith.cmpi slt, %add3A_2337, %lt3A_2452 : vector<16xi32>
      %and3A_2454 = arith.andi %ge3A_2451, %lt3A_2453 : vector<16xi1>
      %jit3A_2455 = arith.constant 4 : i32
      %jit3A_2456 = arith.constant 0 : i32
      %broadcast_in_dim3A_2457 = vector.broadcast %jit3A_2455 : i32 to vector<16xi32>
      %broadcast_in_dim3A_2458 = vector.broadcast %jit3A_2456 : i32 to vector<16xi32>
      %select_n3A_2459 = arith.select %and3A_2454, %broadcast_in_dim3A_2457, %broadcast_in_dim3A_2458 : vector<16xi1>, vector<16xi32>
      %add3A_2460 = arith.addi %add3A_2429, %select_n3A_2459 : vector<16xi32>
      %eq3A_2461 = arith.constant 5 : i32
      %eq3A_2462 = vector.broadcast %eq3A_2461 : i32 to vector<16xi32>
      %eq3A_2463 = arith.cmpi eq, %iota3A, %eq3A_2462 : vector<16xi32>
      %jit3A_2464 = arith.constant 0 : i32
      %broadcast_in_dim3A_2465 = vector.broadcast %jit3A_2464 : i32 to vector<16xi32>
      %select_n3A_2466 = arith.select %eq3A_2463, %shift_right_arithmetic3A_2330, %broadcast_in_dim3A_2465 : vector<16xi1>, vector<16xi32>
      %reduce_sum3A_2467 = arith.constant true
      %reduce_sum3A_2468 = vector.broadcast %reduce_sum3A_2467 : i1 to vector<16xi1>
      %reduce_sum3A_2469 = tpu.scan <sum>, %select_n3A_2466 masked %reduce_sum3A_2468 : vector<16xi32>, vector<16xi1> -> vector<16xi32>
      %reduce_sum3A_2470 = vector.extract %reduce_sum3A_2469[15] : i32 from vector<16xi32>
      %eq3A_2471 = arith.constant 5 : i32
      %eq3A_2472 = vector.broadcast %eq3A_2471 : i32 to vector<16xi32>
      %eq3A_2473 = arith.cmpi eq, %iota3A, %eq3A_2472 : vector<16xi32>
      %jit3A_2474 = arith.constant 0 : i32
      %broadcast_in_dim3A_2475 = vector.broadcast %jit3A_2474 : i32 to vector<16xi32>
      %select_n3A_2476 = arith.select %eq3A_2473, %add3A_2334, %broadcast_in_dim3A_2475 : vector<16xi1>, vector<16xi32>
      %reduce_sum3A_2477 = arith.constant true
      %reduce_sum3A_2478 = vector.broadcast %reduce_sum3A_2477 : i1 to vector<16xi1>
      %reduce_sum3A_2479 = tpu.scan <sum>, %select_n3A_2476 masked %reduce_sum3A_2478 : vector<16xi32>, vector<16xi1> -> vector<16xi32>
      %reduce_sum3A_2480 = vector.extract %reduce_sum3A_2479[15] : i32 from vector<16xi32>
      %ge3A_2481 = vector.broadcast %reduce_sum3A_2470 : i32 to vector<16xi32>
      %ge3A_2482 = arith.cmpi sge, %add3A_2337, %ge3A_2481 : vector<16xi32>
      %lt3A_2483 = vector.broadcast %reduce_sum3A_2480 : i32 to vector<16xi32>
      %lt3A_2484 = arith.cmpi slt, %add3A_2337, %lt3A_2483 : vector<16xi32>
      %and3A_2485 = arith.andi %ge3A_2482, %lt3A_2484 : vector<16xi1>
      %jit3A_2486 = arith.constant 5 : i32
      %jit3A_2487 = arith.constant 0 : i32
      %broadcast_in_dim3A_2488 = vector.broadcast %jit3A_2486 : i32 to vector<16xi32>
      %broadcast_in_dim3A_2489 = vector.broadcast %jit3A_2487 : i32 to vector<16xi32>
      %select_n3A_2490 = arith.select %and3A_2485, %broadcast_in_dim3A_2488, %broadcast_in_dim3A_2489 : vector<16xi1>, vector<16xi32>
      %add3A_2491 = arith.addi %add3A_2460, %select_n3A_2490 : vector<16xi32>
      %eq3A_2492 = arith.constant 6 : i32
      %eq3A_2493 = vector.broadcast %eq3A_2492 : i32 to vector<16xi32>
      %eq3A_2494 = arith.cmpi eq, %iota3A, %eq3A_2493 : vector<16xi32>
      %jit3A_2495 = arith.constant 0 : i32
      %broadcast_in_dim3A_2496 = vector.broadcast %jit3A_2495 : i32 to vector<16xi32>
      %select_n3A_2497 = arith.select %eq3A_2494, %shift_right_arithmetic3A_2330, %broadcast_in_dim3A_2496 : vector<16xi1>, vector<16xi32>
      %reduce_sum3A_2498 = arith.constant true
      %reduce_sum3A_2499 = vector.broadcast %reduce_sum3A_2498 : i1 to vector<16xi1>
      %reduce_sum3A_2500 = tpu.scan <sum>, %select_n3A_2497 masked %reduce_sum3A_2499 : vector<16xi32>, vector<16xi1> -> vector<16xi32>
      %reduce_sum3A_2501 = vector.extract %reduce_sum3A_2500[15] : i32 from vector<16xi32>
      %eq3A_2502 = arith.constant 6 : i32
      %eq3A_2503 = vector.broadcast %eq3A_2502 : i32 to vector<16xi32>
      %eq3A_2504 = arith.cmpi eq, %iota3A, %eq3A_2503 : vector<16xi32>
      %jit3A_2505 = arith.constant 0 : i32
      %broadcast_in_dim3A_2506 = vector.broadcast %jit3A_2505 : i32 to vector<16xi32>
      %select_n3A_2507 = arith.select %eq3A_2504, %add3A_2334, %broadcast_in_dim3A_2506 : vector<16xi1>, vector<16xi32>
      %reduce_sum3A_2508 = arith.constant true
      %reduce_sum3A_2509 = vector.broadcast %reduce_sum3A_2508 : i1 to vector<16xi1>
      %reduce_sum3A_2510 = tpu.scan <sum>, %select_n3A_2507 masked %reduce_sum3A_2509 : vector<16xi32>, vector<16xi1> -> vector<16xi32>
      %reduce_sum3A_2511 = vector.extract %reduce_sum3A_2510[15] : i32 from vector<16xi32>
      %ge3A_2512 = vector.broadcast %reduce_sum3A_2501 : i32 to vector<16xi32>
      %ge3A_2513 = arith.cmpi sge, %add3A_2337, %ge3A_2512 : vector<16xi32>
      %lt3A_2514 = vector.broadcast %reduce_sum3A_2511 : i32 to vector<16xi32>
      %lt3A_2515 = arith.cmpi slt, %add3A_2337, %lt3A_2514 : vector<16xi32>
      %and3A_2516 = arith.andi %ge3A_2513, %lt3A_2515 : vector<16xi1>
      %jit3A_2517 = arith.constant 6 : i32
      %jit3A_2518 = arith.constant 0 : i32
      %broadcast_in_dim3A_2519 = vector.broadcast %jit3A_2517 : i32 to vector<16xi32>
      %broadcast_in_dim3A_2520 = vector.broadcast %jit3A_2518 : i32 to vector<16xi32>
      %select_n3A_2521 = arith.select %and3A_2516, %broadcast_in_dim3A_2519, %broadcast_in_dim3A_2520 : vector<16xi1>, vector<16xi32>
      %add3A_2522 = arith.addi %add3A_2491, %select_n3A_2521 : vector<16xi32>
      %eq3A_2523 = arith.constant 7 : i32
      %eq3A_2524 = vector.broadcast %eq3A_2523 : i32 to vector<16xi32>
      %eq3A_2525 = arith.cmpi eq, %iota3A, %eq3A_2524 : vector<16xi32>
      %jit3A_2526 = arith.constant 0 : i32
      %broadcast_in_dim3A_2527 = vector.broadcast %jit3A_2526 : i32 to vector<16xi32>
      %select_n3A_2528 = arith.select %eq3A_2525, %shift_right_arithmetic3A_2330, %broadcast_in_dim3A_2527 : vector<16xi1>, vector<16xi32>
      %reduce_sum3A_2529 = arith.constant true
      %reduce_sum3A_2530 = vector.broadcast %reduce_sum3A_2529 : i1 to vector<16xi1>
      %reduce_sum3A_2531 = tpu.scan <sum>, %select_n3A_2528 masked %reduce_sum3A_2530 : vector<16xi32>, vector<16xi1> -> vector<16xi32>
      %reduce_sum3A_2532 = vector.extract %reduce_sum3A_2531[15] : i32 from vector<16xi32>
      %eq3A_2533 = arith.constant 7 : i32
      %eq3A_2534 = vector.broadcast %eq3A_2533 : i32 to vector<16xi32>
      %eq3A_2535 = arith.cmpi eq, %iota3A, %eq3A_2534 : vector<16xi32>
      %jit3A_2536 = arith.constant 0 : i32
      %broadcast_in_dim3A_2537 = vector.broadcast %jit3A_2536 : i32 to vector<16xi32>
      %select_n3A_2538 = arith.select %eq3A_2535, %add3A_2334, %broadcast_in_dim3A_2537 : vector<16xi1>, vector<16xi32>
      %reduce_sum3A_2539 = arith.constant true
      %reduce_sum3A_2540 = vector.broadcast %reduce_sum3A_2539 : i1 to vector<16xi1>
      %reduce_sum3A_2541 = tpu.scan <sum>, %select_n3A_2538 masked %reduce_sum3A_2540 : vector<16xi32>, vector<16xi1> -> vector<16xi32>
      %reduce_sum3A_2542 = vector.extract %reduce_sum3A_2541[15] : i32 from vector<16xi32>
      %ge3A_2543 = vector.broadcast %reduce_sum3A_2532 : i32 to vector<16xi32>
      %ge3A_2544 = arith.cmpi sge, %add3A_2337, %ge3A_2543 : vector<16xi32>
      %lt3A_2545 = vector.broadcast %reduce_sum3A_2542 : i32 to vector<16xi32>
      %lt3A_2546 = arith.cmpi slt, %add3A_2337, %lt3A_2545 : vector<16xi32>
      %and3A_2547 = arith.andi %ge3A_2544, %lt3A_2546 : vector<16xi1>
      %jit3A_2548 = arith.constant 7 : i32
      %jit3A_2549 = arith.constant 0 : i32
      %broadcast_in_dim3A_2550 = vector.broadcast %jit3A_2548 : i32 to vector<16xi32>
      %broadcast_in_dim3A_2551 = vector.broadcast %jit3A_2549 : i32 to vector<16xi32>
      %select_n3A_2552 = arith.select %and3A_2547, %broadcast_in_dim3A_2550, %broadcast_in_dim3A_2551 : vector<16xi1>, vector<16xi32>
      %add3A_2553 = arith.addi %add3A_2522, %select_n3A_2552 : vector<16xi32>
      %swap3A_2554 = arith.constant 0 : index
      %swap3A_2555 = tpu.vector_load %arg10[%swap3A_2554] {strides = array<i32>} : memref<16xi32, #tpu.memory_space<vmem>>, vector<16xi32>,
      tpu.vector_store %arg10[%swap3A_2554], %add3A_2553 {strides = array<i32>} : memref<16xi32, #tpu.memory_space<vmem>>, vector<16xi32>,
      "tpu.region"() ({
        %run_scoped3A_3004 = tpu.sem_alloc : memref<!tpu.dma_semaphore, #tpu.memory_space<semaphore_mem>>
        %dma_start3A_3005 = arith.constant 0 : i32
        %dma_start3A_3006 = tpu.memref_slice %arg6[%dma_start3A_3005] : memref<48xi32, #tpu.memory_space<hbm>> -> memref<16xi32, #tpu.memory_space<hbm>>
        %dma_start3A_3007 = arith.constant 0 : i32
        %dma_start3A_3008 = tpu.memref_slice %arg6[%dma_start3A_3007] : memref<48xi32, #tpu.memory_space<hbm>> -> memref<16xi32, #tpu.memory_space<hbm>>
        tpu.enqueue_dma source(%arg10 : memref<16xi32, #tpu.memory_space<vmem>>) target(%dma_start3A_3008 : memref<16xi32, #tpu.memory_space<hbm>>) target_semaphore(%run_scoped3A_3004 : memref<!tpu.dma_semaphore, #tpu.memory_space<semaphore_mem>>)
        %dma_wait3A_3009 = arith.constant 0 : i32
        %dma_wait3A_3010 = tpu.memref_slice %arg6[%dma_wait3A_3009] : memref<48xi32, #tpu.memory_space<hbm>> -> memref<16xi32, #tpu.memory_space<hbm>>
        %dma_wait3A_3011 = arith.constant 0 : i32
        %dma_wait3A_3012 = tpu.memref_slice %arg6[%dma_wait3A_3011] : memref<48xi32, #tpu.memory_space<hbm>> -> memref<16xi32, #tpu.memory_space<hbm>>
        tpu.wait_dma2 semaphore(%run_scoped3A_3004 : memref<!tpu.dma_semaphore, #tpu.memory_space<semaphore_mem>>) src(%arg10 : memref<16xi32, #tpu.memory_space<vmem>>) dst(%dma_wait3A_3012 : memref<16xi32, #tpu.memory_space<hbm>>)
        tpu.yield
      }) : () -> ()
      %add3A_2556 = arith.constant 16 : i32
      %add3A_2557 = vector.broadcast %add3A_2556 : i32 to vector<16xi32>
      %add3A_2558 = arith.addi %add3A_2557, %iota3A : vector<16xi32>
      %broadcast_in_dim3A_2559 = arith.constant 0 : i32
      %broadcast_in_dim3A_2560 = vector.broadcast %broadcast_in_dim3A_2559 : i32 to vector<16xi32>
      %eq3A_2561 = arith.constant 1 : i32
      %eq3A_2562 = vector.broadcast %eq3A_2561 : i32 to vector<16xi32>
      %eq3A_2563 = arith.cmpi eq, %iota3A, %eq3A_2562 : vector<16xi32>
      %jit3A_2564 = arith.constant 0 : i32
      %broadcast_in_dim3A_2565 = vector.broadcast %jit3A_2564 : i32 to vector<16xi32>
      %select_n3A_2566 = arith.select %eq3A_2563, %shift_right_arithmetic3A_2330, %broadcast_in_dim3A_2565 : vector<16xi1>, vector<16xi32>
      %reduce_sum3A_2567 = arith.constant true
      %reduce_sum3A_2568 = vector.broadcast %reduce_sum3A_2567 : i1 to vector<16xi1>
      %reduce_sum3A_2569 = tpu.scan <sum>, %select_n3A_2566 masked %reduce_sum3A_2568 : vector<16xi32>, vector<16xi1> -> vector<16xi32>
      %reduce_sum3A_2570 = vector.extract %reduce_sum3A_2569[15] : i32 from vector<16xi32>
      %eq3A_2571 = arith.constant 1 : i32
      %eq3A_2572 = vector.broadcast %eq3A_2571 : i32 to vector<16xi32>
      %eq3A_2573 = arith.cmpi eq, %iota3A, %eq3A_2572 : vector<16xi32>
      %jit3A_2574 = arith.constant 0 : i32
      %broadcast_in_dim3A_2575 = vector.broadcast %jit3A_2574 : i32 to vector<16xi32>
      %select_n3A_2576 = arith.select %eq3A_2573, %add3A_2334, %broadcast_in_dim3A_2575 : vector<16xi1>, vector<16xi32>
      %reduce_sum3A_2577 = arith.constant true
      %reduce_sum3A_2578 = vector.broadcast %reduce_sum3A_2577 : i1 to vector<16xi1>
      %reduce_sum3A_2579 = tpu.scan <sum>, %select_n3A_2576 masked %reduce_sum3A_2578 : vector<16xi32>, vector<16xi1> -> vector<16xi32>
      %reduce_sum3A_2580 = vector.extract %reduce_sum3A_2579[15] : i32 from vector<16xi32>
      %ge3A_2581 = vector.broadcast %reduce_sum3A_2570 : i32 to vector<16xi32>
      %ge3A_2582 = arith.cmpi sge, %add3A_2558, %ge3A_2581 : vector<16xi32>
      %lt3A_2583 = vector.broadcast %reduce_sum3A_2580 : i32 to vector<16xi32>
      %lt3A_2584 = arith.cmpi slt, %add3A_2558, %lt3A_2583 : vector<16xi32>
      %and3A_2585 = arith.andi %ge3A_2582, %lt3A_2584 : vector<16xi1>
      %jit3A_2586 = arith.constant 1 : i32
      %jit3A_2587 = arith.constant 0 : i32
      %broadcast_in_dim3A_2588 = vector.broadcast %jit3A_2586 : i32 to vector<16xi32>
      %broadcast_in_dim3A_2589 = vector.broadcast %jit3A_2587 : i32 to vector<16xi32>
      %select_n3A_2590 = arith.select %and3A_2585, %broadcast_in_dim3A_2588, %broadcast_in_dim3A_2589 : vector<16xi1>, vector<16xi32>
      %add3A_2591 = arith.addi %broadcast_in_dim3A_2560, %select_n3A_2590 : vector<16xi32>
      %eq3A_2592 = arith.constant 2 : i32
      %eq3A_2593 = vector.broadcast %eq3A_2592 : i32 to vector<16xi32>
      %eq3A_2594 = arith.cmpi eq, %iota3A, %eq3A_2593 : vector<16xi32>
      %jit3A_2595 = arith.constant 0 : i32
      %broadcast_in_dim3A_2596 = vector.broadcast %jit3A_2595 : i32 to vector<16xi32>
      %select_n3A_2597 = arith.select %eq3A_2594, %shift_right_arithmetic3A_2330, %broadcast_in_dim3A_2596 : vector<16xi1>, vector<16xi32>
      %reduce_sum3A_2598 = arith.constant true
      %reduce_sum3A_2599 = vector.broadcast %reduce_sum3A_2598 : i1 to vector<16xi1>
      %reduce_sum3A_2600 = tpu.scan <sum>, %select_n3A_2597 masked %reduce_sum3A_2599 : vector<16xi32>, vector<16xi1> -> vector<16xi32>
      %reduce_sum3A_2601 = vector.extract %reduce_sum3A_2600[15] : i32 from vector<16xi32>
      %eq3A_2602 = arith.constant 2 : i32
      %eq3A_2603 = vector.broadcast %eq3A_2602 : i32 to vector<16xi32>
      %eq3A_2604 = arith.cmpi eq, %iota3A, %eq3A_2603 : vector<16xi32>
      %jit3A_2605 = arith.constant 0 : i32
      %broadcast_in_dim3A_2606 = vector.broadcast %jit3A_2605 : i32 to vector<16xi32>
      %select_n3A_2607 = arith.select %eq3A_2604, %add3A_2334, %broadcast_in_dim3A_2606 : vector<16xi1>, vector<16xi32>
      %reduce_sum3A_2608 = arith.constant true
      %reduce_sum3A_2609 = vector.broadcast %reduce_sum3A_2608 : i1 to vector<16xi1>
      %reduce_sum3A_2610 = tpu.scan <sum>, %select_n3A_2607 masked %reduce_sum3A_2609 : vector<16xi32>, vector<16xi1> -> vector<16xi32>
      %reduce_sum3A_2611 = vector.extract %reduce_sum3A_2610[15] : i32 from vector<16xi32>
      %ge3A_2612 = vector.broadcast %reduce_sum3A_2601 : i32 to vector<16xi32>
      %ge3A_2613 = arith.cmpi sge, %add3A_2558, %ge3A_2612 : vector<16xi32>
      %lt3A_2614 = vector.broadcast %reduce_sum3A_2611 : i32 to vector<16xi32>
      %lt3A_2615 = arith.cmpi slt, %add3A_2558, %lt3A_2614 : vector<16xi32>
      %and3A_2616 = arith.andi %ge3A_2613, %lt3A_2615 : vector<16xi1>
      %jit3A_2617 = arith.constant 2 : i32
      %jit3A_2618 = arith.constant 0 : i32
      %broadcast_in_dim3A_2619 = vector.broadcast %jit3A_2617 : i32 to vector<16xi32>
      %broadcast_in_dim3A_2620 = vector.broadcast %jit3A_2618 : i32 to vector<16xi32>
      %select_n3A_2621 = arith.select %and3A_2616, %broadcast_in_dim3A_2619, %broadcast_in_dim3A_2620 : vector<16xi1>, vector<16xi32>
      %add3A_2622 = arith.addi %add3A_2591, %select_n3A_2621 : vector<16xi32>
      %eq3A_2623 = arith.constant 3 : i32
      %eq3A_2624 = vector.broadcast %eq3A_2623 : i32 to vector<16xi32>
      %eq3A_2625 = arith.cmpi eq, %iota3A, %eq3A_2624 : vector<16xi32>
      %jit3A_2626 = arith.constant 0 : i32
      %broadcast_in_dim3A_2627 = vector.broadcast %jit3A_2626 : i32 to vector<16xi32>
      %select_n3A_2628 = arith.select %eq3A_2625, %shift_right_arithmetic3A_2330, %broadcast_in_dim3A_2627 : vector<16xi1>, vector<16xi32>
      %reduce_sum3A_2629 = arith.constant true
      %reduce_sum3A_2630 = vector.broadcast %reduce_sum3A_2629 : i1 to vector<16xi1>
      %reduce_sum3A_2631 = tpu.scan <sum>, %select_n3A_2628 masked %reduce_sum3A_2630 : vector<16xi32>, vector<16xi1> -> vector<16xi32>
      %reduce_sum3A_2632 = vector.extract %reduce_sum3A_2631[15] : i32 from vector<16xi32>
      %eq3A_2633 = arith.constant 3 : i32
      %eq3A_2634 = vector.broadcast %eq3A_2633 : i32 to vector<16xi32>
      %eq3A_2635 = arith.cmpi eq, %iota3A, %eq3A_2634 : vector<16xi32>
      %jit3A_2636 = arith.constant 0 : i32
      %broadcast_in_dim3A_2637 = vector.broadcast %jit3A_2636 : i32 to vector<16xi32>
      %select_n3A_2638 = arith.select %eq3A_2635, %add3A_2334, %broadcast_in_dim3A_2637 : vector<16xi1>, vector<16xi32>
      %reduce_sum3A_2639 = arith.constant true
      %reduce_sum3A_2640 = vector.broadcast %reduce_sum3A_2639 : i1 to vector<16xi1>
      %reduce_sum3A_2641 = tpu.scan <sum>, %select_n3A_2638 masked %reduce_sum3A_2640 : vector<16xi32>, vector<16xi1> -> vector<16xi32>
      %reduce_sum3A_2642 = vector.extract %reduce_sum3A_2641[15] : i32 from vector<16xi32>
      %ge3A_2643 = vector.broadcast %reduce_sum3A_2632 : i32 to vector<16xi32>
      %ge3A_2644 = arith.cmpi sge, %add3A_2558, %ge3A_2643 : vector<16xi32>
      %lt3A_2645 = vector.broadcast %reduce_sum3A_2642 : i32 to vector<16xi32>
      %lt3A_2646 = arith.cmpi slt, %add3A_2558, %lt3A_2645 : vector<16xi32>
      %and3A_2647 = arith.andi %ge3A_2644, %lt3A_2646 : vector<16xi1>
      %jit3A_2648 = arith.constant 3 : i32
      %jit3A_2649 = arith.constant 0 : i32
      %broadcast_in_dim3A_2650 = vector.broadcast %jit3A_2648 : i32 to vector<16xi32>
      %broadcast_in_dim3A_2651 = vector.broadcast %jit3A_2649 : i32 to vector<16xi32>
      %select_n3A_2652 = arith.select %and3A_2647, %broadcast_in_dim3A_2650, %broadcast_in_dim3A_2651 : vector<16xi1>, vector<16xi32>
      %add3A_2653 = arith.addi %add3A_2622, %select_n3A_2652 : vector<16xi32>
      %eq3A_2654 = arith.constant 4 : i32
      %eq3A_2655 = vector.broadcast %eq3A_2654 : i32 to vector<16xi32>
      %eq3A_2656 = arith.cmpi eq, %iota3A, %eq3A_2655 : vector<16xi32>
      %jit3A_2657 = arith.constant 0 : i32
      %broadcast_in_dim3A_2658 = vector.broadcast %jit3A_2657 : i32 to vector<16xi32>
      %select_n3A_2659 = arith.select %eq3A_2656, %shift_right_arithmetic3A_2330, %broadcast_in_dim3A_2658 : vector<16xi1>, vector<16xi32>
      %reduce_sum3A_2660 = arith.constant true
      %reduce_sum3A_2661 = vector.broadcast %reduce_sum3A_2660 : i1 to vector<16xi1>
      %reduce_sum3A_2662 = tpu.scan <sum>, %select_n3A_2659 masked %reduce_sum3A_2661 : vector<16xi32>, vector<16xi1> -> vector<16xi32>
      %reduce_sum3A_2663 = vector.extract %reduce_sum3A_2662[15] : i32 from vector<16xi32>
      %eq3A_2664 = arith.constant 4 : i32
      %eq3A_2665 = vector.broadcast %eq3A_2664 : i32 to vector<16xi32>
      %eq3A_2666 = arith.cmpi eq, %iota3A, %eq3A_2665 : vector<16xi32>
      %jit3A_2667 = arith.constant 0 : i32
      %broadcast_in_dim3A_2668 = vector.broadcast %jit3A_2667 : i32 to vector<16xi32>
      %select_n3A_2669 = arith.select %eq3A_2666, %add3A_2334, %broadcast_in_dim3A_2668 : vector<16xi1>, vector<16xi32>
      %reduce_sum3A_2670 = arith.constant true
      %reduce_sum3A_2671 = vector.broadcast %reduce_sum3A_2670 : i1 to vector<16xi1>
      %reduce_sum3A_2672 = tpu.scan <sum>, %select_n3A_2669 masked %reduce_sum3A_2671 : vector<16xi32>, vector<16xi1> -> vector<16xi32>
      %reduce_sum3A_2673 = vector.extract %reduce_sum3A_2672[15] : i32 from vector<16xi32>
      %ge3A_2674 = vector.broadcast %reduce_sum3A_2663 : i32 to vector<16xi32>
      %ge3A_2675 = arith.cmpi sge, %add3A_2558, %ge3A_2674 : vector<16xi32>
      %lt3A_2676 = vector.broadcast %reduce_sum3A_2673 : i32 to vector<16xi32>
      %lt3A_2677 = arith.cmpi slt, %add3A_2558, %lt3A_2676 : vector<16xi32>
      %and3A_2678 = arith.andi %ge3A_2675, %lt3A_2677 : vector<16xi1>
      %jit3A_2679 = arith.constant 4 : i32
      %jit3A_2680 = arith.constant 0 : i32
      %broadcast_in_dim3A_2681 = vector.broadcast %jit3A_2679 : i32 to vector<16xi32>
      %broadcast_in_dim3A_2682 = vector.broadcast %jit3A_2680 : i32 to vector<16xi32>
      %select_n3A_2683 = arith.select %and3A_2678, %broadcast_in_dim3A_2681, %broadcast_in_dim3A_2682 : vector<16xi1>, vector<16xi32>
      %add3A_2684 = arith.addi %add3A_2653, %select_n3A_2683 : vector<16xi32>
      %eq3A_2685 = arith.constant 5 : i32
      %eq3A_2686 = vector.broadcast %eq3A_2685 : i32 to vector<16xi32>
      %eq3A_2687 = arith.cmpi eq, %iota3A, %eq3A_2686 : vector<16xi32>
      %jit3A_2688 = arith.constant 0 : i32
      %broadcast_in_dim3A_2689 = vector.broadcast %jit3A_2688 : i32 to vector<16xi32>
      %select_n3A_2690 = arith.select %eq3A_2687, %shift_right_arithmetic3A_2330, %broadcast_in_dim3A_2689 : vector<16xi1>, vector<16xi32>
      %reduce_sum3A_2691 = arith.constant true
      %reduce_sum3A_2692 = vector.broadcast %reduce_sum3A_2691 : i1 to vector<16xi1>
      %reduce_sum3A_2693 = tpu.scan <sum>, %select_n3A_2690 masked %reduce_sum3A_2692 : vector<16xi32>, vector<16xi1> -> vector<16xi32>
      %reduce_sum3A_2694 = vector.extract %reduce_sum3A_2693[15] : i32 from vector<16xi32>
      %eq3A_2695 = arith.constant 5 : i32
      %eq3A_2696 = vector.broadcast %eq3A_2695 : i32 to vector<16xi32>
      %eq3A_2697 = arith.cmpi eq, %iota3A, %eq3A_2696 : vector<16xi32>
      %jit3A_2698 = arith.constant 0 : i32
      %broadcast_in_dim3A_2699 = vector.broadcast %jit3A_2698 : i32 to vector<16xi32>
      %select_n3A_2700 = arith.select %eq3A_2697, %add3A_2334, %broadcast_in_dim3A_2699 : vector<16xi1>, vector<16xi32>
      %reduce_sum3A_2701 = arith.constant true
      %reduce_sum3A_2702 = vector.broadcast %reduce_sum3A_2701 : i1 to vector<16xi1>
      %reduce_sum3A_2703 = tpu.scan <sum>, %select_n3A_2700 masked %reduce_sum3A_2702 : vector<16xi32>, vector<16xi1> -> vector<16xi32>
      %reduce_sum3A_2704 = vector.extract %reduce_sum3A_2703[15] : i32 from vector<16xi32>
      %ge3A_2705 = vector.broadcast %reduce_sum3A_2694 : i32 to vector<16xi32>
      %ge3A_2706 = arith.cmpi sge, %add3A_2558, %ge3A_2705 : vector<16xi32>
      %lt3A_2707 = vector.broadcast %reduce_sum3A_2704 : i32 to vector<16xi32>
      %lt3A_2708 = arith.cmpi slt, %add3A_2558, %lt3A_2707 : vector<16xi32>
      %and3A_2709 = arith.andi %ge3A_2706, %lt3A_2708 : vector<16xi1>
      %jit3A_2710 = arith.constant 5 : i32
      %jit3A_2711 = arith.constant 0 : i32
      %broadcast_in_dim3A_2712 = vector.broadcast %jit3A_2710 : i32 to vector<16xi32>
      %broadcast_in_dim3A_2713 = vector.broadcast %jit3A_2711 : i32 to vector<16xi32>
      %select_n3A_2714 = arith.select %and3A_2709, %broadcast_in_dim3A_2712, %broadcast_in_dim3A_2713 : vector<16xi1>, vector<16xi32>
      %add3A_2715 = arith.addi %add3A_2684, %select_n3A_2714 : vector<16xi32>
      %eq3A_2716 = arith.constant 6 : i32
      %eq3A_2717 = vector.broadcast %eq3A_2716 : i32 to vector<16xi32>
      %eq3A_2718 = arith.cmpi eq, %iota3A, %eq3A_2717 : vector<16xi32>
      %jit3A_2719 = arith.constant 0 : i32
      %broadcast_in_dim3A_2720 = vector.broadcast %jit3A_2719 : i32 to vector<16xi32>
      %select_n3A_2721 = arith.select %eq3A_2718, %shift_right_arithmetic3A_2330, %broadcast_in_dim3A_2720 : vector<16xi1>, vector<16xi32>
      %reduce_sum3A_2722 = arith.constant true
      %reduce_sum3A_2723 = vector.broadcast %reduce_sum3A_2722 : i1 to vector<16xi1>
      %reduce_sum3A_2724 = tpu.scan <sum>, %select_n3A_2721 masked %reduce_sum3A_2723 : vector<16xi32>, vector<16xi1> -> vector<16xi32>
      %reduce_sum3A_2725 = vector.extract %reduce_sum3A_2724[15] : i32 from vector<16xi32>
      %eq3A_2726 = arith.constant 6 : i32
      %eq3A_2727 = vector.broadcast %eq3A_2726 : i32 to vector<16xi32>
      %eq3A_2728 = arith.cmpi eq, %iota3A, %eq3A_2727 : vector<16xi32>
      %jit3A_2729 = arith.constant 0 : i32
      %broadcast_in_dim3A_2730 = vector.broadcast %jit3A_2729 : i32 to vector<16xi32>
      %select_n3A_2731 = arith.select %eq3A_2728, %add3A_2334, %broadcast_in_dim3A_2730 : vector<16xi1>, vector<16xi32>
      %reduce_sum3A_2732 = arith.constant true
      %reduce_sum3A_2733 = vector.broadcast %reduce_sum3A_2732 : i1 to vector<16xi1>
      %reduce_sum3A_2734 = tpu.scan <sum>, %select_n3A_2731 masked %reduce_sum3A_2733 : vector<16xi32>, vector<16xi1> -> vector<16xi32>
      %reduce_sum3A_2735 = vector.extract %reduce_sum3A_2734[15] : i32 from vector<16xi32>
      %ge3A_2736 = vector.broadcast %reduce_sum3A_2725 : i32 to vector<16xi32>
      %ge3A_2737 = arith.cmpi sge, %add3A_2558, %ge3A_2736 : vector<16xi32>
      %lt3A_2738 = vector.broadcast %reduce_sum3A_2735 : i32 to vector<16xi32>
      %lt3A_2739 = arith.cmpi slt, %add3A_2558, %lt3A_2738 : vector<16xi32>
      %and3A_2740 = arith.andi %ge3A_2737, %lt3A_2739 : vector<16xi1>
      %jit3A_2741 = arith.constant 6 : i32
      %jit3A_2742 = arith.constant 0 : i32
      %broadcast_in_dim3A_2743 = vector.broadcast %jit3A_2741 : i32 to vector<16xi32>
      %broadcast_in_dim3A_2744 = vector.broadcast %jit3A_2742 : i32 to vector<16xi32>
      %select_n3A_2745 = arith.select %and3A_2740, %broadcast_in_dim3A_2743, %broadcast_in_dim3A_2744 : vector<16xi1>, vector<16xi32>
      %add3A_2746 = arith.addi %add3A_2715, %select_n3A_2745 : vector<16xi32>
      %eq3A_2747 = arith.constant 7 : i32
      %eq3A_2748 = vector.broadcast %eq3A_2747 : i32 to vector<16xi32>
      %eq3A_2749 = arith.cmpi eq, %iota3A, %eq3A_2748 : vector<16xi32>
      %jit3A_2750 = arith.constant 0 : i32
      %broadcast_in_dim3A_2751 = vector.broadcast %jit3A_2750 : i32 to vector<16xi32>
      %select_n3A_2752 = arith.select %eq3A_2749, %shift_right_arithmetic3A_2330, %broadcast_in_dim3A_2751 : vector<16xi1>, vector<16xi32>
      %reduce_sum3A_2753 = arith.constant true
      %reduce_sum3A_2754 = vector.broadcast %reduce_sum3A_2753 : i1 to vector<16xi1>
      %reduce_sum3A_2755 = tpu.scan <sum>, %select_n3A_2752 masked %reduce_sum3A_2754 : vector<16xi32>, vector<16xi1> -> vector<16xi32>
      %reduce_sum3A_2756 = vector.extract %reduce_sum3A_2755[15] : i32 from vector<16xi32>
      %eq3A_2757 = arith.constant 7 : i32
      %eq3A_2758 = vector.broadcast %eq3A_2757 : i32 to vector<16xi32>
      %eq3A_2759 = arith.cmpi eq, %iota3A, %eq3A_2758 : vector<16xi32>
      %jit3A_2760 = arith.constant 0 : i32
      %broadcast_in_dim3A_2761 = vector.broadcast %jit3A_2760 : i32 to vector<16xi32>
      %select_n3A_2762 = arith.select %eq3A_2759, %add3A_2334, %broadcast_in_dim3A_2761 : vector<16xi1>, vector<16xi32>
      %reduce_sum3A_2763 = arith.constant true
      %reduce_sum3A_2764 = vector.broadcast %reduce_sum3A_2763 : i1 to vector<16xi1>
      %reduce_sum3A_2765 = tpu.scan <sum>, %select_n3A_2762 masked %reduce_sum3A_2764 : vector<16xi32>, vector<16xi1> -> vector<16xi32>
      %reduce_sum3A_2766 = vector.extract %reduce_sum3A_2765[15] : i32 from vector<16xi32>
      %ge3A_2767 = vector.broadcast %reduce_sum3A_2756 : i32 to vector<16xi32>
      %ge3A_2768 = arith.cmpi sge, %add3A_2558, %ge3A_2767 : vector<16xi32>
      %lt3A_2769 = vector.broadcast %reduce_sum3A_2766 : i32 to vector<16xi32>
      %lt3A_2770 = arith.cmpi slt, %add3A_2558, %lt3A_2769 : vector<16xi32>
      %and3A_2771 = arith.andi %ge3A_2768, %lt3A_2770 : vector<16xi1>
      %jit3A_2772 = arith.constant 7 : i32
      %jit3A_2773 = arith.constant 0 : i32
      %broadcast_in_dim3A_2774 = vector.broadcast %jit3A_2772 : i32 to vector<16xi32>
      %broadcast_in_dim3A_2775 = vector.broadcast %jit3A_2773 : i32 to vector<16xi32>
      %select_n3A_2776 = arith.select %and3A_2771, %broadcast_in_dim3A_2774, %broadcast_in_dim3A_2775 : vector<16xi1>, vector<16xi32>
      %add3A_2777 = arith.addi %add3A_2746, %select_n3A_2776 : vector<16xi32>
      %swap3A_2778 = arith.constant 0 : index
      %swap3A_2779 = tpu.vector_load %arg10[%swap3A_2778] {strides = array<i32>} : memref<16xi32, #tpu.memory_space<vmem>>, vector<16xi32>,
      tpu.vector_store %arg10[%swap3A_2778], %add3A_2777 {strides = array<i32>} : memref<16xi32, #tpu.memory_space<vmem>>, vector<16xi32>,
      "tpu.region"() ({
        %run_scoped3A_3004 = tpu.sem_alloc : memref<!tpu.dma_semaphore, #tpu.memory_space<semaphore_mem>>
        %dma_start3A_3005 = arith.constant 16 : i32
        %dma_start3A_3006 = tpu.memref_slice %arg6[%dma_start3A_3005] : memref<48xi32, #tpu.memory_space<hbm>> -> memref<16xi32, #tpu.memory_space<hbm>>
        %dma_start3A_3007 = arith.constant 16 : i32
        %dma_start3A_3008 = tpu.memref_slice %arg6[%dma_start3A_3007] : memref<48xi32, #tpu.memory_space<hbm>> -> memref<16xi32, #tpu.memory_space<hbm>>
        tpu.enqueue_dma source(%arg10 : memref<16xi32, #tpu.memory_space<vmem>>) target(%dma_start3A_3008 : memref<16xi32, #tpu.memory_space<hbm>>) target_semaphore(%run_scoped3A_3004 : memref<!tpu.dma_semaphore, #tpu.memory_space<semaphore_mem>>)
        %dma_wait3A_3009 = arith.constant 16 : i32
        %dma_wait3A_3010 = tpu.memref_slice %arg6[%dma_wait3A_3009] : memref<48xi32, #tpu.memory_space<hbm>> -> memref<16xi32, #tpu.memory_space<hbm>>
        %dma_wait3A_3011 = arith.constant 16 : i32
        %dma_wait3A_3012 = tpu.memref_slice %arg6[%dma_wait3A_3011] : memref<48xi32, #tpu.memory_space<hbm>> -> memref<16xi32, #tpu.memory_space<hbm>>
        tpu.wait_dma2 semaphore(%run_scoped3A_3004 : memref<!tpu.dma_semaphore, #tpu.memory_space<semaphore_mem>>) src(%arg10 : memref<16xi32, #tpu.memory_space<vmem>>) dst(%dma_wait3A_3012 : memref<16xi32, #tpu.memory_space<hbm>>)
        tpu.yield
      }) : () -> ()
      %add3A_2780 = arith.constant 32 : i32
      %add3A_2781 = vector.broadcast %add3A_2780 : i32 to vector<16xi32>
      %add3A_2782 = arith.addi %add3A_2781, %iota3A : vector<16xi32>
      %broadcast_in_dim3A_2783 = arith.constant 0 : i32
      %broadcast_in_dim3A_2784 = vector.broadcast %broadcast_in_dim3A_2783 : i32 to vector<16xi32>
      %eq3A_2785 = arith.constant 1 : i32
      %eq3A_2786 = vector.broadcast %eq3A_2785 : i32 to vector<16xi32>
      %eq3A_2787 = arith.cmpi eq, %iota3A, %eq3A_2786 : vector<16xi32>
      %jit3A_2788 = arith.constant 0 : i32
      %broadcast_in_dim3A_2789 = vector.broadcast %jit3A_2788 : i32 to vector<16xi32>
      %select_n3A_2790 = arith.select %eq3A_2787, %shift_right_arithmetic3A_2330, %broadcast_in_dim3A_2789 : vector<16xi1>, vector<16xi32>
      %reduce_sum3A_2791 = arith.constant true
      %reduce_sum3A_2792 = vector.broadcast %reduce_sum3A_2791 : i1 to vector<16xi1>
      %reduce_sum3A_2793 = tpu.scan <sum>, %select_n3A_2790 masked %reduce_sum3A_2792 : vector<16xi32>, vector<16xi1> -> vector<16xi32>
      %reduce_sum3A_2794 = vector.extract %reduce_sum3A_2793[15] : i32 from vector<16xi32>
      %eq3A_2795 = arith.constant 1 : i32
      %eq3A_2796 = vector.broadcast %eq3A_2795 : i32 to vector<16xi32>
      %eq3A_2797 = arith.cmpi eq, %iota3A, %eq3A_2796 : vector<16xi32>
      %jit3A_2798 = arith.constant 0 : i32
      %broadcast_in_dim3A_2799 = vector.broadcast %jit3A_2798 : i32 to vector<16xi32>
      %select_n3A_2800 = arith.select %eq3A_2797, %add3A_2334, %broadcast_in_dim3A_2799 : vector<16xi1>, vector<16xi32>
      %reduce_sum3A_2801 = arith.constant true
      %reduce_sum3A_2802 = vector.broadcast %reduce_sum3A_2801 : i1 to vector<16xi1>
      %reduce_sum3A_2803 = tpu.scan <sum>, %select_n3A_2800 masked %reduce_sum3A_2802 : vector<16xi32>, vector<16xi1> -> vector<16xi32>
      %reduce_sum3A_2804 = vector.extract %reduce_sum3A_2803[15] : i32 from vector<16xi32>
      %ge3A_2805 = vector.broadcast %reduce_sum3A_2794 : i32 to vector<16xi32>
      %ge3A_2806 = arith.cmpi sge, %add3A_2782, %ge3A_2805 : vector<16xi32>
      %lt3A_2807 = vector.broadcast %reduce_sum3A_2804 : i32 to vector<16xi32>
      %lt3A_2808 = arith.cmpi slt, %add3A_2782, %lt3A_2807 : vector<16xi32>
      %and3A_2809 = arith.andi %ge3A_2806, %lt3A_2808 : vector<16xi1>
      %jit3A_2810 = arith.constant 1 : i32
      %jit3A_2811 = arith.constant 0 : i32
      %broadcast_in_dim3A_2812 = vector.broadcast %jit3A_2810 : i32 to vector<16xi32>
      %broadcast_in_dim3A_2813 = vector.broadcast %jit3A_2811 : i32 to vector<16xi32>
      %select_n3A_2814 = arith.select %and3A_2809, %broadcast_in_dim3A_2812, %broadcast_in_dim3A_2813 : vector<16xi1>, vector<16xi32>
      %add3A_2815 = arith.addi %broadcast_in_dim3A_2784, %select_n3A_2814 : vector<16xi32>
      %eq3A_2816 = arith.constant 2 : i32
      %eq3A_2817 = vector.broadcast %eq3A_2816 : i32 to vector<16xi32>
      %eq3A_2818 = arith.cmpi eq, %iota3A, %eq3A_2817 : vector<16xi32>
      %jit3A_2819 = arith.constant 0 : i32
      %broadcast_in_dim3A_2820 = vector.broadcast %jit3A_2819 : i32 to vector<16xi32>
      %select_n3A_2821 = arith.select %eq3A_2818, %shift_right_arithmetic3A_2330, %broadcast_in_dim3A_2820 : vector<16xi1>, vector<16xi32>
      %reduce_sum3A_2822 = arith.constant true
      %reduce_sum3A_2823 = vector.broadcast %reduce_sum3A_2822 : i1 to vector<16xi1>
      %reduce_sum3A_2824 = tpu.scan <sum>, %select_n3A_2821 masked %reduce_sum3A_2823 : vector<16xi32>, vector<16xi1> -> vector<16xi32>
      %reduce_sum3A_2825 = vector.extract %reduce_sum3A_2824[15] : i32 from vector<16xi32>
      %eq3A_2826 = arith.constant 2 : i32
      %eq3A_2827 = vector.broadcast %eq3A_2826 : i32 to vector<16xi32>
      %eq3A_2828 = arith.cmpi eq, %iota3A, %eq3A_2827 : vector<16xi32>
      %jit3A_2829 = arith.constant 0 : i32
      %broadcast_in_dim3A_2830 = vector.broadcast %jit3A_2829 : i32 to vector<16xi32>
      %select_n3A_2831 = arith.select %eq3A_2828, %add3A_2334, %broadcast_in_dim3A_2830 : vector<16xi1>, vector<16xi32>
      %reduce_sum3A_2832 = arith.constant true
      %reduce_sum3A_2833 = vector.broadcast %reduce_sum3A_2832 : i1 to vector<16xi1>
      %reduce_sum3A_2834 = tpu.scan <sum>, %select_n3A_2831 masked %reduce_sum3A_2833 : vector<16xi32>, vector<16xi1> -> vector<16xi32>
      %reduce_sum3A_2835 = vector.extract %reduce_sum3A_2834[15] : i32 from vector<16xi32>
      %ge3A_2836 = vector.broadcast %reduce_sum3A_2825 : i32 to vector<16xi32>
      %ge3A_2837 = arith.cmpi sge, %add3A_2782, %ge3A_2836 : vector<16xi32>
      %lt3A_2838 = vector.broadcast %reduce_sum3A_2835 : i32 to vector<16xi32>
      %lt3A_2839 = arith.cmpi slt, %add3A_2782, %lt3A_2838 : vector<16xi32>
      %and3A_2840 = arith.andi %ge3A_2837, %lt3A_2839 : vector<16xi1>
      %jit3A_2841 = arith.constant 2 : i32
      %jit3A_2842 = arith.constant 0 : i32
      %broadcast_in_dim3A_2843 = vector.broadcast %jit3A_2841 : i32 to vector<16xi32>
      %broadcast_in_dim3A_2844 = vector.broadcast %jit3A_2842 : i32 to vector<16xi32>
      %select_n3A_2845 = arith.select %and3A_2840, %broadcast_in_dim3A_2843, %broadcast_in_dim3A_2844 : vector<16xi1>, vector<16xi32>
      %add3A_2846 = arith.addi %add3A_2815, %select_n3A_2845 : vector<16xi32>
      %eq3A_2847 = arith.constant 3 : i32
      %eq3A_2848 = vector.broadcast %eq3A_2847 : i32 to vector<16xi32>
      %eq3A_2849 = arith.cmpi eq, %iota3A, %eq3A_2848 : vector<16xi32>
      %jit3A_2850 = arith.constant 0 : i32
      %broadcast_in_dim3A_2851 = vector.broadcast %jit3A_2850 : i32 to vector<16xi32>
      %select_n3A_2852 = arith.select %eq3A_2849, %shift_right_arithmetic3A_2330, %broadcast_in_dim3A_2851 : vector<16xi1>, vector<16xi32>
      %reduce_sum3A_2853 = arith.constant true
      %reduce_sum3A_2854 = vector.broadcast %reduce_sum3A_2853 : i1 to vector<16xi1>
      %reduce_sum3A_2855 = tpu.scan <sum>, %select_n3A_2852 masked %reduce_sum3A_2854 : vector<16xi32>, vector<16xi1> -> vector<16xi32>
      %reduce_sum3A_2856 = vector.extract %reduce_sum3A_2855[15] : i32 from vector<16xi32>
      %eq3A_2857 = arith.constant 3 : i32
      %eq3A_2858 = vector.broadcast %eq3A_2857 : i32 to vector<16xi32>
      %eq3A_2859 = arith.cmpi eq, %iota3A, %eq3A_2858 : vector<16xi32>
      %jit3A_2860 = arith.constant 0 : i32
      %broadcast_in_dim3A_2861 = vector.broadcast %jit3A_2860 : i32 to vector<16xi32>
      %select_n3A_2862 = arith.select %eq3A_2859, %add3A_2334, %broadcast_in_dim3A_2861 : vector<16xi1>, vector<16xi32>
      %reduce_sum3A_2863 = arith.constant true
      %reduce_sum3A_2864 = vector.broadcast %reduce_sum3A_2863 : i1 to vector<16xi1>
      %reduce_sum3A_2865 = tpu.scan <sum>, %select_n3A_2862 masked %reduce_sum3A_2864 : vector<16xi32>, vector<16xi1> -> vector<16xi32>
      %reduce_sum3A_2866 = vector.extract %reduce_sum3A_2865[15] : i32 from vector<16xi32>
      %ge3A_2867 = vector.broadcast %reduce_sum3A_2856 : i32 to vector<16xi32>
      %ge3A_2868 = arith.cmpi sge, %add3A_2782, %ge3A_2867 : vector<16xi32>
      %lt3A_2869 = vector.broadcast %reduce_sum3A_2866 : i32 to vector<16xi32>
      %lt3A_2870 = arith.cmpi slt, %add3A_2782, %lt3A_2869 : vector<16xi32>
      %and3A_2871 = arith.andi %ge3A_2868, %lt3A_2870 : vector<16xi1>
      %jit3A_2872 = arith.constant 3 : i32
      %jit3A_2873 = arith.constant 0 : i32
      %broadcast_in_dim3A_2874 = vector.broadcast %jit3A_2872 : i32 to vector<16xi32>
      %broadcast_in_dim3A_2875 = vector.broadcast %jit3A_2873 : i32 to vector<16xi32>
      %select_n3A_2876 = arith.select %and3A_2871, %broadcast_in_dim3A_2874, %broadcast_in_dim3A_2875 : vector<16xi1>, vector<16xi32>
      %add3A_2877 = arith.addi %add3A_2846, %select_n3A_2876 : vector<16xi32>
      %eq3A_2878 = arith.constant 4 : i32
      %eq3A_2879 = vector.broadcast %eq3A_2878 : i32 to vector<16xi32>
      %eq3A_2880 = arith.cmpi eq, %iota3A, %eq3A_2879 : vector<16xi32>
      %jit3A_2881 = arith.constant 0 : i32
      %broadcast_in_dim3A_2882 = vector.broadcast %jit3A_2881 : i32 to vector<16xi32>
      %select_n3A_2883 = arith.select %eq3A_2880, %shift_right_arithmetic3A_2330, %broadcast_in_dim3A_2882 : vector<16xi1>, vector<16xi32>
      %reduce_sum3A_2884 = arith.constant true
      %reduce_sum3A_2885 = vector.broadcast %reduce_sum3A_2884 : i1 to vector<16xi1>
      %reduce_sum3A_2886 = tpu.scan <sum>, %select_n3A_2883 masked %reduce_sum3A_2885 : vector<16xi32>, vector<16xi1> -> vector<16xi32>
      %reduce_sum3A_2887 = vector.extract %reduce_sum3A_2886[15] : i32 from vector<16xi32>
      %eq3A_2888 = arith.constant 4 : i32
      %eq3A_2889 = vector.broadcast %eq3A_2888 : i32 to vector<16xi32>
      %eq3A_2890 = arith.cmpi eq, %iota3A, %eq3A_2889 : vector<16xi32>
      %jit3A_2891 = arith.constant 0 : i32
      %broadcast_in_dim3A_2892 = vector.broadcast %jit3A_2891 : i32 to vector<16xi32>
      %select_n3A_2893 = arith.select %eq3A_2890, %add3A_2334, %broadcast_in_dim3A_2892 : vector<16xi1>, vector<16xi32>
      %reduce_sum3A_2894 = arith.constant true
      %reduce_sum3A_2895 = vector.broadcast %reduce_sum3A_2894 : i1 to vector<16xi1>
      %reduce_sum3A_2896 = tpu.scan <sum>, %select_n3A_2893 masked %reduce_sum3A_2895 : vector<16xi32>, vector<16xi1> -> vector<16xi32>
      %reduce_sum3A_2897 = vector.extract %reduce_sum3A_2896[15] : i32 from vector<16xi32>
      %ge3A_2898 = vector.broadcast %reduce_sum3A_2887 : i32 to vector<16xi32>
      %ge3A_2899 = arith.cmpi sge, %add3A_2782, %ge3A_2898 : vector<16xi32>
      %lt3A_2900 = vector.broadcast %reduce_sum3A_2897 : i32 to vector<16xi32>
      %lt3A_2901 = arith.cmpi slt, %add3A_2782, %lt3A_2900 : vector<16xi32>
      %and3A_2902 = arith.andi %ge3A_2899, %lt3A_2901 : vector<16xi1>
      %jit3A_2903 = arith.constant 4 : i32
      %jit3A_2904 = arith.constant 0 : i32
      %broadcast_in_dim3A_2905 = vector.broadcast %jit3A_2903 : i32 to vector<16xi32>
      %broadcast_in_dim3A_2906 = vector.broadcast %jit3A_2904 : i32 to vector<16xi32>
      %select_n3A_2907 = arith.select %and3A_2902, %broadcast_in_dim3A_2905, %broadcast_in_dim3A_2906 : vector<16xi1>, vector<16xi32>
      %add3A_2908 = arith.addi %add3A_2877, %select_n3A_2907 : vector<16xi32>
      %eq3A_2909 = arith.constant 5 : i32
      %eq3A_2910 = vector.broadcast %eq3A_2909 : i32 to vector<16xi32>
      %eq3A_2911 = arith.cmpi eq, %iota3A, %eq3A_2910 : vector<16xi32>
      %jit3A_2912 = arith.constant 0 : i32
      %broadcast_in_dim3A_2913 = vector.broadcast %jit3A_2912 : i32 to vector<16xi32>
      %select_n3A_2914 = arith.select %eq3A_2911, %shift_right_arithmetic3A_2330, %broadcast_in_dim3A_2913 : vector<16xi1>, vector<16xi32>
      %reduce_sum3A_2915 = arith.constant true
      %reduce_sum3A_2916 = vector.broadcast %reduce_sum3A_2915 : i1 to vector<16xi1>
      %reduce_sum3A_2917 = tpu.scan <sum>, %select_n3A_2914 masked %reduce_sum3A_2916 : vector<16xi32>, vector<16xi1> -> vector<16xi32>
      %reduce_sum3A_2918 = vector.extract %reduce_sum3A_2917[15] : i32 from vector<16xi32>
      %eq3A_2919 = arith.constant 5 : i32
      %eq3A_2920 = vector.broadcast %eq3A_2919 : i32 to vector<16xi32>
      %eq3A_2921 = arith.cmpi eq, %iota3A, %eq3A_2920 : vector<16xi32>
      %jit3A_2922 = arith.constant 0 : i32
      %broadcast_in_dim3A_2923 = vector.broadcast %jit3A_2922 : i32 to vector<16xi32>
      %select_n3A_2924 = arith.select %eq3A_2921, %add3A_2334, %broadcast_in_dim3A_2923 : vector<16xi1>, vector<16xi32>
      %reduce_sum3A_2925 = arith.constant true
      %reduce_sum3A_2926 = vector.broadcast %reduce_sum3A_2925 : i1 to vector<16xi1>
      %reduce_sum3A_2927 = tpu.scan <sum>, %select_n3A_2924 masked %reduce_sum3A_2926 : vector<16xi32>, vector<16xi1> -> vector<16xi32>
      %reduce_sum3A_2928 = vector.extract %reduce_sum3A_2927[15] : i32 from vector<16xi32>
      %ge3A_2929 = vector.broadcast %reduce_sum3A_2918 : i32 to vector<16xi32>
      %ge3A_2930 = arith.cmpi sge, %add3A_2782, %ge3A_2929 : vector<16xi32>
      %lt3A_2931 = vector.broadcast %reduce_sum3A_2928 : i32 to vector<16xi32>
      %lt3A_2932 = arith.cmpi slt, %add3A_2782, %lt3A_2931 : vector<16xi32>
      %and3A_2933 = arith.andi %ge3A_2930, %lt3A_2932 : vector<16xi1>
      %jit3A_2934 = arith.constant 5 : i32
      %jit3A_2935 = arith.constant 0 : i32
      %broadcast_in_dim3A_2936 = vector.broadcast %jit3A_2934 : i32 to vector<16xi32>
      %broadcast_in_dim3A_2937 = vector.broadcast %jit3A_2935 : i32 to vector<16xi32>
      %select_n3A_2938 = arith.select %and3A_2933, %broadcast_in_dim3A_2936, %broadcast_in_dim3A_2937 : vector<16xi1>, vector<16xi32>
      %add3A_2939 = arith.addi %add3A_2908, %select_n3A_2938 : vector<16xi32>
      %eq3A_2940 = arith.constant 6 : i32
      %eq3A_2941 = vector.broadcast %eq3A_2940 : i32 to vector<16xi32>
      %eq3A_2942 = arith.cmpi eq, %iota3A, %eq3A_2941 : vector<16xi32>
      %jit3A_2943 = arith.constant 0 : i32
      %broadcast_in_dim3A_2944 = vector.broadcast %jit3A_2943 : i32 to vector<16xi32>
      %select_n3A_2945 = arith.select %eq3A_2942, %shift_right_arithmetic3A_2330, %broadcast_in_dim3A_2944 : vector<16xi1>, vector<16xi32>
      %reduce_sum3A_2946 = arith.constant true
      %reduce_sum3A_2947 = vector.broadcast %reduce_sum3A_2946 : i1 to vector<16xi1>
      %reduce_sum3A_2948 = tpu.scan <sum>, %select_n3A_2945 masked %reduce_sum3A_2947 : vector<16xi32>, vector<16xi1> -> vector<16xi32>
      %reduce_sum3A_2949 = vector.extract %reduce_sum3A_2948[15] : i32 from vector<16xi32>
      %eq3A_2950 = arith.constant 6 : i32
      %eq3A_2951 = vector.broadcast %eq3A_2950 : i32 to vector<16xi32>
      %eq3A_2952 = arith.cmpi eq, %iota3A, %eq3A_2951 : vector<16xi32>
      %jit3A_2953 = arith.constant 0 : i32
      %broadcast_in_dim3A_2954 = vector.broadcast %jit3A_2953 : i32 to vector<16xi32>
      %select_n3A_2955 = arith.select %eq3A_2952, %add3A_2334, %broadcast_in_dim3A_2954 : vector<16xi1>, vector<16xi32>
      %reduce_sum3A_2956 = arith.constant true
      %reduce_sum3A_2957 = vector.broadcast %reduce_sum3A_2956 : i1 to vector<16xi1>
      %reduce_sum3A_2958 = tpu.scan <sum>, %select_n3A_2955 masked %reduce_sum3A_2957 : vector<16xi32>, vector<16xi1> -> vector<16xi32>
      %reduce_sum3A_2959 = vector.extract %reduce_sum3A_2958[15] : i32 from vector<16xi32>
      %ge3A_2960 = vector.broadcast %reduce_sum3A_2949 : i32 to vector<16xi32>
      %ge3A_2961 = arith.cmpi sge, %add3A_2782, %ge3A_2960 : vector<16xi32>
      %lt3A_2962 = vector.broadcast %reduce_sum3A_2959 : i32 to vector<16xi32>
      %lt3A_2963 = arith.cmpi slt, %add3A_2782, %lt3A_2962 : vector<16xi32>
      %and3A_2964 = arith.andi %ge3A_2961, %lt3A_2963 : vector<16xi1>
      %jit3A_2965 = arith.constant 6 : i32
      %jit3A_2966 = arith.constant 0 : i32
      %broadcast_in_dim3A_2967 = vector.broadcast %jit3A_2965 : i32 to vector<16xi32>
      %broadcast_in_dim3A_2968 = vector.broadcast %jit3A_2966 : i32 to vector<16xi32>
      %select_n3A_2969 = arith.select %and3A_2964, %broadcast_in_dim3A_2967, %broadcast_in_dim3A_2968 : vector<16xi1>, vector<16xi32>
      %add3A_2970 = arith.addi %add3A_2939, %select_n3A_2969 : vector<16xi32>
      %eq3A_2971 = arith.constant 7 : i32
      %eq3A_2972 = vector.broadcast %eq3A_2971 : i32 to vector<16xi32>
      %eq3A_2973 = arith.cmpi eq, %iota3A, %eq3A_2972 : vector<16xi32>
      %jit3A_2974 = arith.constant 0 : i32
      %broadcast_in_dim3A_2975 = vector.broadcast %jit3A_2974 : i32 to vector<16xi32>
      %select_n3A_2976 = arith.select %eq3A_2973, %shift_right_arithmetic3A_2330, %broadcast_in_dim3A_2975 : vector<16xi1>, vector<16xi32>
      %reduce_sum3A_2977 = arith.constant true
      %reduce_sum3A_2978 = vector.broadcast %reduce_sum3A_2977 : i1 to vector<16xi1>
      %reduce_sum3A_2979 = tpu.scan <sum>, %select_n3A_2976 masked %reduce_sum3A_2978 : vector<16xi32>, vector<16xi1> -> vector<16xi32>
      %reduce_sum3A_2980 = vector.extract %reduce_sum3A_2979[15] : i32 from vector<16xi32>
      %eq3A_2981 = arith.constant 7 : i32
      %eq3A_2982 = vector.broadcast %eq3A_2981 : i32 to vector<16xi32>
      %eq3A_2983 = arith.cmpi eq, %iota3A, %eq3A_2982 : vector<16xi32>
      %jit3A_2984 = arith.constant 0 : i32
      %broadcast_in_dim3A_2985 = vector.broadcast %jit3A_2984 : i32 to vector<16xi32>
      %select_n3A_2986 = arith.select %eq3A_2983, %add3A_2334, %broadcast_in_dim3A_2985 : vector<16xi1>, vector<16xi32>
      %reduce_sum3A_2987 = arith.constant true
      %reduce_sum3A_2988 = vector.broadcast %reduce_sum3A_2987 : i1 to vector<16xi1>
      %reduce_sum3A_2989 = tpu.scan <sum>, %select_n3A_2986 masked %reduce_sum3A_2988 : vector<16xi32>, vector<16xi1> -> vector<16xi32>
      %reduce_sum3A_2990 = vector.extract %reduce_sum3A_2989[15] : i32 from vector<16xi32>
      %ge3A_2991 = vector.broadcast %reduce_sum3A_2980 : i32 to vector<16xi32>
      %ge3A_2992 = arith.cmpi sge, %add3A_2782, %ge3A_2991 : vector<16xi32>
      %lt3A_2993 = vector.broadcast %reduce_sum3A_2990 : i32 to vector<16xi32>
      %lt3A_2994 = arith.cmpi slt, %add3A_2782, %lt3A_2993 : vector<16xi32>
      %and3A_2995 = arith.andi %ge3A_2992, %lt3A_2994 : vector<16xi1>
      %jit3A_2996 = arith.constant 7 : i32
      %jit3A_2997 = arith.constant 0 : i32
      %broadcast_in_dim3A_2998 = vector.broadcast %jit3A_2996 : i32 to vector<16xi32>
      %broadcast_in_dim3A_2999 = vector.broadcast %jit3A_2997 : i32 to vector<16xi32>
      %select_n3A_3000 = arith.select %and3A_2995, %broadcast_in_dim3A_2998, %broadcast_in_dim3A_2999 : vector<16xi1>, vector<16xi32>
      %add3A_3001 = arith.addi %add3A_2970, %select_n3A_3000 : vector<16xi32>
      %swap3A_3002 = arith.constant 0 : index
      %swap3A_3003 = tpu.vector_load %arg10[%swap3A_3002] {strides = array<i32>} : memref<16xi32, #tpu.memory_space<vmem>>, vector<16xi32>,
      tpu.vector_store %arg10[%swap3A_3002], %add3A_3001 {strides = array<i32>} : memref<16xi32, #tpu.memory_space<vmem>>, vector<16xi32>,
      "tpu.region"() ({
        %run_scoped3A_3004 = tpu.sem_alloc : memref<!tpu.dma_semaphore, #tpu.memory_space<semaphore_mem>>
        %dma_start3A_3005 = arith.constant 32 : i32
        %dma_start3A_3006 = tpu.memref_slice %arg6[%dma_start3A_3005] : memref<48xi32, #tpu.memory_space<hbm>> -> memref<16xi32, #tpu.memory_space<hbm>>
        %dma_start3A_3007 = arith.constant 32 : i32
        %dma_start3A_3008 = tpu.memref_slice %arg6[%dma_start3A_3007] : memref<48xi32, #tpu.memory_space<hbm>> -> memref<16xi32, #tpu.memory_space<hbm>>
        tpu.enqueue_dma source(%arg10 : memref<16xi32, #tpu.memory_space<vmem>>) target(%dma_start3A_3008 : memref<16xi32, #tpu.memory_space<hbm>>) target_semaphore(%run_scoped3A_3004 : memref<!tpu.dma_semaphore, #tpu.memory_space<semaphore_mem>>)
        %dma_wait3A_3009 = arith.constant 32 : i32
        %dma_wait3A_3010 = tpu.memref_slice %arg6[%dma_wait3A_3009] : memref<48xi32, #tpu.memory_space<hbm>> -> memref<16xi32, #tpu.memory_space<hbm>>
        %dma_wait3A_3011 = arith.constant 32 : i32
        %dma_wait3A_3012 = tpu.memref_slice %arg6[%dma_wait3A_3011] : memref<48xi32, #tpu.memory_space<hbm>> -> memref<16xi32, #tpu.memory_space<hbm>>
        tpu.wait_dma2 semaphore(%run_scoped3A_3004 : memref<!tpu.dma_semaphore, #tpu.memory_space<semaphore_mem>>) src(%arg10 : memref<16xi32, #tpu.memory_space<vmem>>) dst(%dma_wait3A_3012 : memref<16xi32, #tpu.memory_space<hbm>>)
        tpu.yield
      }) : () -> ()
    } else {
    }
    %mul3A_27 = arith.constant 128 : i32
    %mul3A_28 = arith.muli %add3A, %mul3A_27 : i32
    %add3A_29 = arith.constant 0 : i32
    %add3A_30 = arith.addi %mul3A_28, %add3A_29 : i32
    %get3A = arith.index_cast %add3A_30 : i32 to index
    %get3A_31 = tpu.vector_load %arg7[%get3A] {strides = array<i32>} : memref<4096xi32, #tpu.memory_space<vmem>>, vector<16xi32>,
    %broadcast_in_dim3A_32 = arith.constant 0 : i32
    %broadcast_in_dim3A_33 = vector.broadcast %broadcast_in_dim3A_32 : i32 to vector<16xi32>
    %eq3A_34 = arith.constant 0 : i32
    %eq3A_35 = vector.broadcast %eq3A_34 : i32 to vector<16xi32>
    %eq3A_36 = arith.cmpi eq, %get3A_31, %eq3A_35 : vector<16xi32>
    %jit3A = arith.constant 1 : i32
    %jit3A_37 = arith.constant 0 : i32
    %broadcast_in_dim3A_38 = vector.broadcast %jit3A : i32 to vector<16xi32>
    %broadcast_in_dim3A_39 = vector.broadcast %jit3A_37 : i32 to vector<16xi32>
    %select_n3A = arith.select %eq3A_36, %broadcast_in_dim3A_38, %broadcast_in_dim3A_39 : vector<16xi1>, vector<16xi32>
    %broadcast_in_dim3A_40 = arith.constant true
    %broadcast_in_dim3A_41 = vector.broadcast %broadcast_in_dim3A_40 : i1 to vector<16xi1>
    %masked_cumsum3A_42 = tpu.scan <sum>, %select_n3A masked %broadcast_in_dim3A_41 : vector<16xi32>, vector<16xi1> -> vector<16xi32>
    %sub3A_43 = arith.subi %masked_cumsum3A_42, %select_n3A : vector<16xi32>
    %eq3A_44 = arith.constant 0 : i32
    %eq3A_45 = vector.broadcast %eq3A_44 : i32 to vector<16xi32>
    %eq3A_46 = arith.cmpi eq, %iota3A, %eq3A_45 : vector<16xi32>
    %jit3A_47 = arith.constant 0 : i32
    %broadcast_in_dim3A_48 = vector.broadcast %jit3A_47 : i32 to vector<16xi32>
    %select_n3A_49 = arith.select %eq3A_46, %add3A_24, %broadcast_in_dim3A_48 : vector<16xi1>, vector<16xi32>
    %reduce_sum3A = arith.constant true
    %reduce_sum3A_50 = vector.broadcast %reduce_sum3A : i1 to vector<16xi1>
    %reduce_sum3A_51 = tpu.scan <sum>, %select_n3A_49 masked %reduce_sum3A_50 : vector<16xi32>, vector<16xi1> -> vector<16xi32>
    %reduce_sum3A_52 = vector.extract %reduce_sum3A_51[15] : i32 from vector<16xi32>
    %add3A_53 = vector.broadcast %reduce_sum3A_52 : i32 to vector<16xi32>
    %add3A_54 = arith.addi %add3A_53, %sub3A_43 : vector<16xi32>
    %mul3A_55 = arith.muli %select_n3A, %add3A_54 : vector<16xi32>
    %add3A_56 = arith.addi %broadcast_in_dim3A_33, %mul3A_55 : vector<16xi32>
    %all_reduce_population_count3A = tpu.all_reduce %eq3A_36 {dim = 0 : i64, kind = #tpu.reduction_kind<sum>} : vector<16xi1> -> vector<16xi32>
    %eq3A_57 = arith.constant 0 : i32
    %eq3A_58 = vector.broadcast %eq3A_57 : i32 to vector<16xi32>
    %eq3A_59 = arith.cmpi eq, %iota3A, %eq3A_58 : vector<16xi32>
    %jit3A_60 = arith.constant 0 : i32
    %broadcast_in_dim3A_61 = vector.broadcast %jit3A_60 : i32 to vector<16xi32>
    %select_n3A_62 = arith.select %eq3A_59, %all_reduce_population_count3A, %broadcast_in_dim3A_61 : vector<16xi1>, vector<16xi32>
    %add3A_63 = arith.addi %add3A_24, %select_n3A_62 : vector<16xi32>
    %eq3A_64 = arith.constant 1 : i32
    %eq3A_65 = vector.broadcast %eq3A_64 : i32 to vector<16xi32>
    %eq3A_66 = arith.cmpi eq, %get3A_31, %eq3A_65 : vector<16xi32>
    %jit3A_67 = arith.constant 1 : i32
    %jit3A_68 = arith.constant 0 : i32
    %broadcast_in_dim3A_69 = vector.broadcast %jit3A_67 : i32 to vector<16xi32>
    %broadcast_in_dim3A_70 = vector.broadcast %jit3A_68 : i32 to vector<16xi32>
    %select_n3A_71 = arith.select %eq3A_66, %broadcast_in_dim3A_69, %broadcast_in_dim3A_70 : vector<16xi1>, vector<16xi32>
    %broadcast_in_dim3A_72 = arith.constant true
    %broadcast_in_dim3A_73 = vector.broadcast %broadcast_in_dim3A_72 : i1 to vector<16xi1>
    %masked_cumsum3A_74 = tpu.scan <sum>, %select_n3A_71 masked %broadcast_in_dim3A_73 : vector<16xi32>, vector<16xi1> -> vector<16xi32>
    %sub3A_75 = arith.subi %masked_cumsum3A_74, %select_n3A_71 : vector<16xi32>
    %eq3A_76 = arith.constant 1 : i32
    %eq3A_77 = vector.broadcast %eq3A_76 : i32 to vector<16xi32>
    %eq3A_78 = arith.cmpi eq, %iota3A, %eq3A_77 : vector<16xi32>
    %jit3A_79 = arith.constant 0 : i32
    %broadcast_in_dim3A_80 = vector.broadcast %jit3A_79 : i32 to vector<16xi32>
    %select_n3A_81 = arith.select %eq3A_78, %add3A_63, %broadcast_in_dim3A_80 : vector<16xi1>, vector<16xi32>
    %reduce_sum3A_82 = arith.constant true
    %reduce_sum3A_83 = vector.broadcast %reduce_sum3A_82 : i1 to vector<16xi1>
    %reduce_sum3A_84 = tpu.scan <sum>, %select_n3A_81 masked %reduce_sum3A_83 : vector<16xi32>, vector<16xi1> -> vector<16xi32>
    %reduce_sum3A_85 = vector.extract %reduce_sum3A_84[15] : i32 from vector<16xi32>
    %add3A_86 = vector.broadcast %reduce_sum3A_85 : i32 to vector<16xi32>
    %add3A_87 = arith.addi %add3A_86, %sub3A_75 : vector<16xi32>
    %mul3A_88 = arith.muli %select_n3A_71, %add3A_87 : vector<16xi32>
    %add3A_89 = arith.addi %add3A_56, %mul3A_88 : vector<16xi32>
    %all_reduce_population_count3A_90 = tpu.all_reduce %eq3A_66 {dim = 0 : i64, kind = #tpu.reduction_kind<sum>} : vector<16xi1> -> vector<16xi32>
    %eq3A_91 = arith.constant 1 : i32
    %eq3A_92 = vector.broadcast %eq3A_91 : i32 to vector<16xi32>
    %eq3A_93 = arith.cmpi eq, %iota3A, %eq3A_92 : vector<16xi32>
    %jit3A_94 = arith.constant 0 : i32
    %broadcast_in_dim3A_95 = vector.broadcast %jit3A_94 : i32 to vector<16xi32>
    %select_n3A_96 = arith.select %eq3A_93, %all_reduce_population_count3A_90, %broadcast_in_dim3A_95 : vector<16xi1>, vector<16xi32>
    %add3A_97 = arith.addi %add3A_63, %select_n3A_96 : vector<16xi32>
    %eq3A_98 = arith.constant 2 : i32
    %eq3A_99 = vector.broadcast %eq3A_98 : i32 to vector<16xi32>
    %eq3A_100 = arith.cmpi eq, %get3A_31, %eq3A_99 : vector<16xi32>
    %jit3A_101 = arith.constant 1 : i32
    %jit3A_102 = arith.constant 0 : i32
    %broadcast_in_dim3A_103 = vector.broadcast %jit3A_101 : i32 to vector<16xi32>
    %broadcast_in_dim3A_104 = vector.broadcast %jit3A_102 : i32 to vector<16xi32>
    %select_n3A_105 = arith.select %eq3A_100, %broadcast_in_dim3A_103, %broadcast_in_dim3A_104 : vector<16xi1>, vector<16xi32>
    %broadcast_in_dim3A_106 = arith.constant true
    %broadcast_in_dim3A_107 = vector.broadcast %broadcast_in_dim3A_106 : i1 to vector<16xi1>
    %masked_cumsum3A_108 = tpu.scan <sum>, %select_n3A_105 masked %broadcast_in_dim3A_107 : vector<16xi32>, vector<16xi1> -> vector<16xi32>
    %sub3A_109 = arith.subi %masked_cumsum3A_108, %select_n3A_105 : vector<16xi32>
    %eq3A_110 = arith.constant 2 : i32
    %eq3A_111 = vector.broadcast %eq3A_110 : i32 to vector<16xi32>
    %eq3A_112 = arith.cmpi eq, %iota3A, %eq3A_111 : vector<16xi32>
    %jit3A_113 = arith.constant 0 : i32
    %broadcast_in_dim3A_114 = vector.broadcast %jit3A_113 : i32 to vector<16xi32>
    %select_n3A_115 = arith.select %eq3A_112, %add3A_97, %broadcast_in_dim3A_114 : vector<16xi1>, vector<16xi32>
    %reduce_sum3A_116 = arith.constant true
    %reduce_sum3A_117 = vector.broadcast %reduce_sum3A_116 : i1 to vector<16xi1>
    %reduce_sum3A_118 = tpu.scan <sum>, %select_n3A_115 masked %reduce_sum3A_117 : vector<16xi32>, vector<16xi1> -> vector<16xi32>
    %reduce_sum3A_119 = vector.extract %reduce_sum3A_118[15] : i32 from vector<16xi32>
    %add3A_120 = vector.broadcast %reduce_sum3A_119 : i32 to vector<16xi32>
    %add3A_121 = arith.addi %add3A_120, %sub3A_109 : vector<16xi32>
    %mul3A_122 = arith.muli %select_n3A_105, %add3A_121 : vector<16xi32>
    %add3A_123 = arith.addi %add3A_89, %mul3A_122 : vector<16xi32>
    %all_reduce_population_count3A_124 = tpu.all_reduce %eq3A_100 {dim = 0 : i64, kind = #tpu.reduction_kind<sum>} : vector<16xi1> -> vector<16xi32>
    %eq3A_125 = arith.constant 2 : i32
    %eq3A_126 = vector.broadcast %eq3A_125 : i32 to vector<16xi32>
    %eq3A_127 = arith.cmpi eq, %iota3A, %eq3A_126 : vector<16xi32>
    %jit3A_128 = arith.constant 0 : i32
    %broadcast_in_dim3A_129 = vector.broadcast %jit3A_128 : i32 to vector<16xi32>
    %select_n3A_130 = arith.select %eq3A_127, %all_reduce_population_count3A_124, %broadcast_in_dim3A_129 : vector<16xi1>, vector<16xi32>
    %add3A_131 = arith.addi %add3A_97, %select_n3A_130 : vector<16xi32>
    %eq3A_132 = arith.constant 3 : i32
    %eq3A_133 = vector.broadcast %eq3A_132 : i32 to vector<16xi32>
    %eq3A_134 = arith.cmpi eq, %get3A_31, %eq3A_133 : vector<16xi32>
    %jit3A_135 = arith.constant 1 : i32
    %jit3A_136 = arith.constant 0 : i32
    %broadcast_in_dim3A_137 = vector.broadcast %jit3A_135 : i32 to vector<16xi32>
    %broadcast_in_dim3A_138 = vector.broadcast %jit3A_136 : i32 to vector<16xi32>
    %select_n3A_139 = arith.select %eq3A_134, %broadcast_in_dim3A_137, %broadcast_in_dim3A_138 : vector<16xi1>, vector<16xi32>
    %broadcast_in_dim3A_140 = arith.constant true
    %broadcast_in_dim3A_141 = vector.broadcast %broadcast_in_dim3A_140 : i1 to vector<16xi1>
    %masked_cumsum3A_142 = tpu.scan <sum>, %select_n3A_139 masked %broadcast_in_dim3A_141 : vector<16xi32>, vector<16xi1> -> vector<16xi32>
    %sub3A_143 = arith.subi %masked_cumsum3A_142, %select_n3A_139 : vector<16xi32>
    %eq3A_144 = arith.constant 3 : i32
    %eq3A_145 = vector.broadcast %eq3A_144 : i32 to vector<16xi32>
    %eq3A_146 = arith.cmpi eq, %iota3A, %eq3A_145 : vector<16xi32>
    %jit3A_147 = arith.constant 0 : i32
    %broadcast_in_dim3A_148 = vector.broadcast %jit3A_147 : i32 to vector<16xi32>
    %select_n3A_149 = arith.select %eq3A_146, %add3A_131, %broadcast_in_dim3A_148 : vector<16xi1>, vector<16xi32>
    %reduce_sum3A_150 = arith.constant true
    %reduce_sum3A_151 = vector.broadcast %reduce_sum3A_150 : i1 to vector<16xi1>
    %reduce_sum3A_152 = tpu.scan <sum>, %select_n3A_149 masked %reduce_sum3A_151 : vector<16xi32>, vector<16xi1> -> vector<16xi32>
    %reduce_sum3A_153 = vector.extract %reduce_sum3A_152[15] : i32 from vector<16xi32>
    %add3A_154 = vector.broadcast %reduce_sum3A_153 : i32 to vector<16xi32>
    %add3A_155 = arith.addi %add3A_154, %sub3A_143 : vector<16xi32>
    %mul3A_156 = arith.muli %select_n3A_139, %add3A_155 : vector<16xi32>
    %add3A_157 = arith.addi %add3A_123, %mul3A_156 : vector<16xi32>
    %all_reduce_population_count3A_158 = tpu.all_reduce %eq3A_134 {dim = 0 : i64, kind = #tpu.reduction_kind<sum>} : vector<16xi1> -> vector<16xi32>
    %eq3A_159 = arith.constant 3 : i32
    %eq3A_160 = vector.broadcast %eq3A_159 : i32 to vector<16xi32>
    %eq3A_161 = arith.cmpi eq, %iota3A, %eq3A_160 : vector<16xi32>
    %jit3A_162 = arith.constant 0 : i32
    %broadcast_in_dim3A_163 = vector.broadcast %jit3A_162 : i32 to vector<16xi32>
    %select_n3A_164 = arith.select %eq3A_161, %all_reduce_population_count3A_158, %broadcast_in_dim3A_163 : vector<16xi1>, vector<16xi32>
    %add3A_165 = arith.addi %add3A_131, %select_n3A_164 : vector<16xi32>
    %eq3A_166 = arith.constant 4 : i32
    %eq3A_167 = vector.broadcast %eq3A_166 : i32 to vector<16xi32>
    %eq3A_168 = arith.cmpi eq, %get3A_31, %eq3A_167 : vector<16xi32>
    %jit3A_169 = arith.constant 1 : i32
    %jit3A_170 = arith.constant 0 : i32
    %broadcast_in_dim3A_171 = vector.broadcast %jit3A_169 : i32 to vector<16xi32>
    %broadcast_in_dim3A_172 = vector.broadcast %jit3A_170 : i32 to vector<16xi32>
    %select_n3A_173 = arith.select %eq3A_168, %broadcast_in_dim3A_171, %broadcast_in_dim3A_172 : vector<16xi1>, vector<16xi32>
    %broadcast_in_dim3A_174 = arith.constant true
    %broadcast_in_dim3A_175 = vector.broadcast %broadcast_in_dim3A_174 : i1 to vector<16xi1>
    %masked_cumsum3A_176 = tpu.scan <sum>, %select_n3A_173 masked %broadcast_in_dim3A_175 : vector<16xi32>, vector<16xi1> -> vector<16xi32>
    %sub3A_177 = arith.subi %masked_cumsum3A_176, %select_n3A_173 : vector<16xi32>
    %eq3A_178 = arith.constant 4 : i32
    %eq3A_179 = vector.broadcast %eq3A_178 : i32 to vector<16xi32>
    %eq3A_180 = arith.cmpi eq, %iota3A, %eq3A_179 : vector<16xi32>
    %jit3A_181 = arith.constant 0 : i32
    %broadcast_in_dim3A_182 = vector.broadcast %jit3A_181 : i32 to vector<16xi32>
    %select_n3A_183 = arith.select %eq3A_180, %add3A_165, %broadcast_in_dim3A_182 : vector<16xi1>, vector<16xi32>
    %reduce_sum3A_184 = arith.constant true
    %reduce_sum3A_185 = vector.broadcast %reduce_sum3A_184 : i1 to vector<16xi1>
    %reduce_sum3A_186 = tpu.scan <sum>, %select_n3A_183 masked %reduce_sum3A_185 : vector<16xi32>, vector<16xi1> -> vector<16xi32>
    %reduce_sum3A_187 = vector.extract %reduce_sum3A_186[15] : i32 from vector<16xi32>
    %add3A_188 = vector.broadcast %reduce_sum3A_187 : i32 to vector<16xi32>
    %add3A_189 = arith.addi %add3A_188, %sub3A_177 : vector<16xi32>
    %mul3A_190 = arith.muli %select_n3A_173, %add3A_189 : vector<16xi32>
    %add3A_191 = arith.addi %add3A_157, %mul3A_190 : vector<16xi32>
    %all_reduce_population_count3A_192 = tpu.all_reduce %eq3A_168 {dim = 0 : i64, kind = #tpu.reduction_kind<sum>} : vector<16xi1> -> vector<16xi32>
    %eq3A_193 = arith.constant 4 : i32
    %eq3A_194 = vector.broadcast %eq3A_193 : i32 to vector<16xi32>
    %eq3A_195 = arith.cmpi eq, %iota3A, %eq3A_194 : vector<16xi32>
    %jit3A_196 = arith.constant 0 : i32
    %broadcast_in_dim3A_197 = vector.broadcast %jit3A_196 : i32 to vector<16xi32>
    %select_n3A_198 = arith.select %eq3A_195, %all_reduce_population_count3A_192, %broadcast_in_dim3A_197 : vector<16xi1>, vector<16xi32>
    %add3A_199 = arith.addi %add3A_165, %select_n3A_198 : vector<16xi32>
    %eq3A_200 = arith.constant 5 : i32
    %eq3A_201 = vector.broadcast %eq3A_200 : i32 to vector<16xi32>
    %eq3A_202 = arith.cmpi eq, %get3A_31, %eq3A_201 : vector<16xi32>
    %jit3A_203 = arith.constant 1 : i32
    %jit3A_204 = arith.constant 0 : i32
    %broadcast_in_dim3A_205 = vector.broadcast %jit3A_203 : i32 to vector<16xi32>
    %broadcast_in_dim3A_206 = vector.broadcast %jit3A_204 : i32 to vector<16xi32>
    %select_n3A_207 = arith.select %eq3A_202, %broadcast_in_dim3A_205, %broadcast_in_dim3A_206 : vector<16xi1>, vector<16xi32>
    %broadcast_in_dim3A_208 = arith.constant true
    %broadcast_in_dim3A_209 = vector.broadcast %broadcast_in_dim3A_208 : i1 to vector<16xi1>
    %masked_cumsum3A_210 = tpu.scan <sum>, %select_n3A_207 masked %broadcast_in_dim3A_209 : vector<16xi32>, vector<16xi1> -> vector<16xi32>
    %sub3A_211 = arith.subi %masked_cumsum3A_210, %select_n3A_207 : vector<16xi32>
    %eq3A_212 = arith.constant 5 : i32
    %eq3A_213 = vector.broadcast %eq3A_212 : i32 to vector<16xi32>
    %eq3A_214 = arith.cmpi eq, %iota3A, %eq3A_213 : vector<16xi32>
    %jit3A_215 = arith.constant 0 : i32
    %broadcast_in_dim3A_216 = vector.broadcast %jit3A_215 : i32 to vector<16xi32>
    %select_n3A_217 = arith.select %eq3A_214, %add3A_199, %broadcast_in_dim3A_216 : vector<16xi1>, vector<16xi32>
    %reduce_sum3A_218 = arith.constant true
    %reduce_sum3A_219 = vector.broadcast %reduce_sum3A_218 : i1 to vector<16xi1>
    %reduce_sum3A_220 = tpu.scan <sum>, %select_n3A_217 masked %reduce_sum3A_219 : vector<16xi32>, vector<16xi1> -> vector<16xi32>
    %reduce_sum3A_221 = vector.extract %reduce_sum3A_220[15] : i32 from vector<16xi32>
    %add3A_222 = vector.broadcast %reduce_sum3A_221 : i32 to vector<16xi32>
    %add3A_223 = arith.addi %add3A_222, %sub3A_211 : vector<16xi32>
    %mul3A_224 = arith.muli %select_n3A_207, %add3A_223 : vector<16xi32>
    %add3A_225 = arith.addi %add3A_191, %mul3A_224 : vector<16xi32>
    %all_reduce_population_count3A_226 = tpu.all_reduce %eq3A_202 {dim = 0 : i64, kind = #tpu.reduction_kind<sum>} : vector<16xi1> -> vector<16xi32>
    %eq3A_227 = arith.constant 5 : i32
    %eq3A_228 = vector.broadcast %eq3A_227 : i32 to vector<16xi32>
    %eq3A_229 = arith.cmpi eq, %iota3A, %eq3A_228 : vector<16xi32>
    %jit3A_230 = arith.constant 0 : i32
    %broadcast_in_dim3A_231 = vector.broadcast %jit3A_230 : i32 to vector<16xi32>
    %select_n3A_232 = arith.select %eq3A_229, %all_reduce_population_count3A_226, %broadcast_in_dim3A_231 : vector<16xi1>, vector<16xi32>
    %add3A_233 = arith.addi %add3A_199, %select_n3A_232 : vector<16xi32>
    %eq3A_234 = arith.constant 6 : i32
    %eq3A_235 = vector.broadcast %eq3A_234 : i32 to vector<16xi32>
    %eq3A_236 = arith.cmpi eq, %get3A_31, %eq3A_235 : vector<16xi32>
    %jit3A_237 = arith.constant 1 : i32
    %jit3A_238 = arith.constant 0 : i32
    %broadcast_in_dim3A_239 = vector.broadcast %jit3A_237 : i32 to vector<16xi32>
    %broadcast_in_dim3A_240 = vector.broadcast %jit3A_238 : i32 to vector<16xi32>
    %select_n3A_241 = arith.select %eq3A_236, %broadcast_in_dim3A_239, %broadcast_in_dim3A_240 : vector<16xi1>, vector<16xi32>
    %broadcast_in_dim3A_242 = arith.constant true
    %broadcast_in_dim3A_243 = vector.broadcast %broadcast_in_dim3A_242 : i1 to vector<16xi1>
    %masked_cumsum3A_244 = tpu.scan <sum>, %select_n3A_241 masked %broadcast_in_dim3A_243 : vector<16xi32>, vector<16xi1> -> vector<16xi32>
    %sub3A_245 = arith.subi %masked_cumsum3A_244, %select_n3A_241 : vector<16xi32>
    %eq3A_246 = arith.constant 6 : i32
    %eq3A_247 = vector.broadcast %eq3A_246 : i32 to vector<16xi32>
    %eq3A_248 = arith.cmpi eq, %iota3A, %eq3A_247 : vector<16xi32>
    %jit3A_249 = arith.constant 0 : i32
    %broadcast_in_dim3A_250 = vector.broadcast %jit3A_249 : i32 to vector<16xi32>
    %select_n3A_251 = arith.select %eq3A_248, %add3A_233, %broadcast_in_dim3A_250 : vector<16xi1>, vector<16xi32>
    %reduce_sum3A_252 = arith.constant true
    %reduce_sum3A_253 = vector.broadcast %reduce_sum3A_252 : i1 to vector<16xi1>
    %reduce_sum3A_254 = tpu.scan <sum>, %select_n3A_251 masked %reduce_sum3A_253 : vector<16xi32>, vector<16xi1> -> vector<16xi32>
    %reduce_sum3A_255 = vector.extract %reduce_sum3A_254[15] : i32 from vector<16xi32>
    %add3A_256 = vector.broadcast %reduce_sum3A_255 : i32 to vector<16xi32>
    %add3A_257 = arith.addi %add3A_256, %sub3A_245 : vector<16xi32>
    %mul3A_258 = arith.muli %select_n3A_241, %add3A_257 : vector<16xi32>
    %add3A_259 = arith.addi %add3A_225, %mul3A_258 : vector<16xi32>
    %all_reduce_population_count3A_260 = tpu.all_reduce %eq3A_236 {dim = 0 : i64, kind = #tpu.reduction_kind<sum>} : vector<16xi1> -> vector<16xi32>
    %eq3A_261 = arith.constant 6 : i32
    %eq3A_262 = vector.broadcast %eq3A_261 : i32 to vector<16xi32>
    %eq3A_263 = arith.cmpi eq, %iota3A, %eq3A_262 : vector<16xi32>
    %jit3A_264 = arith.constant 0 : i32
    %broadcast_in_dim3A_265 = vector.broadcast %jit3A_264 : i32 to vector<16xi32>
    %select_n3A_266 = arith.select %eq3A_263, %all_reduce_population_count3A_260, %broadcast_in_dim3A_265 : vector<16xi1>, vector<16xi32>
    %add3A_267 = arith.addi %add3A_233, %select_n3A_266 : vector<16xi32>
    %eq3A_268 = arith.constant 7 : i32
    %eq3A_269 = vector.broadcast %eq3A_268 : i32 to vector<16xi32>
    %eq3A_270 = arith.cmpi eq, %get3A_31, %eq3A_269 : vector<16xi32>
    %jit3A_271 = arith.constant 1 : i32
    %jit3A_272 = arith.constant 0 : i32
    %broadcast_in_dim3A_273 = vector.broadcast %jit3A_271 : i32 to vector<16xi32>
    %broadcast_in_dim3A_274 = vector.broadcast %jit3A_272 : i32 to vector<16xi32>
    %select_n3A_275 = arith.select %eq3A_270, %broadcast_in_dim3A_273, %broadcast_in_dim3A_274 : vector<16xi1>, vector<16xi32>
    %broadcast_in_dim3A_276 = arith.constant true
    %broadcast_in_dim3A_277 = vector.broadcast %broadcast_in_dim3A_276 : i1 to vector<16xi1>
    %masked_cumsum3A_278 = tpu.scan <sum>, %select_n3A_275 masked %broadcast_in_dim3A_277 : vector<16xi32>, vector<16xi1> -> vector<16xi32>
    %sub3A_279 = arith.subi %masked_cumsum3A_278, %select_n3A_275 : vector<16xi32>
    %eq3A_280 = arith.constant 7 : i32
    %eq3A_281 = vector.broadcast %eq3A_280 : i32 to vector<16xi32>
    %eq3A_282 = arith.cmpi eq, %iota3A, %eq3A_281 : vector<16xi32>
    %jit3A_283 = arith.constant 0 : i32
    %broadcast_in_dim3A_284 = vector.broadcast %jit3A_283 : i32 to vector<16xi32>
    %select_n3A_285 = arith.select %eq3A_282, %add3A_267, %broadcast_in_dim3A_284 : vector<16xi1>, vector<16xi32>
    %reduce_sum3A_286 = arith.constant true
    %reduce_sum3A_287 = vector.broadcast %reduce_sum3A_286 : i1 to vector<16xi1>
    %reduce_sum3A_288 = tpu.scan <sum>, %select_n3A_285 masked %reduce_sum3A_287 : vector<16xi32>, vector<16xi1> -> vector<16xi32>
    %reduce_sum3A_289 = vector.extract %reduce_sum3A_288[15] : i32 from vector<16xi32>
    %add3A_290 = vector.broadcast %reduce_sum3A_289 : i32 to vector<16xi32>
    %add3A_291 = arith.addi %add3A_290, %sub3A_279 : vector<16xi32>
    %mul3A_292 = arith.muli %select_n3A_275, %add3A_291 : vector<16xi32>
    %add3A_293 = arith.addi %add3A_259, %mul3A_292 : vector<16xi32>
    %all_reduce_population_count3A_294 = tpu.all_reduce %eq3A_270 {dim = 0 : i64, kind = #tpu.reduction_kind<sum>} : vector<16xi1> -> vector<16xi32>
    %eq3A_295 = arith.constant 7 : i32
    %eq3A_296 = vector.broadcast %eq3A_295 : i32 to vector<16xi32>
    %eq3A_297 = arith.cmpi eq, %iota3A, %eq3A_296 : vector<16xi32>
    %jit3A_298 = arith.constant 0 : i32
    %broadcast_in_dim3A_299 = vector.broadcast %jit3A_298 : i32 to vector<16xi32>
    %select_n3A_300 = arith.select %eq3A_297, %all_reduce_population_count3A_294, %broadcast_in_dim3A_299 : vector<16xi1>, vector<16xi32>
    %add3A_301 = arith.addi %add3A_267, %select_n3A_300 : vector<16xi32>
    %swap3A = arith.constant 0 : i32
    %swap3A_302 = arith.constant 0 : i32
    %swap3A_303 = tpu.memref_slice %arg8[%swap3A, %swap3A_302] : memref<1x128xi32, #tpu.memory_space<vmem>> -> memref<1x128xi32, #tpu.memory_space<vmem>>
    %swap3A_304 = tpu.memref_squeeze %swap3A_303 : memref<1x128xi32, #tpu.memory_space<vmem>> -> memref<128xi32, #tpu.memory_space<vmem>>
    %swap3A_305 = arith.constant 0 : index
    %swap3A_306 = tpu.vector_load %swap3A_304[%swap3A_305] {strides = array<i32>} : memref<128xi32, #tpu.memory_space<vmem>>, vector<16xi32>,
    tpu.vector_store %swap3A_304[%swap3A_305], %add3A_293 {strides = array<i32>} : memref<128xi32, #tpu.memory_space<vmem>>, vector<16xi32>,
    %mul3A_307 = arith.constant 128 : i32
    %mul3A_308 = arith.muli %add3A, %mul3A_307 : i32
    %add3A_309 = arith.constant 16 : i32
    %add3A_310 = arith.addi %mul3A_308, %add3A_309 : i32
    %get3A_311 = arith.index_cast %add3A_310 : i32 to index
    %get3A_312 = tpu.vector_load %arg7[%get3A_311] {strides = array<i32>} : memref<4096xi32, #tpu.memory_space<vmem>>, vector<16xi32>,
    %broadcast_in_dim3A_313 = arith.constant 0 : i32
    %broadcast_in_dim3A_314 = vector.broadcast %broadcast_in_dim3A_313 : i32 to vector<16xi32>
    %eq3A_315 = arith.constant 0 : i32
    %eq3A_316 = vector.broadcast %eq3A_315 : i32 to vector<16xi32>
    %eq3A_317 = arith.cmpi eq, %get3A_312, %eq3A_316 : vector<16xi32>
    %jit3A_318 = arith.constant 1 : i32
    %jit3A_319 = arith.constant 0 : i32
    %broadcast_in_dim3A_320 = vector.broadcast %jit3A_318 : i32 to vector<16xi32>
    %broadcast_in_dim3A_321 = vector.broadcast %jit3A_319 : i32 to vector<16xi32>
    %select_n3A_322 = arith.select %eq3A_317, %broadcast_in_dim3A_320, %broadcast_in_dim3A_321 : vector<16xi1>, vector<16xi32>
    %broadcast_in_dim3A_323 = arith.constant true
    %broadcast_in_dim3A_324 = vector.broadcast %broadcast_in_dim3A_323 : i1 to vector<16xi1>
    %masked_cumsum3A_325 = tpu.scan <sum>, %select_n3A_322 masked %broadcast_in_dim3A_324 : vector<16xi32>, vector<16xi1> -> vector<16xi32>
    %sub3A_326 = arith.subi %masked_cumsum3A_325, %select_n3A_322 : vector<16xi32>
    %eq3A_327 = arith.constant 0 : i32
    %eq3A_328 = vector.broadcast %eq3A_327 : i32 to vector<16xi32>
    %eq3A_329 = arith.cmpi eq, %iota3A, %eq3A_328 : vector<16xi32>
    %jit3A_330 = arith.constant 0 : i32
    %broadcast_in_dim3A_331 = vector.broadcast %jit3A_330 : i32 to vector<16xi32>
    %select_n3A_332 = arith.select %eq3A_329, %add3A_301, %broadcast_in_dim3A_331 : vector<16xi1>, vector<16xi32>
    %reduce_sum3A_333 = arith.constant true
    %reduce_sum3A_334 = vector.broadcast %reduce_sum3A_333 : i1 to vector<16xi1>
    %reduce_sum3A_335 = tpu.scan <sum>, %select_n3A_332 masked %reduce_sum3A_334 : vector<16xi32>, vector<16xi1> -> vector<16xi32>
    %reduce_sum3A_336 = vector.extract %reduce_sum3A_335[15] : i32 from vector<16xi32>
    %add3A_337 = vector.broadcast %reduce_sum3A_336 : i32 to vector<16xi32>
    %add3A_338 = arith.addi %add3A_337, %sub3A_326 : vector<16xi32>
    %mul3A_339 = arith.muli %select_n3A_322, %add3A_338 : vector<16xi32>
    %add3A_340 = arith.addi %broadcast_in_dim3A_314, %mul3A_339 : vector<16xi32>
    %all_reduce_population_count3A_341 = tpu.all_reduce %eq3A_317 {dim = 0 : i64, kind = #tpu.reduction_kind<sum>} : vector<16xi1> -> vector<16xi32>
    %eq3A_342 = arith.constant 0 : i32
    %eq3A_343 = vector.broadcast %eq3A_342 : i32 to vector<16xi32>
    %eq3A_344 = arith.cmpi eq, %iota3A, %eq3A_343 : vector<16xi32>
    %jit3A_345 = arith.constant 0 : i32
    %broadcast_in_dim3A_346 = vector.broadcast %jit3A_345 : i32 to vector<16xi32>
    %select_n3A_347 = arith.select %eq3A_344, %all_reduce_population_count3A_341, %broadcast_in_dim3A_346 : vector<16xi1>, vector<16xi32>
    %add3A_348 = arith.addi %add3A_301, %select_n3A_347 : vector<16xi32>
    %eq3A_349 = arith.constant 1 : i32
    %eq3A_350 = vector.broadcast %eq3A_349 : i32 to vector<16xi32>
    %eq3A_351 = arith.cmpi eq, %get3A_312, %eq3A_350 : vector<16xi32>
    %jit3A_352 = arith.constant 1 : i32
    %jit3A_353 = arith.constant 0 : i32
    %broadcast_in_dim3A_354 = vector.broadcast %jit3A_352 : i32 to vector<16xi32>
    %broadcast_in_dim3A_355 = vector.broadcast %jit3A_353 : i32 to vector<16xi32>
    %select_n3A_356 = arith.select %eq3A_351, %broadcast_in_dim3A_354, %broadcast_in_dim3A_355 : vector<16xi1>, vector<16xi32>
    %broadcast_in_dim3A_357 = arith.constant true
    %broadcast_in_dim3A_358 = vector.broadcast %broadcast_in_dim3A_357 : i1 to vector<16xi1>
    %masked_cumsum3A_359 = tpu.scan <sum>, %select_n3A_356 masked %broadcast_in_dim3A_358 : vector<16xi32>, vector<16xi1> -> vector<16xi32>
    %sub3A_360 = arith.subi %masked_cumsum3A_359, %select_n3A_356 : vector<16xi32>
    %eq3A_361 = arith.constant 1 : i32
    %eq3A_362 = vector.broadcast %eq3A_361 : i32 to vector<16xi32>
    %eq3A_363 = arith.cmpi eq, %iota3A, %eq3A_362 : vector<16xi32>
    %jit3A_364 = arith.constant 0 : i32
    %broadcast_in_dim3A_365 = vector.broadcast %jit3A_364 : i32 to vector<16xi32>
    %select_n3A_366 = arith.select %eq3A_363, %add3A_348, %broadcast_in_dim3A_365 : vector<16xi1>, vector<16xi32>
    %reduce_sum3A_367 = arith.constant true
    %reduce_sum3A_368 = vector.broadcast %reduce_sum3A_367 : i1 to vector<16xi1>
    %reduce_sum3A_369 = tpu.scan <sum>, %select_n3A_366 masked %reduce_sum3A_368 : vector<16xi32>, vector<16xi1> -> vector<16xi32>
    %reduce_sum3A_370 = vector.extract %reduce_sum3A_369[15] : i32 from vector<16xi32>
    %add3A_371 = vector.broadcast %reduce_sum3A_370 : i32 to vector<16xi32>
    %add3A_372 = arith.addi %add3A_371, %sub3A_360 : vector<16xi32>
    %mul3A_373 = arith.muli %select_n3A_356, %add3A_372 : vector<16xi32>
    %add3A_374 = arith.addi %add3A_340, %mul3A_373 : vector<16xi32>
    %all_reduce_population_count3A_375 = tpu.all_reduce %eq3A_351 {dim = 0 : i64, kind = #tpu.reduction_kind<sum>} : vector<16xi1> -> vector<16xi32>
    %eq3A_376 = arith.constant 1 : i32
    %eq3A_377 = vector.broadcast %eq3A_376 : i32 to vector<16xi32>
    %eq3A_378 = arith.cmpi eq, %iota3A, %eq3A_377 : vector<16xi32>
    %jit3A_379 = arith.constant 0 : i32
    %broadcast_in_dim3A_380 = vector.broadcast %jit3A_379 : i32 to vector<16xi32>
    %select_n3A_381 = arith.select %eq3A_378, %all_reduce_population_count3A_375, %broadcast_in_dim3A_380 : vector<16xi1>, vector<16xi32>
    %add3A_382 = arith.addi %add3A_348, %select_n3A_381 : vector<16xi32>
    %eq3A_383 = arith.constant 2 : i32
    %eq3A_384 = vector.broadcast %eq3A_383 : i32 to vector<16xi32>
    %eq3A_385 = arith.cmpi eq, %get3A_312, %eq3A_384 : vector<16xi32>
    %jit3A_386 = arith.constant 1 : i32
    %jit3A_387 = arith.constant 0 : i32
    %broadcast_in_dim3A_388 = vector.broadcast %jit3A_386 : i32 to vector<16xi32>
    %broadcast_in_dim3A_389 = vector.broadcast %jit3A_387 : i32 to vector<16xi32>
    %select_n3A_390 = arith.select %eq3A_385, %broadcast_in_dim3A_388, %broadcast_in_dim3A_389 : vector<16xi1>, vector<16xi32>
    %broadcast_in_dim3A_391 = arith.constant true
    %broadcast_in_dim3A_392 = vector.broadcast %broadcast_in_dim3A_391 : i1 to vector<16xi1>
    %masked_cumsum3A_393 = tpu.scan <sum>, %select_n3A_390 masked %broadcast_in_dim3A_392 : vector<16xi32>, vector<16xi1> -> vector<16xi32>
    %sub3A_394 = arith.subi %masked_cumsum3A_393, %select_n3A_390 : vector<16xi32>
    %eq3A_395 = arith.constant 2 : i32
    %eq3A_396 = vector.broadcast %eq3A_395 : i32 to vector<16xi32>
    %eq3A_397 = arith.cmpi eq, %iota3A, %eq3A_396 : vector<16xi32>
    %jit3A_398 = arith.constant 0 : i32
    %broadcast_in_dim3A_399 = vector.broadcast %jit3A_398 : i32 to vector<16xi32>
    %select_n3A_400 = arith.select %eq3A_397, %add3A_382, %broadcast_in_dim3A_399 : vector<16xi1>, vector<16xi32>
    %reduce_sum3A_401 = arith.constant true
    %reduce_sum3A_402 = vector.broadcast %reduce_sum3A_401 : i1 to vector<16xi1>
    %reduce_sum3A_403 = tpu.scan <sum>, %select_n3A_400 masked %reduce_sum3A_402 : vector<16xi32>, vector<16xi1> -> vector<16xi32>
    %reduce_sum3A_404 = vector.extract %reduce_sum3A_403[15] : i32 from vector<16xi32>
    %add3A_405 = vector.broadcast %reduce_sum3A_404 : i32 to vector<16xi32>
    %add3A_406 = arith.addi %add3A_405, %sub3A_394 : vector<16xi32>
    %mul3A_407 = arith.muli %select_n3A_390, %add3A_406 : vector<16xi32>
    %add3A_408 = arith.addi %add3A_374, %mul3A_407 : vector<16xi32>
    %all_reduce_population_count3A_409 = tpu.all_reduce %eq3A_385 {dim = 0 : i64, kind = #tpu.reduction_kind<sum>} : vector<16xi1> -> vector<16xi32>
    %eq3A_410 = arith.constant 2 : i32
    %eq3A_411 = vector.broadcast %eq3A_410 : i32 to vector<16xi32>
    %eq3A_412 = arith.cmpi eq, %iota3A, %eq3A_411 : vector<16xi32>
    %jit3A_413 = arith.constant 0 : i32
    %broadcast_in_dim3A_414 = vector.broadcast %jit3A_413 : i32 to vector<16xi32>
    %select_n3A_415 = arith.select %eq3A_412, %all_reduce_population_count3A_409, %broadcast_in_dim3A_414 : vector<16xi1>, vector<16xi32>
    %add3A_416 = arith.addi %add3A_382, %select_n3A_415 : vector<16xi32>
    %eq3A_417 = arith.constant 3 : i32
    %eq3A_418 = vector.broadcast %eq3A_417 : i32 to vector<16xi32>
    %eq3A_419 = arith.cmpi eq, %get3A_312, %eq3A_418 : vector<16xi32>
    %jit3A_420 = arith.constant 1 : i32
    %jit3A_421 = arith.constant 0 : i32
    %broadcast_in_dim3A_422 = vector.broadcast %jit3A_420 : i32 to vector<16xi32>
    %broadcast_in_dim3A_423 = vector.broadcast %jit3A_421 : i32 to vector<16xi32>
    %select_n3A_424 = arith.select %eq3A_419, %broadcast_in_dim3A_422, %broadcast_in_dim3A_423 : vector<16xi1>, vector<16xi32>
    %broadcast_in_dim3A_425 = arith.constant true
    %broadcast_in_dim3A_426 = vector.broadcast %broadcast_in_dim3A_425 : i1 to vector<16xi1>
    %masked_cumsum3A_427 = tpu.scan <sum>, %select_n3A_424 masked %broadcast_in_dim3A_426 : vector<16xi32>, vector<16xi1> -> vector<16xi32>
    %sub3A_428 = arith.subi %masked_cumsum3A_427, %select_n3A_424 : vector<16xi32>
    %eq3A_429 = arith.constant 3 : i32
    %eq3A_430 = vector.broadcast %eq3A_429 : i32 to vector<16xi32>
    %eq3A_431 = arith.cmpi eq, %iota3A, %eq3A_430 : vector<16xi32>
    %jit3A_432 = arith.constant 0 : i32
    %broadcast_in_dim3A_433 = vector.broadcast %jit3A_432 : i32 to vector<16xi32>
    %select_n3A_434 = arith.select %eq3A_431, %add3A_416, %broadcast_in_dim3A_433 : vector<16xi1>, vector<16xi32>
    %reduce_sum3A_435 = arith.constant true
    %reduce_sum3A_436 = vector.broadcast %reduce_sum3A_435 : i1 to vector<16xi1>
    %reduce_sum3A_437 = tpu.scan <sum>, %select_n3A_434 masked %reduce_sum3A_436 : vector<16xi32>, vector<16xi1> -> vector<16xi32>
    %reduce_sum3A_438 = vector.extract %reduce_sum3A_437[15] : i32 from vector<16xi32>
    %add3A_439 = vector.broadcast %reduce_sum3A_438 : i32 to vector<16xi32>
    %add3A_440 = arith.addi %add3A_439, %sub3A_428 : vector<16xi32>
    %mul3A_441 = arith.muli %select_n3A_424, %add3A_440 : vector<16xi32>
    %add3A_442 = arith.addi %add3A_408, %mul3A_441 : vector<16xi32>
    %all_reduce_population_count3A_443 = tpu.all_reduce %eq3A_419 {dim = 0 : i64, kind = #tpu.reduction_kind<sum>} : vector<16xi1> -> vector<16xi32>
    %eq3A_444 = arith.constant 3 : i32
    %eq3A_445 = vector.broadcast %eq3A_444 : i32 to vector<16xi32>
    %eq3A_446 = arith.cmpi eq, %iota3A, %eq3A_445 : vector<16xi32>
    %jit3A_447 = arith.constant 0 : i32
    %broadcast_in_dim3A_448 = vector.broadcast %jit3A_447 : i32 to vector<16xi32>
    %select_n3A_449 = arith.select %eq3A_446, %all_reduce_population_count3A_443, %broadcast_in_dim3A_448 : vector<16xi1>, vector<16xi32>
    %add3A_450 = arith.addi %add3A_416, %select_n3A_449 : vector<16xi32>
    %eq3A_451 = arith.constant 4 : i32
    %eq3A_452 = vector.broadcast %eq3A_451 : i32 to vector<16xi32>
    %eq3A_453 = arith.cmpi eq, %get3A_312, %eq3A_452 : vector<16xi32>
    %jit3A_454 = arith.constant 1 : i32
    %jit3A_455 = arith.constant 0 : i32
    %broadcast_in_dim3A_456 = vector.broadcast %jit3A_454 : i32 to vector<16xi32>
    %broadcast_in_dim3A_457 = vector.broadcast %jit3A_455 : i32 to vector<16xi32>
    %select_n3A_458 = arith.select %eq3A_453, %broadcast_in_dim3A_456, %broadcast_in_dim3A_457 : vector<16xi1>, vector<16xi32>
    %broadcast_in_dim3A_459 = arith.constant true
    %broadcast_in_dim3A_460 = vector.broadcast %broadcast_in_dim3A_459 : i1 to vector<16xi1>
    %masked_cumsum3A_461 = tpu.scan <sum>, %select_n3A_458 masked %broadcast_in_dim3A_460 : vector<16xi32>, vector<16xi1> -> vector<16xi32>
    %sub3A_462 = arith.subi %masked_cumsum3A_461, %select_n3A_458 : vector<16xi32>
    %eq3A_463 = arith.constant 4 : i32
    %eq3A_464 = vector.broadcast %eq3A_463 : i32 to vector<16xi32>
    %eq3A_465 = arith.cmpi eq, %iota3A, %eq3A_464 : vector<16xi32>
    %jit3A_466 = arith.constant 0 : i32
    %broadcast_in_dim3A_467 = vector.broadcast %jit3A_466 : i32 to vector<16xi32>
    %select_n3A_468 = arith.select %eq3A_465, %add3A_450, %broadcast_in_dim3A_467 : vector<16xi1>, vector<16xi32>
    %reduce_sum3A_469 = arith.constant true
    %reduce_sum3A_470 = vector.broadcast %reduce_sum3A_469 : i1 to vector<16xi1>
    %reduce_sum3A_471 = tpu.scan <sum>, %select_n3A_468 masked %reduce_sum3A_470 : vector<16xi32>, vector<16xi1> -> vector<16xi32>
    %reduce_sum3A_472 = vector.extract %reduce_sum3A_471[15] : i32 from vector<16xi32>
    %add3A_473 = vector.broadcast %reduce_sum3A_472 : i32 to vector<16xi32>
    %add3A_474 = arith.addi %add3A_473, %sub3A_462 : vector<16xi32>
    %mul3A_475 = arith.muli %select_n3A_458, %add3A_474 : vector<16xi32>
    %add3A_476 = arith.addi %add3A_442, %mul3A_475 : vector<16xi32>
    %all_reduce_population_count3A_477 = tpu.all_reduce %eq3A_453 {dim = 0 : i64, kind = #tpu.reduction_kind<sum>} : vector<16xi1> -> vector<16xi32>
    %eq3A_478 = arith.constant 4 : i32
    %eq3A_479 = vector.broadcast %eq3A_478 : i32 to vector<16xi32>
    %eq3A_480 = arith.cmpi eq, %iota3A, %eq3A_479 : vector<16xi32>
    %jit3A_481 = arith.constant 0 : i32
    %broadcast_in_dim3A_482 = vector.broadcast %jit3A_481 : i32 to vector<16xi32>
    %select_n3A_483 = arith.select %eq3A_480, %all_reduce_population_count3A_477, %broadcast_in_dim3A_482 : vector<16xi1>, vector<16xi32>
    %add3A_484 = arith.addi %add3A_450, %select_n3A_483 : vector<16xi32>
    %eq3A_485 = arith.constant 5 : i32
    %eq3A_486 = vector.broadcast %eq3A_485 : i32 to vector<16xi32>
    %eq3A_487 = arith.cmpi eq, %get3A_312, %eq3A_486 : vector<16xi32>
    %jit3A_488 = arith.constant 1 : i32
    %jit3A_489 = arith.constant 0 : i32
    %broadcast_in_dim3A_490 = vector.broadcast %jit3A_488 : i32 to vector<16xi32>
    %broadcast_in_dim3A_491 = vector.broadcast %jit3A_489 : i32 to vector<16xi32>
    %select_n3A_492 = arith.select %eq3A_487, %broadcast_in_dim3A_490, %broadcast_in_dim3A_491 : vector<16xi1>, vector<16xi32>
    %broadcast_in_dim3A_493 = arith.constant true
    %broadcast_in_dim3A_494 = vector.broadcast %broadcast_in_dim3A_493 : i1 to vector<16xi1>
    %masked_cumsum3A_495 = tpu.scan <sum>, %select_n3A_492 masked %broadcast_in_dim3A_494 : vector<16xi32>, vector<16xi1> -> vector<16xi32>
    %sub3A_496 = arith.subi %masked_cumsum3A_495, %select_n3A_492 : vector<16xi32>
    %eq3A_497 = arith.constant 5 : i32
    %eq3A_498 = vector.broadcast %eq3A_497 : i32 to vector<16xi32>
    %eq3A_499 = arith.cmpi eq, %iota3A, %eq3A_498 : vector<16xi32>
    %jit3A_500 = arith.constant 0 : i32
    %broadcast_in_dim3A_501 = vector.broadcast %jit3A_500 : i32 to vector<16xi32>
    %select_n3A_502 = arith.select %eq3A_499, %add3A_484, %broadcast_in_dim3A_501 : vector<16xi1>, vector<16xi32>
    %reduce_sum3A_503 = arith.constant true
    %reduce_sum3A_504 = vector.broadcast %reduce_sum3A_503 : i1 to vector<16xi1>
    %reduce_sum3A_505 = tpu.scan <sum>, %select_n3A_502 masked %reduce_sum3A_504 : vector<16xi32>, vector<16xi1> -> vector<16xi32>
    %reduce_sum3A_506 = vector.extract %reduce_sum3A_505[15] : i32 from vector<16xi32>
    %add3A_507 = vector.broadcast %reduce_sum3A_506 : i32 to vector<16xi32>
    %add3A_508 = arith.addi %add3A_507, %sub3A_496 : vector<16xi32>
    %mul3A_509 = arith.muli %select_n3A_492, %add3A_508 : vector<16xi32>
    %add3A_510 = arith.addi %add3A_476, %mul3A_509 : vector<16xi32>
    %all_reduce_population_count3A_511 = tpu.all_reduce %eq3A_487 {dim = 0 : i64, kind = #tpu.reduction_kind<sum>} : vector<16xi1> -> vector<16xi32>
    %eq3A_512 = arith.constant 5 : i32
    %eq3A_513 = vector.broadcast %eq3A_512 : i32 to vector<16xi32>
    %eq3A_514 = arith.cmpi eq, %iota3A, %eq3A_513 : vector<16xi32>
    %jit3A_515 = arith.constant 0 : i32
    %broadcast_in_dim3A_516 = vector.broadcast %jit3A_515 : i32 to vector<16xi32>
    %select_n3A_517 = arith.select %eq3A_514, %all_reduce_population_count3A_511, %broadcast_in_dim3A_516 : vector<16xi1>, vector<16xi32>
    %add3A_518 = arith.addi %add3A_484, %select_n3A_517 : vector<16xi32>
    %eq3A_519 = arith.constant 6 : i32
    %eq3A_520 = vector.broadcast %eq3A_519 : i32 to vector<16xi32>
    %eq3A_521 = arith.cmpi eq, %get3A_312, %eq3A_520 : vector<16xi32>
    %jit3A_522 = arith.constant 1 : i32
    %jit3A_523 = arith.constant 0 : i32
    %broadcast_in_dim3A_524 = vector.broadcast %jit3A_522 : i32 to vector<16xi32>
    %broadcast_in_dim3A_525 = vector.broadcast %jit3A_523 : i32 to vector<16xi32>
    %select_n3A_526 = arith.select %eq3A_521, %broadcast_in_dim3A_524, %broadcast_in_dim3A_525 : vector<16xi1>, vector<16xi32>
    %broadcast_in_dim3A_527 = arith.constant true
    %broadcast_in_dim3A_528 = vector.broadcast %broadcast_in_dim3A_527 : i1 to vector<16xi1>
    %masked_cumsum3A_529 = tpu.scan <sum>, %select_n3A_526 masked %broadcast_in_dim3A_528 : vector<16xi32>, vector<16xi1> -> vector<16xi32>
    %sub3A_530 = arith.subi %masked_cumsum3A_529, %select_n3A_526 : vector<16xi32>
    %eq3A_531 = arith.constant 6 : i32
    %eq3A_532 = vector.broadcast %eq3A_531 : i32 to vector<16xi32>
    %eq3A_533 = arith.cmpi eq, %iota3A, %eq3A_532 : vector<16xi32>
    %jit3A_534 = arith.constant 0 : i32
    %broadcast_in_dim3A_535 = vector.broadcast %jit3A_534 : i32 to vector<16xi32>
    %select_n3A_536 = arith.select %eq3A_533, %add3A_518, %broadcast_in_dim3A_535 : vector<16xi1>, vector<16xi32>
    %reduce_sum3A_537 = arith.constant true
    %reduce_sum3A_538 = vector.broadcast %reduce_sum3A_537 : i1 to vector<16xi1>
    %reduce_sum3A_539 = tpu.scan <sum>, %select_n3A_536 masked %reduce_sum3A_538 : vector<16xi32>, vector<16xi1> -> vector<16xi32>
    %reduce_sum3A_540 = vector.extract %reduce_sum3A_539[15] : i32 from vector<16xi32>
    %add3A_541 = vector.broadcast %reduce_sum3A_540 : i32 to vector<16xi32>
    %add3A_542 = arith.addi %add3A_541, %sub3A_530 : vector<16xi32>
    %mul3A_543 = arith.muli %select_n3A_526, %add3A_542 : vector<16xi32>
    %add3A_544 = arith.addi %add3A_510, %mul3A_543 : vector<16xi32>
    %all_reduce_population_count3A_545 = tpu.all_reduce %eq3A_521 {dim = 0 : i64, kind = #tpu.reduction_kind<sum>} : vector<16xi1> -> vector<16xi32>
    %eq3A_546 = arith.constant 6 : i32
    %eq3A_547 = vector.broadcast %eq3A_546 : i32 to vector<16xi32>
    %eq3A_548 = arith.cmpi eq, %iota3A, %eq3A_547 : vector<16xi32>
    %jit3A_549 = arith.constant 0 : i32
    %broadcast_in_dim3A_550 = vector.broadcast %jit3A_549 : i32 to vector<16xi32>
    %select_n3A_551 = arith.select %eq3A_548, %all_reduce_population_count3A_545, %broadcast_in_dim3A_550 : vector<16xi1>, vector<16xi32>
    %add3A_552 = arith.addi %add3A_518, %select_n3A_551 : vector<16xi32>
    %eq3A_553 = arith.constant 7 : i32
    %eq3A_554 = vector.broadcast %eq3A_553 : i32 to vector<16xi32>
    %eq3A_555 = arith.cmpi eq, %get3A_312, %eq3A_554 : vector<16xi32>
    %jit3A_556 = arith.constant 1 : i32
    %jit3A_557 = arith.constant 0 : i32
    %broadcast_in_dim3A_558 = vector.broadcast %jit3A_556 : i32 to vector<16xi32>
    %broadcast_in_dim3A_559 = vector.broadcast %jit3A_557 : i32 to vector<16xi32>
    %select_n3A_560 = arith.select %eq3A_555, %broadcast_in_dim3A_558, %broadcast_in_dim3A_559 : vector<16xi1>, vector<16xi32>
    %broadcast_in_dim3A_561 = arith.constant true
    %broadcast_in_dim3A_562 = vector.broadcast %broadcast_in_dim3A_561 : i1 to vector<16xi1>
    %masked_cumsum3A_563 = tpu.scan <sum>, %select_n3A_560 masked %broadcast_in_dim3A_562 : vector<16xi32>, vector<16xi1> -> vector<16xi32>
    %sub3A_564 = arith.subi %masked_cumsum3A_563, %select_n3A_560 : vector<16xi32>
    %eq3A_565 = arith.constant 7 : i32
    %eq3A_566 = vector.broadcast %eq3A_565 : i32 to vector<16xi32>
    %eq3A_567 = arith.cmpi eq, %iota3A, %eq3A_566 : vector<16xi32>
    %jit3A_568 = arith.constant 0 : i32
    %broadcast_in_dim3A_569 = vector.broadcast %jit3A_568 : i32 to vector<16xi32>
    %select_n3A_570 = arith.select %eq3A_567, %add3A_552, %broadcast_in_dim3A_569 : vector<16xi1>, vector<16xi32>
    %reduce_sum3A_571 = arith.constant true
    %reduce_sum3A_572 = vector.broadcast %reduce_sum3A_571 : i1 to vector<16xi1>
    %reduce_sum3A_573 = tpu.scan <sum>, %select_n3A_570 masked %reduce_sum3A_572 : vector<16xi32>, vector<16xi1> -> vector<16xi32>
    %reduce_sum3A_574 = vector.extract %reduce_sum3A_573[15] : i32 from vector<16xi32>
    %add3A_575 = vector.broadcast %reduce_sum3A_574 : i32 to vector<16xi32>
    %add3A_576 = arith.addi %add3A_575, %sub3A_564 : vector<16xi32>
    %mul3A_577 = arith.muli %select_n3A_560, %add3A_576 : vector<16xi32>
    %add3A_578 = arith.addi %add3A_544, %mul3A_577 : vector<16xi32>
    %all_reduce_population_count3A_579 = tpu.all_reduce %eq3A_555 {dim = 0 : i64, kind = #tpu.reduction_kind<sum>} : vector<16xi1> -> vector<16xi32>
    %eq3A_580 = arith.constant 7 : i32
    %eq3A_581 = vector.broadcast %eq3A_580 : i32 to vector<16xi32>
    %eq3A_582 = arith.cmpi eq, %iota3A, %eq3A_581 : vector<16xi32>
    %jit3A_583 = arith.constant 0 : i32
    %broadcast_in_dim3A_584 = vector.broadcast %jit3A_583 : i32 to vector<16xi32>
    %select_n3A_585 = arith.select %eq3A_582, %all_reduce_population_count3A_579, %broadcast_in_dim3A_584 : vector<16xi1>, vector<16xi32>
    %add3A_586 = arith.addi %add3A_552, %select_n3A_585 : vector<16xi32>
    %swap3A_587 = arith.constant 0 : i32
    %swap3A_588 = arith.constant 0 : i32
    %swap3A_589 = tpu.memref_slice %arg8[%swap3A_587, %swap3A_588] : memref<1x128xi32, #tpu.memory_space<vmem>> -> memref<1x128xi32, #tpu.memory_space<vmem>>
    %swap3A_590 = tpu.memref_squeeze %swap3A_589 : memref<1x128xi32, #tpu.memory_space<vmem>> -> memref<128xi32, #tpu.memory_space<vmem>>
    %swap3A_591 = arith.constant 16 : index
    %swap3A_592 = tpu.vector_load %swap3A_590[%swap3A_591] {strides = array<i32>} : memref<128xi32, #tpu.memory_space<vmem>>, vector<16xi32>,
    tpu.vector_store %swap3A_590[%swap3A_591], %add3A_578 {strides = array<i32>} : memref<128xi32, #tpu.memory_space<vmem>>, vector<16xi32>,
    %mul3A_593 = arith.constant 128 : i32
    %mul3A_594 = arith.muli %add3A, %mul3A_593 : i32
    %add3A_595 = arith.constant 32 : i32
    %add3A_596 = arith.addi %mul3A_594, %add3A_595 : i32
    %get3A_597 = arith.index_cast %add3A_596 : i32 to index
    %get3A_598 = tpu.vector_load %arg7[%get3A_597] {strides = array<i32>} : memref<4096xi32, #tpu.memory_space<vmem>>, vector<16xi32>,
    %broadcast_in_dim3A_599 = arith.constant 0 : i32
    %broadcast_in_dim3A_600 = vector.broadcast %broadcast_in_dim3A_599 : i32 to vector<16xi32>
    %eq3A_601 = arith.constant 0 : i32
    %eq3A_602 = vector.broadcast %eq3A_601 : i32 to vector<16xi32>
    %eq3A_603 = arith.cmpi eq, %get3A_598, %eq3A_602 : vector<16xi32>
    %jit3A_604 = arith.constant 1 : i32
    %jit3A_605 = arith.constant 0 : i32
    %broadcast_in_dim3A_606 = vector.broadcast %jit3A_604 : i32 to vector<16xi32>
    %broadcast_in_dim3A_607 = vector.broadcast %jit3A_605 : i32 to vector<16xi32>
    %select_n3A_608 = arith.select %eq3A_603, %broadcast_in_dim3A_606, %broadcast_in_dim3A_607 : vector<16xi1>, vector<16xi32>
    %broadcast_in_dim3A_609 = arith.constant true
    %broadcast_in_dim3A_610 = vector.broadcast %broadcast_in_dim3A_609 : i1 to vector<16xi1>
    %masked_cumsum3A_611 = tpu.scan <sum>, %select_n3A_608 masked %broadcast_in_dim3A_610 : vector<16xi32>, vector<16xi1> -> vector<16xi32>
    %sub3A_612 = arith.subi %masked_cumsum3A_611, %select_n3A_608 : vector<16xi32>
    %eq3A_613 = arith.constant 0 : i32
    %eq3A_614 = vector.broadcast %eq3A_613 : i32 to vector<16xi32>
    %eq3A_615 = arith.cmpi eq, %iota3A, %eq3A_614 : vector<16xi32>
    %jit3A_616 = arith.constant 0 : i32
    %broadcast_in_dim3A_617 = vector.broadcast %jit3A_616 : i32 to vector<16xi32>
    %select_n3A_618 = arith.select %eq3A_615, %add3A_586, %broadcast_in_dim3A_617 : vector<16xi1>, vector<16xi32>
    %reduce_sum3A_619 = arith.constant true
    %reduce_sum3A_620 = vector.broadcast %reduce_sum3A_619 : i1 to vector<16xi1>
    %reduce_sum3A_621 = tpu.scan <sum>, %select_n3A_618 masked %reduce_sum3A_620 : vector<16xi32>, vector<16xi1> -> vector<16xi32>
    %reduce_sum3A_622 = vector.extract %reduce_sum3A_621[15] : i32 from vector<16xi32>
    %add3A_623 = vector.broadcast %reduce_sum3A_622 : i32 to vector<16xi32>
    %add3A_624 = arith.addi %add3A_623, %sub3A_612 : vector<16xi32>
    %mul3A_625 = arith.muli %select_n3A_608, %add3A_624 : vector<16xi32>
    %add3A_626 = arith.addi %broadcast_in_dim3A_600, %mul3A_625 : vector<16xi32>
    %all_reduce_population_count3A_627 = tpu.all_reduce %eq3A_603 {dim = 0 : i64, kind = #tpu.reduction_kind<sum>} : vector<16xi1> -> vector<16xi32>
    %eq3A_628 = arith.constant 0 : i32
    %eq3A_629 = vector.broadcast %eq3A_628 : i32 to vector<16xi32>
    %eq3A_630 = arith.cmpi eq, %iota3A, %eq3A_629 : vector<16xi32>
    %jit3A_631 = arith.constant 0 : i32
    %broadcast_in_dim3A_632 = vector.broadcast %jit3A_631 : i32 to vector<16xi32>
    %select_n3A_633 = arith.select %eq3A_630, %all_reduce_population_count3A_627, %broadcast_in_dim3A_632 : vector<16xi1>, vector<16xi32>
    %add3A_634 = arith.addi %add3A_586, %select_n3A_633 : vector<16xi32>
    %eq3A_635 = arith.constant 1 : i32
    %eq3A_636 = vector.broadcast %eq3A_635 : i32 to vector<16xi32>
    %eq3A_637 = arith.cmpi eq, %get3A_598, %eq3A_636 : vector<16xi32>
    %jit3A_638 = arith.constant 1 : i32
    %jit3A_639 = arith.constant 0 : i32
    %broadcast_in_dim3A_640 = vector.broadcast %jit3A_638 : i32 to vector<16xi32>
    %broadcast_in_dim3A_641 = vector.broadcast %jit3A_639 : i32 to vector<16xi32>
    %select_n3A_642 = arith.select %eq3A_637, %broadcast_in_dim3A_640, %broadcast_in_dim3A_641 : vector<16xi1>, vector<16xi32>
    %broadcast_in_dim3A_643 = arith.constant true
    %broadcast_in_dim3A_644 = vector.broadcast %broadcast_in_dim3A_643 : i1 to vector<16xi1>
    %masked_cumsum3A_645 = tpu.scan <sum>, %select_n3A_642 masked %broadcast_in_dim3A_644 : vector<16xi32>, vector<16xi1> -> vector<16xi32>
    %sub3A_646 = arith.subi %masked_cumsum3A_645, %select_n3A_642 : vector<16xi32>
    %eq3A_647 = arith.constant 1 : i32
    %eq3A_648 = vector.broadcast %eq3A_647 : i32 to vector<16xi32>
    %eq3A_649 = arith.cmpi eq, %iota3A, %eq3A_648 : vector<16xi32>
    %jit3A_650 = arith.constant 0 : i32
    %broadcast_in_dim3A_651 = vector.broadcast %jit3A_650 : i32 to vector<16xi32>
    %select_n3A_652 = arith.select %eq3A_649, %add3A_634, %broadcast_in_dim3A_651 : vector<16xi1>, vector<16xi32>
    %reduce_sum3A_653 = arith.constant true
    %reduce_sum3A_654 = vector.broadcast %reduce_sum3A_653 : i1 to vector<16xi1>
    %reduce_sum3A_655 = tpu.scan <sum>, %select_n3A_652 masked %reduce_sum3A_654 : vector<16xi32>, vector<16xi1> -> vector<16xi32>
    %reduce_sum3A_656 = vector.extract %reduce_sum3A_655[15] : i32 from vector<16xi32>
    %add3A_657 = vector.broadcast %reduce_sum3A_656 : i32 to vector<16xi32>
    %add3A_658 = arith.addi %add3A_657, %sub3A_646 : vector<16xi32>
    %mul3A_659 = arith.muli %select_n3A_642, %add3A_658 : vector<16xi32>
    %add3A_660 = arith.addi %add3A_626, %mul3A_659 : vector<16xi32>
    %all_reduce_population_count3A_661 = tpu.all_reduce %eq3A_637 {dim = 0 : i64, kind = #tpu.reduction_kind<sum>} : vector<16xi1> -> vector<16xi32>
    %eq3A_662 = arith.constant 1 : i32
    %eq3A_663 = vector.broadcast %eq3A_662 : i32 to vector<16xi32>
    %eq3A_664 = arith.cmpi eq, %iota3A, %eq3A_663 : vector<16xi32>
    %jit3A_665 = arith.constant 0 : i32
    %broadcast_in_dim3A_666 = vector.broadcast %jit3A_665 : i32 to vector<16xi32>
    %select_n3A_667 = arith.select %eq3A_664, %all_reduce_population_count3A_661, %broadcast_in_dim3A_666 : vector<16xi1>, vector<16xi32>
    %add3A_668 = arith.addi %add3A_634, %select_n3A_667 : vector<16xi32>
    %eq3A_669 = arith.constant 2 : i32
    %eq3A_670 = vector.broadcast %eq3A_669 : i32 to vector<16xi32>
    %eq3A_671 = arith.cmpi eq, %get3A_598, %eq3A_670 : vector<16xi32>
    %jit3A_672 = arith.constant 1 : i32
    %jit3A_673 = arith.constant 0 : i32
    %broadcast_in_dim3A_674 = vector.broadcast %jit3A_672 : i32 to vector<16xi32>
    %broadcast_in_dim3A_675 = vector.broadcast %jit3A_673 : i32 to vector<16xi32>
    %select_n3A_676 = arith.select %eq3A_671, %broadcast_in_dim3A_674, %broadcast_in_dim3A_675 : vector<16xi1>, vector<16xi32>
    %broadcast_in_dim3A_677 = arith.constant true
    %broadcast_in_dim3A_678 = vector.broadcast %broadcast_in_dim3A_677 : i1 to vector<16xi1>
    %masked_cumsum3A_679 = tpu.scan <sum>, %select_n3A_676 masked %broadcast_in_dim3A_678 : vector<16xi32>, vector<16xi1> -> vector<16xi32>
    %sub3A_680 = arith.subi %masked_cumsum3A_679, %select_n3A_676 : vector<16xi32>
    %eq3A_681 = arith.constant 2 : i32
    %eq3A_682 = vector.broadcast %eq3A_681 : i32 to vector<16xi32>
    %eq3A_683 = arith.cmpi eq, %iota3A, %eq3A_682 : vector<16xi32>
    %jit3A_684 = arith.constant 0 : i32
    %broadcast_in_dim3A_685 = vector.broadcast %jit3A_684 : i32 to vector<16xi32>
    %select_n3A_686 = arith.select %eq3A_683, %add3A_668, %broadcast_in_dim3A_685 : vector<16xi1>, vector<16xi32>
    %reduce_sum3A_687 = arith.constant true
    %reduce_sum3A_688 = vector.broadcast %reduce_sum3A_687 : i1 to vector<16xi1>
    %reduce_sum3A_689 = tpu.scan <sum>, %select_n3A_686 masked %reduce_sum3A_688 : vector<16xi32>, vector<16xi1> -> vector<16xi32>
    %reduce_sum3A_690 = vector.extract %reduce_sum3A_689[15] : i32 from vector<16xi32>
    %add3A_691 = vector.broadcast %reduce_sum3A_690 : i32 to vector<16xi32>
    %add3A_692 = arith.addi %add3A_691, %sub3A_680 : vector<16xi32>
    %mul3A_693 = arith.muli %select_n3A_676, %add3A_692 : vector<16xi32>
    %add3A_694 = arith.addi %add3A_660, %mul3A_693 : vector<16xi32>
    %all_reduce_population_count3A_695 = tpu.all_reduce %eq3A_671 {dim = 0 : i64, kind = #tpu.reduction_kind<sum>} : vector<16xi1> -> vector<16xi32>
    %eq3A_696 = arith.constant 2 : i32
    %eq3A_697 = vector.broadcast %eq3A_696 : i32 to vector<16xi32>
    %eq3A_698 = arith.cmpi eq, %iota3A, %eq3A_697 : vector<16xi32>
    %jit3A_699 = arith.constant 0 : i32
    %broadcast_in_dim3A_700 = vector.broadcast %jit3A_699 : i32 to vector<16xi32>
    %select_n3A_701 = arith.select %eq3A_698, %all_reduce_population_count3A_695, %broadcast_in_dim3A_700 : vector<16xi1>, vector<16xi32>
    %add3A_702 = arith.addi %add3A_668, %select_n3A_701 : vector<16xi32>
    %eq3A_703 = arith.constant 3 : i32
    %eq3A_704 = vector.broadcast %eq3A_703 : i32 to vector<16xi32>
    %eq3A_705 = arith.cmpi eq, %get3A_598, %eq3A_704 : vector<16xi32>
    %jit3A_706 = arith.constant 1 : i32
    %jit3A_707 = arith.constant 0 : i32
    %broadcast_in_dim3A_708 = vector.broadcast %jit3A_706 : i32 to vector<16xi32>
    %broadcast_in_dim3A_709 = vector.broadcast %jit3A_707 : i32 to vector<16xi32>
    %select_n3A_710 = arith.select %eq3A_705, %broadcast_in_dim3A_708, %broadcast_in_dim3A_709 : vector<16xi1>, vector<16xi32>
    %broadcast_in_dim3A_711 = arith.constant true
    %broadcast_in_dim3A_712 = vector.broadcast %broadcast_in_dim3A_711 : i1 to vector<16xi1>
    %masked_cumsum3A_713 = tpu.scan <sum>, %select_n3A_710 masked %broadcast_in_dim3A_712 : vector<16xi32>, vector<16xi1> -> vector<16xi32>
    %sub3A_714 = arith.subi %masked_cumsum3A_713, %select_n3A_710 : vector<16xi32>
    %eq3A_715 = arith.constant 3 : i32
    %eq3A_716 = vector.broadcast %eq3A_715 : i32 to vector<16xi32>
    %eq3A_717 = arith.cmpi eq, %iota3A, %eq3A_716 : vector<16xi32>
    %jit3A_718 = arith.constant 0 : i32
    %broadcast_in_dim3A_719 = vector.broadcast %jit3A_718 : i32 to vector<16xi32>
    %select_n3A_720 = arith.select %eq3A_717, %add3A_702, %broadcast_in_dim3A_719 : vector<16xi1>, vector<16xi32>
    %reduce_sum3A_721 = arith.constant true
    %reduce_sum3A_722 = vector.broadcast %reduce_sum3A_721 : i1 to vector<16xi1>
    %reduce_sum3A_723 = tpu.scan <sum>, %select_n3A_720 masked %reduce_sum3A_722 : vector<16xi32>, vector<16xi1> -> vector<16xi32>
    %reduce_sum3A_724 = vector.extract %reduce_sum3A_723[15] : i32 from vector<16xi32>
    %add3A_725 = vector.broadcast %reduce_sum3A_724 : i32 to vector<16xi32>
    %add3A_726 = arith.addi %add3A_725, %sub3A_714 : vector<16xi32>
    %mul3A_727 = arith.muli %select_n3A_710, %add3A_726 : vector<16xi32>
    %add3A_728 = arith.addi %add3A_694, %mul3A_727 : vector<16xi32>
    %all_reduce_population_count3A_729 = tpu.all_reduce %eq3A_705 {dim = 0 : i64, kind = #tpu.reduction_kind<sum>} : vector<16xi1> -> vector<16xi32>
    %eq3A_730 = arith.constant 3 : i32
    %eq3A_731 = vector.broadcast %eq3A_730 : i32 to vector<16xi32>
    %eq3A_732 = arith.cmpi eq, %iota3A, %eq3A_731 : vector<16xi32>
    %jit3A_733 = arith.constant 0 : i32
    %broadcast_in_dim3A_734 = vector.broadcast %jit3A_733 : i32 to vector<16xi32>
    %select_n3A_735 = arith.select %eq3A_732, %all_reduce_population_count3A_729, %broadcast_in_dim3A_734 : vector<16xi1>, vector<16xi32>
    %add3A_736 = arith.addi %add3A_702, %select_n3A_735 : vector<16xi32>
    %eq3A_737 = arith.constant 4 : i32
    %eq3A_738 = vector.broadcast %eq3A_737 : i32 to vector<16xi32>
    %eq3A_739 = arith.cmpi eq, %get3A_598, %eq3A_738 : vector<16xi32>
    %jit3A_740 = arith.constant 1 : i32
    %jit3A_741 = arith.constant 0 : i32
    %broadcast_in_dim3A_742 = vector.broadcast %jit3A_740 : i32 to vector<16xi32>
    %broadcast_in_dim3A_743 = vector.broadcast %jit3A_741 : i32 to vector<16xi32>
    %select_n3A_744 = arith.select %eq3A_739, %broadcast_in_dim3A_742, %broadcast_in_dim3A_743 : vector<16xi1>, vector<16xi32>
    %broadcast_in_dim3A_745 = arith.constant true
    %broadcast_in_dim3A_746 = vector.broadcast %broadcast_in_dim3A_745 : i1 to vector<16xi1>
    %masked_cumsum3A_747 = tpu.scan <sum>, %select_n3A_744 masked %broadcast_in_dim3A_746 : vector<16xi32>, vector<16xi1> -> vector<16xi32>
    %sub3A_748 = arith.subi %masked_cumsum3A_747, %select_n3A_744 : vector<16xi32>
    %eq3A_749 = arith.constant 4 : i32
    %eq3A_750 = vector.broadcast %eq3A_749 : i32 to vector<16xi32>
    %eq3A_751 = arith.cmpi eq, %iota3A, %eq3A_750 : vector<16xi32>
    %jit3A_752 = arith.constant 0 : i32
    %broadcast_in_dim3A_753 = vector.broadcast %jit3A_752 : i32 to vector<16xi32>
    %select_n3A_754 = arith.select %eq3A_751, %add3A_736, %broadcast_in_dim3A_753 : vector<16xi1>, vector<16xi32>
    %reduce_sum3A_755 = arith.constant true
    %reduce_sum3A_756 = vector.broadcast %reduce_sum3A_755 : i1 to vector<16xi1>
    %reduce_sum3A_757 = tpu.scan <sum>, %select_n3A_754 masked %reduce_sum3A_756 : vector<16xi32>, vector<16xi1> -> vector<16xi32>
    %reduce_sum3A_758 = vector.extract %reduce_sum3A_757[15] : i32 from vector<16xi32>
    %add3A_759 = vector.broadcast %reduce_sum3A_758 : i32 to vector<16xi32>
    %add3A_760 = arith.addi %add3A_759, %sub3A_748 : vector<16xi32>
    %mul3A_761 = arith.muli %select_n3A_744, %add3A_760 : vector<16xi32>
    %add3A_762 = arith.addi %add3A_728, %mul3A_761 : vector<16xi32>
    %all_reduce_population_count3A_763 = tpu.all_reduce %eq3A_739 {dim = 0 : i64, kind = #tpu.reduction_kind<sum>} : vector<16xi1> -> vector<16xi32>
    %eq3A_764 = arith.constant 4 : i32
    %eq3A_765 = vector.broadcast %eq3A_764 : i32 to vector<16xi32>
    %eq3A_766 = arith.cmpi eq, %iota3A, %eq3A_765 : vector<16xi32>
    %jit3A_767 = arith.constant 0 : i32
    %broadcast_in_dim3A_768 = vector.broadcast %jit3A_767 : i32 to vector<16xi32>
    %select_n3A_769 = arith.select %eq3A_766, %all_reduce_population_count3A_763, %broadcast_in_dim3A_768 : vector<16xi1>, vector<16xi32>
    %add3A_770 = arith.addi %add3A_736, %select_n3A_769 : vector<16xi32>
    %eq3A_771 = arith.constant 5 : i32
    %eq3A_772 = vector.broadcast %eq3A_771 : i32 to vector<16xi32>
    %eq3A_773 = arith.cmpi eq, %get3A_598, %eq3A_772 : vector<16xi32>
    %jit3A_774 = arith.constant 1 : i32
    %jit3A_775 = arith.constant 0 : i32
    %broadcast_in_dim3A_776 = vector.broadcast %jit3A_774 : i32 to vector<16xi32>
    %broadcast_in_dim3A_777 = vector.broadcast %jit3A_775 : i32 to vector<16xi32>
    %select_n3A_778 = arith.select %eq3A_773, %broadcast_in_dim3A_776, %broadcast_in_dim3A_777 : vector<16xi1>, vector<16xi32>
    %broadcast_in_dim3A_779 = arith.constant true
    %broadcast_in_dim3A_780 = vector.broadcast %broadcast_in_dim3A_779 : i1 to vector<16xi1>
    %masked_cumsum3A_781 = tpu.scan <sum>, %select_n3A_778 masked %broadcast_in_dim3A_780 : vector<16xi32>, vector<16xi1> -> vector<16xi32>
    %sub3A_782 = arith.subi %masked_cumsum3A_781, %select_n3A_778 : vector<16xi32>
    %eq3A_783 = arith.constant 5 : i32
    %eq3A_784 = vector.broadcast %eq3A_783 : i32 to vector<16xi32>
    %eq3A_785 = arith.cmpi eq, %iota3A, %eq3A_784 : vector<16xi32>
    %jit3A_786 = arith.constant 0 : i32
    %broadcast_in_dim3A_787 = vector.broadcast %jit3A_786 : i32 to vector<16xi32>
    %select_n3A_788 = arith.select %eq3A_785, %add3A_770, %broadcast_in_dim3A_787 : vector<16xi1>, vector<16xi32>
    %reduce_sum3A_789 = arith.constant true
    %reduce_sum3A_790 = vector.broadcast %reduce_sum3A_789 : i1 to vector<16xi1>
    %reduce_sum3A_791 = tpu.scan <sum>, %select_n3A_788 masked %reduce_sum3A_790 : vector<16xi32>, vector<16xi1> -> vector<16xi32>
    %reduce_sum3A_792 = vector.extract %reduce_sum3A_791[15] : i32 from vector<16xi32>
    %add3A_793 = vector.broadcast %reduce_sum3A_792 : i32 to vector<16xi32>
    %add3A_794 = arith.addi %add3A_793, %sub3A_782 : vector<16xi32>
    %mul3A_795 = arith.muli %select_n3A_778, %add3A_794 : vector<16xi32>
    %add3A_796 = arith.addi %add3A_762, %mul3A_795 : vector<16xi32>
    %all_reduce_population_count3A_797 = tpu.all_reduce %eq3A_773 {dim = 0 : i64, kind = #tpu.reduction_kind<sum>} : vector<16xi1> -> vector<16xi32>
    %eq3A_798 = arith.constant 5 : i32
    %eq3A_799 = vector.broadcast %eq3A_798 : i32 to vector<16xi32>
    %eq3A_800 = arith.cmpi eq, %iota3A, %eq3A_799 : vector<16xi32>
    %jit3A_801 = arith.constant 0 : i32
    %broadcast_in_dim3A_802 = vector.broadcast %jit3A_801 : i32 to vector<16xi32>
    %select_n3A_803 = arith.select %eq3A_800, %all_reduce_population_count3A_797, %broadcast_in_dim3A_802 : vector<16xi1>, vector<16xi32>
    %add3A_804 = arith.addi %add3A_770, %select_n3A_803 : vector<16xi32>
    %eq3A_805 = arith.constant 6 : i32
    %eq3A_806 = vector.broadcast %eq3A_805 : i32 to vector<16xi32>
    %eq3A_807 = arith.cmpi eq, %get3A_598, %eq3A_806 : vector<16xi32>
    %jit3A_808 = arith.constant 1 : i32
    %jit3A_809 = arith.constant 0 : i32
    %broadcast_in_dim3A_810 = vector.broadcast %jit3A_808 : i32 to vector<16xi32>
    %broadcast_in_dim3A_811 = vector.broadcast %jit3A_809 : i32 to vector<16xi32>
    %select_n3A_812 = arith.select %eq3A_807, %broadcast_in_dim3A_810, %broadcast_in_dim3A_811 : vector<16xi1>, vector<16xi32>
    %broadcast_in_dim3A_813 = arith.constant true
    %broadcast_in_dim3A_814 = vector.broadcast %broadcast_in_dim3A_813 : i1 to vector<16xi1>
    %masked_cumsum3A_815 = tpu.scan <sum>, %select_n3A_812 masked %broadcast_in_dim3A_814 : vector<16xi32>, vector<16xi1> -> vector<16xi32>
    %sub3A_816 = arith.subi %masked_cumsum3A_815, %select_n3A_812 : vector<16xi32>
    %eq3A_817 = arith.constant 6 : i32
    %eq3A_818 = vector.broadcast %eq3A_817 : i32 to vector<16xi32>
    %eq3A_819 = arith.cmpi eq, %iota3A, %eq3A_818 : vector<16xi32>
    %jit3A_820 = arith.constant 0 : i32
    %broadcast_in_dim3A_821 = vector.broadcast %jit3A_820 : i32 to vector<16xi32>
    %select_n3A_822 = arith.select %eq3A_819, %add3A_804, %broadcast_in_dim3A_821 : vector<16xi1>, vector<16xi32>
    %reduce_sum3A_823 = arith.constant true
    %reduce_sum3A_824 = vector.broadcast %reduce_sum3A_823 : i1 to vector<16xi1>
    %reduce_sum3A_825 = tpu.scan <sum>, %select_n3A_822 masked %reduce_sum3A_824 : vector<16xi32>, vector<16xi1> -> vector<16xi32>
    %reduce_sum3A_826 = vector.extract %reduce_sum3A_825[15] : i32 from vector<16xi32>
    %add3A_827 = vector.broadcast %reduce_sum3A_826 : i32 to vector<16xi32>
    %add3A_828 = arith.addi %add3A_827, %sub3A_816 : vector<16xi32>
    %mul3A_829 = arith.muli %select_n3A_812, %add3A_828 : vector<16xi32>
    %add3A_830 = arith.addi %add3A_796, %mul3A_829 : vector<16xi32>
    %all_reduce_population_count3A_831 = tpu.all_reduce %eq3A_807 {dim = 0 : i64, kind = #tpu.reduction_kind<sum>} : vector<16xi1> -> vector<16xi32>
    %eq3A_832 = arith.constant 6 : i32
    %eq3A_833 = vector.broadcast %eq3A_832 : i32 to vector<16xi32>
    %eq3A_834 = arith.cmpi eq, %iota3A, %eq3A_833 : vector<16xi32>
    %jit3A_835 = arith.constant 0 : i32
    %broadcast_in_dim3A_836 = vector.broadcast %jit3A_835 : i32 to vector<16xi32>
    %select_n3A_837 = arith.select %eq3A_834, %all_reduce_population_count3A_831, %broadcast_in_dim3A_836 : vector<16xi1>, vector<16xi32>
    %add3A_838 = arith.addi %add3A_804, %select_n3A_837 : vector<16xi32>
    %eq3A_839 = arith.constant 7 : i32
    %eq3A_840 = vector.broadcast %eq3A_839 : i32 to vector<16xi32>
    %eq3A_841 = arith.cmpi eq, %get3A_598, %eq3A_840 : vector<16xi32>
    %jit3A_842 = arith.constant 1 : i32
    %jit3A_843 = arith.constant 0 : i32
    %broadcast_in_dim3A_844 = vector.broadcast %jit3A_842 : i32 to vector<16xi32>
    %broadcast_in_dim3A_845 = vector.broadcast %jit3A_843 : i32 to vector<16xi32>
    %select_n3A_846 = arith.select %eq3A_841, %broadcast_in_dim3A_844, %broadcast_in_dim3A_845 : vector<16xi1>, vector<16xi32>
    %broadcast_in_dim3A_847 = arith.constant true
    %broadcast_in_dim3A_848 = vector.broadcast %broadcast_in_dim3A_847 : i1 to vector<16xi1>
    %masked_cumsum3A_849 = tpu.scan <sum>, %select_n3A_846 masked %broadcast_in_dim3A_848 : vector<16xi32>, vector<16xi1> -> vector<16xi32>
    %sub3A_850 = arith.subi %masked_cumsum3A_849, %select_n3A_846 : vector<16xi32>
    %eq3A_851 = arith.constant 7 : i32
    %eq3A_852 = vector.broadcast %eq3A_851 : i32 to vector<16xi32>
    %eq3A_853 = arith.cmpi eq, %iota3A, %eq3A_852 : vector<16xi32>
    %jit3A_854 = arith.constant 0 : i32
    %broadcast_in_dim3A_855 = vector.broadcast %jit3A_854 : i32 to vector<16xi32>
    %select_n3A_856 = arith.select %eq3A_853, %add3A_838, %broadcast_in_dim3A_855 : vector<16xi1>, vector<16xi32>
    %reduce_sum3A_857 = arith.constant true
    %reduce_sum3A_858 = vector.broadcast %reduce_sum3A_857 : i1 to vector<16xi1>
    %reduce_sum3A_859 = tpu.scan <sum>, %select_n3A_856 masked %reduce_sum3A_858 : vector<16xi32>, vector<16xi1> -> vector<16xi32>
    %reduce_sum3A_860 = vector.extract %reduce_sum3A_859[15] : i32 from vector<16xi32>
    %add3A_861 = vector.broadcast %reduce_sum3A_860 : i32 to vector<16xi32>
    %add3A_862 = arith.addi %add3A_861, %sub3A_850 : vector<16xi32>
    %mul3A_863 = arith.muli %select_n3A_846, %add3A_862 : vector<16xi32>
    %add3A_864 = arith.addi %add3A_830, %mul3A_863 : vector<16xi32>
    %all_reduce_population_count3A_865 = tpu.all_reduce %eq3A_841 {dim = 0 : i64, kind = #tpu.reduction_kind<sum>} : vector<16xi1> -> vector<16xi32>
    %eq3A_866 = arith.constant 7 : i32
    %eq3A_867 = vector.broadcast %eq3A_866 : i32 to vector<16xi32>
    %eq3A_868 = arith.cmpi eq, %iota3A, %eq3A_867 : vector<16xi32>
    %jit3A_869 = arith.constant 0 : i32
    %broadcast_in_dim3A_870 = vector.broadcast %jit3A_869 : i32 to vector<16xi32>
    %select_n3A_871 = arith.select %eq3A_868, %all_reduce_population_count3A_865, %broadcast_in_dim3A_870 : vector<16xi1>, vector<16xi32>
    %add3A_872 = arith.addi %add3A_838, %select_n3A_871 : vector<16xi32>
    %swap3A_873 = arith.constant 0 : i32
    %swap3A_874 = arith.constant 0 : i32
    %swap3A_875 = tpu.memref_slice %arg8[%swap3A_873, %swap3A_874] : memref<1x128xi32, #tpu.memory_space<vmem>> -> memref<1x128xi32, #tpu.memory_space<vmem>>
    %swap3A_876 = tpu.memref_squeeze %swap3A_875 : memref<1x128xi32, #tpu.memory_space<vmem>> -> memref<128xi32, #tpu.memory_space<vmem>>
    %swap3A_877 = arith.constant 32 : index
    %swap3A_878 = tpu.vector_load %swap3A_876[%swap3A_877] {strides = array<i32>} : memref<128xi32, #tpu.memory_space<vmem>>, vector<16xi32>,
    tpu.vector_store %swap3A_876[%swap3A_877], %add3A_864 {strides = array<i32>} : memref<128xi32, #tpu.memory_space<vmem>>, vector<16xi32>,
    %mul3A_879 = arith.constant 128 : i32
    %mul3A_880 = arith.muli %add3A, %mul3A_879 : i32
    %add3A_881 = arith.constant 48 : i32
    %add3A_882 = arith.addi %mul3A_880, %add3A_881 : i32
    %get3A_883 = arith.index_cast %add3A_882 : i32 to index
    %get3A_884 = tpu.vector_load %arg7[%get3A_883] {strides = array<i32>} : memref<4096xi32, #tpu.memory_space<vmem>>, vector<16xi32>,
    %broadcast_in_dim3A_885 = arith.constant 0 : i32
    %broadcast_in_dim3A_886 = vector.broadcast %broadcast_in_dim3A_885 : i32 to vector<16xi32>
    %eq3A_887 = arith.constant 0 : i32
    %eq3A_888 = vector.broadcast %eq3A_887 : i32 to vector<16xi32>
    %eq3A_889 = arith.cmpi eq, %get3A_884, %eq3A_888 : vector<16xi32>
    %jit3A_890 = arith.constant 1 : i32
    %jit3A_891 = arith.constant 0 : i32
    %broadcast_in_dim3A_892 = vector.broadcast %jit3A_890 : i32 to vector<16xi32>
    %broadcast_in_dim3A_893 = vector.broadcast %jit3A_891 : i32 to vector<16xi32>
    %select_n3A_894 = arith.select %eq3A_889, %broadcast_in_dim3A_892, %broadcast_in_dim3A_893 : vector<16xi1>, vector<16xi32>
    %broadcast_in_dim3A_895 = arith.constant true
    %broadcast_in_dim3A_896 = vector.broadcast %broadcast_in_dim3A_895 : i1 to vector<16xi1>
    %masked_cumsum3A_897 = tpu.scan <sum>, %select_n3A_894 masked %broadcast_in_dim3A_896 : vector<16xi32>, vector<16xi1> -> vector<16xi32>
    %sub3A_898 = arith.subi %masked_cumsum3A_897, %select_n3A_894 : vector<16xi32>
    %eq3A_899 = arith.constant 0 : i32
    %eq3A_900 = vector.broadcast %eq3A_899 : i32 to vector<16xi32>
    %eq3A_901 = arith.cmpi eq, %iota3A, %eq3A_900 : vector<16xi32>
    %jit3A_902 = arith.constant 0 : i32
    %broadcast_in_dim3A_903 = vector.broadcast %jit3A_902 : i32 to vector<16xi32>
    %select_n3A_904 = arith.select %eq3A_901, %add3A_872, %broadcast_in_dim3A_903 : vector<16xi1>, vector<16xi32>
    %reduce_sum3A_905 = arith.constant true
    %reduce_sum3A_906 = vector.broadcast %reduce_sum3A_905 : i1 to vector<16xi1>
    %reduce_sum3A_907 = tpu.scan <sum>, %select_n3A_904 masked %reduce_sum3A_906 : vector<16xi32>, vector<16xi1> -> vector<16xi32>
    %reduce_sum3A_908 = vector.extract %reduce_sum3A_907[15] : i32 from vector<16xi32>
    %add3A_909 = vector.broadcast %reduce_sum3A_908 : i32 to vector<16xi32>
    %add3A_910 = arith.addi %add3A_909, %sub3A_898 : vector<16xi32>
    %mul3A_911 = arith.muli %select_n3A_894, %add3A_910 : vector<16xi32>
    %add3A_912 = arith.addi %broadcast_in_dim3A_886, %mul3A_911 : vector<16xi32>
    %all_reduce_population_count3A_913 = tpu.all_reduce %eq3A_889 {dim = 0 : i64, kind = #tpu.reduction_kind<sum>} : vector<16xi1> -> vector<16xi32>
    %eq3A_914 = arith.constant 0 : i32
    %eq3A_915 = vector.broadcast %eq3A_914 : i32 to vector<16xi32>
    %eq3A_916 = arith.cmpi eq, %iota3A, %eq3A_915 : vector<16xi32>
    %jit3A_917 = arith.constant 0 : i32
    %broadcast_in_dim3A_918 = vector.broadcast %jit3A_917 : i32 to vector<16xi32>
    %select_n3A_919 = arith.select %eq3A_916, %all_reduce_population_count3A_913, %broadcast_in_dim3A_918 : vector<16xi1>, vector<16xi32>
    %add3A_920 = arith.addi %add3A_872, %select_n3A_919 : vector<16xi32>
    %eq3A_921 = arith.constant 1 : i32
    %eq3A_922 = vector.broadcast %eq3A_921 : i32 to vector<16xi32>
    %eq3A_923 = arith.cmpi eq, %get3A_884, %eq3A_922 : vector<16xi32>
    %jit3A_924 = arith.constant 1 : i32
    %jit3A_925 = arith.constant 0 : i32
    %broadcast_in_dim3A_926 = vector.broadcast %jit3A_924 : i32 to vector<16xi32>
    %broadcast_in_dim3A_927 = vector.broadcast %jit3A_925 : i32 to vector<16xi32>
    %select_n3A_928 = arith.select %eq3A_923, %broadcast_in_dim3A_926, %broadcast_in_dim3A_927 : vector<16xi1>, vector<16xi32>
    %broadcast_in_dim3A_929 = arith.constant true
    %broadcast_in_dim3A_930 = vector.broadcast %broadcast_in_dim3A_929 : i1 to vector<16xi1>
    %masked_cumsum3A_931 = tpu.scan <sum>, %select_n3A_928 masked %broadcast_in_dim3A_930 : vector<16xi32>, vector<16xi1> -> vector<16xi32>
    %sub3A_932 = arith.subi %masked_cumsum3A_931, %select_n3A_928 : vector<16xi32>
    %eq3A_933 = arith.constant 1 : i32
    %eq3A_934 = vector.broadcast %eq3A_933 : i32 to vector<16xi32>
    %eq3A_935 = arith.cmpi eq, %iota3A, %eq3A_934 : vector<16xi32>
    %jit3A_936 = arith.constant 0 : i32
    %broadcast_in_dim3A_937 = vector.broadcast %jit3A_936 : i32 to vector<16xi32>
    %select_n3A_938 = arith.select %eq3A_935, %add3A_920, %broadcast_in_dim3A_937 : vector<16xi1>, vector<16xi32>
    %reduce_sum3A_939 = arith.constant true
    %reduce_sum3A_940 = vector.broadcast %reduce_sum3A_939 : i1 to vector<16xi1>
    %reduce_sum3A_941 = tpu.scan <sum>, %select_n3A_938 masked %reduce_sum3A_940 : vector<16xi32>, vector<16xi1> -> vector<16xi32>
    %reduce_sum3A_942 = vector.extract %reduce_sum3A_941[15] : i32 from vector<16xi32>
    %add3A_943 = vector.broadcast %reduce_sum3A_942 : i32 to vector<16xi32>
    %add3A_944 = arith.addi %add3A_943, %sub3A_932 : vector<16xi32>
    %mul3A_945 = arith.muli %select_n3A_928, %add3A_944 : vector<16xi32>
    %add3A_946 = arith.addi %add3A_912, %mul3A_945 : vector<16xi32>
    %all_reduce_population_count3A_947 = tpu.all_reduce %eq3A_923 {dim = 0 : i64, kind = #tpu.reduction_kind<sum>} : vector<16xi1> -> vector<16xi32>
    %eq3A_948 = arith.constant 1 : i32
    %eq3A_949 = vector.broadcast %eq3A_948 : i32 to vector<16xi32>
    %eq3A_950 = arith.cmpi eq, %iota3A, %eq3A_949 : vector<16xi32>
    %jit3A_951 = arith.constant 0 : i32
    %broadcast_in_dim3A_952 = vector.broadcast %jit3A_951 : i32 to vector<16xi32>
    %select_n3A_953 = arith.select %eq3A_950, %all_reduce_population_count3A_947, %broadcast_in_dim3A_952 : vector<16xi1>, vector<16xi32>
    %add3A_954 = arith.addi %add3A_920, %select_n3A_953 : vector<16xi32>
    %eq3A_955 = arith.constant 2 : i32
    %eq3A_956 = vector.broadcast %eq3A_955 : i32 to vector<16xi32>
    %eq3A_957 = arith.cmpi eq, %get3A_884, %eq3A_956 : vector<16xi32>
    %jit3A_958 = arith.constant 1 : i32
    %jit3A_959 = arith.constant 0 : i32
    %broadcast_in_dim3A_960 = vector.broadcast %jit3A_958 : i32 to vector<16xi32>
    %broadcast_in_dim3A_961 = vector.broadcast %jit3A_959 : i32 to vector<16xi32>
    %select_n3A_962 = arith.select %eq3A_957, %broadcast_in_dim3A_960, %broadcast_in_dim3A_961 : vector<16xi1>, vector<16xi32>
    %broadcast_in_dim3A_963 = arith.constant true
    %broadcast_in_dim3A_964 = vector.broadcast %broadcast_in_dim3A_963 : i1 to vector<16xi1>
    %masked_cumsum3A_965 = tpu.scan <sum>, %select_n3A_962 masked %broadcast_in_dim3A_964 : vector<16xi32>, vector<16xi1> -> vector<16xi32>
    %sub3A_966 = arith.subi %masked_cumsum3A_965, %select_n3A_962 : vector<16xi32>
    %eq3A_967 = arith.constant 2 : i32
    %eq3A_968 = vector.broadcast %eq3A_967 : i32 to vector<16xi32>
    %eq3A_969 = arith.cmpi eq, %iota3A, %eq3A_968 : vector<16xi32>
    %jit3A_970 = arith.constant 0 : i32
    %broadcast_in_dim3A_971 = vector.broadcast %jit3A_970 : i32 to vector<16xi32>
    %select_n3A_972 = arith.select %eq3A_969, %add3A_954, %broadcast_in_dim3A_971 : vector<16xi1>, vector<16xi32>
    %reduce_sum3A_973 = arith.constant true
    %reduce_sum3A_974 = vector.broadcast %reduce_sum3A_973 : i1 to vector<16xi1>
    %reduce_sum3A_975 = tpu.scan <sum>, %select_n3A_972 masked %reduce_sum3A_974 : vector<16xi32>, vector<16xi1> -> vector<16xi32>
    %reduce_sum3A_976 = vector.extract %reduce_sum3A_975[15] : i32 from vector<16xi32>
    %add3A_977 = vector.broadcast %reduce_sum3A_976 : i32 to vector<16xi32>
    %add3A_978 = arith.addi %add3A_977, %sub3A_966 : vector<16xi32>
    %mul3A_979 = arith.muli %select_n3A_962, %add3A_978 : vector<16xi32>
    %add3A_980 = arith.addi %add3A_946, %mul3A_979 : vector<16xi32>
    %all_reduce_population_count3A_981 = tpu.all_reduce %eq3A_957 {dim = 0 : i64, kind = #tpu.reduction_kind<sum>} : vector<16xi1> -> vector<16xi32>
    %eq3A_982 = arith.constant 2 : i32
    %eq3A_983 = vector.broadcast %eq3A_982 : i32 to vector<16xi32>
    %eq3A_984 = arith.cmpi eq, %iota3A, %eq3A_983 : vector<16xi32>
    %jit3A_985 = arith.constant 0 : i32
    %broadcast_in_dim3A_986 = vector.broadcast %jit3A_985 : i32 to vector<16xi32>
    %select_n3A_987 = arith.select %eq3A_984, %all_reduce_population_count3A_981, %broadcast_in_dim3A_986 : vector<16xi1>, vector<16xi32>
    %add3A_988 = arith.addi %add3A_954, %select_n3A_987 : vector<16xi32>
    %eq3A_989 = arith.constant 3 : i32
    %eq3A_990 = vector.broadcast %eq3A_989 : i32 to vector<16xi32>
    %eq3A_991 = arith.cmpi eq, %get3A_884, %eq3A_990 : vector<16xi32>
    %jit3A_992 = arith.constant 1 : i32
    %jit3A_993 = arith.constant 0 : i32
    %broadcast_in_dim3A_994 = vector.broadcast %jit3A_992 : i32 to vector<16xi32>
    %broadcast_in_dim3A_995 = vector.broadcast %jit3A_993 : i32 to vector<16xi32>
    %select_n3A_996 = arith.select %eq3A_991, %broadcast_in_dim3A_994, %broadcast_in_dim3A_995 : vector<16xi1>, vector<16xi32>
    %broadcast_in_dim3A_997 = arith.constant true
    %broadcast_in_dim3A_998 = vector.broadcast %broadcast_in_dim3A_997 : i1 to vector<16xi1>
    %masked_cumsum3A_999 = tpu.scan <sum>, %select_n3A_996 masked %broadcast_in_dim3A_998 : vector<16xi32>, vector<16xi1> -> vector<16xi32>
    %sub3A_1000 = arith.subi %masked_cumsum3A_999, %select_n3A_996 : vector<16xi32>
    %eq3A_1001 = arith.constant 3 : i32
    %eq3A_1002 = vector.broadcast %eq3A_1001 : i32 to vector<16xi32>
    %eq3A_1003 = arith.cmpi eq, %iota3A, %eq3A_1002 : vector<16xi32>
    %jit3A_1004 = arith.constant 0 : i32
    %broadcast_in_dim3A_1005 = vector.broadcast %jit3A_1004 : i32 to vector<16xi32>
    %select_n3A_1006 = arith.select %eq3A_1003, %add3A_988, %broadcast_in_dim3A_1005 : vector<16xi1>, vector<16xi32>
    %reduce_sum3A_1007 = arith.constant true
    %reduce_sum3A_1008 = vector.broadcast %reduce_sum3A_1007 : i1 to vector<16xi1>
    %reduce_sum3A_1009 = tpu.scan <sum>, %select_n3A_1006 masked %reduce_sum3A_1008 : vector<16xi32>, vector<16xi1> -> vector<16xi32>
    %reduce_sum3A_1010 = vector.extract %reduce_sum3A_1009[15] : i32 from vector<16xi32>
    %add3A_1011 = vector.broadcast %reduce_sum3A_1010 : i32 to vector<16xi32>
    %add3A_1012 = arith.addi %add3A_1011, %sub3A_1000 : vector<16xi32>
    %mul3A_1013 = arith.muli %select_n3A_996, %add3A_1012 : vector<16xi32>
    %add3A_1014 = arith.addi %add3A_980, %mul3A_1013 : vector<16xi32>
    %all_reduce_population_count3A_1015 = tpu.all_reduce %eq3A_991 {dim = 0 : i64, kind = #tpu.reduction_kind<sum>} : vector<16xi1> -> vector<16xi32>
    %eq3A_1016 = arith.constant 3 : i32
    %eq3A_1017 = vector.broadcast %eq3A_1016 : i32 to vector<16xi32>
    %eq3A_1018 = arith.cmpi eq, %iota3A, %eq3A_1017 : vector<16xi32>
    %jit3A_1019 = arith.constant 0 : i32
    %broadcast_in_dim3A_1020 = vector.broadcast %jit3A_1019 : i32 to vector<16xi32>
    %select_n3A_1021 = arith.select %eq3A_1018, %all_reduce_population_count3A_1015, %broadcast_in_dim3A_1020 : vector<16xi1>, vector<16xi32>
    %add3A_1022 = arith.addi %add3A_988, %select_n3A_1021 : vector<16xi32>
    %eq3A_1023 = arith.constant 4 : i32
    %eq3A_1024 = vector.broadcast %eq3A_1023 : i32 to vector<16xi32>
    %eq3A_1025 = arith.cmpi eq, %get3A_884, %eq3A_1024 : vector<16xi32>
    %jit3A_1026 = arith.constant 1 : i32
    %jit3A_1027 = arith.constant 0 : i32
    %broadcast_in_dim3A_1028 = vector.broadcast %jit3A_1026 : i32 to vector<16xi32>
    %broadcast_in_dim3A_1029 = vector.broadcast %jit3A_1027 : i32 to vector<16xi32>
    %select_n3A_1030 = arith.select %eq3A_1025, %broadcast_in_dim3A_1028, %broadcast_in_dim3A_1029 : vector<16xi1>, vector<16xi32>
    %broadcast_in_dim3A_1031 = arith.constant true
    %broadcast_in_dim3A_1032 = vector.broadcast %broadcast_in_dim3A_1031 : i1 to vector<16xi1>
    %masked_cumsum3A_1033 = tpu.scan <sum>, %select_n3A_1030 masked %broadcast_in_dim3A_1032 : vector<16xi32>, vector<16xi1> -> vector<16xi32>
    %sub3A_1034 = arith.subi %masked_cumsum3A_1033, %select_n3A_1030 : vector<16xi32>
    %eq3A_1035 = arith.constant 4 : i32
    %eq3A_1036 = vector.broadcast %eq3A_1035 : i32 to vector<16xi32>
    %eq3A_1037 = arith.cmpi eq, %iota3A, %eq3A_1036 : vector<16xi32>
    %jit3A_1038 = arith.constant 0 : i32
    %broadcast_in_dim3A_1039 = vector.broadcast %jit3A_1038 : i32 to vector<16xi32>
    %select_n3A_1040 = arith.select %eq3A_1037, %add3A_1022, %broadcast_in_dim3A_1039 : vector<16xi1>, vector<16xi32>
    %reduce_sum3A_1041 = arith.constant true
    %reduce_sum3A_1042 = vector.broadcast %reduce_sum3A_1041 : i1 to vector<16xi1>
    %reduce_sum3A_1043 = tpu.scan <sum>, %select_n3A_1040 masked %reduce_sum3A_1042 : vector<16xi32>, vector<16xi1> -> vector<16xi32>
    %reduce_sum3A_1044 = vector.extract %reduce_sum3A_1043[15] : i32 from vector<16xi32>
    %add3A_1045 = vector.broadcast %reduce_sum3A_1044 : i32 to vector<16xi32>
    %add3A_1046 = arith.addi %add3A_1045, %sub3A_1034 : vector<16xi32>
    %mul3A_1047 = arith.muli %select_n3A_1030, %add3A_1046 : vector<16xi32>
    %add3A_1048 = arith.addi %add3A_1014, %mul3A_1047 : vector<16xi32>
    %all_reduce_population_count3A_1049 = tpu.all_reduce %eq3A_1025 {dim = 0 : i64, kind = #tpu.reduction_kind<sum>} : vector<16xi1> -> vector<16xi32>
    %eq3A_1050 = arith.constant 4 : i32
    %eq3A_1051 = vector.broadcast %eq3A_1050 : i32 to vector<16xi32>
    %eq3A_1052 = arith.cmpi eq, %iota3A, %eq3A_1051 : vector<16xi32>
    %jit3A_1053 = arith.constant 0 : i32
    %broadcast_in_dim3A_1054 = vector.broadcast %jit3A_1053 : i32 to vector<16xi32>
    %select_n3A_1055 = arith.select %eq3A_1052, %all_reduce_population_count3A_1049, %broadcast_in_dim3A_1054 : vector<16xi1>, vector<16xi32>
    %add3A_1056 = arith.addi %add3A_1022, %select_n3A_1055 : vector<16xi32>
    %eq3A_1057 = arith.constant 5 : i32
    %eq3A_1058 = vector.broadcast %eq3A_1057 : i32 to vector<16xi32>
    %eq3A_1059 = arith.cmpi eq, %get3A_884, %eq3A_1058 : vector<16xi32>
    %jit3A_1060 = arith.constant 1 : i32
    %jit3A_1061 = arith.constant 0 : i32
    %broadcast_in_dim3A_1062 = vector.broadcast %jit3A_1060 : i32 to vector<16xi32>
    %broadcast_in_dim3A_1063 = vector.broadcast %jit3A_1061 : i32 to vector<16xi32>
    %select_n3A_1064 = arith.select %eq3A_1059, %broadcast_in_dim3A_1062, %broadcast_in_dim3A_1063 : vector<16xi1>, vector<16xi32>
    %broadcast_in_dim3A_1065 = arith.constant true
    %broadcast_in_dim3A_1066 = vector.broadcast %broadcast_in_dim3A_1065 : i1 to vector<16xi1>
    %masked_cumsum3A_1067 = tpu.scan <sum>, %select_n3A_1064 masked %broadcast_in_dim3A_1066 : vector<16xi32>, vector<16xi1> -> vector<16xi32>
    %sub3A_1068 = arith.subi %masked_cumsum3A_1067, %select_n3A_1064 : vector<16xi32>
    %eq3A_1069 = arith.constant 5 : i32
    %eq3A_1070 = vector.broadcast %eq3A_1069 : i32 to vector<16xi32>
    %eq3A_1071 = arith.cmpi eq, %iota3A, %eq3A_1070 : vector<16xi32>
    %jit3A_1072 = arith.constant 0 : i32
    %broadcast_in_dim3A_1073 = vector.broadcast %jit3A_1072 : i32 to vector<16xi32>
    %select_n3A_1074 = arith.select %eq3A_1071, %add3A_1056, %broadcast_in_dim3A_1073 : vector<16xi1>, vector<16xi32>
    %reduce_sum3A_1075 = arith.constant true
    %reduce_sum3A_1076 = vector.broadcast %reduce_sum3A_1075 : i1 to vector<16xi1>
    %reduce_sum3A_1077 = tpu.scan <sum>, %select_n3A_1074 masked %reduce_sum3A_1076 : vector<16xi32>, vector<16xi1> -> vector<16xi32>
    %reduce_sum3A_1078 = vector.extract %reduce_sum3A_1077[15] : i32 from vector<16xi32>
    %add3A_1079 = vector.broadcast %reduce_sum3A_1078 : i32 to vector<16xi32>
    %add3A_1080 = arith.addi %add3A_1079, %sub3A_1068 : vector<16xi32>
    %mul3A_1081 = arith.muli %select_n3A_1064, %add3A_1080 : vector<16xi32>
    %add3A_1082 = arith.addi %add3A_1048, %mul3A_1081 : vector<16xi32>
    %all_reduce_population_count3A_1083 = tpu.all_reduce %eq3A_1059 {dim = 0 : i64, kind = #tpu.reduction_kind<sum>} : vector<16xi1> -> vector<16xi32>
    %eq3A_1084 = arith.constant 5 : i32
    %eq3A_1085 = vector.broadcast %eq3A_1084 : i32 to vector<16xi32>
    %eq3A_1086 = arith.cmpi eq, %iota3A, %eq3A_1085 : vector<16xi32>
    %jit3A_1087 = arith.constant 0 : i32
    %broadcast_in_dim3A_1088 = vector.broadcast %jit3A_1087 : i32 to vector<16xi32>
    %select_n3A_1089 = arith.select %eq3A_1086, %all_reduce_population_count3A_1083, %broadcast_in_dim3A_1088 : vector<16xi1>, vector<16xi32>
    %add3A_1090 = arith.addi %add3A_1056, %select_n3A_1089 : vector<16xi32>
    %eq3A_1091 = arith.constant 6 : i32
    %eq3A_1092 = vector.broadcast %eq3A_1091 : i32 to vector<16xi32>
    %eq3A_1093 = arith.cmpi eq, %get3A_884, %eq3A_1092 : vector<16xi32>
    %jit3A_1094 = arith.constant 1 : i32
    %jit3A_1095 = arith.constant 0 : i32
    %broadcast_in_dim3A_1096 = vector.broadcast %jit3A_1094 : i32 to vector<16xi32>
    %broadcast_in_dim3A_1097 = vector.broadcast %jit3A_1095 : i32 to vector<16xi32>
    %select_n3A_1098 = arith.select %eq3A_1093, %broadcast_in_dim3A_1096, %broadcast_in_dim3A_1097 : vector<16xi1>, vector<16xi32>
    %broadcast_in_dim3A_1099 = arith.constant true
    %broadcast_in_dim3A_1100 = vector.broadcast %broadcast_in_dim3A_1099 : i1 to vector<16xi1>
    %masked_cumsum3A_1101 = tpu.scan <sum>, %select_n3A_1098 masked %broadcast_in_dim3A_1100 : vector<16xi32>, vector<16xi1> -> vector<16xi32>
    %sub3A_1102 = arith.subi %masked_cumsum3A_1101, %select_n3A_1098 : vector<16xi32>
    %eq3A_1103 = arith.constant 6 : i32
    %eq3A_1104 = vector.broadcast %eq3A_1103 : i32 to vector<16xi32>
    %eq3A_1105 = arith.cmpi eq, %iota3A, %eq3A_1104 : vector<16xi32>
    %jit3A_1106 = arith.constant 0 : i32
    %broadcast_in_dim3A_1107 = vector.broadcast %jit3A_1106 : i32 to vector<16xi32>
    %select_n3A_1108 = arith.select %eq3A_1105, %add3A_1090, %broadcast_in_dim3A_1107 : vector<16xi1>, vector<16xi32>
    %reduce_sum3A_1109 = arith.constant true
    %reduce_sum3A_1110 = vector.broadcast %reduce_sum3A_1109 : i1 to vector<16xi1>
    %reduce_sum3A_1111 = tpu.scan <sum>, %select_n3A_1108 masked %reduce_sum3A_1110 : vector<16xi32>, vector<16xi1> -> vector<16xi32>
    %reduce_sum3A_1112 = vector.extract %reduce_sum3A_1111[15] : i32 from vector<16xi32>
    %add3A_1113 = vector.broadcast %reduce_sum3A_1112 : i32 to vector<16xi32>
    %add3A_1114 = arith.addi %add3A_1113, %sub3A_1102 : vector<16xi32>
    %mul3A_1115 = arith.muli %select_n3A_1098, %add3A_1114 : vector<16xi32>
    %add3A_1116 = arith.addi %add3A_1082, %mul3A_1115 : vector<16xi32>
    %all_reduce_population_count3A_1117 = tpu.all_reduce %eq3A_1093 {dim = 0 : i64, kind = #tpu.reduction_kind<sum>} : vector<16xi1> -> vector<16xi32>
    %eq3A_1118 = arith.constant 6 : i32
    %eq3A_1119 = vector.broadcast %eq3A_1118 : i32 to vector<16xi32>
    %eq3A_1120 = arith.cmpi eq, %iota3A, %eq3A_1119 : vector<16xi32>
    %jit3A_1121 = arith.constant 0 : i32
    %broadcast_in_dim3A_1122 = vector.broadcast %jit3A_1121 : i32 to vector<16xi32>
    %select_n3A_1123 = arith.select %eq3A_1120, %all_reduce_population_count3A_1117, %broadcast_in_dim3A_1122 : vector<16xi1>, vector<16xi32>
    %add3A_1124 = arith.addi %add3A_1090, %select_n3A_1123 : vector<16xi32>
    %eq3A_1125 = arith.constant 7 : i32
    %eq3A_1126 = vector.broadcast %eq3A_1125 : i32 to vector<16xi32>
    %eq3A_1127 = arith.cmpi eq, %get3A_884, %eq3A_1126 : vector<16xi32>
    %jit3A_1128 = arith.constant 1 : i32
    %jit3A_1129 = arith.constant 0 : i32
    %broadcast_in_dim3A_1130 = vector.broadcast %jit3A_1128 : i32 to vector<16xi32>
    %broadcast_in_dim3A_1131 = vector.broadcast %jit3A_1129 : i32 to vector<16xi32>
    %select_n3A_1132 = arith.select %eq3A_1127, %broadcast_in_dim3A_1130, %broadcast_in_dim3A_1131 : vector<16xi1>, vector<16xi32>
    %broadcast_in_dim3A_1133 = arith.constant true
    %broadcast_in_dim3A_1134 = vector.broadcast %broadcast_in_dim3A_1133 : i1 to vector<16xi1>
    %masked_cumsum3A_1135 = tpu.scan <sum>, %select_n3A_1132 masked %broadcast_in_dim3A_1134 : vector<16xi32>, vector<16xi1> -> vector<16xi32>
    %sub3A_1136 = arith.subi %masked_cumsum3A_1135, %select_n3A_1132 : vector<16xi32>
    %eq3A_1137 = arith.constant 7 : i32
    %eq3A_1138 = vector.broadcast %eq3A_1137 : i32 to vector<16xi32>
    %eq3A_1139 = arith.cmpi eq, %iota3A, %eq3A_1138 : vector<16xi32>
    %jit3A_1140 = arith.constant 0 : i32
    %broadcast_in_dim3A_1141 = vector.broadcast %jit3A_1140 : i32 to vector<16xi32>
    %select_n3A_1142 = arith.select %eq3A_1139, %add3A_1124, %broadcast_in_dim3A_1141 : vector<16xi1>, vector<16xi32>
    %reduce_sum3A_1143 = arith.constant true
    %reduce_sum3A_1144 = vector.broadcast %reduce_sum3A_1143 : i1 to vector<16xi1>
    %reduce_sum3A_1145 = tpu.scan <sum>, %select_n3A_1142 masked %reduce_sum3A_1144 : vector<16xi32>, vector<16xi1> -> vector<16xi32>
    %reduce_sum3A_1146 = vector.extract %reduce_sum3A_1145[15] : i32 from vector<16xi32>
    %add3A_1147 = vector.broadcast %reduce_sum3A_1146 : i32 to vector<16xi32>
    %add3A_1148 = arith.addi %add3A_1147, %sub3A_1136 : vector<16xi32>
    %mul3A_1149 = arith.muli %select_n3A_1132, %add3A_1148 : vector<16xi32>
    %add3A_1150 = arith.addi %add3A_1116, %mul3A_1149 : vector<16xi32>
    %all_reduce_population_count3A_1151 = tpu.all_reduce %eq3A_1127 {dim = 0 : i64, kind = #tpu.reduction_kind<sum>} : vector<16xi1> -> vector<16xi32>
    %eq3A_1152 = arith.constant 7 : i32
    %eq3A_1153 = vector.broadcast %eq3A_1152 : i32 to vector<16xi32>
    %eq3A_1154 = arith.cmpi eq, %iota3A, %eq3A_1153 : vector<16xi32>
    %jit3A_1155 = arith.constant 0 : i32
    %broadcast_in_dim3A_1156 = vector.broadcast %jit3A_1155 : i32 to vector<16xi32>
    %select_n3A_1157 = arith.select %eq3A_1154, %all_reduce_population_count3A_1151, %broadcast_in_dim3A_1156 : vector<16xi1>, vector<16xi32>
    %add3A_1158 = arith.addi %add3A_1124, %select_n3A_1157 : vector<16xi32>
    %swap3A_1159 = arith.constant 0 : i32
    %swap3A_1160 = arith.constant 0 : i32
    %swap3A_1161 = tpu.memref_slice %arg8[%swap3A_1159, %swap3A_1160] : memref<1x128xi32, #tpu.memory_space<vmem>> -> memref<1x128xi32, #tpu.memory_space<vmem>>
    %swap3A_1162 = tpu.memref_squeeze %swap3A_1161 : memref<1x128xi32, #tpu.memory_space<vmem>> -> memref<128xi32, #tpu.memory_space<vmem>>
    %swap3A_1163 = arith.constant 48 : index
    %swap3A_1164 = tpu.vector_load %swap3A_1162[%swap3A_1163] {strides = array<i32>} : memref<128xi32, #tpu.memory_space<vmem>>, vector<16xi32>,
    tpu.vector_store %swap3A_1162[%swap3A_1163], %add3A_1150 {strides = array<i32>} : memref<128xi32, #tpu.memory_space<vmem>>, vector<16xi32>,
    %mul3A_1165 = arith.constant 128 : i32
    %mul3A_1166 = arith.muli %add3A, %mul3A_1165 : i32
    %add3A_1167 = arith.constant 64 : i32
    %add3A_1168 = arith.addi %mul3A_1166, %add3A_1167 : i32
    %get3A_1169 = arith.index_cast %add3A_1168 : i32 to index
    %get3A_1170 = tpu.vector_load %arg7[%get3A_1169] {strides = array<i32>} : memref<4096xi32, #tpu.memory_space<vmem>>, vector<16xi32>,
    %broadcast_in_dim3A_1171 = arith.constant 0 : i32
    %broadcast_in_dim3A_1172 = vector.broadcast %broadcast_in_dim3A_1171 : i32 to vector<16xi32>
    %eq3A_1173 = arith.constant 0 : i32
    %eq3A_1174 = vector.broadcast %eq3A_1173 : i32 to vector<16xi32>
    %eq3A_1175 = arith.cmpi eq, %get3A_1170, %eq3A_1174 : vector<16xi32>
    %jit3A_1176 = arith.constant 1 : i32
    %jit3A_1177 = arith.constant 0 : i32
    %broadcast_in_dim3A_1178 = vector.broadcast %jit3A_1176 : i32 to vector<16xi32>
    %broadcast_in_dim3A_1179 = vector.broadcast %jit3A_1177 : i32 to vector<16xi32>
    %select_n3A_1180 = arith.select %eq3A_1175, %broadcast_in_dim3A_1178, %broadcast_in_dim3A_1179 : vector<16xi1>, vector<16xi32>
    %broadcast_in_dim3A_1181 = arith.constant true
    %broadcast_in_dim3A_1182 = vector.broadcast %broadcast_in_dim3A_1181 : i1 to vector<16xi1>
    %masked_cumsum3A_1183 = tpu.scan <sum>, %select_n3A_1180 masked %broadcast_in_dim3A_1182 : vector<16xi32>, vector<16xi1> -> vector<16xi32>
    %sub3A_1184 = arith.subi %masked_cumsum3A_1183, %select_n3A_1180 : vector<16xi32>
    %eq3A_1185 = arith.constant 0 : i32
    %eq3A_1186 = vector.broadcast %eq3A_1185 : i32 to vector<16xi32>
    %eq3A_1187 = arith.cmpi eq, %iota3A, %eq3A_1186 : vector<16xi32>
    %jit3A_1188 = arith.constant 0 : i32
    %broadcast_in_dim3A_1189 = vector.broadcast %jit3A_1188 : i32 to vector<16xi32>
    %select_n3A_1190 = arith.select %eq3A_1187, %add3A_1158, %broadcast_in_dim3A_1189 : vector<16xi1>, vector<16xi32>
    %reduce_sum3A_1191 = arith.constant true
    %reduce_sum3A_1192 = vector.broadcast %reduce_sum3A_1191 : i1 to vector<16xi1>
    %reduce_sum3A_1193 = tpu.scan <sum>, %select_n3A_1190 masked %reduce_sum3A_1192 : vector<16xi32>, vector<16xi1> -> vector<16xi32>
    %reduce_sum3A_1194 = vector.extract %reduce_sum3A_1193[15] : i32 from vector<16xi32>
    %add3A_1195 = vector.broadcast %reduce_sum3A_1194 : i32 to vector<16xi32>
    %add3A_1196 = arith.addi %add3A_1195, %sub3A_1184 : vector<16xi32>
    %mul3A_1197 = arith.muli %select_n3A_1180, %add3A_1196 : vector<16xi32>
    %add3A_1198 = arith.addi %broadcast_in_dim3A_1172, %mul3A_1197 : vector<16xi32>
    %all_reduce_population_count3A_1199 = tpu.all_reduce %eq3A_1175 {dim = 0 : i64, kind = #tpu.reduction_kind<sum>} : vector<16xi1> -> vector<16xi32>
    %eq3A_1200 = arith.constant 0 : i32
    %eq3A_1201 = vector.broadcast %eq3A_1200 : i32 to vector<16xi32>
    %eq3A_1202 = arith.cmpi eq, %iota3A, %eq3A_1201 : vector<16xi32>
    %jit3A_1203 = arith.constant 0 : i32
    %broadcast_in_dim3A_1204 = vector.broadcast %jit3A_1203 : i32 to vector<16xi32>
    %select_n3A_1205 = arith.select %eq3A_1202, %all_reduce_population_count3A_1199, %broadcast_in_dim3A_1204 : vector<16xi1>, vector<16xi32>
    %add3A_1206 = arith.addi %add3A_1158, %select_n3A_1205 : vector<16xi32>
    %eq3A_1207 = arith.constant 1 : i32
    %eq3A_1208 = vector.broadcast %eq3A_1207 : i32 to vector<16xi32>
    %eq3A_1209 = arith.cmpi eq, %get3A_1170, %eq3A_1208 : vector<16xi32>
    %jit3A_1210 = arith.constant 1 : i32
    %jit3A_1211 = arith.constant 0 : i32
    %broadcast_in_dim3A_1212 = vector.broadcast %jit3A_1210 : i32 to vector<16xi32>
    %broadcast_in_dim3A_1213 = vector.broadcast %jit3A_1211 : i32 to vector<16xi32>
    %select_n3A_1214 = arith.select %eq3A_1209, %broadcast_in_dim3A_1212, %broadcast_in_dim3A_1213 : vector<16xi1>, vector<16xi32>
    %broadcast_in_dim3A_1215 = arith.constant true
    %broadcast_in_dim3A_1216 = vector.broadcast %broadcast_in_dim3A_1215 : i1 to vector<16xi1>
    %masked_cumsum3A_1217 = tpu.scan <sum>, %select_n3A_1214 masked %broadcast_in_dim3A_1216 : vector<16xi32>, vector<16xi1> -> vector<16xi32>
    %sub3A_1218 = arith.subi %masked_cumsum3A_1217, %select_n3A_1214 : vector<16xi32>
    %eq3A_1219 = arith.constant 1 : i32
    %eq3A_1220 = vector.broadcast %eq3A_1219 : i32 to vector<16xi32>
    %eq3A_1221 = arith.cmpi eq, %iota3A, %eq3A_1220 : vector<16xi32>
    %jit3A_1222 = arith.constant 0 : i32
    %broadcast_in_dim3A_1223 = vector.broadcast %jit3A_1222 : i32 to vector<16xi32>
    %select_n3A_1224 = arith.select %eq3A_1221, %add3A_1206, %broadcast_in_dim3A_1223 : vector<16xi1>, vector<16xi32>
    %reduce_sum3A_1225 = arith.constant true
    %reduce_sum3A_1226 = vector.broadcast %reduce_sum3A_1225 : i1 to vector<16xi1>
    %reduce_sum3A_1227 = tpu.scan <sum>, %select_n3A_1224 masked %reduce_sum3A_1226 : vector<16xi32>, vector<16xi1> -> vector<16xi32>
    %reduce_sum3A_1228 = vector.extract %reduce_sum3A_1227[15] : i32 from vector<16xi32>
    %add3A_1229 = vector.broadcast %reduce_sum3A_1228 : i32 to vector<16xi32>
    %add3A_1230 = arith.addi %add3A_1229, %sub3A_1218 : vector<16xi32>
    %mul3A_1231 = arith.muli %select_n3A_1214, %add3A_1230 : vector<16xi32>
    %add3A_1232 = arith.addi %add3A_1198, %mul3A_1231 : vector<16xi32>
    %all_reduce_population_count3A_1233 = tpu.all_reduce %eq3A_1209 {dim = 0 : i64, kind = #tpu.reduction_kind<sum>} : vector<16xi1> -> vector<16xi32>
    %eq3A_1234 = arith.constant 1 : i32
    %eq3A_1235 = vector.broadcast %eq3A_1234 : i32 to vector<16xi32>
    %eq3A_1236 = arith.cmpi eq, %iota3A, %eq3A_1235 : vector<16xi32>
    %jit3A_1237 = arith.constant 0 : i32
    %broadcast_in_dim3A_1238 = vector.broadcast %jit3A_1237 : i32 to vector<16xi32>
    %select_n3A_1239 = arith.select %eq3A_1236, %all_reduce_population_count3A_1233, %broadcast_in_dim3A_1238 : vector<16xi1>, vector<16xi32>
    %add3A_1240 = arith.addi %add3A_1206, %select_n3A_1239 : vector<16xi32>
    %eq3A_1241 = arith.constant 2 : i32
    %eq3A_1242 = vector.broadcast %eq3A_1241 : i32 to vector<16xi32>
    %eq3A_1243 = arith.cmpi eq, %get3A_1170, %eq3A_1242 : vector<16xi32>
    %jit3A_1244 = arith.constant 1 : i32
    %jit3A_1245 = arith.constant 0 : i32
    %broadcast_in_dim3A_1246 = vector.broadcast %jit3A_1244 : i32 to vector<16xi32>
    %broadcast_in_dim3A_1247 = vector.broadcast %jit3A_1245 : i32 to vector<16xi32>
    %select_n3A_1248 = arith.select %eq3A_1243, %broadcast_in_dim3A_1246, %broadcast_in_dim3A_1247 : vector<16xi1>, vector<16xi32>
    %broadcast_in_dim3A_1249 = arith.constant true
    %broadcast_in_dim3A_1250 = vector.broadcast %broadcast_in_dim3A_1249 : i1 to vector<16xi1>
    %masked_cumsum3A_1251 = tpu.scan <sum>, %select_n3A_1248 masked %broadcast_in_dim3A_1250 : vector<16xi32>, vector<16xi1> -> vector<16xi32>
    %sub3A_1252 = arith.subi %masked_cumsum3A_1251, %select_n3A_1248 : vector<16xi32>
    %eq3A_1253 = arith.constant 2 : i32
    %eq3A_1254 = vector.broadcast %eq3A_1253 : i32 to vector<16xi32>
    %eq3A_1255 = arith.cmpi eq, %iota3A, %eq3A_1254 : vector<16xi32>
    %jit3A_1256 = arith.constant 0 : i32
    %broadcast_in_dim3A_1257 = vector.broadcast %jit3A_1256 : i32 to vector<16xi32>
    %select_n3A_1258 = arith.select %eq3A_1255, %add3A_1240, %broadcast_in_dim3A_1257 : vector<16xi1>, vector<16xi32>
    %reduce_sum3A_1259 = arith.constant true
    %reduce_sum3A_1260 = vector.broadcast %reduce_sum3A_1259 : i1 to vector<16xi1>
    %reduce_sum3A_1261 = tpu.scan <sum>, %select_n3A_1258 masked %reduce_sum3A_1260 : vector<16xi32>, vector<16xi1> -> vector<16xi32>
    %reduce_sum3A_1262 = vector.extract %reduce_sum3A_1261[15] : i32 from vector<16xi32>
    %add3A_1263 = vector.broadcast %reduce_sum3A_1262 : i32 to vector<16xi32>
    %add3A_1264 = arith.addi %add3A_1263, %sub3A_1252 : vector<16xi32>
    %mul3A_1265 = arith.muli %select_n3A_1248, %add3A_1264 : vector<16xi32>
    %add3A_1266 = arith.addi %add3A_1232, %mul3A_1265 : vector<16xi32>
    %all_reduce_population_count3A_1267 = tpu.all_reduce %eq3A_1243 {dim = 0 : i64, kind = #tpu.reduction_kind<sum>} : vector<16xi1> -> vector<16xi32>
    %eq3A_1268 = arith.constant 2 : i32
    %eq3A_1269 = vector.broadcast %eq3A_1268 : i32 to vector<16xi32>
    %eq3A_1270 = arith.cmpi eq, %iota3A, %eq3A_1269 : vector<16xi32>
    %jit3A_1271 = arith.constant 0 : i32
    %broadcast_in_dim3A_1272 = vector.broadcast %jit3A_1271 : i32 to vector<16xi32>
    %select_n3A_1273 = arith.select %eq3A_1270, %all_reduce_population_count3A_1267, %broadcast_in_dim3A_1272 : vector<16xi1>, vector<16xi32>
    %add3A_1274 = arith.addi %add3A_1240, %select_n3A_1273 : vector<16xi32>
    %eq3A_1275 = arith.constant 3 : i32
    %eq3A_1276 = vector.broadcast %eq3A_1275 : i32 to vector<16xi32>
    %eq3A_1277 = arith.cmpi eq, %get3A_1170, %eq3A_1276 : vector<16xi32>
    %jit3A_1278 = arith.constant 1 : i32
    %jit3A_1279 = arith.constant 0 : i32
    %broadcast_in_dim3A_1280 = vector.broadcast %jit3A_1278 : i32 to vector<16xi32>
    %broadcast_in_dim3A_1281 = vector.broadcast %jit3A_1279 : i32 to vector<16xi32>
    %select_n3A_1282 = arith.select %eq3A_1277, %broadcast_in_dim3A_1280, %broadcast_in_dim3A_1281 : vector<16xi1>, vector<16xi32>
    %broadcast_in_dim3A_1283 = arith.constant true
    %broadcast_in_dim3A_1284 = vector.broadcast %broadcast_in_dim3A_1283 : i1 to vector<16xi1>
    %masked_cumsum3A_1285 = tpu.scan <sum>, %select_n3A_1282 masked %broadcast_in_dim3A_1284 : vector<16xi32>, vector<16xi1> -> vector<16xi32>
    %sub3A_1286 = arith.subi %masked_cumsum3A_1285, %select_n3A_1282 : vector<16xi32>
    %eq3A_1287 = arith.constant 3 : i32
    %eq3A_1288 = vector.broadcast %eq3A_1287 : i32 to vector<16xi32>
    %eq3A_1289 = arith.cmpi eq, %iota3A, %eq3A_1288 : vector<16xi32>
    %jit3A_1290 = arith.constant 0 : i32
    %broadcast_in_dim3A_1291 = vector.broadcast %jit3A_1290 : i32 to vector<16xi32>
    %select_n3A_1292 = arith.select %eq3A_1289, %add3A_1274, %broadcast_in_dim3A_1291 : vector<16xi1>, vector<16xi32>
    %reduce_sum3A_1293 = arith.constant true
    %reduce_sum3A_1294 = vector.broadcast %reduce_sum3A_1293 : i1 to vector<16xi1>
    %reduce_sum3A_1295 = tpu.scan <sum>, %select_n3A_1292 masked %reduce_sum3A_1294 : vector<16xi32>, vector<16xi1> -> vector<16xi32>
    %reduce_sum3A_1296 = vector.extract %reduce_sum3A_1295[15] : i32 from vector<16xi32>
    %add3A_1297 = vector.broadcast %reduce_sum3A_1296 : i32 to vector<16xi32>
    %add3A_1298 = arith.addi %add3A_1297, %sub3A_1286 : vector<16xi32>
    %mul3A_1299 = arith.muli %select_n3A_1282, %add3A_1298 : vector<16xi32>
    %add3A_1300 = arith.addi %add3A_1266, %mul3A_1299 : vector<16xi32>
    %all_reduce_population_count3A_1301 = tpu.all_reduce %eq3A_1277 {dim = 0 : i64, kind = #tpu.reduction_kind<sum>} : vector<16xi1> -> vector<16xi32>
    %eq3A_1302 = arith.constant 3 : i32
    %eq3A_1303 = vector.broadcast %eq3A_1302 : i32 to vector<16xi32>
    %eq3A_1304 = arith.cmpi eq, %iota3A, %eq3A_1303 : vector<16xi32>
    %jit3A_1305 = arith.constant 0 : i32
    %broadcast_in_dim3A_1306 = vector.broadcast %jit3A_1305 : i32 to vector<16xi32>
    %select_n3A_1307 = arith.select %eq3A_1304, %all_reduce_population_count3A_1301, %broadcast_in_dim3A_1306 : vector<16xi1>, vector<16xi32>
    %add3A_1308 = arith.addi %add3A_1274, %select_n3A_1307 : vector<16xi32>
    %eq3A_1309 = arith.constant 4 : i32
    %eq3A_1310 = vector.broadcast %eq3A_1309 : i32 to vector<16xi32>
    %eq3A_1311 = arith.cmpi eq, %get3A_1170, %eq3A_1310 : vector<16xi32>
    %jit3A_1312 = arith.constant 1 : i32
    %jit3A_1313 = arith.constant 0 : i32
    %broadcast_in_dim3A_1314 = vector.broadcast %jit3A_1312 : i32 to vector<16xi32>
    %broadcast_in_dim3A_1315 = vector.broadcast %jit3A_1313 : i32 to vector<16xi32>
    %select_n3A_1316 = arith.select %eq3A_1311, %broadcast_in_dim3A_1314, %broadcast_in_dim3A_1315 : vector<16xi1>, vector<16xi32>
    %broadcast_in_dim3A_1317 = arith.constant true
    %broadcast_in_dim3A_1318 = vector.broadcast %broadcast_in_dim3A_1317 : i1 to vector<16xi1>
    %masked_cumsum3A_1319 = tpu.scan <sum>, %select_n3A_1316 masked %broadcast_in_dim3A_1318 : vector<16xi32>, vector<16xi1> -> vector<16xi32>
    %sub3A_1320 = arith.subi %masked_cumsum3A_1319, %select_n3A_1316 : vector<16xi32>
    %eq3A_1321 = arith.constant 4 : i32
    %eq3A_1322 = vector.broadcast %eq3A_1321 : i32 to vector<16xi32>
    %eq3A_1323 = arith.cmpi eq, %iota3A, %eq3A_1322 : vector<16xi32>
    %jit3A_1324 = arith.constant 0 : i32
    %broadcast_in_dim3A_1325 = vector.broadcast %jit3A_1324 : i32 to vector<16xi32>
    %select_n3A_1326 = arith.select %eq3A_1323, %add3A_1308, %broadcast_in_dim3A_1325 : vector<16xi1>, vector<16xi32>
    %reduce_sum3A_1327 = arith.constant true
    %reduce_sum3A_1328 = vector.broadcast %reduce_sum3A_1327 : i1 to vector<16xi1>
    %reduce_sum3A_1329 = tpu.scan <sum>, %select_n3A_1326 masked %reduce_sum3A_1328 : vector<16xi32>, vector<16xi1> -> vector<16xi32>
    %reduce_sum3A_1330 = vector.extract %reduce_sum3A_1329[15] : i32 from vector<16xi32>
    %add3A_1331 = vector.broadcast %reduce_sum3A_1330 : i32 to vector<16xi32>
    %add3A_1332 = arith.addi %add3A_1331, %sub3A_1320 : vector<16xi32>
    %mul3A_1333 = arith.muli %select_n3A_1316, %add3A_1332 : vector<16xi32>
    %add3A_1334 = arith.addi %add3A_1300, %mul3A_1333 : vector<16xi32>
    %all_reduce_population_count3A_1335 = tpu.all_reduce %eq3A_1311 {dim = 0 : i64, kind = #tpu.reduction_kind<sum>} : vector<16xi1> -> vector<16xi32>
    %eq3A_1336 = arith.constant 4 : i32
    %eq3A_1337 = vector.broadcast %eq3A_1336 : i32 to vector<16xi32>
    %eq3A_1338 = arith.cmpi eq, %iota3A, %eq3A_1337 : vector<16xi32>
    %jit3A_1339 = arith.constant 0 : i32
    %broadcast_in_dim3A_1340 = vector.broadcast %jit3A_1339 : i32 to vector<16xi32>
    %select_n3A_1341 = arith.select %eq3A_1338, %all_reduce_population_count3A_1335, %broadcast_in_dim3A_1340 : vector<16xi1>, vector<16xi32>
    %add3A_1342 = arith.addi %add3A_1308, %select_n3A_1341 : vector<16xi32>
    %eq3A_1343 = arith.constant 5 : i32
    %eq3A_1344 = vector.broadcast %eq3A_1343 : i32 to vector<16xi32>
    %eq3A_1345 = arith.cmpi eq, %get3A_1170, %eq3A_1344 : vector<16xi32>
    %jit3A_1346 = arith.constant 1 : i32
    %jit3A_1347 = arith.constant 0 : i32
    %broadcast_in_dim3A_1348 = vector.broadcast %jit3A_1346 : i32 to vector<16xi32>
    %broadcast_in_dim3A_1349 = vector.broadcast %jit3A_1347 : i32 to vector<16xi32>
    %select_n3A_1350 = arith.select %eq3A_1345, %broadcast_in_dim3A_1348, %broadcast_in_dim3A_1349 : vector<16xi1>, vector<16xi32>
    %broadcast_in_dim3A_1351 = arith.constant true
    %broadcast_in_dim3A_1352 = vector.broadcast %broadcast_in_dim3A_1351 : i1 to vector<16xi1>
    %masked_cumsum3A_1353 = tpu.scan <sum>, %select_n3A_1350 masked %broadcast_in_dim3A_1352 : vector<16xi32>, vector<16xi1> -> vector<16xi32>
    %sub3A_1354 = arith.subi %masked_cumsum3A_1353, %select_n3A_1350 : vector<16xi32>
    %eq3A_1355 = arith.constant 5 : i32
    %eq3A_1356 = vector.broadcast %eq3A_1355 : i32 to vector<16xi32>
    %eq3A_1357 = arith.cmpi eq, %iota3A, %eq3A_1356 : vector<16xi32>
    %jit3A_1358 = arith.constant 0 : i32
    %broadcast_in_dim3A_1359 = vector.broadcast %jit3A_1358 : i32 to vector<16xi32>
    %select_n3A_1360 = arith.select %eq3A_1357, %add3A_1342, %broadcast_in_dim3A_1359 : vector<16xi1>, vector<16xi32>
    %reduce_sum3A_1361 = arith.constant true
    %reduce_sum3A_1362 = vector.broadcast %reduce_sum3A_1361 : i1 to vector<16xi1>
    %reduce_sum3A_1363 = tpu.scan <sum>, %select_n3A_1360 masked %reduce_sum3A_1362 : vector<16xi32>, vector<16xi1> -> vector<16xi32>
    %reduce_sum3A_1364 = vector.extract %reduce_sum3A_1363[15] : i32 from vector<16xi32>
    %add3A_1365 = vector.broadcast %reduce_sum3A_1364 : i32 to vector<16xi32>
    %add3A_1366 = arith.addi %add3A_1365, %sub3A_1354 : vector<16xi32>
    %mul3A_1367 = arith.muli %select_n3A_1350, %add3A_1366 : vector<16xi32>
    %add3A_1368 = arith.addi %add3A_1334, %mul3A_1367 : vector<16xi32>
    %all_reduce_population_count3A_1369 = tpu.all_reduce %eq3A_1345 {dim = 0 : i64, kind = #tpu.reduction_kind<sum>} : vector<16xi1> -> vector<16xi32>
    %eq3A_1370 = arith.constant 5 : i32
    %eq3A_1371 = vector.broadcast %eq3A_1370 : i32 to vector<16xi32>
    %eq3A_1372 = arith.cmpi eq, %iota3A, %eq3A_1371 : vector<16xi32>
    %jit3A_1373 = arith.constant 0 : i32
    %broadcast_in_dim3A_1374 = vector.broadcast %jit3A_1373 : i32 to vector<16xi32>
    %select_n3A_1375 = arith.select %eq3A_1372, %all_reduce_population_count3A_1369, %broadcast_in_dim3A_1374 : vector<16xi1>, vector<16xi32>
    %add3A_1376 = arith.addi %add3A_1342, %select_n3A_1375 : vector<16xi32>
    %eq3A_1377 = arith.constant 6 : i32
    %eq3A_1378 = vector.broadcast %eq3A_1377 : i32 to vector<16xi32>
    %eq3A_1379 = arith.cmpi eq, %get3A_1170, %eq3A_1378 : vector<16xi32>
    %jit3A_1380 = arith.constant 1 : i32
    %jit3A_1381 = arith.constant 0 : i32
    %broadcast_in_dim3A_1382 = vector.broadcast %jit3A_1380 : i32 to vector<16xi32>
    %broadcast_in_dim3A_1383 = vector.broadcast %jit3A_1381 : i32 to vector<16xi32>
    %select_n3A_1384 = arith.select %eq3A_1379, %broadcast_in_dim3A_1382, %broadcast_in_dim3A_1383 : vector<16xi1>, vector<16xi32>
    %broadcast_in_dim3A_1385 = arith.constant true
    %broadcast_in_dim3A_1386 = vector.broadcast %broadcast_in_dim3A_1385 : i1 to vector<16xi1>
    %masked_cumsum3A_1387 = tpu.scan <sum>, %select_n3A_1384 masked %broadcast_in_dim3A_1386 : vector<16xi32>, vector<16xi1> -> vector<16xi32>
    %sub3A_1388 = arith.subi %masked_cumsum3A_1387, %select_n3A_1384 : vector<16xi32>
    %eq3A_1389 = arith.constant 6 : i32
    %eq3A_1390 = vector.broadcast %eq3A_1389 : i32 to vector<16xi32>
    %eq3A_1391 = arith.cmpi eq, %iota3A, %eq3A_1390 : vector<16xi32>
    %jit3A_1392 = arith.constant 0 : i32
    %broadcast_in_dim3A_1393 = vector.broadcast %jit3A_1392 : i32 to vector<16xi32>
    %select_n3A_1394 = arith.select %eq3A_1391, %add3A_1376, %broadcast_in_dim3A_1393 : vector<16xi1>, vector<16xi32>
    %reduce_sum3A_1395 = arith.constant true
    %reduce_sum3A_1396 = vector.broadcast %reduce_sum3A_1395 : i1 to vector<16xi1>
    %reduce_sum3A_1397 = tpu.scan <sum>, %select_n3A_1394 masked %reduce_sum3A_1396 : vector<16xi32>, vector<16xi1> -> vector<16xi32>
    %reduce_sum3A_1398 = vector.extract %reduce_sum3A_1397[15] : i32 from vector<16xi32>
    %add3A_1399 = vector.broadcast %reduce_sum3A_1398 : i32 to vector<16xi32>
    %add3A_1400 = arith.addi %add3A_1399, %sub3A_1388 : vector<16xi32>
    %mul3A_1401 = arith.muli %select_n3A_1384, %add3A_1400 : vector<16xi32>
    %add3A_1402 = arith.addi %add3A_1368, %mul3A_1401 : vector<16xi32>
    %all_reduce_population_count3A_1403 = tpu.all_reduce %eq3A_1379 {dim = 0 : i64, kind = #tpu.reduction_kind<sum>} : vector<16xi1> -> vector<16xi32>
    %eq3A_1404 = arith.constant 6 : i32
    %eq3A_1405 = vector.broadcast %eq3A_1404 : i32 to vector<16xi32>
    %eq3A_1406 = arith.cmpi eq, %iota3A, %eq3A_1405 : vector<16xi32>
    %jit3A_1407 = arith.constant 0 : i32
    %broadcast_in_dim3A_1408 = vector.broadcast %jit3A_1407 : i32 to vector<16xi32>
    %select_n3A_1409 = arith.select %eq3A_1406, %all_reduce_population_count3A_1403, %broadcast_in_dim3A_1408 : vector<16xi1>, vector<16xi32>
    %add3A_1410 = arith.addi %add3A_1376, %select_n3A_1409 : vector<16xi32>
    %eq3A_1411 = arith.constant 7 : i32
    %eq3A_1412 = vector.broadcast %eq3A_1411 : i32 to vector<16xi32>
    %eq3A_1413 = arith.cmpi eq, %get3A_1170, %eq3A_1412 : vector<16xi32>
    %jit3A_1414 = arith.constant 1 : i32
    %jit3A_1415 = arith.constant 0 : i32
    %broadcast_in_dim3A_1416 = vector.broadcast %jit3A_1414 : i32 to vector<16xi32>
    %broadcast_in_dim3A_1417 = vector.broadcast %jit3A_1415 : i32 to vector<16xi32>
    %select_n3A_1418 = arith.select %eq3A_1413, %broadcast_in_dim3A_1416, %broadcast_in_dim3A_1417 : vector<16xi1>, vector<16xi32>
    %broadcast_in_dim3A_1419 = arith.constant true
    %broadcast_in_dim3A_1420 = vector.broadcast %broadcast_in_dim3A_1419 : i1 to vector<16xi1>
    %masked_cumsum3A_1421 = tpu.scan <sum>, %select_n3A_1418 masked %broadcast_in_dim3A_1420 : vector<16xi32>, vector<16xi1> -> vector<16xi32>
    %sub3A_1422 = arith.subi %masked_cumsum3A_1421, %select_n3A_1418 : vector<16xi32>
    %eq3A_1423 = arith.constant 7 : i32
    %eq3A_1424 = vector.broadcast %eq3A_1423 : i32 to vector<16xi32>
    %eq3A_1425 = arith.cmpi eq, %iota3A, %eq3A_1424 : vector<16xi32>
    %jit3A_1426 = arith.constant 0 : i32
    %broadcast_in_dim3A_1427 = vector.broadcast %jit3A_1426 : i32 to vector<16xi32>
    %select_n3A_1428 = arith.select %eq3A_1425, %add3A_1410, %broadcast_in_dim3A_1427 : vector<16xi1>, vector<16xi32>
    %reduce_sum3A_1429 = arith.constant true
    %reduce_sum3A_1430 = vector.broadcast %reduce_sum3A_1429 : i1 to vector<16xi1>
    %reduce_sum3A_1431 = tpu.scan <sum>, %select_n3A_1428 masked %reduce_sum3A_1430 : vector<16xi32>, vector<16xi1> -> vector<16xi32>
    %reduce_sum3A_1432 = vector.extract %reduce_sum3A_1431[15] : i32 from vector<16xi32>
    %add3A_1433 = vector.broadcast %reduce_sum3A_1432 : i32 to vector<16xi32>
    %add3A_1434 = arith.addi %add3A_1433, %sub3A_1422 : vector<16xi32>
    %mul3A_1435 = arith.muli %select_n3A_1418, %add3A_1434 : vector<16xi32>
    %add3A_1436 = arith.addi %add3A_1402, %mul3A_1435 : vector<16xi32>
    %all_reduce_population_count3A_1437 = tpu.all_reduce %eq3A_1413 {dim = 0 : i64, kind = #tpu.reduction_kind<sum>} : vector<16xi1> -> vector<16xi32>
    %eq3A_1438 = arith.constant 7 : i32
    %eq3A_1439 = vector.broadcast %eq3A_1438 : i32 to vector<16xi32>
    %eq3A_1440 = arith.cmpi eq, %iota3A, %eq3A_1439 : vector<16xi32>
    %jit3A_1441 = arith.constant 0 : i32
    %broadcast_in_dim3A_1442 = vector.broadcast %jit3A_1441 : i32 to vector<16xi32>
    %select_n3A_1443 = arith.select %eq3A_1440, %all_reduce_population_count3A_1437, %broadcast_in_dim3A_1442 : vector<16xi1>, vector<16xi32>
    %add3A_1444 = arith.addi %add3A_1410, %select_n3A_1443 : vector<16xi32>
    %swap3A_1445 = arith.constant 0 : i32
    %swap3A_1446 = arith.constant 0 : i32
    %swap3A_1447 = tpu.memref_slice %arg8[%swap3A_1445, %swap3A_1446] : memref<1x128xi32, #tpu.memory_space<vmem>> -> memref<1x128xi32, #tpu.memory_space<vmem>>
    %swap3A_1448 = tpu.memref_squeeze %swap3A_1447 : memref<1x128xi32, #tpu.memory_space<vmem>> -> memref<128xi32, #tpu.memory_space<vmem>>
    %swap3A_1449 = arith.constant 64 : index
    %swap3A_1450 = tpu.vector_load %swap3A_1448[%swap3A_1449] {strides = array<i32>} : memref<128xi32, #tpu.memory_space<vmem>>, vector<16xi32>,
    tpu.vector_store %swap3A_1448[%swap3A_1449], %add3A_1436 {strides = array<i32>} : memref<128xi32, #tpu.memory_space<vmem>>, vector<16xi32>,
    %mul3A_1451 = arith.constant 128 : i32
    %mul3A_1452 = arith.muli %add3A, %mul3A_1451 : i32
    %add3A_1453 = arith.constant 80 : i32
    %add3A_1454 = arith.addi %mul3A_1452, %add3A_1453 : i32
    %get3A_1455 = arith.index_cast %add3A_1454 : i32 to index
    %get3A_1456 = tpu.vector_load %arg7[%get3A_1455] {strides = array<i32>} : memref<4096xi32, #tpu.memory_space<vmem>>, vector<16xi32>,
    %broadcast_in_dim3A_1457 = arith.constant 0 : i32
    %broadcast_in_dim3A_1458 = vector.broadcast %broadcast_in_dim3A_1457 : i32 to vector<16xi32>
    %eq3A_1459 = arith.constant 0 : i32
    %eq3A_1460 = vector.broadcast %eq3A_1459 : i32 to vector<16xi32>
    %eq3A_1461 = arith.cmpi eq, %get3A_1456, %eq3A_1460 : vector<16xi32>
    %jit3A_1462 = arith.constant 1 : i32
    %jit3A_1463 = arith.constant 0 : i32
    %broadcast_in_dim3A_1464 = vector.broadcast %jit3A_1462 : i32 to vector<16xi32>
    %broadcast_in_dim3A_1465 = vector.broadcast %jit3A_1463 : i32 to vector<16xi32>
    %select_n3A_1466 = arith.select %eq3A_1461, %broadcast_in_dim3A_1464, %broadcast_in_dim3A_1465 : vector<16xi1>, vector<16xi32>
    %broadcast_in_dim3A_1467 = arith.constant true
    %broadcast_in_dim3A_1468 = vector.broadcast %broadcast_in_dim3A_1467 : i1 to vector<16xi1>
    %masked_cumsum3A_1469 = tpu.scan <sum>, %select_n3A_1466 masked %broadcast_in_dim3A_1468 : vector<16xi32>, vector<16xi1> -> vector<16xi32>
    %sub3A_1470 = arith.subi %masked_cumsum3A_1469, %select_n3A_1466 : vector<16xi32>
    %eq3A_1471 = arith.constant 0 : i32
    %eq3A_1472 = vector.broadcast %eq3A_1471 : i32 to vector<16xi32>
    %eq3A_1473 = arith.cmpi eq, %iota3A, %eq3A_1472 : vector<16xi32>
    %jit3A_1474 = arith.constant 0 : i32
    %broadcast_in_dim3A_1475 = vector.broadcast %jit3A_1474 : i32 to vector<16xi32>
    %select_n3A_1476 = arith.select %eq3A_1473, %add3A_1444, %broadcast_in_dim3A_1475 : vector<16xi1>, vector<16xi32>
    %reduce_sum3A_1477 = arith.constant true
    %reduce_sum3A_1478 = vector.broadcast %reduce_sum3A_1477 : i1 to vector<16xi1>
    %reduce_sum3A_1479 = tpu.scan <sum>, %select_n3A_1476 masked %reduce_sum3A_1478 : vector<16xi32>, vector<16xi1> -> vector<16xi32>
    %reduce_sum3A_1480 = vector.extract %reduce_sum3A_1479[15] : i32 from vector<16xi32>
    %add3A_1481 = vector.broadcast %reduce_sum3A_1480 : i32 to vector<16xi32>
    %add3A_1482 = arith.addi %add3A_1481, %sub3A_1470 : vector<16xi32>
    %mul3A_1483 = arith.muli %select_n3A_1466, %add3A_1482 : vector<16xi32>
    %add3A_1484 = arith.addi %broadcast_in_dim3A_1458, %mul3A_1483 : vector<16xi32>
    %all_reduce_population_count3A_1485 = tpu.all_reduce %eq3A_1461 {dim = 0 : i64, kind = #tpu.reduction_kind<sum>} : vector<16xi1> -> vector<16xi32>
    %eq3A_1486 = arith.constant 0 : i32
    %eq3A_1487 = vector.broadcast %eq3A_1486 : i32 to vector<16xi32>
    %eq3A_1488 = arith.cmpi eq, %iota3A, %eq3A_1487 : vector<16xi32>
    %jit3A_1489 = arith.constant 0 : i32
    %broadcast_in_dim3A_1490 = vector.broadcast %jit3A_1489 : i32 to vector<16xi32>
    %select_n3A_1491 = arith.select %eq3A_1488, %all_reduce_population_count3A_1485, %broadcast_in_dim3A_1490 : vector<16xi1>, vector<16xi32>
    %add3A_1492 = arith.addi %add3A_1444, %select_n3A_1491 : vector<16xi32>
    %eq3A_1493 = arith.constant 1 : i32
    %eq3A_1494 = vector.broadcast %eq3A_1493 : i32 to vector<16xi32>
    %eq3A_1495 = arith.cmpi eq, %get3A_1456, %eq3A_1494 : vector<16xi32>
    %jit3A_1496 = arith.constant 1 : i32
    %jit3A_1497 = arith.constant 0 : i32
    %broadcast_in_dim3A_1498 = vector.broadcast %jit3A_1496 : i32 to vector<16xi32>
    %broadcast_in_dim3A_1499 = vector.broadcast %jit3A_1497 : i32 to vector<16xi32>
    %select_n3A_1500 = arith.select %eq3A_1495, %broadcast_in_dim3A_1498, %broadcast_in_dim3A_1499 : vector<16xi1>, vector<16xi32>
    %broadcast_in_dim3A_1501 = arith.constant true
    %broadcast_in_dim3A_1502 = vector.broadcast %broadcast_in_dim3A_1501 : i1 to vector<16xi1>
    %masked_cumsum3A_1503 = tpu.scan <sum>, %select_n3A_1500 masked %broadcast_in_dim3A_1502 : vector<16xi32>, vector<16xi1> -> vector<16xi32>
    %sub3A_1504 = arith.subi %masked_cumsum3A_1503, %select_n3A_1500 : vector<16xi32>
    %eq3A_1505 = arith.constant 1 : i32
    %eq3A_1506 = vector.broadcast %eq3A_1505 : i32 to vector<16xi32>
    %eq3A_1507 = arith.cmpi eq, %iota3A, %eq3A_1506 : vector<16xi32>
    %jit3A_1508 = arith.constant 0 : i32
    %broadcast_in_dim3A_1509 = vector.broadcast %jit3A_1508 : i32 to vector<16xi32>
    %select_n3A_1510 = arith.select %eq3A_1507, %add3A_1492, %broadcast_in_dim3A_1509 : vector<16xi1>, vector<16xi32>
    %reduce_sum3A_1511 = arith.constant true
    %reduce_sum3A_1512 = vector.broadcast %reduce_sum3A_1511 : i1 to vector<16xi1>
    %reduce_sum3A_1513 = tpu.scan <sum>, %select_n3A_1510 masked %reduce_sum3A_1512 : vector<16xi32>, vector<16xi1> -> vector<16xi32>
    %reduce_sum3A_1514 = vector.extract %reduce_sum3A_1513[15] : i32 from vector<16xi32>
    %add3A_1515 = vector.broadcast %reduce_sum3A_1514 : i32 to vector<16xi32>
    %add3A_1516 = arith.addi %add3A_1515, %sub3A_1504 : vector<16xi32>
    %mul3A_1517 = arith.muli %select_n3A_1500, %add3A_1516 : vector<16xi32>
    %add3A_1518 = arith.addi %add3A_1484, %mul3A_1517 : vector<16xi32>
    %all_reduce_population_count3A_1519 = tpu.all_reduce %eq3A_1495 {dim = 0 : i64, kind = #tpu.reduction_kind<sum>} : vector<16xi1> -> vector<16xi32>
    %eq3A_1520 = arith.constant 1 : i32
    %eq3A_1521 = vector.broadcast %eq3A_1520 : i32 to vector<16xi32>
    %eq3A_1522 = arith.cmpi eq, %iota3A, %eq3A_1521 : vector<16xi32>
    %jit3A_1523 = arith.constant 0 : i32
    %broadcast_in_dim3A_1524 = vector.broadcast %jit3A_1523 : i32 to vector<16xi32>
    %select_n3A_1525 = arith.select %eq3A_1522, %all_reduce_population_count3A_1519, %broadcast_in_dim3A_1524 : vector<16xi1>, vector<16xi32>
    %add3A_1526 = arith.addi %add3A_1492, %select_n3A_1525 : vector<16xi32>
    %eq3A_1527 = arith.constant 2 : i32
    %eq3A_1528 = vector.broadcast %eq3A_1527 : i32 to vector<16xi32>
    %eq3A_1529 = arith.cmpi eq, %get3A_1456, %eq3A_1528 : vector<16xi32>
    %jit3A_1530 = arith.constant 1 : i32
    %jit3A_1531 = arith.constant 0 : i32
    %broadcast_in_dim3A_1532 = vector.broadcast %jit3A_1530 : i32 to vector<16xi32>
    %broadcast_in_dim3A_1533 = vector.broadcast %jit3A_1531 : i32 to vector<16xi32>
    %select_n3A_1534 = arith.select %eq3A_1529, %broadcast_in_dim3A_1532, %broadcast_in_dim3A_1533 : vector<16xi1>, vector<16xi32>
    %broadcast_in_dim3A_1535 = arith.constant true
    %broadcast_in_dim3A_1536 = vector.broadcast %broadcast_in_dim3A_1535 : i1 to vector<16xi1>
    %masked_cumsum3A_1537 = tpu.scan <sum>, %select_n3A_1534 masked %broadcast_in_dim3A_1536 : vector<16xi32>, vector<16xi1> -> vector<16xi32>
    %sub3A_1538 = arith.subi %masked_cumsum3A_1537, %select_n3A_1534 : vector<16xi32>
    %eq3A_1539 = arith.constant 2 : i32
    %eq3A_1540 = vector.broadcast %eq3A_1539 : i32 to vector<16xi32>
    %eq3A_1541 = arith.cmpi eq, %iota3A, %eq3A_1540 : vector<16xi32>
    %jit3A_1542 = arith.constant 0 : i32
    %broadcast_in_dim3A_1543 = vector.broadcast %jit3A_1542 : i32 to vector<16xi32>
    %select_n3A_1544 = arith.select %eq3A_1541, %add3A_1526, %broadcast_in_dim3A_1543 : vector<16xi1>, vector<16xi32>
    %reduce_sum3A_1545 = arith.constant true
    %reduce_sum3A_1546 = vector.broadcast %reduce_sum3A_1545 : i1 to vector<16xi1>
    %reduce_sum3A_1547 = tpu.scan <sum>, %select_n3A_1544 masked %reduce_sum3A_1546 : vector<16xi32>, vector<16xi1> -> vector<16xi32>
    %reduce_sum3A_1548 = vector.extract %reduce_sum3A_1547[15] : i32 from vector<16xi32>
    %add3A_1549 = vector.broadcast %reduce_sum3A_1548 : i32 to vector<16xi32>
    %add3A_1550 = arith.addi %add3A_1549, %sub3A_1538 : vector<16xi32>
    %mul3A_1551 = arith.muli %select_n3A_1534, %add3A_1550 : vector<16xi32>
    %add3A_1552 = arith.addi %add3A_1518, %mul3A_1551 : vector<16xi32>
    %all_reduce_population_count3A_1553 = tpu.all_reduce %eq3A_1529 {dim = 0 : i64, kind = #tpu.reduction_kind<sum>} : vector<16xi1> -> vector<16xi32>
    %eq3A_1554 = arith.constant 2 : i32
    %eq3A_1555 = vector.broadcast %eq3A_1554 : i32 to vector<16xi32>
    %eq3A_1556 = arith.cmpi eq, %iota3A, %eq3A_1555 : vector<16xi32>
    %jit3A_1557 = arith.constant 0 : i32
    %broadcast_in_dim3A_1558 = vector.broadcast %jit3A_1557 : i32 to vector<16xi32>
    %select_n3A_1559 = arith.select %eq3A_1556, %all_reduce_population_count3A_1553, %broadcast_in_dim3A_1558 : vector<16xi1>, vector<16xi32>
    %add3A_1560 = arith.addi %add3A_1526, %select_n3A_1559 : vector<16xi32>
    %eq3A_1561 = arith.constant 3 : i32
    %eq3A_1562 = vector.broadcast %eq3A_1561 : i32 to vector<16xi32>
    %eq3A_1563 = arith.cmpi eq, %get3A_1456, %eq3A_1562 : vector<16xi32>
    %jit3A_1564 = arith.constant 1 : i32
    %jit3A_1565 = arith.constant 0 : i32
    %broadcast_in_dim3A_1566 = vector.broadcast %jit3A_1564 : i32 to vector<16xi32>
    %broadcast_in_dim3A_1567 = vector.broadcast %jit3A_1565 : i32 to vector<16xi32>
    %select_n3A_1568 = arith.select %eq3A_1563, %broadcast_in_dim3A_1566, %broadcast_in_dim3A_1567 : vector<16xi1>, vector<16xi32>
    %broadcast_in_dim3A_1569 = arith.constant true
    %broadcast_in_dim3A_1570 = vector.broadcast %broadcast_in_dim3A_1569 : i1 to vector<16xi1>
    %masked_cumsum3A_1571 = tpu.scan <sum>, %select_n3A_1568 masked %broadcast_in_dim3A_1570 : vector<16xi32>, vector<16xi1> -> vector<16xi32>
    %sub3A_1572 = arith.subi %masked_cumsum3A_1571, %select_n3A_1568 : vector<16xi32>
    %eq3A_1573 = arith.constant 3 : i32
    %eq3A_1574 = vector.broadcast %eq3A_1573 : i32 to vector<16xi32>
    %eq3A_1575 = arith.cmpi eq, %iota3A, %eq3A_1574 : vector<16xi32>
    %jit3A_1576 = arith.constant 0 : i32
    %broadcast_in_dim3A_1577 = vector.broadcast %jit3A_1576 : i32 to vector<16xi32>
    %select_n3A_1578 = arith.select %eq3A_1575, %add3A_1560, %broadcast_in_dim3A_1577 : vector<16xi1>, vector<16xi32>
    %reduce_sum3A_1579 = arith.constant true
    %reduce_sum3A_1580 = vector.broadcast %reduce_sum3A_1579 : i1 to vector<16xi1>
    %reduce_sum3A_1581 = tpu.scan <sum>, %select_n3A_1578 masked %reduce_sum3A_1580 : vector<16xi32>, vector<16xi1> -> vector<16xi32>
    %reduce_sum3A_1582 = vector.extract %reduce_sum3A_1581[15] : i32 from vector<16xi32>
    %add3A_1583 = vector.broadcast %reduce_sum3A_1582 : i32 to vector<16xi32>
    %add3A_1584 = arith.addi %add3A_1583, %sub3A_1572 : vector<16xi32>
    %mul3A_1585 = arith.muli %select_n3A_1568, %add3A_1584 : vector<16xi32>
    %add3A_1586 = arith.addi %add3A_1552, %mul3A_1585 : vector<16xi32>
    %all_reduce_population_count3A_1587 = tpu.all_reduce %eq3A_1563 {dim = 0 : i64, kind = #tpu.reduction_kind<sum>} : vector<16xi1> -> vector<16xi32>
    %eq3A_1588 = arith.constant 3 : i32
    %eq3A_1589 = vector.broadcast %eq3A_1588 : i32 to vector<16xi32>
    %eq3A_1590 = arith.cmpi eq, %iota3A, %eq3A_1589 : vector<16xi32>
    %jit3A_1591 = arith.constant 0 : i32
    %broadcast_in_dim3A_1592 = vector.broadcast %jit3A_1591 : i32 to vector<16xi32>
    %select_n3A_1593 = arith.select %eq3A_1590, %all_reduce_population_count3A_1587, %broadcast_in_dim3A_1592 : vector<16xi1>, vector<16xi32>
    %add3A_1594 = arith.addi %add3A_1560, %select_n3A_1593 : vector<16xi32>
    %eq3A_1595 = arith.constant 4 : i32
    %eq3A_1596 = vector.broadcast %eq3A_1595 : i32 to vector<16xi32>
    %eq3A_1597 = arith.cmpi eq, %get3A_1456, %eq3A_1596 : vector<16xi32>
    %jit3A_1598 = arith.constant 1 : i32
    %jit3A_1599 = arith.constant 0 : i32
    %broadcast_in_dim3A_1600 = vector.broadcast %jit3A_1598 : i32 to vector<16xi32>
    %broadcast_in_dim3A_1601 = vector.broadcast %jit3A_1599 : i32 to vector<16xi32>
    %select_n3A_1602 = arith.select %eq3A_1597, %broadcast_in_dim3A_1600, %broadcast_in_dim3A_1601 : vector<16xi1>, vector<16xi32>
    %broadcast_in_dim3A_1603 = arith.constant true
    %broadcast_in_dim3A_1604 = vector.broadcast %broadcast_in_dim3A_1603 : i1 to vector<16xi1>
    %masked_cumsum3A_1605 = tpu.scan <sum>, %select_n3A_1602 masked %broadcast_in_dim3A_1604 : vector<16xi32>, vector<16xi1> -> vector<16xi32>
    %sub3A_1606 = arith.subi %masked_cumsum3A_1605, %select_n3A_1602 : vector<16xi32>
    %eq3A_1607 = arith.constant 4 : i32
    %eq3A_1608 = vector.broadcast %eq3A_1607 : i32 to vector<16xi32>
    %eq3A_1609 = arith.cmpi eq, %iota3A, %eq3A_1608 : vector<16xi32>
    %jit3A_1610 = arith.constant 0 : i32
    %broadcast_in_dim3A_1611 = vector.broadcast %jit3A_1610 : i32 to vector<16xi32>
    %select_n3A_1612 = arith.select %eq3A_1609, %add3A_1594, %broadcast_in_dim3A_1611 : vector<16xi1>, vector<16xi32>
    %reduce_sum3A_1613 = arith.constant true
    %reduce_sum3A_1614 = vector.broadcast %reduce_sum3A_1613 : i1 to vector<16xi1>
    %reduce_sum3A_1615 = tpu.scan <sum>, %select_n3A_1612 masked %reduce_sum3A_1614 : vector<16xi32>, vector<16xi1> -> vector<16xi32>
    %reduce_sum3A_1616 = vector.extract %reduce_sum3A_1615[15] : i32 from vector<16xi32>
    %add3A_1617 = vector.broadcast %reduce_sum3A_1616 : i32 to vector<16xi32>
    %add3A_1618 = arith.addi %add3A_1617, %sub3A_1606 : vector<16xi32>
    %mul3A_1619 = arith.muli %select_n3A_1602, %add3A_1618 : vector<16xi32>
    %add3A_1620 = arith.addi %add3A_1586, %mul3A_1619 : vector<16xi32>
    %all_reduce_population_count3A_1621 = tpu.all_reduce %eq3A_1597 {dim = 0 : i64, kind = #tpu.reduction_kind<sum>} : vector<16xi1> -> vector<16xi32>
    %eq3A_1622 = arith.constant 4 : i32
    %eq3A_1623 = vector.broadcast %eq3A_1622 : i32 to vector<16xi32>
    %eq3A_1624 = arith.cmpi eq, %iota3A, %eq3A_1623 : vector<16xi32>
    %jit3A_1625 = arith.constant 0 : i32
    %broadcast_in_dim3A_1626 = vector.broadcast %jit3A_1625 : i32 to vector<16xi32>
    %select_n3A_1627 = arith.select %eq3A_1624, %all_reduce_population_count3A_1621, %broadcast_in_dim3A_1626 : vector<16xi1>, vector<16xi32>
    %add3A_1628 = arith.addi %add3A_1594, %select_n3A_1627 : vector<16xi32>
    %eq3A_1629 = arith.constant 5 : i32
    %eq3A_1630 = vector.broadcast %eq3A_1629 : i32 to vector<16xi32>
    %eq3A_1631 = arith.cmpi eq, %get3A_1456, %eq3A_1630 : vector<16xi32>
    %jit3A_1632 = arith.constant 1 : i32
    %jit3A_1633 = arith.constant 0 : i32
    %broadcast_in_dim3A_1634 = vector.broadcast %jit3A_1632 : i32 to vector<16xi32>
    %broadcast_in_dim3A_1635 = vector.broadcast %jit3A_1633 : i32 to vector<16xi32>
    %select_n3A_1636 = arith.select %eq3A_1631, %broadcast_in_dim3A_1634, %broadcast_in_dim3A_1635 : vector<16xi1>, vector<16xi32>
    %broadcast_in_dim3A_1637 = arith.constant true
    %broadcast_in_dim3A_1638 = vector.broadcast %broadcast_in_dim3A_1637 : i1 to vector<16xi1>
    %masked_cumsum3A_1639 = tpu.scan <sum>, %select_n3A_1636 masked %broadcast_in_dim3A_1638 : vector<16xi32>, vector<16xi1> -> vector<16xi32>
    %sub3A_1640 = arith.subi %masked_cumsum3A_1639, %select_n3A_1636 : vector<16xi32>
    %eq3A_1641 = arith.constant 5 : i32
    %eq3A_1642 = vector.broadcast %eq3A_1641 : i32 to vector<16xi32>
    %eq3A_1643 = arith.cmpi eq, %iota3A, %eq3A_1642 : vector<16xi32>
    %jit3A_1644 = arith.constant 0 : i32
    %broadcast_in_dim3A_1645 = vector.broadcast %jit3A_1644 : i32 to vector<16xi32>
    %select_n3A_1646 = arith.select %eq3A_1643, %add3A_1628, %broadcast_in_dim3A_1645 : vector<16xi1>, vector<16xi32>
    %reduce_sum3A_1647 = arith.constant true
    %reduce_sum3A_1648 = vector.broadcast %reduce_sum3A_1647 : i1 to vector<16xi1>
    %reduce_sum3A_1649 = tpu.scan <sum>, %select_n3A_1646 masked %reduce_sum3A_1648 : vector<16xi32>, vector<16xi1> -> vector<16xi32>
    %reduce_sum3A_1650 = vector.extract %reduce_sum3A_1649[15] : i32 from vector<16xi32>
    %add3A_1651 = vector.broadcast %reduce_sum3A_1650 : i32 to vector<16xi32>
    %add3A_1652 = arith.addi %add3A_1651, %sub3A_1640 : vector<16xi32>
    %mul3A_1653 = arith.muli %select_n3A_1636, %add3A_1652 : vector<16xi32>
    %add3A_1654 = arith.addi %add3A_1620, %mul3A_1653 : vector<16xi32>
    %all_reduce_population_count3A_1655 = tpu.all_reduce %eq3A_1631 {dim = 0 : i64, kind = #tpu.reduction_kind<sum>} : vector<16xi1> -> vector<16xi32>
    %eq3A_1656 = arith.constant 5 : i32
    %eq3A_1657 = vector.broadcast %eq3A_1656 : i32 to vector<16xi32>
    %eq3A_1658 = arith.cmpi eq, %iota3A, %eq3A_1657 : vector<16xi32>
    %jit3A_1659 = arith.constant 0 : i32
    %broadcast_in_dim3A_1660 = vector.broadcast %jit3A_1659 : i32 to vector<16xi32>
    %select_n3A_1661 = arith.select %eq3A_1658, %all_reduce_population_count3A_1655, %broadcast_in_dim3A_1660 : vector<16xi1>, vector<16xi32>
    %add3A_1662 = arith.addi %add3A_1628, %select_n3A_1661 : vector<16xi32>
    %eq3A_1663 = arith.constant 6 : i32
    %eq3A_1664 = vector.broadcast %eq3A_1663 : i32 to vector<16xi32>
    %eq3A_1665 = arith.cmpi eq, %get3A_1456, %eq3A_1664 : vector<16xi32>
    %jit3A_1666 = arith.constant 1 : i32
    %jit3A_1667 = arith.constant 0 : i32
    %broadcast_in_dim3A_1668 = vector.broadcast %jit3A_1666 : i32 to vector<16xi32>
    %broadcast_in_dim3A_1669 = vector.broadcast %jit3A_1667 : i32 to vector<16xi32>
    %select_n3A_1670 = arith.select %eq3A_1665, %broadcast_in_dim3A_1668, %broadcast_in_dim3A_1669 : vector<16xi1>, vector<16xi32>
    %broadcast_in_dim3A_1671 = arith.constant true
    %broadcast_in_dim3A_1672 = vector.broadcast %broadcast_in_dim3A_1671 : i1 to vector<16xi1>
    %masked_cumsum3A_1673 = tpu.scan <sum>, %select_n3A_1670 masked %broadcast_in_dim3A_1672 : vector<16xi32>, vector<16xi1> -> vector<16xi32>
    %sub3A_1674 = arith.subi %masked_cumsum3A_1673, %select_n3A_1670 : vector<16xi32>
    %eq3A_1675 = arith.constant 6 : i32
    %eq3A_1676 = vector.broadcast %eq3A_1675 : i32 to vector<16xi32>
    %eq3A_1677 = arith.cmpi eq, %iota3A, %eq3A_1676 : vector<16xi32>
    %jit3A_1678 = arith.constant 0 : i32
    %broadcast_in_dim3A_1679 = vector.broadcast %jit3A_1678 : i32 to vector<16xi32>
    %select_n3A_1680 = arith.select %eq3A_1677, %add3A_1662, %broadcast_in_dim3A_1679 : vector<16xi1>, vector<16xi32>
    %reduce_sum3A_1681 = arith.constant true
    %reduce_sum3A_1682 = vector.broadcast %reduce_sum3A_1681 : i1 to vector<16xi1>
    %reduce_sum3A_1683 = tpu.scan <sum>, %select_n3A_1680 masked %reduce_sum3A_1682 : vector<16xi32>, vector<16xi1> -> vector<16xi32>
    %reduce_sum3A_1684 = vector.extract %reduce_sum3A_1683[15] : i32 from vector<16xi32>
    %add3A_1685 = vector.broadcast %reduce_sum3A_1684 : i32 to vector<16xi32>
    %add3A_1686 = arith.addi %add3A_1685, %sub3A_1674 : vector<16xi32>
    %mul3A_1687 = arith.muli %select_n3A_1670, %add3A_1686 : vector<16xi32>
    %add3A_1688 = arith.addi %add3A_1654, %mul3A_1687 : vector<16xi32>
    %all_reduce_population_count3A_1689 = tpu.all_reduce %eq3A_1665 {dim = 0 : i64, kind = #tpu.reduction_kind<sum>} : vector<16xi1> -> vector<16xi32>
    %eq3A_1690 = arith.constant 6 : i32
    %eq3A_1691 = vector.broadcast %eq3A_1690 : i32 to vector<16xi32>
    %eq3A_1692 = arith.cmpi eq, %iota3A, %eq3A_1691 : vector<16xi32>
    %jit3A_1693 = arith.constant 0 : i32
    %broadcast_in_dim3A_1694 = vector.broadcast %jit3A_1693 : i32 to vector<16xi32>
    %select_n3A_1695 = arith.select %eq3A_1692, %all_reduce_population_count3A_1689, %broadcast_in_dim3A_1694 : vector<16xi1>, vector<16xi32>
    %add3A_1696 = arith.addi %add3A_1662, %select_n3A_1695 : vector<16xi32>
    %eq3A_1697 = arith.constant 7 : i32
    %eq3A_1698 = vector.broadcast %eq3A_1697 : i32 to vector<16xi32>
    %eq3A_1699 = arith.cmpi eq, %get3A_1456, %eq3A_1698 : vector<16xi32>
    %jit3A_1700 = arith.constant 1 : i32
    %jit3A_1701 = arith.constant 0 : i32
    %broadcast_in_dim3A_1702 = vector.broadcast %jit3A_1700 : i32 to vector<16xi32>
    %broadcast_in_dim3A_1703 = vector.broadcast %jit3A_1701 : i32 to vector<16xi32>
    %select_n3A_1704 = arith.select %eq3A_1699, %broadcast_in_dim3A_1702, %broadcast_in_dim3A_1703 : vector<16xi1>, vector<16xi32>
    %broadcast_in_dim3A_1705 = arith.constant true
    %broadcast_in_dim3A_1706 = vector.broadcast %broadcast_in_dim3A_1705 : i1 to vector<16xi1>
    %masked_cumsum3A_1707 = tpu.scan <sum>, %select_n3A_1704 masked %broadcast_in_dim3A_1706 : vector<16xi32>, vector<16xi1> -> vector<16xi32>
    %sub3A_1708 = arith.subi %masked_cumsum3A_1707, %select_n3A_1704 : vector<16xi32>
    %eq3A_1709 = arith.constant 7 : i32
    %eq3A_1710 = vector.broadcast %eq3A_1709 : i32 to vector<16xi32>
    %eq3A_1711 = arith.cmpi eq, %iota3A, %eq3A_1710 : vector<16xi32>
    %jit3A_1712 = arith.constant 0 : i32
    %broadcast_in_dim3A_1713 = vector.broadcast %jit3A_1712 : i32 to vector<16xi32>
    %select_n3A_1714 = arith.select %eq3A_1711, %add3A_1696, %broadcast_in_dim3A_1713 : vector<16xi1>, vector<16xi32>
    %reduce_sum3A_1715 = arith.constant true
    %reduce_sum3A_1716 = vector.broadcast %reduce_sum3A_1715 : i1 to vector<16xi1>
    %reduce_sum3A_1717 = tpu.scan <sum>, %select_n3A_1714 masked %reduce_sum3A_1716 : vector<16xi32>, vector<16xi1> -> vector<16xi32>
    %reduce_sum3A_1718 = vector.extract %reduce_sum3A_1717[15] : i32 from vector<16xi32>
    %add3A_1719 = vector.broadcast %reduce_sum3A_1718 : i32 to vector<16xi32>
    %add3A_1720 = arith.addi %add3A_1719, %sub3A_1708 : vector<16xi32>
    %mul3A_1721 = arith.muli %select_n3A_1704, %add3A_1720 : vector<16xi32>
    %add3A_1722 = arith.addi %add3A_1688, %mul3A_1721 : vector<16xi32>
    %all_reduce_population_count3A_1723 = tpu.all_reduce %eq3A_1699 {dim = 0 : i64, kind = #tpu.reduction_kind<sum>} : vector<16xi1> -> vector<16xi32>
    %eq3A_1724 = arith.constant 7 : i32
    %eq3A_1725 = vector.broadcast %eq3A_1724 : i32 to vector<16xi32>
    %eq3A_1726 = arith.cmpi eq, %iota3A, %eq3A_1725 : vector<16xi32>
    %jit3A_1727 = arith.constant 0 : i32
    %broadcast_in_dim3A_1728 = vector.broadcast %jit3A_1727 : i32 to vector<16xi32>
    %select_n3A_1729 = arith.select %eq3A_1726, %all_reduce_population_count3A_1723, %broadcast_in_dim3A_1728 : vector<16xi1>, vector<16xi32>
    %add3A_1730 = arith.addi %add3A_1696, %select_n3A_1729 : vector<16xi32>
    %swap3A_1731 = arith.constant 0 : i32
    %swap3A_1732 = arith.constant 0 : i32
    %swap3A_1733 = tpu.memref_slice %arg8[%swap3A_1731, %swap3A_1732] : memref<1x128xi32, #tpu.memory_space<vmem>> -> memref<1x128xi32, #tpu.memory_space<vmem>>
    %swap3A_1734 = tpu.memref_squeeze %swap3A_1733 : memref<1x128xi32, #tpu.memory_space<vmem>> -> memref<128xi32, #tpu.memory_space<vmem>>
    %swap3A_1735 = arith.constant 80 : index
    %swap3A_1736 = tpu.vector_load %swap3A_1734[%swap3A_1735] {strides = array<i32>} : memref<128xi32, #tpu.memory_space<vmem>>, vector<16xi32>,
    tpu.vector_store %swap3A_1734[%swap3A_1735], %add3A_1722 {strides = array<i32>} : memref<128xi32, #tpu.memory_space<vmem>>, vector<16xi32>,
    %mul3A_1737 = arith.constant 128 : i32
    %mul3A_1738 = arith.muli %add3A, %mul3A_1737 : i32
    %add3A_1739 = arith.constant 96 : i32
    %add3A_1740 = arith.addi %mul3A_1738, %add3A_1739 : i32
    %get3A_1741 = arith.index_cast %add3A_1740 : i32 to index
    %get3A_1742 = tpu.vector_load %arg7[%get3A_1741] {strides = array<i32>} : memref<4096xi32, #tpu.memory_space<vmem>>, vector<16xi32>,
    %broadcast_in_dim3A_1743 = arith.constant 0 : i32
    %broadcast_in_dim3A_1744 = vector.broadcast %broadcast_in_dim3A_1743 : i32 to vector<16xi32>
    %eq3A_1745 = arith.constant 0 : i32
    %eq3A_1746 = vector.broadcast %eq3A_1745 : i32 to vector<16xi32>
    %eq3A_1747 = arith.cmpi eq, %get3A_1742, %eq3A_1746 : vector<16xi32>
    %jit3A_1748 = arith.constant 1 : i32
    %jit3A_1749 = arith.constant 0 : i32
    %broadcast_in_dim3A_1750 = vector.broadcast %jit3A_1748 : i32 to vector<16xi32>
    %broadcast_in_dim3A_1751 = vector.broadcast %jit3A_1749 : i32 to vector<16xi32>
    %select_n3A_1752 = arith.select %eq3A_1747, %broadcast_in_dim3A_1750, %broadcast_in_dim3A_1751 : vector<16xi1>, vector<16xi32>
    %broadcast_in_dim3A_1753 = arith.constant true
    %broadcast_in_dim3A_1754 = vector.broadcast %broadcast_in_dim3A_1753 : i1 to vector<16xi1>
    %masked_cumsum3A_1755 = tpu.scan <sum>, %select_n3A_1752 masked %broadcast_in_dim3A_1754 : vector<16xi32>, vector<16xi1> -> vector<16xi32>
    %sub3A_1756 = arith.subi %masked_cumsum3A_1755, %select_n3A_1752 : vector<16xi32>
    %eq3A_1757 = arith.constant 0 : i32
    %eq3A_1758 = vector.broadcast %eq3A_1757 : i32 to vector<16xi32>
    %eq3A_1759 = arith.cmpi eq, %iota3A, %eq3A_1758 : vector<16xi32>
    %jit3A_1760 = arith.constant 0 : i32
    %broadcast_in_dim3A_1761 = vector.broadcast %jit3A_1760 : i32 to vector<16xi32>
    %select_n3A_1762 = arith.select %eq3A_1759, %add3A_1730, %broadcast_in_dim3A_1761 : vector<16xi1>, vector<16xi32>
    %reduce_sum3A_1763 = arith.constant true
    %reduce_sum3A_1764 = vector.broadcast %reduce_sum3A_1763 : i1 to vector<16xi1>
    %reduce_sum3A_1765 = tpu.scan <sum>, %select_n3A_1762 masked %reduce_sum3A_1764 : vector<16xi32>, vector<16xi1> -> vector<16xi32>
    %reduce_sum3A_1766 = vector.extract %reduce_sum3A_1765[15] : i32 from vector<16xi32>
    %add3A_1767 = vector.broadcast %reduce_sum3A_1766 : i32 to vector<16xi32>
    %add3A_1768 = arith.addi %add3A_1767, %sub3A_1756 : vector<16xi32>
    %mul3A_1769 = arith.muli %select_n3A_1752, %add3A_1768 : vector<16xi32>
    %add3A_1770 = arith.addi %broadcast_in_dim3A_1744, %mul3A_1769 : vector<16xi32>
    %all_reduce_population_count3A_1771 = tpu.all_reduce %eq3A_1747 {dim = 0 : i64, kind = #tpu.reduction_kind<sum>} : vector<16xi1> -> vector<16xi32>
    %eq3A_1772 = arith.constant 0 : i32
    %eq3A_1773 = vector.broadcast %eq3A_1772 : i32 to vector<16xi32>
    %eq3A_1774 = arith.cmpi eq, %iota3A, %eq3A_1773 : vector<16xi32>
    %jit3A_1775 = arith.constant 0 : i32
    %broadcast_in_dim3A_1776 = vector.broadcast %jit3A_1775 : i32 to vector<16xi32>
    %select_n3A_1777 = arith.select %eq3A_1774, %all_reduce_population_count3A_1771, %broadcast_in_dim3A_1776 : vector<16xi1>, vector<16xi32>
    %add3A_1778 = arith.addi %add3A_1730, %select_n3A_1777 : vector<16xi32>
    %eq3A_1779 = arith.constant 1 : i32
    %eq3A_1780 = vector.broadcast %eq3A_1779 : i32 to vector<16xi32>
    %eq3A_1781 = arith.cmpi eq, %get3A_1742, %eq3A_1780 : vector<16xi32>
    %jit3A_1782 = arith.constant 1 : i32
    %jit3A_1783 = arith.constant 0 : i32
    %broadcast_in_dim3A_1784 = vector.broadcast %jit3A_1782 : i32 to vector<16xi32>
    %broadcast_in_dim3A_1785 = vector.broadcast %jit3A_1783 : i32 to vector<16xi32>
    %select_n3A_1786 = arith.select %eq3A_1781, %broadcast_in_dim3A_1784, %broadcast_in_dim3A_1785 : vector<16xi1>, vector<16xi32>
    %broadcast_in_dim3A_1787 = arith.constant true
    %broadcast_in_dim3A_1788 = vector.broadcast %broadcast_in_dim3A_1787 : i1 to vector<16xi1>
    %masked_cumsum3A_1789 = tpu.scan <sum>, %select_n3A_1786 masked %broadcast_in_dim3A_1788 : vector<16xi32>, vector<16xi1> -> vector<16xi32>
    %sub3A_1790 = arith.subi %masked_cumsum3A_1789, %select_n3A_1786 : vector<16xi32>
    %eq3A_1791 = arith.constant 1 : i32
    %eq3A_1792 = vector.broadcast %eq3A_1791 : i32 to vector<16xi32>
    %eq3A_1793 = arith.cmpi eq, %iota3A, %eq3A_1792 : vector<16xi32>
    %jit3A_1794 = arith.constant 0 : i32
    %broadcast_in_dim3A_1795 = vector.broadcast %jit3A_1794 : i32 to vector<16xi32>
    %select_n3A_1796 = arith.select %eq3A_1793, %add3A_1778, %broadcast_in_dim3A_1795 : vector<16xi1>, vector<16xi32>
    %reduce_sum3A_1797 = arith.constant true
    %reduce_sum3A_1798 = vector.broadcast %reduce_sum3A_1797 : i1 to vector<16xi1>
    %reduce_sum3A_1799 = tpu.scan <sum>, %select_n3A_1796 masked %reduce_sum3A_1798 : vector<16xi32>, vector<16xi1> -> vector<16xi32>
    %reduce_sum3A_1800 = vector.extract %reduce_sum3A_1799[15] : i32 from vector<16xi32>
    %add3A_1801 = vector.broadcast %reduce_sum3A_1800 : i32 to vector<16xi32>
    %add3A_1802 = arith.addi %add3A_1801, %sub3A_1790 : vector<16xi32>
    %mul3A_1803 = arith.muli %select_n3A_1786, %add3A_1802 : vector<16xi32>
    %add3A_1804 = arith.addi %add3A_1770, %mul3A_1803 : vector<16xi32>
    %all_reduce_population_count3A_1805 = tpu.all_reduce %eq3A_1781 {dim = 0 : i64, kind = #tpu.reduction_kind<sum>} : vector<16xi1> -> vector<16xi32>
    %eq3A_1806 = arith.constant 1 : i32
    %eq3A_1807 = vector.broadcast %eq3A_1806 : i32 to vector<16xi32>
    %eq3A_1808 = arith.cmpi eq, %iota3A, %eq3A_1807 : vector<16xi32>
    %jit3A_1809 = arith.constant 0 : i32
    %broadcast_in_dim3A_1810 = vector.broadcast %jit3A_1809 : i32 to vector<16xi32>
    %select_n3A_1811 = arith.select %eq3A_1808, %all_reduce_population_count3A_1805, %broadcast_in_dim3A_1810 : vector<16xi1>, vector<16xi32>
    %add3A_1812 = arith.addi %add3A_1778, %select_n3A_1811 : vector<16xi32>
    %eq3A_1813 = arith.constant 2 : i32
    %eq3A_1814 = vector.broadcast %eq3A_1813 : i32 to vector<16xi32>
    %eq3A_1815 = arith.cmpi eq, %get3A_1742, %eq3A_1814 : vector<16xi32>
    %jit3A_1816 = arith.constant 1 : i32
    %jit3A_1817 = arith.constant 0 : i32
    %broadcast_in_dim3A_1818 = vector.broadcast %jit3A_1816 : i32 to vector<16xi32>
    %broadcast_in_dim3A_1819 = vector.broadcast %jit3A_1817 : i32 to vector<16xi32>
    %select_n3A_1820 = arith.select %eq3A_1815, %broadcast_in_dim3A_1818, %broadcast_in_dim3A_1819 : vector<16xi1>, vector<16xi32>
    %broadcast_in_dim3A_1821 = arith.constant true
    %broadcast_in_dim3A_1822 = vector.broadcast %broadcast_in_dim3A_1821 : i1 to vector<16xi1>
    %masked_cumsum3A_1823 = tpu.scan <sum>, %select_n3A_1820 masked %broadcast_in_dim3A_1822 : vector<16xi32>, vector<16xi1> -> vector<16xi32>
    %sub3A_1824 = arith.subi %masked_cumsum3A_1823, %select_n3A_1820 : vector<16xi32>
    %eq3A_1825 = arith.constant 2 : i32
    %eq3A_1826 = vector.broadcast %eq3A_1825 : i32 to vector<16xi32>
    %eq3A_1827 = arith.cmpi eq, %iota3A, %eq3A_1826 : vector<16xi32>
    %jit3A_1828 = arith.constant 0 : i32
    %broadcast_in_dim3A_1829 = vector.broadcast %jit3A_1828 : i32 to vector<16xi32>
    %select_n3A_1830 = arith.select %eq3A_1827, %add3A_1812, %broadcast_in_dim3A_1829 : vector<16xi1>, vector<16xi32>
    %reduce_sum3A_1831 = arith.constant true
    %reduce_sum3A_1832 = vector.broadcast %reduce_sum3A_1831 : i1 to vector<16xi1>
    %reduce_sum3A_1833 = tpu.scan <sum>, %select_n3A_1830 masked %reduce_sum3A_1832 : vector<16xi32>, vector<16xi1> -> vector<16xi32>
    %reduce_sum3A_1834 = vector.extract %reduce_sum3A_1833[15] : i32 from vector<16xi32>
    %add3A_1835 = vector.broadcast %reduce_sum3A_1834 : i32 to vector<16xi32>
    %add3A_1836 = arith.addi %add3A_1835, %sub3A_1824 : vector<16xi32>
    %mul3A_1837 = arith.muli %select_n3A_1820, %add3A_1836 : vector<16xi32>
    %add3A_1838 = arith.addi %add3A_1804, %mul3A_1837 : vector<16xi32>
    %all_reduce_population_count3A_1839 = tpu.all_reduce %eq3A_1815 {dim = 0 : i64, kind = #tpu.reduction_kind<sum>} : vector<16xi1> -> vector<16xi32>
    %eq3A_1840 = arith.constant 2 : i32
    %eq3A_1841 = vector.broadcast %eq3A_1840 : i32 to vector<16xi32>
    %eq3A_1842 = arith.cmpi eq, %iota3A, %eq3A_1841 : vector<16xi32>
    %jit3A_1843 = arith.constant 0 : i32
    %broadcast_in_dim3A_1844 = vector.broadcast %jit3A_1843 : i32 to vector<16xi32>
    %select_n3A_1845 = arith.select %eq3A_1842, %all_reduce_population_count3A_1839, %broadcast_in_dim3A_1844 : vector<16xi1>, vector<16xi32>
    %add3A_1846 = arith.addi %add3A_1812, %select_n3A_1845 : vector<16xi32>
    %eq3A_1847 = arith.constant 3 : i32
    %eq3A_1848 = vector.broadcast %eq3A_1847 : i32 to vector<16xi32>
    %eq3A_1849 = arith.cmpi eq, %get3A_1742, %eq3A_1848 : vector<16xi32>
    %jit3A_1850 = arith.constant 1 : i32
    %jit3A_1851 = arith.constant 0 : i32
    %broadcast_in_dim3A_1852 = vector.broadcast %jit3A_1850 : i32 to vector<16xi32>
    %broadcast_in_dim3A_1853 = vector.broadcast %jit3A_1851 : i32 to vector<16xi32>
    %select_n3A_1854 = arith.select %eq3A_1849, %broadcast_in_dim3A_1852, %broadcast_in_dim3A_1853 : vector<16xi1>, vector<16xi32>
    %broadcast_in_dim3A_1855 = arith.constant true
    %broadcast_in_dim3A_1856 = vector.broadcast %broadcast_in_dim3A_1855 : i1 to vector<16xi1>
    %masked_cumsum3A_1857 = tpu.scan <sum>, %select_n3A_1854 masked %broadcast_in_dim3A_1856 : vector<16xi32>, vector<16xi1> -> vector<16xi32>
    %sub3A_1858 = arith.subi %masked_cumsum3A_1857, %select_n3A_1854 : vector<16xi32>
    %eq3A_1859 = arith.constant 3 : i32
    %eq3A_1860 = vector.broadcast %eq3A_1859 : i32 to vector<16xi32>
    %eq3A_1861 = arith.cmpi eq, %iota3A, %eq3A_1860 : vector<16xi32>
    %jit3A_1862 = arith.constant 0 : i32
    %broadcast_in_dim3A_1863 = vector.broadcast %jit3A_1862 : i32 to vector<16xi32>
    %select_n3A_1864 = arith.select %eq3A_1861, %add3A_1846, %broadcast_in_dim3A_1863 : vector<16xi1>, vector<16xi32>
    %reduce_sum3A_1865 = arith.constant true
    %reduce_sum3A_1866 = vector.broadcast %reduce_sum3A_1865 : i1 to vector<16xi1>
    %reduce_sum3A_1867 = tpu.scan <sum>, %select_n3A_1864 masked %reduce_sum3A_1866 : vector<16xi32>, vector<16xi1> -> vector<16xi32>
    %reduce_sum3A_1868 = vector.extract %reduce_sum3A_1867[15] : i32 from vector<16xi32>
    %add3A_1869 = vector.broadcast %reduce_sum3A_1868 : i32 to vector<16xi32>
    %add3A_1870 = arith.addi %add3A_1869, %sub3A_1858 : vector<16xi32>
    %mul3A_1871 = arith.muli %select_n3A_1854, %add3A_1870 : vector<16xi32>
    %add3A_1872 = arith.addi %add3A_1838, %mul3A_1871 : vector<16xi32>
    %all_reduce_population_count3A_1873 = tpu.all_reduce %eq3A_1849 {dim = 0 : i64, kind = #tpu.reduction_kind<sum>} : vector<16xi1> -> vector<16xi32>
    %eq3A_1874 = arith.constant 3 : i32
    %eq3A_1875 = vector.broadcast %eq3A_1874 : i32 to vector<16xi32>
    %eq3A_1876 = arith.cmpi eq, %iota3A, %eq3A_1875 : vector<16xi32>
    %jit3A_1877 = arith.constant 0 : i32
    %broadcast_in_dim3A_1878 = vector.broadcast %jit3A_1877 : i32 to vector<16xi32>
    %select_n3A_1879 = arith.select %eq3A_1876, %all_reduce_population_count3A_1873, %broadcast_in_dim3A_1878 : vector<16xi1>, vector<16xi32>
    %add3A_1880 = arith.addi %add3A_1846, %select_n3A_1879 : vector<16xi32>
    %eq3A_1881 = arith.constant 4 : i32
    %eq3A_1882 = vector.broadcast %eq3A_1881 : i32 to vector<16xi32>
    %eq3A_1883 = arith.cmpi eq, %get3A_1742, %eq3A_1882 : vector<16xi32>
    %jit3A_1884 = arith.constant 1 : i32
    %jit3A_1885 = arith.constant 0 : i32
    %broadcast_in_dim3A_1886 = vector.broadcast %jit3A_1884 : i32 to vector<16xi32>
    %broadcast_in_dim3A_1887 = vector.broadcast %jit3A_1885 : i32 to vector<16xi32>
    %select_n3A_1888 = arith.select %eq3A_1883, %broadcast_in_dim3A_1886, %broadcast_in_dim3A_1887 : vector<16xi1>, vector<16xi32>
    %broadcast_in_dim3A_1889 = arith.constant true
    %broadcast_in_dim3A_1890 = vector.broadcast %broadcast_in_dim3A_1889 : i1 to vector<16xi1>
    %masked_cumsum3A_1891 = tpu.scan <sum>, %select_n3A_1888 masked %broadcast_in_dim3A_1890 : vector<16xi32>, vector<16xi1> -> vector<16xi32>
    %sub3A_1892 = arith.subi %masked_cumsum3A_1891, %select_n3A_1888 : vector<16xi32>
    %eq3A_1893 = arith.constant 4 : i32
    %eq3A_1894 = vector.broadcast %eq3A_1893 : i32 to vector<16xi32>
    %eq3A_1895 = arith.cmpi eq, %iota3A, %eq3A_1894 : vector<16xi32>
    %jit3A_1896 = arith.constant 0 : i32
    %broadcast_in_dim3A_1897 = vector.broadcast %jit3A_1896 : i32 to vector<16xi32>
    %select_n3A_1898 = arith.select %eq3A_1895, %add3A_1880, %broadcast_in_dim3A_1897 : vector<16xi1>, vector<16xi32>
    %reduce_sum3A_1899 = arith.constant true
    %reduce_sum3A_1900 = vector.broadcast %reduce_sum3A_1899 : i1 to vector<16xi1>
    %reduce_sum3A_1901 = tpu.scan <sum>, %select_n3A_1898 masked %reduce_sum3A_1900 : vector<16xi32>, vector<16xi1> -> vector<16xi32>
    %reduce_sum3A_1902 = vector.extract %reduce_sum3A_1901[15] : i32 from vector<16xi32>
    %add3A_1903 = vector.broadcast %reduce_sum3A_1902 : i32 to vector<16xi32>
    %add3A_1904 = arith.addi %add3A_1903, %sub3A_1892 : vector<16xi32>
    %mul3A_1905 = arith.muli %select_n3A_1888, %add3A_1904 : vector<16xi32>
    %add3A_1906 = arith.addi %add3A_1872, %mul3A_1905 : vector<16xi32>
    %all_reduce_population_count3A_1907 = tpu.all_reduce %eq3A_1883 {dim = 0 : i64, kind = #tpu.reduction_kind<sum>} : vector<16xi1> -> vector<16xi32>
    %eq3A_1908 = arith.constant 4 : i32
    %eq3A_1909 = vector.broadcast %eq3A_1908 : i32 to vector<16xi32>
    %eq3A_1910 = arith.cmpi eq, %iota3A, %eq3A_1909 : vector<16xi32>
    %jit3A_1911 = arith.constant 0 : i32
    %broadcast_in_dim3A_1912 = vector.broadcast %jit3A_1911 : i32 to vector<16xi32>
    %select_n3A_1913 = arith.select %eq3A_1910, %all_reduce_population_count3A_1907, %broadcast_in_dim3A_1912 : vector<16xi1>, vector<16xi32>
    %add3A_1914 = arith.addi %add3A_1880, %select_n3A_1913 : vector<16xi32>
    %eq3A_1915 = arith.constant 5 : i32
    %eq3A_1916 = vector.broadcast %eq3A_1915 : i32 to vector<16xi32>
    %eq3A_1917 = arith.cmpi eq, %get3A_1742, %eq3A_1916 : vector<16xi32>
    %jit3A_1918 = arith.constant 1 : i32
    %jit3A_1919 = arith.constant 0 : i32
    %broadcast_in_dim3A_1920 = vector.broadcast %jit3A_1918 : i32 to vector<16xi32>
    %broadcast_in_dim3A_1921 = vector.broadcast %jit3A_1919 : i32 to vector<16xi32>
    %select_n3A_1922 = arith.select %eq3A_1917, %broadcast_in_dim3A_1920, %broadcast_in_dim3A_1921 : vector<16xi1>, vector<16xi32>
    %broadcast_in_dim3A_1923 = arith.constant true
    %broadcast_in_dim3A_1924 = vector.broadcast %broadcast_in_dim3A_1923 : i1 to vector<16xi1>
    %masked_cumsum3A_1925 = tpu.scan <sum>, %select_n3A_1922 masked %broadcast_in_dim3A_1924 : vector<16xi32>, vector<16xi1> -> vector<16xi32>
    %sub3A_1926 = arith.subi %masked_cumsum3A_1925, %select_n3A_1922 : vector<16xi32>
    %eq3A_1927 = arith.constant 5 : i32
    %eq3A_1928 = vector.broadcast %eq3A_1927 : i32 to vector<16xi32>
    %eq3A_1929 = arith.cmpi eq, %iota3A, %eq3A_1928 : vector<16xi32>
    %jit3A_1930 = arith.constant 0 : i32
    %broadcast_in_dim3A_1931 = vector.broadcast %jit3A_1930 : i32 to vector<16xi32>
    %select_n3A_1932 = arith.select %eq3A_1929, %add3A_1914, %broadcast_in_dim3A_1931 : vector<16xi1>, vector<16xi32>
    %reduce_sum3A_1933 = arith.constant true
    %reduce_sum3A_1934 = vector.broadcast %reduce_sum3A_1933 : i1 to vector<16xi1>
    %reduce_sum3A_1935 = tpu.scan <sum>, %select_n3A_1932 masked %reduce_sum3A_1934 : vector<16xi32>, vector<16xi1> -> vector<16xi32>
    %reduce_sum3A_1936 = vector.extract %reduce_sum3A_1935[15] : i32 from vector<16xi32>
    %add3A_1937 = vector.broadcast %reduce_sum3A_1936 : i32 to vector<16xi32>
    %add3A_1938 = arith.addi %add3A_1937, %sub3A_1926 : vector<16xi32>
    %mul3A_1939 = arith.muli %select_n3A_1922, %add3A_1938 : vector<16xi32>
    %add3A_1940 = arith.addi %add3A_1906, %mul3A_1939 : vector<16xi32>
    %all_reduce_population_count3A_1941 = tpu.all_reduce %eq3A_1917 {dim = 0 : i64, kind = #tpu.reduction_kind<sum>} : vector<16xi1> -> vector<16xi32>
    %eq3A_1942 = arith.constant 5 : i32
    %eq3A_1943 = vector.broadcast %eq3A_1942 : i32 to vector<16xi32>
    %eq3A_1944 = arith.cmpi eq, %iota3A, %eq3A_1943 : vector<16xi32>
    %jit3A_1945 = arith.constant 0 : i32
    %broadcast_in_dim3A_1946 = vector.broadcast %jit3A_1945 : i32 to vector<16xi32>
    %select_n3A_1947 = arith.select %eq3A_1944, %all_reduce_population_count3A_1941, %broadcast_in_dim3A_1946 : vector<16xi1>, vector<16xi32>
    %add3A_1948 = arith.addi %add3A_1914, %select_n3A_1947 : vector<16xi32>
    %eq3A_1949 = arith.constant 6 : i32
    %eq3A_1950 = vector.broadcast %eq3A_1949 : i32 to vector<16xi32>
    %eq3A_1951 = arith.cmpi eq, %get3A_1742, %eq3A_1950 : vector<16xi32>
    %jit3A_1952 = arith.constant 1 : i32
    %jit3A_1953 = arith.constant 0 : i32
    %broadcast_in_dim3A_1954 = vector.broadcast %jit3A_1952 : i32 to vector<16xi32>
    %broadcast_in_dim3A_1955 = vector.broadcast %jit3A_1953 : i32 to vector<16xi32>
    %select_n3A_1956 = arith.select %eq3A_1951, %broadcast_in_dim3A_1954, %broadcast_in_dim3A_1955 : vector<16xi1>, vector<16xi32>
    %broadcast_in_dim3A_1957 = arith.constant true
    %broadcast_in_dim3A_1958 = vector.broadcast %broadcast_in_dim3A_1957 : i1 to vector<16xi1>
    %masked_cumsum3A_1959 = tpu.scan <sum>, %select_n3A_1956 masked %broadcast_in_dim3A_1958 : vector<16xi32>, vector<16xi1> -> vector<16xi32>
    %sub3A_1960 = arith.subi %masked_cumsum3A_1959, %select_n3A_1956 : vector<16xi32>
    %eq3A_1961 = arith.constant 6 : i32
    %eq3A_1962 = vector.broadcast %eq3A_1961 : i32 to vector<16xi32>
    %eq3A_1963 = arith.cmpi eq, %iota3A, %eq3A_1962 : vector<16xi32>
    %jit3A_1964 = arith.constant 0 : i32
    %broadcast_in_dim3A_1965 = vector.broadcast %jit3A_1964 : i32 to vector<16xi32>
    %select_n3A_1966 = arith.select %eq3A_1963, %add3A_1948, %broadcast_in_dim3A_1965 : vector<16xi1>, vector<16xi32>
    %reduce_sum3A_1967 = arith.constant true
    %reduce_sum3A_1968 = vector.broadcast %reduce_sum3A_1967 : i1 to vector<16xi1>
    %reduce_sum3A_1969 = tpu.scan <sum>, %select_n3A_1966 masked %reduce_sum3A_1968 : vector<16xi32>, vector<16xi1> -> vector<16xi32>
    %reduce_sum3A_1970 = vector.extract %reduce_sum3A_1969[15] : i32 from vector<16xi32>
    %add3A_1971 = vector.broadcast %reduce_sum3A_1970 : i32 to vector<16xi32>
    %add3A_1972 = arith.addi %add3A_1971, %sub3A_1960 : vector<16xi32>
    %mul3A_1973 = arith.muli %select_n3A_1956, %add3A_1972 : vector<16xi32>
    %add3A_1974 = arith.addi %add3A_1940, %mul3A_1973 : vector<16xi32>
    %all_reduce_population_count3A_1975 = tpu.all_reduce %eq3A_1951 {dim = 0 : i64, kind = #tpu.reduction_kind<sum>} : vector<16xi1> -> vector<16xi32>
    %eq3A_1976 = arith.constant 6 : i32
    %eq3A_1977 = vector.broadcast %eq3A_1976 : i32 to vector<16xi32>
    %eq3A_1978 = arith.cmpi eq, %iota3A, %eq3A_1977 : vector<16xi32>
    %jit3A_1979 = arith.constant 0 : i32
    %broadcast_in_dim3A_1980 = vector.broadcast %jit3A_1979 : i32 to vector<16xi32>
    %select_n3A_1981 = arith.select %eq3A_1978, %all_reduce_population_count3A_1975, %broadcast_in_dim3A_1980 : vector<16xi1>, vector<16xi32>
    %add3A_1982 = arith.addi %add3A_1948, %select_n3A_1981 : vector<16xi32>
    %eq3A_1983 = arith.constant 7 : i32
    %eq3A_1984 = vector.broadcast %eq3A_1983 : i32 to vector<16xi32>
    %eq3A_1985 = arith.cmpi eq, %get3A_1742, %eq3A_1984 : vector<16xi32>
    %jit3A_1986 = arith.constant 1 : i32
    %jit3A_1987 = arith.constant 0 : i32
    %broadcast_in_dim3A_1988 = vector.broadcast %jit3A_1986 : i32 to vector<16xi32>
    %broadcast_in_dim3A_1989 = vector.broadcast %jit3A_1987 : i32 to vector<16xi32>
    %select_n3A_1990 = arith.select %eq3A_1985, %broadcast_in_dim3A_1988, %broadcast_in_dim3A_1989 : vector<16xi1>, vector<16xi32>
    %broadcast_in_dim3A_1991 = arith.constant true
    %broadcast_in_dim3A_1992 = vector.broadcast %broadcast_in_dim3A_1991 : i1 to vector<16xi1>
    %masked_cumsum3A_1993 = tpu.scan <sum>, %select_n3A_1990 masked %broadcast_in_dim3A_1992 : vector<16xi32>, vector<16xi1> -> vector<16xi32>
    %sub3A_1994 = arith.subi %masked_cumsum3A_1993, %select_n3A_1990 : vector<16xi32>
    %eq3A_1995 = arith.constant 7 : i32
    %eq3A_1996 = vector.broadcast %eq3A_1995 : i32 to vector<16xi32>
    %eq3A_1997 = arith.cmpi eq, %iota3A, %eq3A_1996 : vector<16xi32>
    %jit3A_1998 = arith.constant 0 : i32
    %broadcast_in_dim3A_1999 = vector.broadcast %jit3A_1998 : i32 to vector<16xi32>
    %select_n3A_2000 = arith.select %eq3A_1997, %add3A_1982, %broadcast_in_dim3A_1999 : vector<16xi1>, vector<16xi32>
    %reduce_sum3A_2001 = arith.constant true
    %reduce_sum3A_2002 = vector.broadcast %reduce_sum3A_2001 : i1 to vector<16xi1>
    %reduce_sum3A_2003 = tpu.scan <sum>, %select_n3A_2000 masked %reduce_sum3A_2002 : vector<16xi32>, vector<16xi1> -> vector<16xi32>
    %reduce_sum3A_2004 = vector.extract %reduce_sum3A_2003[15] : i32 from vector<16xi32>
    %add3A_2005 = vector.broadcast %reduce_sum3A_2004 : i32 to vector<16xi32>
    %add3A_2006 = arith.addi %add3A_2005, %sub3A_1994 : vector<16xi32>
    %mul3A_2007 = arith.muli %select_n3A_1990, %add3A_2006 : vector<16xi32>
    %add3A_2008 = arith.addi %add3A_1974, %mul3A_2007 : vector<16xi32>
    %all_reduce_population_count3A_2009 = tpu.all_reduce %eq3A_1985 {dim = 0 : i64, kind = #tpu.reduction_kind<sum>} : vector<16xi1> -> vector<16xi32>
    %eq3A_2010 = arith.constant 7 : i32
    %eq3A_2011 = vector.broadcast %eq3A_2010 : i32 to vector<16xi32>
    %eq3A_2012 = arith.cmpi eq, %iota3A, %eq3A_2011 : vector<16xi32>
    %jit3A_2013 = arith.constant 0 : i32
    %broadcast_in_dim3A_2014 = vector.broadcast %jit3A_2013 : i32 to vector<16xi32>
    %select_n3A_2015 = arith.select %eq3A_2012, %all_reduce_population_count3A_2009, %broadcast_in_dim3A_2014 : vector<16xi1>, vector<16xi32>
    %add3A_2016 = arith.addi %add3A_1982, %select_n3A_2015 : vector<16xi32>
    %swap3A_2017 = arith.constant 0 : i32
    %swap3A_2018 = arith.constant 0 : i32
    %swap3A_2019 = tpu.memref_slice %arg8[%swap3A_2017, %swap3A_2018] : memref<1x128xi32, #tpu.memory_space<vmem>> -> memref<1x128xi32, #tpu.memory_space<vmem>>
    %swap3A_2020 = tpu.memref_squeeze %swap3A_2019 : memref<1x128xi32, #tpu.memory_space<vmem>> -> memref<128xi32, #tpu.memory_space<vmem>>
    %swap3A_2021 = arith.constant 96 : index
    %swap3A_2022 = tpu.vector_load %swap3A_2020[%swap3A_2021] {strides = array<i32>} : memref<128xi32, #tpu.memory_space<vmem>>, vector<16xi32>,
    tpu.vector_store %swap3A_2020[%swap3A_2021], %add3A_2008 {strides = array<i32>} : memref<128xi32, #tpu.memory_space<vmem>>, vector<16xi32>,
    %mul3A_2023 = arith.constant 128 : i32
    %mul3A_2024 = arith.muli %add3A, %mul3A_2023 : i32
    %add3A_2025 = arith.constant 112 : i32
    %add3A_2026 = arith.addi %mul3A_2024, %add3A_2025 : i32
    %get3A_2027 = arith.index_cast %add3A_2026 : i32 to index
    %get3A_2028 = tpu.vector_load %arg7[%get3A_2027] {strides = array<i32>} : memref<4096xi32, #tpu.memory_space<vmem>>, vector<16xi32>,
    %broadcast_in_dim3A_2029 = arith.constant 0 : i32
    %broadcast_in_dim3A_2030 = vector.broadcast %broadcast_in_dim3A_2029 : i32 to vector<16xi32>
    %eq3A_2031 = arith.constant 0 : i32
    %eq3A_2032 = vector.broadcast %eq3A_2031 : i32 to vector<16xi32>
    %eq3A_2033 = arith.cmpi eq, %get3A_2028, %eq3A_2032 : vector<16xi32>
    %jit3A_2034 = arith.constant 1 : i32
    %jit3A_2035 = arith.constant 0 : i32
    %broadcast_in_dim3A_2036 = vector.broadcast %jit3A_2034 : i32 to vector<16xi32>
    %broadcast_in_dim3A_2037 = vector.broadcast %jit3A_2035 : i32 to vector<16xi32>
    %select_n3A_2038 = arith.select %eq3A_2033, %broadcast_in_dim3A_2036, %broadcast_in_dim3A_2037 : vector<16xi1>, vector<16xi32>
    %broadcast_in_dim3A_2039 = arith.constant true
    %broadcast_in_dim3A_2040 = vector.broadcast %broadcast_in_dim3A_2039 : i1 to vector<16xi1>
    %masked_cumsum3A_2041 = tpu.scan <sum>, %select_n3A_2038 masked %broadcast_in_dim3A_2040 : vector<16xi32>, vector<16xi1> -> vector<16xi32>
    %sub3A_2042 = arith.subi %masked_cumsum3A_2041, %select_n3A_2038 : vector<16xi32>
    %eq3A_2043 = arith.constant 0 : i32
    %eq3A_2044 = vector.broadcast %eq3A_2043 : i32 to vector<16xi32>
    %eq3A_2045 = arith.cmpi eq, %iota3A, %eq3A_2044 : vector<16xi32>
    %jit3A_2046 = arith.constant 0 : i32
    %broadcast_in_dim3A_2047 = vector.broadcast %jit3A_2046 : i32 to vector<16xi32>
    %select_n3A_2048 = arith.select %eq3A_2045, %add3A_2016, %broadcast_in_dim3A_2047 : vector<16xi1>, vector<16xi32>
    %reduce_sum3A_2049 = arith.constant true
    %reduce_sum3A_2050 = vector.broadcast %reduce_sum3A_2049 : i1 to vector<16xi1>
    %reduce_sum3A_2051 = tpu.scan <sum>, %select_n3A_2048 masked %reduce_sum3A_2050 : vector<16xi32>, vector<16xi1> -> vector<16xi32>
    %reduce_sum3A_2052 = vector.extract %reduce_sum3A_2051[15] : i32 from vector<16xi32>
    %add3A_2053 = vector.broadcast %reduce_sum3A_2052 : i32 to vector<16xi32>
    %add3A_2054 = arith.addi %add3A_2053, %sub3A_2042 : vector<16xi32>
    %mul3A_2055 = arith.muli %select_n3A_2038, %add3A_2054 : vector<16xi32>
    %add3A_2056 = arith.addi %broadcast_in_dim3A_2030, %mul3A_2055 : vector<16xi32>
    %all_reduce_population_count3A_2057 = tpu.all_reduce %eq3A_2033 {dim = 0 : i64, kind = #tpu.reduction_kind<sum>} : vector<16xi1> -> vector<16xi32>
    %eq3A_2058 = arith.constant 0 : i32
    %eq3A_2059 = vector.broadcast %eq3A_2058 : i32 to vector<16xi32>
    %eq3A_2060 = arith.cmpi eq, %iota3A, %eq3A_2059 : vector<16xi32>
    %jit3A_2061 = arith.constant 0 : i32
    %broadcast_in_dim3A_2062 = vector.broadcast %jit3A_2061 : i32 to vector<16xi32>
    %select_n3A_2063 = arith.select %eq3A_2060, %all_reduce_population_count3A_2057, %broadcast_in_dim3A_2062 : vector<16xi1>, vector<16xi32>
    %add3A_2064 = arith.addi %add3A_2016, %select_n3A_2063 : vector<16xi32>
    %eq3A_2065 = arith.constant 1 : i32
    %eq3A_2066 = vector.broadcast %eq3A_2065 : i32 to vector<16xi32>
    %eq3A_2067 = arith.cmpi eq, %get3A_2028, %eq3A_2066 : vector<16xi32>
    %jit3A_2068 = arith.constant 1 : i32
    %jit3A_2069 = arith.constant 0 : i32
    %broadcast_in_dim3A_2070 = vector.broadcast %jit3A_2068 : i32 to vector<16xi32>
    %broadcast_in_dim3A_2071 = vector.broadcast %jit3A_2069 : i32 to vector<16xi32>
    %select_n3A_2072 = arith.select %eq3A_2067, %broadcast_in_dim3A_2070, %broadcast_in_dim3A_2071 : vector<16xi1>, vector<16xi32>
    %broadcast_in_dim3A_2073 = arith.constant true
    %broadcast_in_dim3A_2074 = vector.broadcast %broadcast_in_dim3A_2073 : i1 to vector<16xi1>
    %masked_cumsum3A_2075 = tpu.scan <sum>, %select_n3A_2072 masked %broadcast_in_dim3A_2074 : vector<16xi32>, vector<16xi1> -> vector<16xi32>
    %sub3A_2076 = arith.subi %masked_cumsum3A_2075, %select_n3A_2072 : vector<16xi32>
    %eq3A_2077 = arith.constant 1 : i32
    %eq3A_2078 = vector.broadcast %eq3A_2077 : i32 to vector<16xi32>
    %eq3A_2079 = arith.cmpi eq, %iota3A, %eq3A_2078 : vector<16xi32>
    %jit3A_2080 = arith.constant 0 : i32
    %broadcast_in_dim3A_2081 = vector.broadcast %jit3A_2080 : i32 to vector<16xi32>
    %select_n3A_2082 = arith.select %eq3A_2079, %add3A_2064, %broadcast_in_dim3A_2081 : vector<16xi1>, vector<16xi32>
    %reduce_sum3A_2083 = arith.constant true
    %reduce_sum3A_2084 = vector.broadcast %reduce_sum3A_2083 : i1 to vector<16xi1>
    %reduce_sum3A_2085 = tpu.scan <sum>, %select_n3A_2082 masked %reduce_sum3A_2084 : vector<16xi32>, vector<16xi1> -> vector<16xi32>
    %reduce_sum3A_2086 = vector.extract %reduce_sum3A_2085[15] : i32 from vector<16xi32>
    %add3A_2087 = vector.broadcast %reduce_sum3A_2086 : i32 to vector<16xi32>
    %add3A_2088 = arith.addi %add3A_2087, %sub3A_2076 : vector<16xi32>
    %mul3A_2089 = arith.muli %select_n3A_2072, %add3A_2088 : vector<16xi32>
    %add3A_2090 = arith.addi %add3A_2056, %mul3A_2089 : vector<16xi32>
    %all_reduce_population_count3A_2091 = tpu.all_reduce %eq3A_2067 {dim = 0 : i64, kind = #tpu.reduction_kind<sum>} : vector<16xi1> -> vector<16xi32>
    %eq3A_2092 = arith.constant 1 : i32
    %eq3A_2093 = vector.broadcast %eq3A_2092 : i32 to vector<16xi32>
    %eq3A_2094 = arith.cmpi eq, %iota3A, %eq3A_2093 : vector<16xi32>
    %jit3A_2095 = arith.constant 0 : i32
    %broadcast_in_dim3A_2096 = vector.broadcast %jit3A_2095 : i32 to vector<16xi32>
    %select_n3A_2097 = arith.select %eq3A_2094, %all_reduce_population_count3A_2091, %broadcast_in_dim3A_2096 : vector<16xi1>, vector<16xi32>
    %add3A_2098 = arith.addi %add3A_2064, %select_n3A_2097 : vector<16xi32>
    %eq3A_2099 = arith.constant 2 : i32
    %eq3A_2100 = vector.broadcast %eq3A_2099 : i32 to vector<16xi32>
    %eq3A_2101 = arith.cmpi eq, %get3A_2028, %eq3A_2100 : vector<16xi32>
    %jit3A_2102 = arith.constant 1 : i32
    %jit3A_2103 = arith.constant 0 : i32
    %broadcast_in_dim3A_2104 = vector.broadcast %jit3A_2102 : i32 to vector<16xi32>
    %broadcast_in_dim3A_2105 = vector.broadcast %jit3A_2103 : i32 to vector<16xi32>
    %select_n3A_2106 = arith.select %eq3A_2101, %broadcast_in_dim3A_2104, %broadcast_in_dim3A_2105 : vector<16xi1>, vector<16xi32>
    %broadcast_in_dim3A_2107 = arith.constant true
    %broadcast_in_dim3A_2108 = vector.broadcast %broadcast_in_dim3A_2107 : i1 to vector<16xi1>
    %masked_cumsum3A_2109 = tpu.scan <sum>, %select_n3A_2106 masked %broadcast_in_dim3A_2108 : vector<16xi32>, vector<16xi1> -> vector<16xi32>
    %sub3A_2110 = arith.subi %masked_cumsum3A_2109, %select_n3A_2106 : vector<16xi32>
    %eq3A_2111 = arith.constant 2 : i32
    %eq3A_2112 = vector.broadcast %eq3A_2111 : i32 to vector<16xi32>
    %eq3A_2113 = arith.cmpi eq, %iota3A, %eq3A_2112 : vector<16xi32>
    %jit3A_2114 = arith.constant 0 : i32
    %broadcast_in_dim3A_2115 = vector.broadcast %jit3A_2114 : i32 to vector<16xi32>
    %select_n3A_2116 = arith.select %eq3A_2113, %add3A_2098, %broadcast_in_dim3A_2115 : vector<16xi1>, vector<16xi32>
    %reduce_sum3A_2117 = arith.constant true
    %reduce_sum3A_2118 = vector.broadcast %reduce_sum3A_2117 : i1 to vector<16xi1>
    %reduce_sum3A_2119 = tpu.scan <sum>, %select_n3A_2116 masked %reduce_sum3A_2118 : vector<16xi32>, vector<16xi1> -> vector<16xi32>
    %reduce_sum3A_2120 = vector.extract %reduce_sum3A_2119[15] : i32 from vector<16xi32>
    %add3A_2121 = vector.broadcast %reduce_sum3A_2120 : i32 to vector<16xi32>
    %add3A_2122 = arith.addi %add3A_2121, %sub3A_2110 : vector<16xi32>
    %mul3A_2123 = arith.muli %select_n3A_2106, %add3A_2122 : vector<16xi32>
    %add3A_2124 = arith.addi %add3A_2090, %mul3A_2123 : vector<16xi32>
    %all_reduce_population_count3A_2125 = tpu.all_reduce %eq3A_2101 {dim = 0 : i64, kind = #tpu.reduction_kind<sum>} : vector<16xi1> -> vector<16xi32>
    %eq3A_2126 = arith.constant 2 : i32
    %eq3A_2127 = vector.broadcast %eq3A_2126 : i32 to vector<16xi32>
    %eq3A_2128 = arith.cmpi eq, %iota3A, %eq3A_2127 : vector<16xi32>
    %jit3A_2129 = arith.constant 0 : i32
    %broadcast_in_dim3A_2130 = vector.broadcast %jit3A_2129 : i32 to vector<16xi32>
    %select_n3A_2131 = arith.select %eq3A_2128, %all_reduce_population_count3A_2125, %broadcast_in_dim3A_2130 : vector<16xi1>, vector<16xi32>
    %add3A_2132 = arith.addi %add3A_2098, %select_n3A_2131 : vector<16xi32>
    %eq3A_2133 = arith.constant 3 : i32
    %eq3A_2134 = vector.broadcast %eq3A_2133 : i32 to vector<16xi32>
    %eq3A_2135 = arith.cmpi eq, %get3A_2028, %eq3A_2134 : vector<16xi32>
    %jit3A_2136 = arith.constant 1 : i32
    %jit3A_2137 = arith.constant 0 : i32
    %broadcast_in_dim3A_2138 = vector.broadcast %jit3A_2136 : i32 to vector<16xi32>
    %broadcast_in_dim3A_2139 = vector.broadcast %jit3A_2137 : i32 to vector<16xi32>
    %select_n3A_2140 = arith.select %eq3A_2135, %broadcast_in_dim3A_2138, %broadcast_in_dim3A_2139 : vector<16xi1>, vector<16xi32>
    %broadcast_in_dim3A_2141 = arith.constant true
    %broadcast_in_dim3A_2142 = vector.broadcast %broadcast_in_dim3A_2141 : i1 to vector<16xi1>
    %masked_cumsum3A_2143 = tpu.scan <sum>, %select_n3A_2140 masked %broadcast_in_dim3A_2142 : vector<16xi32>, vector<16xi1> -> vector<16xi32>
    %sub3A_2144 = arith.subi %masked_cumsum3A_2143, %select_n3A_2140 : vector<16xi32>
    %eq3A_2145 = arith.constant 3 : i32
    %eq3A_2146 = vector.broadcast %eq3A_2145 : i32 to vector<16xi32>
    %eq3A_2147 = arith.cmpi eq, %iota3A, %eq3A_2146 : vector<16xi32>
    %jit3A_2148 = arith.constant 0 : i32
    %broadcast_in_dim3A_2149 = vector.broadcast %jit3A_2148 : i32 to vector<16xi32>
    %select_n3A_2150 = arith.select %eq3A_2147, %add3A_2132, %broadcast_in_dim3A_2149 : vector<16xi1>, vector<16xi32>
    %reduce_sum3A_2151 = arith.constant true
    %reduce_sum3A_2152 = vector.broadcast %reduce_sum3A_2151 : i1 to vector<16xi1>
    %reduce_sum3A_2153 = tpu.scan <sum>, %select_n3A_2150 masked %reduce_sum3A_2152 : vector<16xi32>, vector<16xi1> -> vector<16xi32>
    %reduce_sum3A_2154 = vector.extract %reduce_sum3A_2153[15] : i32 from vector<16xi32>
    %add3A_2155 = vector.broadcast %reduce_sum3A_2154 : i32 to vector<16xi32>
    %add3A_2156 = arith.addi %add3A_2155, %sub3A_2144 : vector<16xi32>
    %mul3A_2157 = arith.muli %select_n3A_2140, %add3A_2156 : vector<16xi32>
    %add3A_2158 = arith.addi %add3A_2124, %mul3A_2157 : vector<16xi32>
    %all_reduce_population_count3A_2159 = tpu.all_reduce %eq3A_2135 {dim = 0 : i64, kind = #tpu.reduction_kind<sum>} : vector<16xi1> -> vector<16xi32>
    %eq3A_2160 = arith.constant 3 : i32
    %eq3A_2161 = vector.broadcast %eq3A_2160 : i32 to vector<16xi32>
    %eq3A_2162 = arith.cmpi eq, %iota3A, %eq3A_2161 : vector<16xi32>
    %jit3A_2163 = arith.constant 0 : i32
    %broadcast_in_dim3A_2164 = vector.broadcast %jit3A_2163 : i32 to vector<16xi32>
    %select_n3A_2165 = arith.select %eq3A_2162, %all_reduce_population_count3A_2159, %broadcast_in_dim3A_2164 : vector<16xi1>, vector<16xi32>
    %add3A_2166 = arith.addi %add3A_2132, %select_n3A_2165 : vector<16xi32>
    %eq3A_2167 = arith.constant 4 : i32
    %eq3A_2168 = vector.broadcast %eq3A_2167 : i32 to vector<16xi32>
    %eq3A_2169 = arith.cmpi eq, %get3A_2028, %eq3A_2168 : vector<16xi32>
    %jit3A_2170 = arith.constant 1 : i32
    %jit3A_2171 = arith.constant 0 : i32
    %broadcast_in_dim3A_2172 = vector.broadcast %jit3A_2170 : i32 to vector<16xi32>
    %broadcast_in_dim3A_2173 = vector.broadcast %jit3A_2171 : i32 to vector<16xi32>
    %select_n3A_2174 = arith.select %eq3A_2169, %broadcast_in_dim3A_2172, %broadcast_in_dim3A_2173 : vector<16xi1>, vector<16xi32>
    %broadcast_in_dim3A_2175 = arith.constant true
    %broadcast_in_dim3A_2176 = vector.broadcast %broadcast_in_dim3A_2175 : i1 to vector<16xi1>
    %masked_cumsum3A_2177 = tpu.scan <sum>, %select_n3A_2174 masked %broadcast_in_dim3A_2176 : vector<16xi32>, vector<16xi1> -> vector<16xi32>
    %sub3A_2178 = arith.subi %masked_cumsum3A_2177, %select_n3A_2174 : vector<16xi32>
    %eq3A_2179 = arith.constant 4 : i32
    %eq3A_2180 = vector.broadcast %eq3A_2179 : i32 to vector<16xi32>
    %eq3A_2181 = arith.cmpi eq, %iota3A, %eq3A_2180 : vector<16xi32>
    %jit3A_2182 = arith.constant 0 : i32
    %broadcast_in_dim3A_2183 = vector.broadcast %jit3A_2182 : i32 to vector<16xi32>
    %select_n3A_2184 = arith.select %eq3A_2181, %add3A_2166, %broadcast_in_dim3A_2183 : vector<16xi1>, vector<16xi32>
    %reduce_sum3A_2185 = arith.constant true
    %reduce_sum3A_2186 = vector.broadcast %reduce_sum3A_2185 : i1 to vector<16xi1>
    %reduce_sum3A_2187 = tpu.scan <sum>, %select_n3A_2184 masked %reduce_sum3A_2186 : vector<16xi32>, vector<16xi1> -> vector<16xi32>
    %reduce_sum3A_2188 = vector.extract %reduce_sum3A_2187[15] : i32 from vector<16xi32>
    %add3A_2189 = vector.broadcast %reduce_sum3A_2188 : i32 to vector<16xi32>
    %add3A_2190 = arith.addi %add3A_2189, %sub3A_2178 : vector<16xi32>
    %mul3A_2191 = arith.muli %select_n3A_2174, %add3A_2190 : vector<16xi32>
    %add3A_2192 = arith.addi %add3A_2158, %mul3A_2191 : vector<16xi32>
    %all_reduce_population_count3A_2193 = tpu.all_reduce %eq3A_2169 {dim = 0 : i64, kind = #tpu.reduction_kind<sum>} : vector<16xi1> -> vector<16xi32>
    %eq3A_2194 = arith.constant 4 : i32
    %eq3A_2195 = vector.broadcast %eq3A_2194 : i32 to vector<16xi32>
    %eq3A_2196 = arith.cmpi eq, %iota3A, %eq3A_2195 : vector<16xi32>
    %jit3A_2197 = arith.constant 0 : i32
    %broadcast_in_dim3A_2198 = vector.broadcast %jit3A_2197 : i32 to vector<16xi32>
    %select_n3A_2199 = arith.select %eq3A_2196, %all_reduce_population_count3A_2193, %broadcast_in_dim3A_2198 : vector<16xi1>, vector<16xi32>
    %add3A_2200 = arith.addi %add3A_2166, %select_n3A_2199 : vector<16xi32>
    %eq3A_2201 = arith.constant 5 : i32
    %eq3A_2202 = vector.broadcast %eq3A_2201 : i32 to vector<16xi32>
    %eq3A_2203 = arith.cmpi eq, %get3A_2028, %eq3A_2202 : vector<16xi32>
    %jit3A_2204 = arith.constant 1 : i32
    %jit3A_2205 = arith.constant 0 : i32
    %broadcast_in_dim3A_2206 = vector.broadcast %jit3A_2204 : i32 to vector<16xi32>
    %broadcast_in_dim3A_2207 = vector.broadcast %jit3A_2205 : i32 to vector<16xi32>
    %select_n3A_2208 = arith.select %eq3A_2203, %broadcast_in_dim3A_2206, %broadcast_in_dim3A_2207 : vector<16xi1>, vector<16xi32>
    %broadcast_in_dim3A_2209 = arith.constant true
    %broadcast_in_dim3A_2210 = vector.broadcast %broadcast_in_dim3A_2209 : i1 to vector<16xi1>
    %masked_cumsum3A_2211 = tpu.scan <sum>, %select_n3A_2208 masked %broadcast_in_dim3A_2210 : vector<16xi32>, vector<16xi1> -> vector<16xi32>
    %sub3A_2212 = arith.subi %masked_cumsum3A_2211, %select_n3A_2208 : vector<16xi32>
    %eq3A_2213 = arith.constant 5 : i32
    %eq3A_2214 = vector.broadcast %eq3A_2213 : i32 to vector<16xi32>
    %eq3A_2215 = arith.cmpi eq, %iota3A, %eq3A_2214 : vector<16xi32>
    %jit3A_2216 = arith.constant 0 : i32
    %broadcast_in_dim3A_2217 = vector.broadcast %jit3A_2216 : i32 to vector<16xi32>
    %select_n3A_2218 = arith.select %eq3A_2215, %add3A_2200, %broadcast_in_dim3A_2217 : vector<16xi1>, vector<16xi32>
    %reduce_sum3A_2219 = arith.constant true
    %reduce_sum3A_2220 = vector.broadcast %reduce_sum3A_2219 : i1 to vector<16xi1>
    %reduce_sum3A_2221 = tpu.scan <sum>, %select_n3A_2218 masked %reduce_sum3A_2220 : vector<16xi32>, vector<16xi1> -> vector<16xi32>
    %reduce_sum3A_2222 = vector.extract %reduce_sum3A_2221[15] : i32 from vector<16xi32>
    %add3A_2223 = vector.broadcast %reduce_sum3A_2222 : i32 to vector<16xi32>
    %add3A_2224 = arith.addi %add3A_2223, %sub3A_2212 : vector<16xi32>
    %mul3A_2225 = arith.muli %select_n3A_2208, %add3A_2224 : vector<16xi32>
    %add3A_2226 = arith.addi %add3A_2192, %mul3A_2225 : vector<16xi32>
    %all_reduce_population_count3A_2227 = tpu.all_reduce %eq3A_2203 {dim = 0 : i64, kind = #tpu.reduction_kind<sum>} : vector<16xi1> -> vector<16xi32>
    %eq3A_2228 = arith.constant 5 : i32
    %eq3A_2229 = vector.broadcast %eq3A_2228 : i32 to vector<16xi32>
    %eq3A_2230 = arith.cmpi eq, %iota3A, %eq3A_2229 : vector<16xi32>
    %jit3A_2231 = arith.constant 0 : i32
    %broadcast_in_dim3A_2232 = vector.broadcast %jit3A_2231 : i32 to vector<16xi32>
    %select_n3A_2233 = arith.select %eq3A_2230, %all_reduce_population_count3A_2227, %broadcast_in_dim3A_2232 : vector<16xi1>, vector<16xi32>
    %add3A_2234 = arith.addi %add3A_2200, %select_n3A_2233 : vector<16xi32>
    %eq3A_2235 = arith.constant 6 : i32
    %eq3A_2236 = vector.broadcast %eq3A_2235 : i32 to vector<16xi32>
    %eq3A_2237 = arith.cmpi eq, %get3A_2028, %eq3A_2236 : vector<16xi32>
    %jit3A_2238 = arith.constant 1 : i32
    %jit3A_2239 = arith.constant 0 : i32
    %broadcast_in_dim3A_2240 = vector.broadcast %jit3A_2238 : i32 to vector<16xi32>
    %broadcast_in_dim3A_2241 = vector.broadcast %jit3A_2239 : i32 to vector<16xi32>
    %select_n3A_2242 = arith.select %eq3A_2237, %broadcast_in_dim3A_2240, %broadcast_in_dim3A_2241 : vector<16xi1>, vector<16xi32>
    %broadcast_in_dim3A_2243 = arith.constant true
    %broadcast_in_dim3A_2244 = vector.broadcast %broadcast_in_dim3A_2243 : i1 to vector<16xi1>
    %masked_cumsum3A_2245 = tpu.scan <sum>, %select_n3A_2242 masked %broadcast_in_dim3A_2244 : vector<16xi32>, vector<16xi1> -> vector<16xi32>
    %sub3A_2246 = arith.subi %masked_cumsum3A_2245, %select_n3A_2242 : vector<16xi32>
    %eq3A_2247 = arith.constant 6 : i32
    %eq3A_2248 = vector.broadcast %eq3A_2247 : i32 to vector<16xi32>
    %eq3A_2249 = arith.cmpi eq, %iota3A, %eq3A_2248 : vector<16xi32>
    %jit3A_2250 = arith.constant 0 : i32
    %broadcast_in_dim3A_2251 = vector.broadcast %jit3A_2250 : i32 to vector<16xi32>
    %select_n3A_2252 = arith.select %eq3A_2249, %add3A_2234, %broadcast_in_dim3A_2251 : vector<16xi1>, vector<16xi32>
    %reduce_sum3A_2253 = arith.constant true
    %reduce_sum3A_2254 = vector.broadcast %reduce_sum3A_2253 : i1 to vector<16xi1>
    %reduce_sum3A_2255 = tpu.scan <sum>, %select_n3A_2252 masked %reduce_sum3A_2254 : vector<16xi32>, vector<16xi1> -> vector<16xi32>
    %reduce_sum3A_2256 = vector.extract %reduce_sum3A_2255[15] : i32 from vector<16xi32>
    %add3A_2257 = vector.broadcast %reduce_sum3A_2256 : i32 to vector<16xi32>
    %add3A_2258 = arith.addi %add3A_2257, %sub3A_2246 : vector<16xi32>
    %mul3A_2259 = arith.muli %select_n3A_2242, %add3A_2258 : vector<16xi32>
    %add3A_2260 = arith.addi %add3A_2226, %mul3A_2259 : vector<16xi32>
    %all_reduce_population_count3A_2261 = tpu.all_reduce %eq3A_2237 {dim = 0 : i64, kind = #tpu.reduction_kind<sum>} : vector<16xi1> -> vector<16xi32>
    %eq3A_2262 = arith.constant 6 : i32
    %eq3A_2263 = vector.broadcast %eq3A_2262 : i32 to vector<16xi32>
    %eq3A_2264 = arith.cmpi eq, %iota3A, %eq3A_2263 : vector<16xi32>
    %jit3A_2265 = arith.constant 0 : i32
    %broadcast_in_dim3A_2266 = vector.broadcast %jit3A_2265 : i32 to vector<16xi32>
    %select_n3A_2267 = arith.select %eq3A_2264, %all_reduce_population_count3A_2261, %broadcast_in_dim3A_2266 : vector<16xi1>, vector<16xi32>
    %add3A_2268 = arith.addi %add3A_2234, %select_n3A_2267 : vector<16xi32>
    %eq3A_2269 = arith.constant 7 : i32
    %eq3A_2270 = vector.broadcast %eq3A_2269 : i32 to vector<16xi32>
    %eq3A_2271 = arith.cmpi eq, %get3A_2028, %eq3A_2270 : vector<16xi32>
    %jit3A_2272 = arith.constant 1 : i32
    %jit3A_2273 = arith.constant 0 : i32
    %broadcast_in_dim3A_2274 = vector.broadcast %jit3A_2272 : i32 to vector<16xi32>
    %broadcast_in_dim3A_2275 = vector.broadcast %jit3A_2273 : i32 to vector<16xi32>
    %select_n3A_2276 = arith.select %eq3A_2271, %broadcast_in_dim3A_2274, %broadcast_in_dim3A_2275 : vector<16xi1>, vector<16xi32>
    %broadcast_in_dim3A_2277 = arith.constant true
    %broadcast_in_dim3A_2278 = vector.broadcast %broadcast_in_dim3A_2277 : i1 to vector<16xi1>
    %masked_cumsum3A_2279 = tpu.scan <sum>, %select_n3A_2276 masked %broadcast_in_dim3A_2278 : vector<16xi32>, vector<16xi1> -> vector<16xi32>
    %sub3A_2280 = arith.subi %masked_cumsum3A_2279, %select_n3A_2276 : vector<16xi32>
    %eq3A_2281 = arith.constant 7 : i32
    %eq3A_2282 = vector.broadcast %eq3A_2281 : i32 to vector<16xi32>
    %eq3A_2283 = arith.cmpi eq, %iota3A, %eq3A_2282 : vector<16xi32>
    %jit3A_2284 = arith.constant 0 : i32
    %broadcast_in_dim3A_2285 = vector.broadcast %jit3A_2284 : i32 to vector<16xi32>
    %select_n3A_2286 = arith.select %eq3A_2283, %add3A_2268, %broadcast_in_dim3A_2285 : vector<16xi1>, vector<16xi32>
    %reduce_sum3A_2287 = arith.constant true
    %reduce_sum3A_2288 = vector.broadcast %reduce_sum3A_2287 : i1 to vector<16xi1>
    %reduce_sum3A_2289 = tpu.scan <sum>, %select_n3A_2286 masked %reduce_sum3A_2288 : vector<16xi32>, vector<16xi1> -> vector<16xi32>
    %reduce_sum3A_2290 = vector.extract %reduce_sum3A_2289[15] : i32 from vector<16xi32>
    %add3A_2291 = vector.broadcast %reduce_sum3A_2290 : i32 to vector<16xi32>
    %add3A_2292 = arith.addi %add3A_2291, %sub3A_2280 : vector<16xi32>
    %mul3A_2293 = arith.muli %select_n3A_2276, %add3A_2292 : vector<16xi32>
    %add3A_2294 = arith.addi %add3A_2260, %mul3A_2293 : vector<16xi32>
    %all_reduce_population_count3A_2295 = tpu.all_reduce %eq3A_2271 {dim = 0 : i64, kind = #tpu.reduction_kind<sum>} : vector<16xi1> -> vector<16xi32>
    %eq3A_2296 = arith.constant 7 : i32
    %eq3A_2297 = vector.broadcast %eq3A_2296 : i32 to vector<16xi32>
    %eq3A_2298 = arith.cmpi eq, %iota3A, %eq3A_2297 : vector<16xi32>
    %jit3A_2299 = arith.constant 0 : i32
    %broadcast_in_dim3A_2300 = vector.broadcast %jit3A_2299 : i32 to vector<16xi32>
    %select_n3A_2301 = arith.select %eq3A_2298, %all_reduce_population_count3A_2295, %broadcast_in_dim3A_2300 : vector<16xi1>, vector<16xi32>
    %add3A_2302 = arith.addi %add3A_2268, %select_n3A_2301 : vector<16xi32>
    %swap3A_2303 = arith.constant 0 : i32
    %swap3A_2304 = arith.constant 0 : i32
    %swap3A_2305 = tpu.memref_slice %arg8[%swap3A_2303, %swap3A_2304] : memref<1x128xi32, #tpu.memory_space<vmem>> -> memref<1x128xi32, #tpu.memory_space<vmem>>
    %swap3A_2306 = tpu.memref_squeeze %swap3A_2305 : memref<1x128xi32, #tpu.memory_space<vmem>> -> memref<128xi32, #tpu.memory_space<vmem>>
    %swap3A_2307 = arith.constant 112 : index
    %swap3A_2308 = tpu.vector_load %swap3A_2306[%swap3A_2307] {strides = array<i32>} : memref<128xi32, #tpu.memory_space<vmem>>, vector<16xi32>,
    tpu.vector_store %swap3A_2306[%swap3A_2307], %add3A_2294 {strides = array<i32>} : memref<128xi32, #tpu.memory_space<vmem>>, vector<16xi32>,
    %mul3A_2309 = arith.constant 128 : i32
    %mul3A_2310 = arith.muli %add3A, %mul3A_2309 : i32
    %run_scoped3A = arith.constant 0 : i32
    "tpu.region"() ({
      %run_scoped3A_2328 = tpu.sem_alloc : memref<!tpu.dma_semaphore, #tpu.memory_space<semaphore_mem>>
      %dma_start3A_2329 = arith.constant 0 : i32
      %dma_start3A_2330 = tpu.memref_slice %arg8[%run_scoped3A, %dma_start3A_2329] : memref<1x128xi32, #tpu.memory_space<vmem>> -> memref<1x128xi32, #tpu.memory_space<vmem>>
      %dma_start3A_2331 = tpu.memref_squeeze %dma_start3A_2330 : memref<1x128xi32, #tpu.memory_space<vmem>> -> memref<128xi32, #tpu.memory_space<vmem>>
      %dma_start3A_2332 = tpu.memref_slice %arg5[%mul3A_2310] : memref<4096xi32, #tpu.memory_space<hbm>> -> memref<128xi32, #tpu.memory_space<hbm>>
      %dma_start3A_2333 = tpu.memref_slice %arg5[%mul3A_2310] : memref<4096xi32, #tpu.memory_space<hbm>> -> memref<128xi32, #tpu.memory_space<hbm>>
      %dma_start3A_2334 = arith.constant 0 : i32
      %dma_start3A_2335 = tpu.memref_slice %arg8[%run_scoped3A, %dma_start3A_2334] : memref<1x128xi32, #tpu.memory_space<vmem>> -> memref<1x128xi32, #tpu.memory_space<vmem>>
      %dma_start3A_2336 = tpu.memref_squeeze %dma_start3A_2335 : memref<1x128xi32, #tpu.memory_space<vmem>> -> memref<128xi32, #tpu.memory_space<vmem>>
      tpu.enqueue_dma source(%dma_start3A_2336 : memref<128xi32, #tpu.memory_space<vmem>>) target(%dma_start3A_2333 : memref<128xi32, #tpu.memory_space<hbm>>) target_semaphore(%run_scoped3A_2328 : memref<!tpu.dma_semaphore, #tpu.memory_space<semaphore_mem>>)
      %dma_wait3A_2337 = arith.constant 0 : i32
      %dma_wait3A_2338 = tpu.memref_slice %arg8[%run_scoped3A, %dma_wait3A_2337] : memref<1x128xi32, #tpu.memory_space<vmem>> -> memref<1x128xi32, #tpu.memory_space<vmem>>
      %dma_wait3A_2339 = tpu.memref_squeeze %dma_wait3A_2338 : memref<1x128xi32, #tpu.memory_space<vmem>> -> memref<128xi32, #tpu.memory_space<vmem>>
      %dma_wait3A_2340 = tpu.memref_slice %arg5[%mul3A_2310] : memref<4096xi32, #tpu.memory_space<hbm>> -> memref<128xi32, #tpu.memory_space<hbm>>
      %dma_wait3A_2341 = tpu.memref_slice %arg5[%mul3A_2310] : memref<4096xi32, #tpu.memory_space<hbm>> -> memref<128xi32, #tpu.memory_space<hbm>>
      %dma_wait3A_2342 = arith.constant 0 : i32
      %dma_wait3A_2343 = tpu.memref_slice %arg8[%run_scoped3A, %dma_wait3A_2342] : memref<1x128xi32, #tpu.memory_space<vmem>> -> memref<1x128xi32, #tpu.memory_space<vmem>>
      %dma_wait3A_2344 = tpu.memref_squeeze %dma_wait3A_2343 : memref<1x128xi32, #tpu.memory_space<vmem>> -> memref<128xi32, #tpu.memory_space<vmem>>
      tpu.wait_dma2 semaphore(%run_scoped3A_2328 : memref<!tpu.dma_semaphore, #tpu.memory_space<semaphore_mem>>) src(%dma_wait3A_2344 : memref<128xi32, #tpu.memory_space<vmem>>) dst(%dma_wait3A_2341 : memref<128xi32, #tpu.memory_space<hbm>>)
      tpu.yield
    }) : () -> ()
    %dma_wait3A = arith.constant 0 : i32
    %dma_wait3A_2311 = tpu.memref_slice %arg2[%mul3A_3, %dma_wait3A] : memref<2048x512xi32, #tpu.memory_space<hbm>> -> memref<128x512xi32, #tpu.memory_space<hbm>>
    %dma_wait3A_2312 = arith.constant 0 : i32
    %dma_wait3A_2313 = tpu.memref_slice %arg2[%mul3A_3, %dma_wait3A_2312] : memref<2048x512xi32, #tpu.memory_space<hbm>> -> memref<128x512xi32, #tpu.memory_space<hbm>>
    tpu.wait_dma2 semaphore(%arg11 : memref<!tpu.dma_semaphore, #tpu.memory_space<semaphore_mem>>) src(%dma_wait3A_2313 : memref<128x512xi32, #tpu.memory_space<hbm>>) dst(%arg9 : memref<128x512xi32, #tpu.memory_space<vmem>>)
    %dma_start3A_2314 = arith.constant 0 : i32
    %dma_start3A_2315 = arith.constant 0 : i32
    %dma_start3A_2316 = tpu.memref_slice %arg8[%dma_start3A_2314, %dma_start3A_2315] : memref<1x128xi32, #tpu.memory_space<vmem>> -> memref<1x128xi32, #tpu.memory_space<vmem>>
    %dma_start3A_2317 = tpu.memref_squeeze %dma_start3A_2316 : memref<1x128xi32, #tpu.memory_space<vmem>> -> memref<128xi32, #tpu.memory_space<vmem>>
    %dma_start3A_2318 = arith.constant 0 : i32
    %dma_start3A_2319 = arith.constant 0 : i32
    %dma_start3A_2320 = tpu.memref_slice %arg4[%dma_start3A_2318, %dma_start3A_2319] : memref<6144x512xi32, #tpu.memory_space<hbm>> -> memref<6144x512xi32, #tpu.memory_space<hbm>>
    tpu.enqueue_indirect_dma source(%arg9 : memref<128x512xi32, #tpu.memory_space<vmem>>) target(%dma_start3A_2320 : memref<6144x512xi32, #tpu.memory_space<hbm>>) offsets(%dma_start3A_2317 : memref<128xi32, #tpu.memory_space<vmem>>) semaphore(%arg11 : memref<!tpu.dma_semaphore, #tpu.memory_space<semaphore_mem>>)
    %dma_wait3A_2321 = arith.constant 0 : i32
    %dma_wait3A_2322 = arith.constant 0 : i32
    %dma_wait3A_2323 = tpu.memref_slice %arg8[%dma_wait3A_2321, %dma_wait3A_2322] : memref<1x128xi32, #tpu.memory_space<vmem>> -> memref<1x128xi32, #tpu.memory_space<vmem>>
    %dma_wait3A_2324 = tpu.memref_squeeze %dma_wait3A_2323 : memref<1x128xi32, #tpu.memory_space<vmem>> -> memref<128xi32, #tpu.memory_space<vmem>>
    %dma_wait3A_2325 = arith.constant 0 : i32
    %dma_wait3A_2326 = arith.constant 0 : i32
    %dma_wait3A_2327 = tpu.memref_slice %arg4[%dma_wait3A_2325, %dma_wait3A_2326] : memref<6144x512xi32, #tpu.memory_space<hbm>> -> memref<6144x512xi32, #tpu.memory_space<hbm>>
    tpu.wait_indirect_dma semaphore(%arg11 : memref<!tpu.dma_semaphore, #tpu.memory_space<semaphore_mem>>) src(%arg9 : memref<128x512xi32, #tpu.memory_space<vmem>>) dst(%dma_wait3A_2327 : memref<6144x512xi32, #tpu.memory_space<hbm>>)
    return
  }
}

module attributes {stable_mosaic.version = 14 : i64} {
  func.func @_router_body(%arg0: i32, %arg1: memref<512x1024xf32, #tpu.memory_space<vmem>>, %arg2: memref<1024x8xf32, #tpu.memory_space<vmem>>, %arg3: memref<512x2xi32, #tpu.memory_space<vmem>>, %arg4: memref<512x2xf32, #tpu.memory_space<vmem>>, %arg5: memref<512x512xi32, #tpu.memory_space<vmem>>) attributes {dimension_semantics = [#tpu.dimension_semantics<arbitrary>], iteration_bounds = array<i64: 4>, scalar_prefetch = 0 : i64, scratch_operands = 0 : i64, tpu.core_type = #tpu.core_type<tc>, window_params = [{transform_indices = @transform_0, window_bounds = array<i64: 512, 1024>}, {pipeline_mode = #tpu.pipeline_mode<synchronous>, transform_indices = @transform_1, window_bounds = array<i64: 1024, 8>}, {transform_indices = @transform_2, window_bounds = array<i64: 512, 2>}, {transform_indices = @transform_3, window_bounds = array<i64: 512, 2>}, {transform_indices = @transform_4, window_bounds = array<i64: 512, 512>}]} {
    %get3A = arith.constant 0 : index
    %get3A_0 = arith.constant 0 : index
    %get3A_1 = vector.load %arg1[%get3A, %get3A_0] : memref<512x1024xf32, #tpu.memory_space<vmem>>, vector<512x1024xf32>
    %get3A_2 = arith.constant 0 : index
    %get3A_3 = arith.constant 0 : index
    %get3A_4 = vector.load %arg2[%get3A_2, %get3A_3] : memref<1024x8xf32, #tpu.memory_space<vmem>>, vector<1024x8xf32>
    %dot_general3A = arith.constant dense<0.000000e+00> : vector<512x8xf32>
    %dot_general3A_5 = tpu.matmul %get3A_1, %get3A_4, %dot_general3A {dimension_numbers = #tpu.dot_dimension_numbers<[1], [0], [0], [1], [0, 0, 1, 1], [], []>, transpose_lhs_hint = false} : vector<512x1024xf32>, vector<1024x8xf32>, vector<512x8xf32> -> vector<512x8xf32>
    %iota3A = tpu.iota {dimensions = array<i32: 1>} : vector<512x8xi32>
    %reduce_max3A = arith.constant dense<0xFF800000> : vector<512xf32>
    %reduce_max3A_6 = vector.multi_reduction <maximumf>, %dot_general3A_5, %reduce_max3A [1] : vector<512x8xf32> to vector<512xf32>
    %broadcast_in_dim3A = vector.shape_cast %reduce_max3A_6 : vector<512xf32> to vector<512x1xf32>
    %eq3A = vector.broadcast %broadcast_in_dim3A : vector<512x1xf32> to vector<512x8xf32>
    %eq3A_7 = arith.cmpf oeq, %dot_general3A_5, %eq3A : vector<512x8xf32>
    %jit3A = arith.constant 8 : i32
    %broadcast_in_dim3A_8 = vector.broadcast %jit3A : i32 to vector<512x8xi32>
    %select_n3A = arith.select %eq3A_7, %iota3A, %broadcast_in_dim3A_8 : vector<512x8xi1>, vector<512x8xi32>
    %reduce_min3A = arith.constant dense<2147483647> : vector<512xi32>
    %reduce_min3A_9 = vector.multi_reduction <minsi>, %select_n3A, %reduce_min3A [1] : vector<512x8xi32> to vector<512xi32>
    %broadcast_in_dim3A_10 = vector.shape_cast %reduce_min3A_9 : vector<512xi32> to vector<512x1xi32>
    %eq3A_11 = vector.broadcast %broadcast_in_dim3A_10 : vector<512x1xi32> to vector<512x8xi32>
    %eq3A_12 = arith.cmpi eq, %iota3A, %eq3A_11 : vector<512x8xi32>
    %jit3A_13 = arith.constant 0xFF800000 : f32
    %broadcast_in_dim3A_14 = vector.broadcast %jit3A_13 : f32 to vector<512x8xf32>
    %select_n3A_15 = arith.select %eq3A_12, %broadcast_in_dim3A_14, %dot_general3A_5 : vector<512x8xi1>, vector<512x8xf32>
    %reduce_max3A_16 = arith.constant dense<0xFF800000> : vector<512xf32>
    %reduce_max3A_17 = vector.multi_reduction <maximumf>, %select_n3A_15, %reduce_max3A_16 [1] : vector<512x8xf32> to vector<512xf32>
    %broadcast_in_dim3A_18 = vector.shape_cast %reduce_max3A_17 : vector<512xf32> to vector<512x1xf32>
    %eq3A_19 = vector.broadcast %broadcast_in_dim3A_18 : vector<512x1xf32> to vector<512x8xf32>
    %eq3A_20 = arith.cmpf oeq, %select_n3A_15, %eq3A_19 : vector<512x8xf32>
    %jit3A_21 = arith.constant 8 : i32
    %broadcast_in_dim3A_22 = vector.broadcast %jit3A_21 : i32 to vector<512x8xi32>
    %select_n3A_23 = arith.select %eq3A_20, %iota3A, %broadcast_in_dim3A_22 : vector<512x8xi1>, vector<512x8xi32>
    %reduce_min3A_24 = arith.constant dense<2147483647> : vector<512xi32>
    %reduce_min3A_25 = vector.multi_reduction <minsi>, %select_n3A_23, %reduce_min3A_24 [1] : vector<512x8xi32> to vector<512xi32>
    %broadcast_in_dim3A_26 = vector.shape_cast %reduce_min3A_25 : vector<512xi32> to vector<512x1xi32>
    %sub3A = arith.subf %broadcast_in_dim3A_18, %broadcast_in_dim3A : vector<512x1xf32>
    %exp3A = math.exp %sub3A : vector<512x1xf32>
    %add3A = arith.constant 1.000000e+00 : f32
    %add3A_27 = vector.broadcast %add3A : f32 to vector<512x1xf32>
    %add3A_28 = arith.addf %add3A_27, %exp3A : vector<512x1xf32>
    %div3A = arith.constant 1.000000e+00 : f32
    %div3A_29 = vector.broadcast %div3A : f32 to vector<512x1xf32>
    %div3A_30 = arith.divf %div3A_29, %add3A_28 : vector<512x1xf32>
    %sub3A_31 = arith.constant 1.000000e+00 : f32
    %sub3A_32 = vector.broadcast %sub3A_31 : f32 to vector<512x1xf32>
    %sub3A_33 = arith.subf %sub3A_32, %div3A_30 : vector<512x1xf32>
    %concatenate3A = tpu.concatenate %broadcast_in_dim3A_10, %broadcast_in_dim3A_26 in 1 : vector<512x1xi32>, vector<512x1xi32> -> vector<512x2xi32>
    %swap3A = arith.constant 0 : index
    %swap3A_34 = arith.constant 0 : index
    %swap3A_35 = vector.load %arg3[%swap3A, %swap3A_34] : memref<512x2xi32, #tpu.memory_space<vmem>>, vector<512x2xi32>
    tpu.vector_store %arg3[%swap3A, %swap3A_34], %concatenate3A {strides = array<i32>} : memref<512x2xi32, #tpu.memory_space<vmem>>, vector<512x2xi32>,
    %concatenate3A_36 = tpu.concatenate %div3A_30, %sub3A_33 in 1 : vector<512x1xf32>, vector<512x1xf32> -> vector<512x2xf32>
    %swap3A_37 = arith.constant 0 : index
    %swap3A_38 = arith.constant 0 : index
    %swap3A_39 = vector.load %arg4[%swap3A_37, %swap3A_38] : memref<512x2xf32, #tpu.memory_space<vmem>>, vector<512x2xf32>
    tpu.vector_store %arg4[%swap3A_37, %swap3A_38], %concatenate3A_36 {strides = array<i32>} : memref<512x2xf32, #tpu.memory_space<vmem>>, vector<512x2xf32>,
    %get3A_40 = arith.constant 0 : index
    %get3A_41 = arith.constant 0 : index
    %get3A_42 = vector.load %arg1[%get3A_40, %get3A_41] : memref<512x1024xf32, #tpu.memory_space<vmem>>, vector<512x512xf32>
    %get3A_43 = arith.constant 0 : index
    %get3A_44 = arith.constant 512 : index
    %get3A_45 = vector.load %arg1[%get3A_43, %get3A_44] : memref<512x1024xf32, #tpu.memory_space<vmem>>, vector<512x512xf32>
    %convert_element_type3A = arith.truncf %get3A_42 : vector<512x512xf32> to vector<512x512xbf16>
    %convert_element_type3A_46 = arith.extf %convert_element_type3A : vector<512x512xbf16> to vector<512x512xf32>
    %bitcast_convert_type3A = tpu.bitcast %convert_element_type3A_46 : vector<512x512xf32> -> vector<512x512xi32>
    %convert_element_type3A_47 = arith.truncf %get3A_45 : vector<512x512xf32> to vector<512x512xbf16>
    %convert_element_type3A_48 = arith.extf %convert_element_type3A_47 : vector<512x512xbf16> to vector<512x512xf32>
    %bitcast_convert_type3A_49 = tpu.bitcast %convert_element_type3A_48 : vector<512x512xf32> -> vector<512x512xi32>
    %shift_right_logical3A = arith.constant 16 : i32
    %shift_right_logical3A_50 = vector.broadcast %shift_right_logical3A : i32 to vector<512x512xi32>
    %shift_right_logical3A_51 = arith.shrui %bitcast_convert_type3A, %shift_right_logical3A_50 : vector<512x512xi32>
    %and3A = arith.constant -65536 : i32
    %and3A_52 = vector.broadcast %and3A : i32 to vector<512x512xi32>
    %and3A_53 = arith.andi %bitcast_convert_type3A_49, %and3A_52 : vector<512x512xi32>
    %or3A = arith.ori %shift_right_logical3A_51, %and3A_53 : vector<512x512xi32>
    %swap3A_54 = arith.constant 0 : index
    %swap3A_55 = arith.constant 0 : index
    %swap3A_56 = vector.load %arg5[%swap3A_54, %swap3A_55] : memref<512x512xi32, #tpu.memory_space<vmem>>, vector<512x512xi32>
    tpu.vector_store %arg5[%swap3A_54, %swap3A_55], %or3A {strides = array<i32>} : memref<512x512xi32, #tpu.memory_space<vmem>>, vector<512x512xi32>,
    return
  }
  func.func @transform_0(%arg0: i32) -> (i32, i32) {
    %c0_i32 = arith.constant 0 : i32
    %c0_i32_0 = arith.constant 0 : i32
    return %arg0, %c0_i32 : i32, i32
  }
  func.func @transform_1(%arg0: i32) -> (i32, i32) {
    %c0_i32 = arith.constant 0 : i32
    %c0_i32_0 = arith.constant 0 : i32
    %c0_i32_1 = arith.constant 0 : i32
    return %c0_i32, %c0_i32_0 : i32, i32
  }
  func.func @transform_2(%arg0: i32) -> (i32, i32) {
    %c0_i32 = arith.constant 0 : i32
    %c0_i32_0 = arith.constant 0 : i32
    return %arg0, %c0_i32 : i32, i32
  }
  func.func @transform_3(%arg0: i32) -> (i32, i32) {
    %c0_i32 = arith.constant 0 : i32
    %c0_i32_0 = arith.constant 0 : i32
    return %arg0, %c0_i32 : i32, i32
  }
  func.func @transform_4(%arg0: i32) -> (i32, i32) {
    %c0_i32 = arith.constant 0 : i32
    %c0_i32_0 = arith.constant 0 : i32
    return %arg0, %c0_i32 : i32, i32
  }
}

module attributes {stable_mosaic.version = 14 : i64} {
  func.func @_gmm_body(%arg0: i32, %arg1: memref<48xi32, #tpu.memory_space<smem>>, %arg2: memref<256x512xi32, #tpu.memory_space<vmem>>, %arg3: memref<1x1024x512xf32, #tpu.memory_space<vmem>>, %arg4: memref<1x1024x512xf32, #tpu.memory_space<vmem>>, %arg5: memref<1x512x1024xf32, #tpu.memory_space<vmem>>, %arg6: memref<256x512xi32, #tpu.memory_space<vmem>>) attributes {dimension_semantics = [#tpu.dimension_semantics<arbitrary>], iteration_bounds = array<i64: 24>, scalar_prefetch = 1 : i64, scratch_operands = 0 : i64, tpu.core_type = #tpu.core_type<tc>, window_params = [{transform_indices = @transform_0, window_bounds = array<i64: 256, 512>}, {transform_indices = @transform_1, window_bounds = array<i64: 1, 1024, 512>}, {transform_indices = @transform_2, window_bounds = array<i64: 1, 1024, 512>}, {transform_indices = @transform_3, window_bounds = array<i64: 1, 512, 1024>}, {transform_indices = @transform_4, window_bounds = array<i64: 256, 512>}]} {
    %get3A = arith.constant 0 : index
    %get3A_0 = arith.constant 0 : index
    %get3A_1 = vector.load %arg2[%get3A, %get3A_0] : memref<256x512xi32, #tpu.memory_space<vmem>>, vector<256x512xi32>
    %shift_left3A = arith.constant 16 : i32
    %shift_left3A_2 = vector.broadcast %shift_left3A : i32 to vector<256x512xi32>
    %shift_left3A_3 = arith.shli %get3A_1, %shift_left3A_2 : vector<256x512xi32>
    %bitcast_convert_type3A = tpu.bitcast %shift_left3A_3 : vector<256x512xi32> -> vector<256x512xf32>
    %and3A = arith.constant -65536 : i32
    %and3A_4 = vector.broadcast %and3A : i32 to vector<256x512xi32>
    %and3A_5 = arith.andi %get3A_1, %and3A_4 : vector<256x512xi32>
    %bitcast_convert_type3A_6 = tpu.bitcast %and3A_5 : vector<256x512xi32> -> vector<256x512xf32>
    %get3A_7 = arith.constant 0 : index
    %get3A_8 = arith.constant 0 : index
    %get3A_9 = arith.constant 0 : index
    %get3A_10 = vector.load %arg3[%get3A_7, %get3A_8, %get3A_9] : memref<1x1024x512xf32, #tpu.memory_space<vmem>>, vector<1x1024x512xf32>
    %get3A_11 = vector.shape_cast %get3A_10 : vector<1x1024x512xf32> to vector<1024x512xf32>
    %get3A_12 = arith.constant 0 : index
    %get3A_13 = arith.constant 0 : index
    %get3A_14 = arith.constant 0 : index
    %get3A_15 = vector.load %arg4[%get3A_12, %get3A_13, %get3A_14] : memref<1x1024x512xf32, #tpu.memory_space<vmem>>, vector<1x1024x512xf32>
    %get3A_16 = vector.shape_cast %get3A_15 : vector<1x1024x512xf32> to vector<1024x512xf32>
    %slice3A = vector.extract_strided_slice %get3A_11 {offsets = [0, 0], sizes = [512, 512], strides = [1, 1]} : vector<1024x512xf32> to vector<512x512xf32>
    %dot_general3A = arith.constant dense<0.000000e+00> : vector<256x512xf32>
    %dot_general3A_17 = tpu.matmul %bitcast_convert_type3A, %slice3A, %dot_general3A {dimension_numbers = #tpu.dot_dimension_numbers<[1], [0], [0], [1], [0, 0, 1, 1], [], []>, transpose_lhs_hint = false} : vector<256x512xf32>, vector<512x512xf32>, vector<256x512xf32> -> vector<256x512xf32>
    %slice3A_18 = vector.extract_strided_slice %get3A_11 {offsets = [512, 0], sizes = [512, 512], strides = [1, 1]} : vector<1024x512xf32> to vector<512x512xf32>
    %dot_general3A_19 = arith.constant dense<0.000000e+00> : vector<256x512xf32>
    %dot_general3A_20 = tpu.matmul %bitcast_convert_type3A_6, %slice3A_18, %dot_general3A_19 {dimension_numbers = #tpu.dot_dimension_numbers<[1], [0], [0], [1], [0, 0, 1, 1], [], []>, transpose_lhs_hint = false} : vector<256x512xf32>, vector<512x512xf32>, vector<256x512xf32> -> vector<256x512xf32>
    %add3A = arith.addf %dot_general3A_17, %dot_general3A_20 : vector<256x512xf32>
    %slice3A_21 = vector.extract_strided_slice %get3A_16 {offsets = [0, 0], sizes = [512, 512], strides = [1, 1]} : vector<1024x512xf32> to vector<512x512xf32>
    %dot_general3A_22 = arith.constant dense<0.000000e+00> : vector<256x512xf32>
    %dot_general3A_23 = tpu.matmul %bitcast_convert_type3A, %slice3A_21, %dot_general3A_22 {dimension_numbers = #tpu.dot_dimension_numbers<[1], [0], [0], [1], [0, 0, 1, 1], [], []>, transpose_lhs_hint = false} : vector<256x512xf32>, vector<512x512xf32>, vector<256x512xf32> -> vector<256x512xf32>
    %slice3A_24 = vector.extract_strided_slice %get3A_16 {offsets = [512, 0], sizes = [512, 512], strides = [1, 1]} : vector<1024x512xf32> to vector<512x512xf32>
    %dot_general3A_25 = arith.constant dense<0.000000e+00> : vector<256x512xf32>
    %dot_general3A_26 = tpu.matmul %bitcast_convert_type3A_6, %slice3A_24, %dot_general3A_25 {dimension_numbers = #tpu.dot_dimension_numbers<[1], [0], [0], [1], [0, 0, 1, 1], [], []>, transpose_lhs_hint = false} : vector<256x512xf32>, vector<512x512xf32>, vector<256x512xf32> -> vector<256x512xf32>
    %add3A_27 = arith.addf %dot_general3A_23, %dot_general3A_26 : vector<256x512xf32>
    %logistic3A = arith.negf %add3A : vector<256x512xf32>
    %logistic3A_28 = math.exp %logistic3A : vector<256x512xf32>
    %logistic3A_29 = arith.constant 1.000000e+00 : f32
    %logistic3A_30 = vector.broadcast %logistic3A_29 : f32 to vector<256x512xf32>
    %logistic3A_31 = arith.addf %logistic3A_30, %logistic3A_28 : vector<256x512xf32>
    %logistic3A_32 = arith.divf %logistic3A_30, %logistic3A_31 : vector<256x512xf32>
    %mul3A = arith.mulf %add3A, %logistic3A_32 : vector<256x512xf32>
    %mul3A_33 = arith.mulf %mul3A, %add3A_27 : vector<256x512xf32>
    %get3A_34 = arith.constant 0 : index
    %get3A_35 = arith.constant 0 : index
    %get3A_36 = arith.constant 0 : index
    %get3A_37 = vector.load %arg5[%get3A_34, %get3A_35, %get3A_36] : memref<1x512x1024xf32, #tpu.memory_space<vmem>>, vector<1x512x1024xf32>
    %get3A_38 = vector.shape_cast %get3A_37 : vector<1x512x1024xf32> to vector<512x1024xf32>
    %dot_general3A_39 = arith.constant dense<0.000000e+00> : vector<256x1024xf32>
    %dot_general3A_40 = tpu.matmul %mul3A_33, %get3A_38, %dot_general3A_39 {dimension_numbers = #tpu.dot_dimension_numbers<[1], [0], [0], [1], [0, 0, 1, 1], [], []>, transpose_lhs_hint = false} : vector<256x512xf32>, vector<512x1024xf32>, vector<256x1024xf32> -> vector<256x1024xf32>
    %slice3A_41 = vector.extract_strided_slice %dot_general3A_40 {offsets = [0, 0], sizes = [256, 512], strides = [1, 1]} : vector<256x1024xf32> to vector<256x512xf32>
    %slice3A_42 = vector.extract_strided_slice %dot_general3A_40 {offsets = [0, 512], sizes = [256, 512], strides = [1, 1]} : vector<256x1024xf32> to vector<256x512xf32>
    %convert_element_type3A = arith.truncf %slice3A_41 : vector<256x512xf32> to vector<256x512xbf16>
    %convert_element_type3A_43 = arith.extf %convert_element_type3A : vector<256x512xbf16> to vector<256x512xf32>
    %bitcast_convert_type3A_44 = tpu.bitcast %convert_element_type3A_43 : vector<256x512xf32> -> vector<256x512xi32>
    %convert_element_type3A_45 = arith.truncf %slice3A_42 : vector<256x512xf32> to vector<256x512xbf16>
    %convert_element_type3A_46 = arith.extf %convert_element_type3A_45 : vector<256x512xbf16> to vector<256x512xf32>
    %bitcast_convert_type3A_47 = tpu.bitcast %convert_element_type3A_46 : vector<256x512xf32> -> vector<256x512xi32>
    %shift_right_logical3A = arith.constant 16 : i32
    %shift_right_logical3A_48 = vector.broadcast %shift_right_logical3A : i32 to vector<256x512xi32>
    %shift_right_logical3A_49 = arith.shrui %bitcast_convert_type3A_44, %shift_right_logical3A_48 : vector<256x512xi32>
    %and3A_50 = arith.constant -65536 : i32
    %and3A_51 = vector.broadcast %and3A_50 : i32 to vector<256x512xi32>
    %and3A_52 = arith.andi %bitcast_convert_type3A_47, %and3A_51 : vector<256x512xi32>
    %or3A = arith.ori %shift_right_logical3A_49, %and3A_52 : vector<256x512xi32>
    %swap3A = arith.constant 0 : index
    %swap3A_53 = arith.constant 0 : index
    %swap3A_54 = vector.load %arg6[%swap3A, %swap3A_53] : memref<256x512xi32, #tpu.memory_space<vmem>>, vector<256x512xi32>
    tpu.vector_store %arg6[%swap3A, %swap3A_53], %or3A {strides = array<i32>} : memref<256x512xi32, #tpu.memory_space<vmem>>, vector<256x512xi32>,
    return
  }
  func.func @transform_0(%arg0: i32, %arg1: memref<48xi32, #tpu.memory_space<smem>>) -> (i32, i32) {
    %c0_i32 = arith.constant 0 : i32
    %c0_i32_0 = arith.constant 0 : i32
    return %arg0, %c0_i32 : i32, i32
  }
  func.func @transform_1(%arg0: i32, %arg1: memref<48xi32, #tpu.memory_space<smem>>) -> (i32, i32, i32) {
    %get3A = arith.index_cast %arg0 : i32 to index
    %get3A_0 = memref.load %arg1[%get3A] : memref<48xi32, #tpu.memory_space<smem>>
    %c0_i32 = arith.constant 0 : i32
    %c0_i32_1 = arith.constant 0 : i32
    %c0_i32_2 = arith.constant 0 : i32
    return %get3A_0, %c0_i32, %c0_i32_1 : i32, i32, i32
  }
  func.func @transform_2(%arg0: i32, %arg1: memref<48xi32, #tpu.memory_space<smem>>) -> (i32, i32, i32) {
    %get3A = arith.index_cast %arg0 : i32 to index
    %get3A_0 = memref.load %arg1[%get3A] : memref<48xi32, #tpu.memory_space<smem>>
    %c0_i32 = arith.constant 0 : i32
    %c0_i32_1 = arith.constant 0 : i32
    %c0_i32_2 = arith.constant 0 : i32
    return %get3A_0, %c0_i32, %c0_i32_1 : i32, i32, i32
  }
  func.func @transform_3(%arg0: i32, %arg1: memref<48xi32, #tpu.memory_space<smem>>) -> (i32, i32, i32) {
    %get3A = arith.index_cast %arg0 : i32 to index
    %get3A_0 = memref.load %arg1[%get3A] : memref<48xi32, #tpu.memory_space<smem>>
    %c0_i32 = arith.constant 0 : i32
    %c0_i32_1 = arith.constant 0 : i32
    %c0_i32_2 = arith.constant 0 : i32
    return %get3A_0, %c0_i32, %c0_i32_1 : i32, i32, i32
  }
  func.func @transform_4(%arg0: i32, %arg1: memref<48xi32, #tpu.memory_space<smem>>) -> (i32, i32) {
    %c0_i32 = arith.constant 0 : i32
    %c0_i32_0 = arith.constant 0 : i32
    return %arg0, %c0_i32 : i32, i32
  }
}

module attributes {stable_mosaic.version = 14 : i64} {
  func.func @_shared_combine_body(%arg0: i32, %arg1: memref<512x1024xf32, #tpu.memory_space<vmem>>, %arg2: memref<1024x2048xf32, #tpu.memory_space<vmem>>, %arg3: memref<1024x2048xf32, #tpu.memory_space<vmem>>, %arg4: memref<2048x1024xf32, #tpu.memory_space<vmem>>, %arg5: memref<512x2xf32, #tpu.memory_space<vmem>>, %arg6: memref<512x512xi32, #tpu.memory_space<vmem>>, %arg7: memref<512x512xi32, #tpu.memory_space<vmem>>, %arg8: memref<512x1024xf32, #tpu.memory_space<vmem>>) attributes {dimension_semantics = [#tpu.dimension_semantics<arbitrary>], iteration_bounds = array<i64: 4>, scalar_prefetch = 0 : i64, scratch_operands = 0 : i64, tpu.core_type = #tpu.core_type<tc>, window_params = [{transform_indices = @transform_0, window_bounds = array<i64: 512, 1024>}, {pipeline_mode = #tpu.pipeline_mode<synchronous>, transform_indices = @transform_1, window_bounds = array<i64: 1024, 2048>}, {pipeline_mode = #tpu.pipeline_mode<synchronous>, transform_indices = @transform_2, window_bounds = array<i64: 1024, 2048>}, {pipeline_mode = #tpu.pipeline_mode<synchronous>, transform_indices = @transform_3, window_bounds = array<i64: 2048, 1024>}, {transform_indices = @transform_4, window_bounds = array<i64: 512, 2>}, {transform_indices = @transform_5, window_bounds = array<i64: 512, 512>}, {transform_indices = @transform_6, window_bounds = array<i64: 512, 512>}, {transform_indices = @transform_7, window_bounds = array<i64: 512, 1024>}]} {
    %get3A = arith.constant 0 : index
    %get3A_0 = arith.constant 0 : index
    %get3A_1 = vector.load %arg1[%get3A, %get3A_0] : memref<512x1024xf32, #tpu.memory_space<vmem>>, vector<512x1024xf32>
    %get3A_2 = arith.constant 0 : index
    %get3A_3 = arith.constant 0 : index
    %get3A_4 = vector.load %arg2[%get3A_2, %get3A_3] : memref<1024x2048xf32, #tpu.memory_space<vmem>>, vector<1024x2048xf32>
    %dot_general3A = arith.constant dense<0.000000e+00> : vector<512x2048xf32>
    %dot_general3A_5 = tpu.matmul %get3A_1, %get3A_4, %dot_general3A {dimension_numbers = #tpu.dot_dimension_numbers<[1], [0], [0], [1], [0, 0, 1, 1], [], []>, transpose_lhs_hint = false} : vector<512x1024xf32>, vector<1024x2048xf32>, vector<512x2048xf32> -> vector<512x2048xf32>
    %get3A_6 = arith.constant 0 : index
    %get3A_7 = arith.constant 0 : index
    %get3A_8 = vector.load %arg3[%get3A_6, %get3A_7] : memref<1024x2048xf32, #tpu.memory_space<vmem>>, vector<1024x2048xf32>
    %dot_general3A_9 = arith.constant dense<0.000000e+00> : vector<512x2048xf32>
    %dot_general3A_10 = tpu.matmul %get3A_1, %get3A_8, %dot_general3A_9 {dimension_numbers = #tpu.dot_dimension_numbers<[1], [0], [0], [1], [0, 0, 1, 1], [], []>, transpose_lhs_hint = false} : vector<512x1024xf32>, vector<1024x2048xf32>, vector<512x2048xf32> -> vector<512x2048xf32>
    %logistic3A = arith.negf %dot_general3A_5 : vector<512x2048xf32>
    %logistic3A_11 = math.exp %logistic3A : vector<512x2048xf32>
    %logistic3A_12 = arith.constant 1.000000e+00 : f32
    %logistic3A_13 = vector.broadcast %logistic3A_12 : f32 to vector<512x2048xf32>
    %logistic3A_14 = arith.addf %logistic3A_13, %logistic3A_11 : vector<512x2048xf32>
    %logistic3A_15 = arith.divf %logistic3A_13, %logistic3A_14 : vector<512x2048xf32>
    %mul3A = arith.mulf %dot_general3A_5, %logistic3A_15 : vector<512x2048xf32>
    %mul3A_16 = arith.mulf %mul3A, %dot_general3A_10 : vector<512x2048xf32>
    %get3A_17 = arith.constant 0 : index
    %get3A_18 = arith.constant 0 : index
    %get3A_19 = vector.load %arg4[%get3A_17, %get3A_18] : memref<2048x1024xf32, #tpu.memory_space<vmem>>, vector<2048x1024xf32>
    %dot_general3A_20 = arith.constant dense<0.000000e+00> : vector<512x1024xf32>
    %dot_general3A_21 = tpu.matmul %mul3A_16, %get3A_19, %dot_general3A_20 {dimension_numbers = #tpu.dot_dimension_numbers<[1], [0], [0], [1], [0, 0, 1, 1], [], []>, transpose_lhs_hint = false} : vector<512x2048xf32>, vector<2048x1024xf32>, vector<512x1024xf32> -> vector<512x1024xf32>
    %get3A_22 = arith.constant 0 : index
    %get3A_23 = arith.constant 0 : index
    %get3A_24 = vector.load %arg5[%get3A_22, %get3A_23] : memref<512x2xf32, #tpu.memory_space<vmem>>, vector<512x2xf32>
    %slice3A = vector.extract_strided_slice %get3A_24 {offsets = [0, 0], sizes = [512, 1], strides = [1, 1]} : vector<512x2xf32> to vector<512x1xf32>
    %slice3A_25 = vector.extract_strided_slice %get3A_24 {offsets = [0, 1], sizes = [512, 1], strides = [1, 1]} : vector<512x2xf32> to vector<512x1xf32>
    %get3A_26 = arith.constant 0 : index
    %get3A_27 = arith.constant 0 : index
    %get3A_28 = vector.load %arg6[%get3A_26, %get3A_27] : memref<512x512xi32, #tpu.memory_space<vmem>>, vector<512x512xi32>
    %shift_left3A = arith.constant 16 : i32
    %shift_left3A_29 = vector.broadcast %shift_left3A : i32 to vector<512x512xi32>
    %shift_left3A_30 = arith.shli %get3A_28, %shift_left3A_29 : vector<512x512xi32>
    %bitcast_convert_type3A = tpu.bitcast %shift_left3A_30 : vector<512x512xi32> -> vector<512x512xf32>
    %and3A = arith.constant -65536 : i32
    %and3A_31 = vector.broadcast %and3A : i32 to vector<512x512xi32>
    %and3A_32 = arith.andi %get3A_28, %and3A_31 : vector<512x512xi32>
    %bitcast_convert_type3A_33 = tpu.bitcast %and3A_32 : vector<512x512xi32> -> vector<512x512xf32>
    %get3A_34 = arith.constant 0 : index
    %get3A_35 = arith.constant 0 : index
    %get3A_36 = vector.load %arg7[%get3A_34, %get3A_35] : memref<512x512xi32, #tpu.memory_space<vmem>>, vector<512x512xi32>
    %shift_left3A_37 = arith.constant 16 : i32
    %shift_left3A_38 = vector.broadcast %shift_left3A_37 : i32 to vector<512x512xi32>
    %shift_left3A_39 = arith.shli %get3A_36, %shift_left3A_38 : vector<512x512xi32>
    %bitcast_convert_type3A_40 = tpu.bitcast %shift_left3A_39 : vector<512x512xi32> -> vector<512x512xf32>
    %and3A_41 = arith.constant -65536 : i32
    %and3A_42 = vector.broadcast %and3A_41 : i32 to vector<512x512xi32>
    %and3A_43 = arith.andi %get3A_36, %and3A_42 : vector<512x512xi32>
    %bitcast_convert_type3A_44 = tpu.bitcast %and3A_43 : vector<512x512xi32> -> vector<512x512xf32>
    %slice3A_45 = vector.extract_strided_slice %dot_general3A_21 {offsets = [0, 0], sizes = [512, 512], strides = [1, 1]} : vector<512x1024xf32> to vector<512x512xf32>
    %mul3A_46 = vector.broadcast %slice3A : vector<512x1xf32> to vector<512x512xf32>
    %mul3A_47 = arith.mulf %mul3A_46, %bitcast_convert_type3A : vector<512x512xf32>
    %add3A = arith.addf %slice3A_45, %mul3A_47 : vector<512x512xf32>
    %mul3A_48 = vector.broadcast %slice3A_25 : vector<512x1xf32> to vector<512x512xf32>
    %mul3A_49 = arith.mulf %mul3A_48, %bitcast_convert_type3A_40 : vector<512x512xf32>
    %add3A_50 = arith.addf %add3A, %mul3A_49 : vector<512x512xf32>
    %swap3A = arith.constant 0 : index
    %swap3A_51 = arith.constant 0 : index
    %swap3A_52 = vector.load %arg8[%swap3A, %swap3A_51] : memref<512x1024xf32, #tpu.memory_space<vmem>>, vector<512x512xf32>
    tpu.vector_store %arg8[%swap3A, %swap3A_51], %add3A_50 {strides = array<i32>} : memref<512x1024xf32, #tpu.memory_space<vmem>>, vector<512x512xf32>,
    %slice3A_53 = vector.extract_strided_slice %dot_general3A_21 {offsets = [0, 512], sizes = [512, 512], strides = [1, 1]} : vector<512x1024xf32> to vector<512x512xf32>
    %mul3A_54 = vector.broadcast %slice3A : vector<512x1xf32> to vector<512x512xf32>
    %mul3A_55 = arith.mulf %mul3A_54, %bitcast_convert_type3A_33 : vector<512x512xf32>
    %add3A_56 = arith.addf %slice3A_53, %mul3A_55 : vector<512x512xf32>
    %mul3A_57 = vector.broadcast %slice3A_25 : vector<512x1xf32> to vector<512x512xf32>
    %mul3A_58 = arith.mulf %mul3A_57, %bitcast_convert_type3A_44 : vector<512x512xf32>
    %add3A_59 = arith.addf %add3A_56, %mul3A_58 : vector<512x512xf32>
    %swap3A_60 = arith.constant 0 : index
    %swap3A_61 = arith.constant 512 : index
    %swap3A_62 = vector.load %arg8[%swap3A_60, %swap3A_61] : memref<512x1024xf32, #tpu.memory_space<vmem>>, vector<512x512xf32>
    tpu.vector_store %arg8[%swap3A_60, %swap3A_61], %add3A_59 {strides = array<i32>} : memref<512x1024xf32, #tpu.memory_space<vmem>>, vector<512x512xf32>,
    return
  }
  func.func @transform_0(%arg0: i32) -> (i32, i32) {
    %c0_i32 = arith.constant 0 : i32
    %c0_i32_0 = arith.constant 0 : i32
    return %arg0, %c0_i32 : i32, i32
  }
  func.func @transform_1(%arg0: i32) -> (i32, i32) {
    %c0_i32 = arith.constant 0 : i32
    %c0_i32_0 = arith.constant 0 : i32
    %c0_i32_1 = arith.constant 0 : i32
    return %c0_i32, %c0_i32_0 : i32, i32
  }
  func.func @transform_2(%arg0: i32) -> (i32, i32) {
    %c0_i32 = arith.constant 0 : i32
    %c0_i32_0 = arith.constant 0 : i32
    %c0_i32_1 = arith.constant 0 : i32
    return %c0_i32, %c0_i32_0 : i32, i32
  }
  func.func @transform_3(%arg0: i32) -> (i32, i32) {
    %c0_i32 = arith.constant 0 : i32
    %c0_i32_0 = arith.constant 0 : i32
    %c0_i32_1 = arith.constant 0 : i32
    return %c0_i32, %c0_i32_0 : i32, i32
  }
  func.func @transform_4(%arg0: i32) -> (i32, i32) {
    %c0_i32 = arith.constant 0 : i32
    %c0_i32_0 = arith.constant 0 : i32
    return %arg0, %c0_i32 : i32, i32
  }
  func.func @transform_5(%arg0: i32) -> (i32, i32) {
    %c0_i32 = arith.constant 0 : i32
    %c0_i32_0 = arith.constant 0 : i32
    return %arg0, %c0_i32 : i32, i32
  }
  func.func @transform_6(%arg0: i32) -> (i32, i32) {
    %add3A = arith.constant 4 : i32
    %add3A_0 = arith.addi %arg0, %add3A : i32
    %c0_i32 = arith.constant 0 : i32
    %c0_i32_1 = arith.constant 0 : i32
    return %add3A_0, %c0_i32 : i32, i32
  }
  func.func @transform_7(%arg0: i32) -> (i32, i32) {
    %c0_i32 = arith.constant 0 : i32
    %c0_i32_0 = arith.constant 0 : i32
    return %arg0, %c0_i32 : i32, i32
  }
}

</mosaic_0001>

<sc_bundles>
// kernel: kernel.10.cloned.1.call-start
scs
__scs_entry_jumppad:
0x0: {  	(pc) =	sbr.rel $0x88, $3  }
0x1: {  	(tag) =	ssettag $0x0;
	lr =	simm.s32 $0x1  }
0x2: {  	[smem:$0x3F99] =	sst lr;
	_ =	strace $0xD0000000  }
0x3: {  	_ = 	snop  }
0x4: {  	_ = 	snop  }
0x5: {  	_ = 	snop  }
0x6: {  	_ = 	snop  }
0x7: {  	_ = 	snop  }
__scs_overlays_trampoline_lowered:
0x8: {  	[smem:$0x3FA8] =	sst s0  }
0x9: {  	[smem:$0x3FA9] =	sst s1  }
0xa: {  	[smem:$0x3FAA] =	sst s2  }
0xb: {  	[smem:$0x3FAB] =	sst s3  }
0xc: {  	[smem:$0x3FAC] =	sst s4  }
0xd: {  	[smem:$0x3FAD] =	sst s5  }
0xe: {  	[smem:$0x3FAE] =	sst s6  }
0xf: {  	[smem:$0x3FAF] =	sst s7  }
0x10: {  	[smem:$0x3FB0] =	sst s8  }
0x11: {  	[smem:$0x3FB1] =	sst s9;
	s0 =	simm.s32 @!p0 $0x0  }
0x12: {  	s1 =	sld [smem:$0x3F97];
	s0 =	simm.s32 @p0 $0x1  }
0x13: {  	[smem:$0x3FB2] =	sst s0;
	s0 =	simm.s32 @!p1 $0x0  }
0x14: {  	s2 =	sld [smem:$0x3F96];
	s0 =	simm.s32 @p1 $0x1  }
0x15: {  	[smem:$0x3FB3] =	sst s0;
	s0 =	simm.s32 @!p2 $0x0  }
0x16: {  	s3 =	sld [smem:$0x3FDB];
	s0 =	simm.s32 @p2 $0x1  }
0x17: {  	s4 =	simm.s32 $0x1BF5;
	[smem:$0x3FB5] =	sst s0  }
0x18: {  	s0 =	sld [smem:$0x3F98];
	_ =	swait.ge [sflag:s4], $0x0  }
0x19: {  	s7 =	sld [smem:$0x3F99]  }
0x1a: {  	s8 =	sadd.s32 $0xFFFFE003, lr  }
0x1b: {  	s9 =	sadd.s32 $0xFFFFFEF7, lr;
	s5 =	simm.s32 $0xFFFFFFFF;
	p2 =	slt.u32 s8, $0xFFFFF086  }
0x1c: {  	p1 =	slt.u32 s9, $0xF7A;
	s5 =	simm.s32 @!p2 $0x0  }
0x1d: {  	s5 =	simm.s32 @p1 $0x1;
	p0 =	seq.s32 s7, s2  }
0x1e: {  	s7 =	smul.u32 @!p0 $0xF7A, s2;
	p2 =	seq.s32 @!p0 s5, $0x0  }
0x1f: {  	s9 =	smul.u32 $0xF7A, s1;
	s8 =	simm.s32 @!p0 $0x1BF5;
	p2 =	por !p2, p0  }
0x20: {  	[sflag:s8] =	ssyncset.s32 @!p0 $0xFFFFF086;
	s6 =	sadd.s32 @!p0 s3, s7;
	s7 =	simm.s32 @!p0 $0x108  }
0x21: {  	s3 =	sadd.s32 s3, s9;
	s6 =	sadd.s32 @!p0 $0x88, s6;
	s7 =	simm.s32 @p2 $0x1082  }
0x22: {  	[simem:s7], [sflag:s8] =	dma.local @!p0 [hbm:s6], $0xF7A  }
0x23: {  	s9 =	sor.u32 $0xD0000000, s2;
	s6 =	simm.s32 $0x108;
	_ =	swait.ge @!p0 [sflag:s8], $0x0  }
0x24: {  	s3 =	sadd.s32 $0x88, s3;
	s6 =	simm.s32 @!p1 $0x1082;
	[sflag:s4] =	ssyncset.s32 $0xFFFFF086  }
0x25: {  	[simem:s6], [sflag:s4] =	dma.local [hbm:s3], $0xF7A  }
0x26: {  	[smem:$0x3F99] =	sst s1;
	(tag) =	ssettag s2;
	_ =	strace s9  }
0x27: {  	s1 =	sld [smem:$0x3FA9]  }
0x28: {  	s2 =	sld [smem:$0x3FAA]  }
0x29: {  	s4 =	sld [smem:$0x3FAC]  }
0x2a: {  	p0 =	seq.s32 s5, $0x0;
	s5 =	sld [smem:$0x3FAD]  }
0x2b: {  	s6 =	sld [smem:$0x3FAE]  }
0x2c: {  	s7 =	sld [smem:$0x3FAF]  }
0x2d: {  	s3 =	simm.s32 $0x108;
	s8 =	sld [smem:$0x3FB0]  }
0x2e: {  	s3 =	simm.s32 @!p0 $0x1082;
	s9 =	sld [smem:$0x3FB1]  }
0x2f: {  	lr =	sadd.s32 s0, s3;
	s0 =	sld [smem:$0x3FA8]  }
0x30: {  	s3 =	sld [smem:$0x3FAB]  }
0x31: {  	[smem:$0x3FB4] =	sst s10  }
0x32: {  	s10 =	sld [smem:$0x3FB2];
	_ =	sdelay $0x3  }
0x33: {  	p0 =	seq.s32 s10, $0x1;
	s10 =	sld [smem:$0x3FB4];
	_ =	sdelay $0x3  }
0x34: {  	[smem:$0x3FB4] =	sst s10  }
0x35: {  	s10 =	sld [smem:$0x3FB3];
	_ =	sdelay $0x3  }
0x36: {  	p1 =	seq.s32 s10, $0x1;
	s10 =	sld [smem:$0x3FB4];
	_ =	sdelay $0x3  }
0x37: {  	[smem:$0x3FB4] =	sst s10  }
0x38: {  	s10 =	sld [smem:$0x3FB5]  }
0x39: {  	_ = 	snop;
	(pc) =	sbr.ind lr, $3  }
0x3a: {  	_ = 	snop  }
0x3b: {  	_ = 	snop  }
0x3c: {  	p2 =	seq.s32 s10, $0x1;
	s10 =	sld [smem:$0x3FB4]  }
0x3d: {  	_ =	shalt  }
0x3e: {  	_ =	shalt  }
0x3f: {  	_ =	shalt  }
0x40: {  	_ =	shalt  }
0x41: {  	_ =	shalt  }
0x42: {  	_ =	shalt  }
0x43: {  	_ =	shalt  }
0x44: {  	_ =	shalt  }
0x45: {  	_ =	shalt  }
0x46: {  	_ =	shalt  }
0x47: {  	_ =	shalt  }
0x48: {  	_ =	shalt  }
0x49: {  	_ =	shalt  }
0x4a: {  	_ =	shalt  }
0x4b: {  	_ =	shalt  }
0x4c: {  	_ =	shalt  }
0x4d: {  	_ =	shalt  }
0x4e: {  	_ =	shalt  }
0x4f: {  	_ =	shalt  }
0x50: {  	_ =	shalt  }
0x51: {  	_ =	shalt  }
0x52: {  	_ =	shalt  }
0x53: {  	_ =	shalt  }
0x54: {  	_ =	shalt  }
0x55: {  	_ =	shalt  }
0x56: {  	_ =	shalt  }
0x57: {  	_ =	shalt  }
0x58: {  	_ =	shalt  }
0x59: {  	_ =	shalt  }
0x5a: {  	_ =	shalt  }
0x5b: {  	_ =	shalt  }
0x5c: {  	_ =	shalt  }
0x5d: {  	_ =	shalt  }
0x5e: {  	_ =	shalt  }
0x5f: {  	_ =	shalt  }
0x60: {  	_ =	shalt  }
0x61: {  	_ =	shalt  }
0x62: {  	_ =	shalt  }
0x63: {  	_ =	shalt  }
0x64: {  	_ =	shalt  }
0x65: {  	_ =	shalt  }
0x66: {  	_ =	shalt  }
0x67: {  	_ =	shalt  }
0x68: {  	_ =	shalt  }
0x69: {  	_ =	shalt  }
0x6a: {  	_ =	shalt  }
0x6b: {  	_ =	shalt  }
0x6c: {  	_ =	shalt  }
0x6d: {  	_ =	shalt  }
0x6e: {  	_ =	shalt  }
0x6f: {  	_ =	shalt  }
0x70: {  	_ =	shalt  }
0x71: {  	_ =	shalt  }
0x72: {  	_ =	shalt  }
0x73: {  	_ =	shalt  }
0x74: {  	_ =	shalt  }
0x75: {  	_ =	shalt  }
0x76: {  	_ =	shalt  }
0x77: {  	_ =	shalt  }
0x78: {  	_ =	shalt  }
0x79: {  	_ =	shalt  }
0x7a: {  	_ =	shalt  }
0x7b: {  	_ =	shalt  }
0x7c: {  	_ =	shalt  }
0x7d: {  	_ =	shalt  }
0x7e: {  	_ =	shalt  }
0x7f: {  	_ =	shalt  }
0x80: {  	_ =	shalt  }
0x81: {  	_ =	shalt  }
0x82: {  	_ =	shalt  }
0x83: {  	_ =	shalt  }
0x84: {  	_ =	shalt  }
0x85: {  	_ =	shalt  }
0x86: {  	_ =	shalt  }
0x87: {  	_ =	shalt  }
.Lfunc_end0:
.L_simem_size_0:
called_computation.1_lowered:
.L_overlay_start_0:
0x88: {  	s2 =	sld [smem:$0x3FD9]  }
0x89: {  	s3 =	sld [smem:$0x3FFE];
	_ =	sdelay $0x1  }
0x8a: {  	s1 =	srdreg.scid  }
0x8b: {  	s0 =	sand.u32 $0x1, s1  }
0x8c: {  	s16 =	sshll.u32 s0, $0xA;
	s2 =	sadd.s32 s3, s2  }
0x8d: {  	s2 =	sadd.s32 s2, s16  }
0x8e: {  	[smem:$0x3FC0] =	sst s2  }
0x8f: {  	_ = 	snop  }
0x90: {  	(tm) =	ssettm $0x1  }
0x91: {  	s17 =	sld [smem:$0x3FFB];
	_ =	sdelay $0x3  }
0x92: {  	_ =	strace s17  }
0x93: {  	s2 =	sld [smem:$0x3FFC];
	_ =	sdelay $0x3  }
0x94: {  	_ =	strace s2  }
0x95: {  	s2 =	sld [smem:$0x3FFD];
	_ =	sdelay $0x3  }
0x96: {  	_ =	strace s2  }
0x97: {  	_ =	strace $0x8FFFFFFF  }
0x98: {  	s18 =	sld [smem:$0x3FDB];
	_ =	sdelay $0x1  }
0x99: {  	s19 =	simm.s32 $_scs_section_size  }
0x9a: {  	s4 =	simm.s32 $_size__tile_overlayer_lowered;
	s5 =	simm.s32 $_tile_overlayer_lowered  }
0x9b: {  	s22 =	simm.s32 $0x1BFF;
	s21 =	sshll.u32 s5, $0x1;
	s2 =	sadd.s32 s19, s18  }
0x9c: {  	s6 =	simm.s32 $0x0;
	s20 =	sshll.u32 s4, $0x1;
	s4 =	sadd.s32 s21, s2  }
0x9d: {  	[timem:s6], [sflag:s22] =	dma.local [hbm:s4], s20  }
0x9e: {  	_ =	swait.ge [sflag:s22], s20  }
0x9f: {  	s3 =	ssub.s32 $0x0, s20;
	[sflag:s22] =	ssyncset.done $0x0  }
0xa0: {  	[sflag:s22] =	ssyncadd.s32 s3;
	_ =	sdelay $0x1  }
0xa1: {  	s23 =	simm.s32 $0x1B8B  }
0xa2: {  	_ =	swait.ge [sflag:s23], $0x1  }
0xa3: {  	[sflag:s23] =	ssyncset.done $0x0  }
0xa4: {  	s25 =	simm.s32 $0x1B8E;
	s24 =	sld [smem:$0x3FFE];
	[sflag:s23] =	ssyncadd.s32 $0xFFFFFFFF  }
0xa5: {  	s26 =	simm.s32 $execute0_lowered;
	[smem:$0x3FD2] =	sst s25  }
0xa6: {  	s4 =	sshll.u32 s26, $0x1;
	_ =	strace $0x80000049;
	[dreg:$0x1] =	wrdreg $0xFFFFFFFF  }
0xa7: {  	s28 =	simm.s32 $_size_execute0_lowered;
	s2 =	sadd.s32 s2, s4;
	[dreg:$0x0] =	wrdreg $0x0  }
0xa8: {  	s4 =	sshll.u32 s28, $0x1;
	[dreg:$0x2] =	wrdreg s2  }
0xa9: {  	[dreg:$0x3] =	wrdreg s4  }
0xaa: {  	[dreg:$0x4] =	wrdreg $0xC0  }
0xab: {  	_ =	task [dreg:s6], $0x5FFFF  }
0xac: {  	[dreg:$0x1] =	wrdreg $0xFFFFFFFF  }
0xad: {  	[dreg:$0x0] =	wrdreg $0x60  }
0xae: {  	[dreg:$0x2] =	wrdreg s24  }
0xaf: {  	[dreg:$0x3] =	wrdreg $0x9  }
0xb0: {  	_ =	task.clear_ibuf [dreg:s6], $0x4FFFF;
	_ =	strace $0x90000049  }
0xb1: {  	s29 =	simm.s32 $0x9;
	_ =	strace $0x8000004B  }
0xb2: {  	_ =	swait.ge [sflag:s29], $0x1  }
0xb3: {  	[sflag:s29] =	ssyncadd.s32 $0xFFFFFFFF  }
0xb4: {  	_ =	strace $0x9000004B  }
0xb5: {  	_ =	sfence  }
0xb6: {  	s30 =	sld [smem:$0x0];
	_ =	sdelay $0x2  }
0xb7: {  	s31 =	sshll.u32 s1, $0xD;
	s1 =	sshrl.u32 s1, $0x2  }
0xb8: {  	s3 =	sand.u32 $0x4000, s31;
	s1 =	sadd.s32 s1, s30  }
0xb9: {  	s0 =	sor.u32 s3, s0;
	s1 =	sshll.u32 s1, $0x11  }
0xba: {  	s0 =	sor.u32 s1, s0  }
0xbb: {  	s0 =	sadd.s32 $0x8F2B, s0  }
0xbc: {  	[sflag:s0] =	ssyncadd.remote.s32 $0x1  }
0xbd: {  	_ =	sfence.sel $0xFFFF  }
0xbe: {  	[dreg:$0x0] =	wrdreg $0xFFFFFFFF;
	(pc) =	sbr.abs _section_cstart, $3  }
0xbf: {  	[dreg:$0x1] =	wrdreg $0xFFFFFFFF  }
0xc0: {  	_ =	task.clear_ibuf [dreg:s6], $0x2FFFF;
	_ =	strace $0x9FFFFFFF  }
0xc1: {  	(tm) =	ssettm $0x7FFFFFFF  }
tec
execute0_lowered:
.L_overlay_start_1:
0x0: {  	(tag) =	ssettag $0x1  }
0x1: {  	s1 =	srdreg.scid;
	s0 =	stileid.u32  }
0x2: {  	s4 =	rddreg [dreg:$0x0];
	s19 =	simm.s32 $0x880;
	s20 =	simm.s32 $0x1080  }
0x3: {  	s21 =	simm.s32 $0x1880;
	s22 =	simm.s32 $0x2080;
	s23 =	simm.s32 $0x2880  }
0x4: {  	s24 =	simm.s32 $0x3080;
	s25 =	simm.s32 $0x3880;
	s26 =	simm.s32 $0x4080  }
0x5: {  	s7 =	simm.s32 $0x80;
	s9 =	simm.s32 $0x5080;
	s10 =	simm.s32 $0x5880  }
0x6: {  	s11 =	simm.s32 $0x6080;
	s12 =	simm.s32 $0x6880;
	s1 =	sand.u32 $0x1, s1  }
0x7: {  	s13 =	simm.s32 $0x7080;
	s2 =	sshll.u32 s0, $0x8;
	s3 =	sshll.u32 s1, $0x7  }
0x8: {  	s14 =	simm.s32 $0x7880;
	s3 =	sor.u32 s3, s2;
	s2 =	simm.s32 $0x0  }
0x9: {  	s15 =	simm.s32 $0x8080;
	s16 =	simm.s32 $0x8880;
	[smem:$0x7FF] =	sst s2  }
0xa: {  	s17 =	simm.s32 $0x9080;
	_ =	strace $0x8000004A;
	[dreg:$0x4] =	wrdreg s19  }
0xb: {  	s18 =	simm.s32 $0x9880;
	s28 =	simm.s32 $0xE080;
	[dreg:$0x5] =	wrdreg s20  }
0xc: {  	s29 =	simm.s32 $0xE880;
	s30 =	simm.s32 $0xF080;
	[dreg:$0x6] =	wrdreg s21  }
0xd: {  	s31 =	simm.s32 $0xF880;
	s1 =	ssub.s32 $0x2, s1;
	[dreg:$0x7] =	wrdreg s22  }
0xe: {  	s6 =	sshrl.u32 s1, $0x1;
	s5 =	sshrl.u32 s3, $0x3;
	[dreg:$0x8] =	wrdreg s23  }
0xf: {  	s3 =	sshll.u32 s3, $0x6;
	s1 =	ssub.s32 s1, s6;
	[dreg:$0x9] =	wrdreg s24  }
0x10: {  	s6 =	simm.s32 $0x2;
	s5 =	sadd.s32 s5, s4;
	[dreg:$0xa] =	wrdreg s25  }
0x11: {  	s3 =	sadd.s32 s3, s4;
	[dreg:$0xb] =	wrdreg s26;
	s19 =	simm.s32 $0xA080  }
0x12: {  	s20 =	simm.s32 $0xA880;
	s21 =	simm.s32 $0xB080;
	s22 =	simm.s32 $0xB880  }
0x13: {  	s23 =	simm.s32 $0xC080;
	s24 =	simm.s32 $0xC880;
	s5 =	sadd.s32 $0x62400, s5  }
0x14: {  	v2 =	vlaneseq.u32;
	s25 =	simm.s32 $0xD080;
	s3 =	sadd.s32 $0x62600, s3;
	[dreg:$0x2] =	wrdreg s5  }
0x15: {  	vm0 =	vmmov $0xffff;
	v1 =	vshrl.u32 v2, $0x3;
	s26 =	simm.s32 $0xD880;
	[dreg:$0x3] =	wrdreg s3;
	s3 =	sadd.s32 $0x2000, s4  }
0x16: {  	v0 =	vand.u32 $0x7, v2;
	v2 =	vor.u32 $0x8, v2;
	v1 =	vmul.u32 $0x8, v1;
	s4 =	sadd.s32 $0x2100, s4;
	s5 =	smax.u32 s1, $0x1;
	s1 =	simm.s32 $0x1  }
.LBB2_1:
0x17: {  	s0 =	rddreg [dreg:$0x2]  }
0x18: {  	[tilespmem:s2], [sflag:$0x2] =	stream.linear.gather [hbm4b:s0+s2], $0x80, $0x38;
	[tilespmem:$0x10080] =	vst v63  }
0x19: {  	_ =	swait.ge [sflag:s6], $0x80  }
0x1a: {  	[sflag:s6] =	ssyncset.done $0x0  }
0x1b: {  	[sflag:s6] =	ssyncadd.s32 $0xFFFFFF80  }
0x1c: {  	v3 =	vld [tilespmem:$0x0];
	_ =	sdelay $0x4  }
0x1d: {  	v4 =	vshll.u32 v3, $0x2  }
0x1e: {  	v3 =	vand.u32 $0x7, v3;
	v4 =	vand.u32 $0xFFFFFFE0, v4  }
0x1f: {  	v3 =	vor.u32 v3, v4  }
0x20: {  	v4 =	vperm.xlane v3, v0;
	_ =	sdelay $0x1  }
0x21: {  	v4 =	vadd.s32 v1, v4;
	_ =	sdelay $0x1  }
0x22: {  	v3 =	vperm.xlane v3, v2;
	_ =	sdelay $0x1  }
0x23: {  	v3 =	vadd.s32 v1, v3  }
0x24: {  	[tilespmem:s7], [sflag:$0x1] =	stream.indirect_vreg.gather [hbm4b:s3+s2], $0x80, v4, vm0, $0xb8;
	[tilespmem:$0x10080] =	vst v63  }
0x25: {  	s0 =	rddreg [dreg:$0x4]  }
0x26: {  	[tilespmem:s0], [sflag:$0x1] =	stream.indirect_vreg.gather [hbm4b:s4+s2], $0x80, v4, vm0, $0xb8;
	[tilespmem:$0x10080] =	vst v63  }
0x27: {  	s8 =	rddreg [dreg:$0x5]  }
0x28: {  	[tilespmem:s8], [sflag:$0x1] =	stream.indirect_vreg.gather [hbm4b:s3+s2], $0x80, v3, vm0, $0xb8;
	[tilespmem:$0x10080] =	vst v63  }
0x29: {  	s0 =	rddreg [dreg:$0x6]  }
0x2a: {  	[tilespmem:s0], [sflag:$0x1] =	stream.indirect_vreg.gather [hbm4b:s4+s2], $0x80, v3, vm0, $0xb8;
	[tilespmem:$0x10080] =	vst v63  }
0x2b: {  	v3 =	vld [tilespmem:$0x10];
	_ =	sdelay $0x4  }
0x2c: {  	v57 =	vshll.u32 v3, $0x2  }
0x2d: {  	v3 =	vand.u32 $0x7, v3;
	v4 =	vand.u32 $0xFFFFFFE0, v57  }
0x2e: {  	v3 =	vor.u32 v3, v4  }
0x2f: {  	v4 =	vperm.xlane v3, v0;
	_ =	sdelay $0x1  }
0x30: {  	v4 =	vadd.s32 v1, v4;
	_ =	sdelay $0x1  }
0x31: {  	v3 =	vperm.xlane v3, v2;
	_ =	sdelay $0x1  }
0x32: {  	s0 =	rddreg [dreg:$0x7];
	v3 =	vadd.s32 v1, v3  }
0x33: {  	[tilespmem:s0], [sflag:$0x1] =	stream.indirect_vreg.gather [hbm4b:s3+s2], $0x80, v4, vm0, $0xb8;
	[tilespmem:$0x10080] =	vst v63  }
0x34: {  	s8 =	rddreg [dreg:$0x8]  }
0x35: {  	[tilespmem:s8], [sflag:$0x1] =	stream.indirect_vreg.gather [hbm4b:s4+s2], $0x80, v4, vm0, $0xb8;
	[tilespmem:$0x10080] =	vst v63  }
0x36: {  	s0 =	rddreg [dreg:$0x9]  }
0x37: {  	[tilespmem:s0], [sflag:$0x1] =	stream.indirect_vreg.gather [hbm4b:s3+s2], $0x80, v3, vm0, $0xb8;
	[tilespmem:$0x10080] =	vst v63  }
0x38: {  	s8 =	rddreg [dreg:$0xa]  }
0x39: {  	[tilespmem:s8], [sflag:$0x1] =	stream.indirect_vreg.gather [hbm4b:s4+s2], $0x80, v3, vm0, $0xb8;
	[tilespmem:$0x10080] =	vst v63  }
0x3a: {  	v3 =	vld [tilespmem:$0x20];
	_ =	sdelay $0x4  }
0x3b: {  	v58 =	vshll.u32 v3, $0x2  }
0x3c: {  	v3 =	vand.u32 $0x7, v3;
	v4 =	vand.u32 $0xFFFFFFE0, v58  }
0x3d: {  	v3 =	vor.u32 v3, v4  }
0x3e: {  	v4 =	vperm.xlane v3, v0;
	_ =	sdelay $0x1  }
0x3f: {  	v4 =	vadd.s32 v1, v4;
	_ =	sdelay $0x1  }
0x40: {  	v3 =	vperm.xlane v3, v2;
	_ =	sdelay $0x1  }
0x41: {  	s8 =	rddreg [dreg:$0xb];
	v3 =	vadd.s32 v1, v3  }
0x42: {  	[tilespmem:s8], [sflag:$0x1] =	stream.indirect_vreg.gather [hbm4b:s3+s2], $0x80, v4, vm0, $0xb8;
	[tilespmem:$0x10080] =	vst v63  }
0x43: {  	s8 =	simm.s32 $0x4880  }
0x44: {  	[tilespmem:s8], [sflag:$0x1] =	stream.indirect_vreg.gather [hbm4b:s4+s2], $0x80, v4, vm0, $0xb8;
	[tilespmem:$0x10080] =	vst v63  }
0x45: {  	_ = 	snop  }
0x46: {  	[tilespmem:s9], [sflag:$0x1] =	stream.indirect_vreg.gather [hbm4b:s3+s2], $0x80, v3, vm0, $0xb8;
	[tilespmem:$0x10080] =	vst v63  }
0x47: {  	_ = 	snop  }
0x48: {  	[tilespmem:s10], [sflag:$0x1] =	stream.indirect_vreg.gather [hbm4b:s4+s2], $0x80, v3, vm0, $0xb8;
	[tilespmem:$0x10080] =	vst v63  }
0x49: {  	v3 =	vld [tilespmem:$0x30];
	_ =	sdelay $0x4  }
0x4a: {  	v59 =	vshll.u32 v3, $0x2  }
0x4b: {  	v3 =	vand.u32 $0x7, v3;
	v4 =	vand.u32 $0xFFFFFFE0, v59  }
0x4c: {  	v3 =	vor.u32 v3, v4  }
0x4d: {  	v4 =	vperm.xlane v3, v0;
	_ =	sdelay $0x1  }
0x4e: {  	v4 =	vadd.s32 v1, v4;
	_ =	sdelay $0x1  }
0x4f: {  	v3 =	vperm.xlane v3, v2;
	_ =	sdelay $0x1  }
0x50: {  	v3 =	vadd.s32 v1, v3  }
0x51: {  	[tilespmem:s11], [sflag:$0x1] =	stream.indirect_vreg.gather [hbm4b:s3+s2], $0x80, v4, vm0, $0xb8;
	[tilespmem:$0x10080] =	vst v63  }
0x52: {  	_ = 	snop  }
0x53: {  	[tilespmem:s12], [sflag:$0x1] =	stream.indirect_vreg.gather [hbm4b:s4+s2], $0x80, v4, vm0, $0xb8;
	[tilespmem:$0x10080] =	vst v63  }
0x54: {  	_ = 	snop  }
0x55: {  	[tilespmem:s13], [sflag:$0x1] =	stream.indirect_vreg.gather [hbm4b:s3+s2], $0x80, v3, vm0, $0xb8;
	[tilespmem:$0x10080] =	vst v63  }
0x56: {  	_ = 	snop  }
0x57: {  	[tilespmem:s14], [sflag:$0x1] =	stream.indirect_vreg.gather [hbm4b:s4+s2], $0x80, v3, vm0, $0xb8;
	[tilespmem:$0x10080] =	vst v63  }
0x58: {  	v3 =	vld [tilespmem:$0x40];
	_ =	sdelay $0x4  }
0x59: {  	v60 =	vshll.u32 v3, $0x2  }
0x5a: {  	v3 =	vand.u32 $0x7, v3;
	v4 =	vand.u32 $0xFFFFFFE0, v60  }
0x5b: {  	v3 =	vor.u32 v3, v4  }
0x5c: {  	v4 =	vperm.xlane v3, v0;
	_ =	sdelay $0x1  }
0x5d: {  	v4 =	vadd.s32 v1, v4;
	_ =	sdelay $0x1  }
0x5e: {  	v3 =	vperm.xlane v3, v2;
	_ =	sdelay $0x1  }
0x5f: {  	v3 =	vadd.s32 v1, v3  }
0x60: {  	[tilespmem:s15], [sflag:$0x1] =	stream.indirect_vreg.gather [hbm4b:s3+s2], $0x80, v4, vm0, $0xb8;
	[tilespmem:$0x10080] =	vst v63  }
0x61: {  	_ = 	snop  }
0x62: {  	[tilespmem:s16], [sflag:$0x1] =	stream.indirect_vreg.gather [hbm4b:s4+s2], $0x80, v4, vm0, $0xb8;
	[tilespmem:$0x10080] =	vst v63  }
0x63: {  	_ = 	snop  }
0x64: {  	[tilespmem:s17], [sflag:$0x1] =	stream.indirect_vreg.gather [hbm4b:s3+s2], $0x80, v3, vm0, $0xb8;
	[tilespmem:$0x10080] =	vst v63  }
0x65: {  	_ = 	snop  }
0x66: {  	[tilespmem:s18], [sflag:$0x1] =	stream.indirect_vreg.gather [hbm4b:s4+s2], $0x80, v3, vm0, $0xb8;
	[tilespmem:$0x10080] =	vst v63  }
0x67: {  	v3 =	vld [tilespmem:$0x50];
	_ =	sdelay $0x4  }
0x68: {  	v61 =	vshll.u32 v3, $0x2  }
0x69: {  	v3 =	vand.u32 $0x7, v3;
	v4 =	vand.u32 $0xFFFFFFE0, v61  }
0x6a: {  	v3 =	vor.u32 v3, v4  }
0x6b: {  	v4 =	vperm.xlane v3, v0;
	_ =	sdelay $0x1  }
0x6c: {  	v4 =	vadd.s32 v1, v4;
	_ =	sdelay $0x1  }
0x6d: {  	v3 =	vperm.xlane v3, v2;
	_ =	sdelay $0x1  }
0x6e: {  	v3 =	vadd.s32 v1, v3  }
0x6f: {  	[tilespmem:s19], [sflag:$0x1] =	stream.indirect_vreg.gather [hbm4b:s3+s2], $0x80, v4, vm0, $0xb8;
	[tilespmem:$0x10080] =	vst v63  }
0x70: {  	_ = 	snop  }
0x71: {  	[tilespmem:s20], [sflag:$0x1] =	stream.indirect_vreg.gather [hbm4b:s4+s2], $0x80, v4, vm0, $0xb8;
	[tilespmem:$0x10080] =	vst v63  }
0x72: {  	_ = 	snop  }
0x73: {  	[tilespmem:s21], [sflag:$0x1] =	stream.indirect_vreg.gather [hbm4b:s3+s2], $0x80, v3, vm0, $0xb8;
	[tilespmem:$0x10080] =	vst v63  }
0x74: {  	_ = 	snop  }
0x75: {  	[tilespmem:s22], [sflag:$0x1] =	stream.indirect_vreg.gather [hbm4b:s4+s2], $0x80, v3, vm0, $0xb8;
	[tilespmem:$0x10080] =	vst v63  }
0x76: {  	v3 =	vld [tilespmem:$0x60];
	_ =	sdelay $0x4  }
0x77: {  	v62 =	vshll.u32 v3, $0x2  }
0x78: {  	v3 =	vand.u32 $0x7, v3;
	v4 =	vand.u32 $0xFFFFFFE0, v62  }
0x79: {  	v3 =	vor.u32 v3, v4  }
0x7a: {  	v4 =	vperm.xlane v3, v0;
	_ =	sdelay $0x1  }
0x7b: {  	v4 =	vadd.s32 v1, v4;
	_ =	sdelay $0x1  }
0x7c: {  	v3 =	vperm.xlane v3, v2;
	_ =	sdelay $0x1  }
0x7d: {  	v3 =	vadd.s32 v1, v3  }
0x7e: {  	[tilespmem:s23], [sflag:$0x1] =	stream.indirect_vreg.gather [hbm4b:s3+s2], $0x80, v4, vm0, $0xb8;
	[tilespmem:$0x10080] =	vst v63  }
0x7f: {  	_ = 	snop  }
0x80: {  	[tilespmem:s24], [sflag:$0x1] =	stream.indirect_vreg.gather [hbm4b:s4+s2], $0x80, v4, vm0, $0xb8;
	[tilespmem:$0x10080] =	vst v63  }
0x81: {  	_ = 	snop  }
0x82: {  	[tilespmem:s25], [sflag:$0x1] =	stream.indirect_vreg.gather [hbm4b:s3+s2], $0x80, v3, vm0, $0xb8;
	[tilespmem:$0x10080] =	vst v63  }
0x83: {  	_ = 	snop  }
0x84: {  	[tilespmem:s26], [sflag:$0x1] =	stream.indirect_vreg.gather [hbm4b:s4+s2], $0x80, v3, vm0, $0xb8;
	[tilespmem:$0x10080] =	vst v63  }
0x85: {  	v3 =	vld [tilespmem:$0x70];
	_ =	sdelay $0x4  }
0x86: {  	v63 =	vshll.u32 v3, $0x2  }
0x87: {  	v3 =	vand.u32 $0x7, v3;
	v4 =	vand.u32 $0xFFFFFFE0, v63  }
0x88: {  	v3 =	vor.u32 v3, v4  }
0x89: {  	v4 =	vperm.xlane v3, v0;
	_ =	sdelay $0x1  }
0x8a: {  	v4 =	vadd.s32 v1, v4;
	_ =	sdelay $0x1  }
0x8b: {  	v3 =	vperm.xlane v3, v2;
	_ =	sdelay $0x1  }
0x8c: {  	v3 =	vadd.s32 v1, v3  }
0x8d: {  	[tilespmem:s28], [sflag:$0x1] =	stream.indirect_vreg.gather [hbm4b:s3+s2], $0x80, v4, vm0, $0xb8;
	[tilespmem:$0x10080] =	vst v63  }
0x8e: {  	_ = 	snop  }
0x8f: {  	[tilespmem:s29], [sflag:$0x1] =	stream.indirect_vreg.gather [hbm4b:s4+s2], $0x80, v4, vm0, $0xb8;
	[tilespmem:$0x10080] =	vst v63  }
0x90: {  	_ = 	snop  }
0x91: {  	[tilespmem:s30], [sflag:$0x1] =	stream.indirect_vreg.gather [hbm4b:s3+s2], $0x80, v3, vm0, $0xb8;
	[tilespmem:$0x10080] =	vst v63  }
0x92: {  	_ = 	snop  }
0x93: {  	[tilespmem:s31], [sflag:$0x1] =	stream.indirect_vreg.gather [hbm4b:s4+s2], $0x80, v3, vm0, $0xb8;
	[tilespmem:$0x10080] =	vst v63  }
0x94: {  	_ =	swait.ge [sflag:s1], $0x10000  }
0x95: {  	p0 =	sne.s32 s5, $0x1;
	[sflag:s1] =	ssyncset.done $0x0  }
.Ltmp0:
0x96: {  	s8 =	rddreg [dreg:$0x3];
	[sflag:s1] =	ssyncadd.s32 $0xFFFF0000;
	(pc) =	sbr.rel @p0 .LBB2_1-.Ltmp0, $4  }
0x97: {  	[hbm4b:s8+s2] =	stream.linear.scatter [tilespmem:s7], [sflag:$0x2], $0x10000, $0x38;
	[tilespmem:$0x10080] =	vst v63  }
0x98: {  	_ =	swait.ge [sflag:s6], $0x10000  }
0x99: {  	[sflag:s6] =	ssyncset.done $0x0  }
0x9a: {  	s5 =	sadd.s32 $0xFFFFFFFF, s5;
	[sflag:s6] =	ssyncadd.s32 $0xFFFF0000  }
0x9b: {  	_ =	sfence.sel $0x180000  }
0x9c: {  	[bflag:$0x0] =	sbarrier.arrive $0xFFFF  }
0x9d: {  	_ =	strace $0x9000004A  }
0x9e: {  	s0 =	stileid.u32;
	[bflag:$0x2] =	sbarrier.arrive $0xFFFF  }
0x9f: {  	p0 =	sne.s32 s0, $0x0;
	s0 =	rddreg [dreg:$0x1]  }
0xa0: {  	s0 =	sadd.s32 @!p0 $0x100000, s0  }
0xa1: {  	[sflag:s0] =	ssyncadd.tile.s32 @!p0 $0x1;
	_ =	shalt  }
.Lfunc_end2:
_tile_overlayer_lowered:
.L_overlay_start_2:
0xa2: {  	(tag) =	ssettag $0x2  }
0xa3: {  	s0 =	rddreg [dreg:$0x0];
	s2 =	stileid.u32  }
0xa4: {  	s1 =	rddreg [dreg:$0x1];
	p0 =	sne.s32 s2, $0x0  }
0xa5: {  	s3 =	rddreg [dreg:$0x2];
	[bflag:$0x3] =	sbarrier.arrive $0xFFFF;
	s2 =	simm.s32 @!p0 $0x1C02  }
0xa6: {  	[timem:s3], [sflag:s2] =	dma.local @!p0 [hbm:s0], s1  }
0xa7: {  	s0 =	simm.s32 @!p0 $0x2  }
0xa8: {  	_ =	swait.ge @!p0 [sflag:s0], s1  }
0xa9: {  	s1 =	ssub.s32 @!p0 $0x0, s1;
	[sflag:s0] =	ssyncset.done @!p0 $0x0  }
0xaa: {  	[sflag:s0] =	ssyncadd.s32 @!p0 s1  }
0xab: {  	[bflag:$0x3] =	sbarrier.arrive $0xFFFF  }
0xac: {  	_ =	shalt  }

// kernel: kernel.7.cloned.1.call-start
scs
__scs_entry_jumppad:
0x0: {  	(pc) =	sbr.rel $0x88, $3  }
0x1: {  	(tag) =	ssettag $0x0;
	lr =	simm.s32 $0x1  }
0x2: {  	[smem:$0x3F99] =	sst lr;
	_ =	strace $0xD0000000  }
0x3: {  	_ = 	snop  }
0x4: {  	_ = 	snop  }
0x5: {  	_ = 	snop  }
0x6: {  	_ = 	snop  }
0x7: {  	_ = 	snop  }
__scs_overlays_trampoline_lowered:
0x8: {  	[smem:$0x3FA8] =	sst s0  }
0x9: {  	[smem:$0x3FA9] =	sst s1  }
0xa: {  	[smem:$0x3FAA] =	sst s2  }
0xb: {  	[smem:$0x3FAB] =	sst s3  }
0xc: {  	[smem:$0x3FAC] =	sst s4  }
0xd: {  	[smem:$0x3FAD] =	sst s5  }
0xe: {  	[smem:$0x3FAE] =	sst s6  }
0xf: {  	[smem:$0x3FAF] =	sst s7  }
0x10: {  	[smem:$0x3FB0] =	sst s8  }
0x11: {  	[smem:$0x3FB1] =	sst s9;
	s0 =	simm.s32 @!p0 $0x0  }
0x12: {  	s1 =	sld [smem:$0x3F97];
	s0 =	simm.s32 @p0 $0x1  }
0x13: {  	[smem:$0x3FB2] =	sst s0;
	s0 =	simm.s32 @!p1 $0x0  }
0x14: {  	s2 =	sld [smem:$0x3F96];
	s0 =	simm.s32 @p1 $0x1  }
0x15: {  	[smem:$0x3FB3] =	sst s0;
	s0 =	simm.s32 @!p2 $0x0  }
0x16: {  	s3 =	sld [smem:$0x3FDB];
	s0 =	simm.s32 @p2 $0x1  }
0x17: {  	s4 =	simm.s32 $0x1BF5;
	[smem:$0x3FB5] =	sst s0  }
0x18: {  	s0 =	sld [smem:$0x3F98];
	_ =	swait.ge [sflag:s4], $0x0  }
0x19: {  	s7 =	sld [smem:$0x3F99]  }
0x1a: {  	s8 =	sadd.s32 $0xFFFFE003, lr  }
0x1b: {  	s9 =	sadd.s32 $0xFFFFFEF7, lr;
	s5 =	simm.s32 $0xFFFFFFFF;
	p2 =	slt.u32 s8, $0xFFFFF086  }
0x1c: {  	p1 =	slt.u32 s9, $0xF7A;
	s5 =	simm.s32 @!p2 $0x0  }
0x1d: {  	s5 =	simm.s32 @p1 $0x1;
	p0 =	seq.s32 s7, s2  }
0x1e: {  	s7 =	smul.u32 @!p0 $0xF7A, s2;
	p2 =	seq.s32 @!p0 s5, $0x0  }
0x1f: {  	s9 =	smul.u32 $0xF7A, s1;
	s8 =	simm.s32 @!p0 $0x1BF5;
	p2 =	por !p2, p0  }
0x20: {  	[sflag:s8] =	ssyncset.s32 @!p0 $0xFFFFF086;
	s6 =	sadd.s32 @!p0 s3, s7;
	s7 =	simm.s32 @!p0 $0x108  }
0x21: {  	s3 =	sadd.s32 s3, s9;
	s6 =	sadd.s32 @!p0 $0x88, s6;
	s7 =	simm.s32 @p2 $0x1082  }
0x22: {  	[simem:s7], [sflag:s8] =	dma.local @!p0 [hbm:s6], $0xF7A  }
0x23: {  	s9 =	sor.u32 $0xD0000000, s2;
	s6 =	simm.s32 $0x108;
	_ =	swait.ge @!p0 [sflag:s8], $0x0  }
0x24: {  	s3 =	sadd.s32 $0x88, s3;
	s6 =	simm.s32 @!p1 $0x1082;
	[sflag:s4] =	ssyncset.s32 $0xFFFFF086  }
0x25: {  	[simem:s6], [sflag:s4] =	dma.local [hbm:s3], $0xF7A  }
0x26: {  	[smem:$0x3F99] =	sst s1;
	(tag) =	ssettag s2;
	_ =	strace s9  }
0x27: {  	s1 =	sld [smem:$0x3FA9]  }
0x28: {  	s2 =	sld [smem:$0x3FAA]  }
0x29: {  	s4 =	sld [smem:$0x3FAC]  }
0x2a: {  	p0 =	seq.s32 s5, $0x0;
	s5 =	sld [smem:$0x3FAD]  }
0x2b: {  	s6 =	sld [smem:$0x3FAE]  }
0x2c: {  	s7 =	sld [smem:$0x3FAF]  }
0x2d: {  	s3 =	simm.s32 $0x108;
	s8 =	sld [smem:$0x3FB0]  }
0x2e: {  	s3 =	simm.s32 @!p0 $0x1082;
	s9 =	sld [smem:$0x3FB1]  }
0x2f: {  	lr =	sadd.s32 s0, s3;
	s0 =	sld [smem:$0x3FA8]  }
0x30: {  	s3 =	sld [smem:$0x3FAB]  }
0x31: {  	[smem:$0x3FB4] =	sst s10  }
0x32: {  	s10 =	sld [smem:$0x3FB2];
	_ =	sdelay $0x3  }
0x33: {  	p0 =	seq.s32 s10, $0x1;
	s10 =	sld [smem:$0x3FB4];
	_ =	sdelay $0x3  }
0x34: {  	[smem:$0x3FB4] =	sst s10  }
0x35: {  	s10 =	sld [smem:$0x3FB3];
	_ =	sdelay $0x3  }
0x36: {  	p1 =	seq.s32 s10, $0x1;
	s10 =	sld [smem:$0x3FB4];
	_ =	sdelay $0x3  }
0x37: {  	[smem:$0x3FB4] =	sst s10  }
0x38: {  	s10 =	sld [smem:$0x3FB5]  }
0x39: {  	_ = 	snop;
	(pc) =	sbr.ind lr, $3  }
0x3a: {  	_ = 	snop  }
0x3b: {  	_ = 	snop  }
0x3c: {  	p2 =	seq.s32 s10, $0x1;
	s10 =	sld [smem:$0x3FB4]  }
0x3d: {  	_ =	shalt  }
0x3e: {  	_ =	shalt  }
0x3f: {  	_ =	shalt  }
0x40: {  	_ =	shalt  }
0x41: {  	_ =	shalt  }
0x42: {  	_ =	shalt  }
0x43: {  	_ =	shalt  }
0x44: {  	_ =	shalt  }
0x45: {  	_ =	shalt  }
0x46: {  	_ =	shalt  }
0x47: {  	_ =	shalt  }
0x48: {  	_ =	shalt  }
0x49: {  	_ =	shalt  }
0x4a: {  	_ =	shalt  }
0x4b: {  	_ =	shalt  }
0x4c: {  	_ =	shalt  }
0x4d: {  	_ =	shalt  }
0x4e: {  	_ =	shalt  }
0x4f: {  	_ =	shalt  }
0x50: {  	_ =	shalt  }
0x51: {  	_ =	shalt  }
0x52: {  	_ =	shalt  }
0x53: {  	_ =	shalt  }
0x54: {  	_ =	shalt  }
0x55: {  	_ =	shalt  }
0x56: {  	_ =	shalt  }
0x57: {  	_ =	shalt  }
0x58: {  	_ =	shalt  }
0x59: {  	_ =	shalt  }
0x5a: {  	_ =	shalt  }
0x5b: {  	_ =	shalt  }
0x5c: {  	_ =	shalt  }
0x5d: {  	_ =	shalt  }
0x5e: {  	_ =	shalt  }
0x5f: {  	_ =	shalt  }
0x60: {  	_ =	shalt  }
0x61: {  	_ =	shalt  }
0x62: {  	_ =	shalt  }
0x63: {  	_ =	shalt  }
0x64: {  	_ =	shalt  }
0x65: {  	_ =	shalt  }
0x66: {  	_ =	shalt  }
0x67: {  	_ =	shalt  }
0x68: {  	_ =	shalt  }
0x69: {  	_ =	shalt  }
0x6a: {  	_ =	shalt  }
0x6b: {  	_ =	shalt  }
0x6c: {  	_ =	shalt  }
0x6d: {  	_ =	shalt  }
0x6e: {  	_ =	shalt  }
0x6f: {  	_ =	shalt  }
0x70: {  	_ =	shalt  }
0x71: {  	_ =	shalt  }
0x72: {  	_ =	shalt  }
0x73: {  	_ =	shalt  }
0x74: {  	_ =	shalt  }
0x75: {  	_ =	shalt  }
0x76: {  	_ =	shalt  }
0x77: {  	_ =	shalt  }
0x78: {  	_ =	shalt  }
0x79: {  	_ =	shalt  }
0x7a: {  	_ =	shalt  }
0x7b: {  	_ =	shalt  }
0x7c: {  	_ =	shalt  }
0x7d: {  	_ =	shalt  }
0x7e: {  	_ =	shalt  }
0x7f: {  	_ =	shalt  }
0x80: {  	_ =	shalt  }
0x81: {  	_ =	shalt  }
0x82: {  	_ =	shalt  }
0x83: {  	_ =	shalt  }
0x84: {  	_ =	shalt  }
0x85: {  	_ =	shalt  }
0x86: {  	_ =	shalt  }
0x87: {  	_ =	shalt  }
.Lfunc_end0:
.L_simem_size_0:
called_computation_lowered:
.L_overlay_start_0:
0x88: {  	s2 =	sld [smem:$0x3FD9]  }
0x89: {  	s3 =	sld [smem:$0x3FFE];
	_ =	sdelay $0x1  }
0x8a: {  	s1 =	srdreg.scid  }
0x8b: {  	s0 =	sand.u32 $0x1, s1  }
0x8c: {  	s17 =	sshll.u32 s0, $0xA;
	s2 =	sadd.s32 s3, s2  }
0x8d: {  	s2 =	sadd.s32 s2, s17  }
0x8e: {  	[smem:$0x3FC0] =	sst s2  }
0x8f: {  	_ = 	snop  }
0x90: {  	s2 =	sld [smem:$0x3FD0];
	(tm) =	ssettm $0x1  }
0x91: {  	s18 =	sld [smem:$0x3FFB];
	_ =	sdelay $0x3  }
0x92: {  	_ =	strace s18  }
0x93: {  	s3 =	sld [smem:$0x3FFC];
	_ =	sdelay $0x3  }
0x94: {  	_ =	strace s3  }
0x95: {  	s3 =	sld [smem:$0x3FFD];
	_ =	sdelay $0x3  }
0x96: {  	_ =	strace s3  }
0x97: {  	_ =	strace $0x8FFFFFFF  }
0x98: {  	s19 =	sld [smem:$0x3FDB];
	_ =	sdelay $0x1  }
0x99: {  	s4 =	simm.s32 $_scs_section_size  }
0x9a: {  	s5 =	simm.s32 $_size__tile_overlayer_lowered;
	s6 =	simm.s32 $_tile_overlayer_lowered  }
0x9b: {  	s22 =	simm.s32 $0x1BFF;
	s21 =	sshll.u32 s6, $0x1;
	s3 =	sadd.s32 s4, s19  }
0x9c: {  	s7 =	simm.s32 $0x0;
	s20 =	sshll.u32 s5, $0x1;
	s5 =	sadd.s32 s21, s3  }
0x9d: {  	[timem:s7], [sflag:s22] =	dma.local [hbm:s5], s20  }
0x9e: {  	_ =	swait.ge [sflag:s22], s20  }
0x9f: {  	s4 =	ssub.s32 $0x0, s20;
	[sflag:s22] =	ssyncset.done $0x0  }
0xa0: {  	[sflag:s22] =	ssyncadd.s32 s4;
	_ =	sdelay $0x1  }
0xa1: {  	s23 =	simm.s32 $0x1B8B  }
0xa2: {  	_ =	swait.ge [sflag:s23], $0x1  }
0xa3: {  	[sflag:s23] =	ssyncset.done $0x0  }
0xa4: {  	s25 =	simm.s32 $0x1B8E;
	s24 =	sld [smem:$0x3FFE];
	[sflag:s23] =	ssyncadd.s32 $0xFFFFFFFF  }
0xa5: {  	s26 =	simm.s32 $execute0_lowered;
	[smem:$0x3FD2] =	sst s25  }
0xa6: {  	s5 =	sshll.u32 s26, $0x1;
	_ =	strace $0x80000046;
	[dreg:$0x1] =	wrdreg $0xFFFFFFFF  }
0xa7: {  	s28 =	simm.s32 $_size_execute0_lowered;
	s3 =	sadd.s32 s3, s5;
	[dreg:$0x0] =	wrdreg $0x0  }
0xa8: {  	s5 =	sshll.u32 s28, $0x1;
	[dreg:$0x2] =	wrdreg s3  }
0xa9: {  	[dreg:$0x3] =	wrdreg s5  }
0xaa: {  	[dreg:$0x4] =	wrdreg $0xC0  }
0xab: {  	_ =	task [dreg:s7], $0x5FFFF  }
0xac: {  	[dreg:$0x1] =	wrdreg $0xFFFFFFFF  }
0xad: {  	[dreg:$0x0] =	wrdreg $0x60  }
0xae: {  	[dreg:$0x2] =	wrdreg s2  }
0xaf: {  	[dreg:$0x3] =	wrdreg s24  }
0xb0: {  	[dreg:$0x4] =	wrdreg $0x9  }
0xb1: {  	_ =	task.clear_ibuf [dreg:s7], $0x5FFFF;
	_ =	strace $0x90000046  }
0xb2: {  	s29 =	simm.s32 $0x9;
	_ =	strace $0x80000048  }
0xb3: {  	_ =	swait.ge [sflag:s29], $0x1  }
0xb4: {  	[sflag:s29] =	ssyncadd.s32 $0xFFFFFFFF  }
0xb5: {  	_ =	strace $0x90000048  }
0xb6: {  	_ =	sfence  }
0xb7: {  	s30 =	sld [smem:$0x0];
	_ =	sdelay $0x2  }
0xb8: {  	s31 =	sshll.u32 s1, $0xD;
	s1 =	sshrl.u32 s1, $0x2  }
0xb9: {  	s3 =	sand.u32 $0x4000, s31;
	s1 =	sadd.s32 s1, s30  }
0xba: {  	s0 =	sor.u32 s3, s0;
	s1 =	sshll.u32 s1, $0x11  }
0xbb: {  	s0 =	sor.u32 s1, s0  }
0xbc: {  	s0 =	sadd.s32 $0x8F2B, s0  }
0xbd: {  	[sflag:s0] =	ssyncadd.remote.s32 $0x1  }
0xbe: {  	_ =	sfence.sel $0xFFFF  }
0xbf: {  	[dreg:$0x0] =	wrdreg $0xFFFFFFFF;
	(pc) =	sbr.abs _section_cstart, $3  }
0xc0: {  	[dreg:$0x1] =	wrdreg $0xFFFFFFFF  }
0xc1: {  	_ =	task.clear_ibuf [dreg:s7], $0x2FFFF;
	_ =	strace $0x9FFFFFFF  }
0xc2: {  	(tm) =	ssettm $0x7FFFFFFF  }
0xc3: {  	_ =	shalt  }
tec
execute0_lowered:
.L_overlay_start_1:
0x0: {  	(tag) =	ssettag $0x1  }
0x1: {  	s0 =	rddreg [dreg:$0x0]  }
0x2: {  	s1 =	rddreg [dreg:$0x1]  }
0x3: {  	s2 =	simm.s32 $0x0;
	s3 =	srdreg.scid;
	s13 =	stileid.u32  }
0x4: {  	s14 =	simm.s32 $0x1080;
	s15 =	simm.s32 $0x2;
	s16 =	simm.s32 $0x11080  }
0x5: {  	s18 =	simm.s32 $0x1;
	s19 =	simm.s32 $0xA880;
	s20 =	simm.s32 $0xB080  }
0x6: {  	s28 =	simm.s32 $0xE880;
	s29 =	simm.s32 $0xF080;
	s30 =	simm.s32 $0xF880  }
0x7: {  	s31 =	simm.s32 $0x10080;
	[smem:$0x7FF] =	sst s2;
	s5 =	sand.u32 $0x1, s3  }
0x8: {  	s4 =	sshll.u32 s13, $0x1;
	s3 =	sadd.s32 $0x2000, s1;
	s11 =	sadd.s32 $0x2200, s1  }
0x9: {  	s23 =	sadd.s32 $0x2202, s1;
	s24 =	sadd.s32 $0x2204, s1;
	s25 =	sshll.u32 s13, $0x4  }
0xa: {  	_ =	strace $0x80000047;
	s7 =	sor.u32 s5, s4;
	[dreg:$0x3] =	wrdreg s11  }
0xb: {  	s4 =	sadd.s32 $0x2400, s1;
	s8 =	ssub.s32 $0x2, s5;
	[dreg:$0x4] =	wrdreg s23  }
0xc: {  	[dreg:$0x5] =	wrdreg s24;
	s11 =	sadd.s32 $0x2500, s1;
	s26 =	sshll.u32 s5, $0x3  }
0xd: {  	vm0 =	vmmov $0x1;
	vm1 =	vcmask $0x308;
	s23 =	simm.s32 $0xC880;
	s24 =	simm.s32 $0xD080;
	s6 =	sshll.u32 s7, $0x4  }
0xe: {  	vm2 =	vcmask $0x70C;
	vm3 =	vcmask $0xB10;
	vm4 =	vcmask $0xF14;
	s21 =	sshrl.u32 s8, $0x1;
	s9 =	sshll.u32 s7, $0xD;
	s13 =	sor.u32 s26, s25  }
.Ltmp0:
0xf: {  	vm5 =	vcmask $0x1318;
	vm6 =	vcmask $0x171C;
	v0 =	vlaneseq.u32;
	p0 =	sne.s32 s7, $0x0;
	s25 =	simm.s32 $0xD880;
	(pc) =	sbr.rel .LBB2_1-.Ltmp0, $4  }
0x10: {  	vm7 =	vcmask $0x1B20;
	v2 =	vimm.s32 $0x0;
	vm8 =	vmmov $0xffff;
	s26 =	simm.s32 $0xE080;
	s10 =	sadd.s32 s6, s1;
	s8 =	ssub.s32 s8, s21  }
0x11: {  	v1 =	vadd.s32 $0x1, v0;
	v3 =	vadd.s32 $0x11, v0;
	v4 =	vor.u32 $0x10, v0;
	s22 =	sand.u32 $0x1E000, s9;
	s9 =	sshll.u32 s7, $0x7;
	s21 =	simm.s32 $0xB880  }
0x12: {  	v5 =	vadd.s32 $0x21, v0;
	v6 =	vor.u32 $0x20, v0;
	v8 =	vshrl.u32 v0, $0x3;
	s1 =	simm.s32 $0x0;
	s6 =	sadd.s32 s0, s22;
	s10 =	sadd.s32 $0x62400, s10  }
0x13: {  	v7 =	vand.u32 $0x7, v0;
	v9 =	vor.u32 $0x8, v0;
	v8 =	vmul.u32 $0x8, v8;
	s12 =	smax.u32 s8, $0x1;
	s22 =	simm.s32 $0xC080;
	s0 =	simm.s32 $0x10880  }
.LBB2_5:
0x14: {  	v11 =	vld [tilespmem:s9+$0x0];
	_ =	sdelay $0x4  }
0x15: {  	vm10 =	veq.s32 v11, $0x0  }
0x16: {  	v13 =	vmpcnt.ones.xlane vm10  }
0x17: {  	v12 =	vsel vm10, $0x1, v2  }
0x18: {  	v39 =	vnsel vm0, $0x0, v10;
	vm11 =	veq.s32 v11, $0x1;
	(xrf0) =	vadd.scan.msk.s32 $0xffff, v12;
	v40 =	vnsel vm0, $0x0, v13  }
0x19: {  	v41 =	vsel vm11, $0x1, v2;
	(xrf0) =	vadd.scan.msk.s32 $0xffff, v39;
	v10 =	vadd.s32 v10, v40  }
0x1a: {  	(xrf0) =	vadd.scan.msk.s32 $0xffff, v41;
	v42 =	vsel vm1, $0x0, v10  }
0x1b: {  	(xrf0) =	vadd.scan.msk.s32 $0xffff, v42;
	_ =	sdelay $0x2  }
0x1c: {  	vm9 =	veq.s32 v11, $0x2;
	vm12 =	veq.s32 v11, $0x3;
	v43, _, _ =	vpop (xrf0)  }
0x1d: {  	vm13 =	veq.s32 v11, $0x4;
	v14 =	vsel vm9, $0x1, v2;
	v17 =	vmpcnt.ones.xlane vm11;
	v44, _, _ =	vpop (xrf0)  }
0x1e: {  	v15 =	vsel vm10, $0xFFFFFFFF, v2;
	v46 =	vsel vm11, $0xFFFFFFFF, v2;
	v49 =	vmpcnt.ones.xlane vm9;
	v16, _, _ =	vpop (xrf0)  }
0x1f: {  	v53 =	vmpcnt.ones.xlane vm12;
	v48 =	vsel vm1, $0x0, v17;
	v13 =	vbroadcast v44, $0xF;
	v45, _, _ =	vpop (xrf0)  }
0x20: {  	v56 =	vmpcnt.ones.xlane vm13;
	v10 =	vadd.s32 v48, v10;
	(xrf0) =	vadd.scan.msk.s32 $0xffff, v14;
	v14 =	vbroadcast v45, $0xF  }
0x21: {  	v52 =	vsel vm2, $0x0, v10;
	v47 =	vadd.s32 v46, v16;
	v13 =	vadd.s32 v15, v13  }
0x22: {  	v12 =	vadd.s32 v43, v13;
	v13 =	vadd.s32 v14, v47;
	v14 =	vsel vm2, $0x0, v49  }
0x23: {  	v54 =	vsel vm12, $0x1, v2;
	v57 =	vsel vm13, $0x1, v2;
	(xrf0) =	vadd.scan.msk.s32 $0xffff, v52;
	v10 =	vadd.s32 v14, v10  }
0x24: {  	v59 =	vsel vm4, $0x0, v56;
	(xrf0) =	vadd.scan.msk.s32 $0xffff, v54;
	v16 =	vsel vm3, $0x0, v53;
	v55 =	vsel vm3, $0x0, v10  }
0x25: {  	v12 =	vnsel vm10, $0x0, v12;
	vm10 =	veq.s32 v11, $0x5;
	v10 =	vadd.s32 v16, v10;
	(xrf0) =	vadd.scan.msk.s32 $0xffff, v55  }
0x26: {  	v60 =	vmpcnt.ones.xlane vm10;
	v61 =	vsel vm10, $0x1, v2;
	v58 =	vsel vm4, $0x0, v10;
	(xrf0) =	vadd.scan.msk.s32 $0xffff, v57  }
0x27: {  	v51, _, _ =	vpop (xrf0);
	v13 =	vnsel vm11, $0x0, v13;
	vm11 =	veq.s32 v11, $0x6;
	v10 =	vadd.s32 v59, v10;
	(xrf0) =	vadd.scan.msk.s32 $0xffff, v58  }
0x28: {  	v17 =	vsel vm5, $0x0, v60;
	v18 =	vmpcnt.ones.xlane vm11;
	v63 =	vsel vm5, $0x0, v10;
	(xrf0) =	vadd.scan.msk.s32 $0xffff, v61  }
0x29: {  	vm14 =	veq.s32 v11, $0x7;
	v62, _, _ =	vpop (xrf0);
	v21 =	vsel vm11, $0x1, v2;
	v10 =	vadd.s32 v17, v10;
	(xrf0) =	vadd.scan.msk.s32 $0xffff, v63  }
0x2a: {  	v50 =	vsel vm9, $0xFFFFFFFF, v2;
	v22, _, _ =	vpop (xrf0);
	v18 =	vsel vm6, $0x0, v18;
	v23 =	vsel vm6, $0x0, v10;
	(xrf0) =	vadd.scan.msk.s32 $0xffff, v21  }
0x2b: {  	v25 =	vsel vm14, $0x1, v2;
	v26 =	vsel vm12, $0xFFFFFFFF, v2;
	v10 =	vadd.s32 v18, v10;
	v24, _, _ =	vpop (xrf0);
	(xrf0) =	vadd.scan.msk.s32 $0xffff, v23  }
0x2c: {  	v31 =	vsel vm13, $0xFFFFFFFF, v2;
	v16 =	vbroadcast v62, $0xF;
	v28 =	vsel vm7, $0x0, v10;
	v27, _, _ =	vpop (xrf0);
	(xrf0) =	vadd.scan.msk.s32 $0xffff, v25  }
0x2d: {  	v46 =	vsel vm14, $0xFFFFFFFF, v2;
	v15 =	vadd.s32 v50, v51;
	v39 =	vsel vm10, $0xFFFFFFFF, v2;
	v30, _, _ =	vpop (xrf0);
	(xrf0) =	vadd.scan.msk.s32 $0xffff, v28  }
0x2e: {  	v29 =	vadd.s32 v26, v22;
	v11 =	vadd.s32 v16, v15;
	v15 =	vbroadcast v24, $0xF;
	v33, _, _ =	vpop (xrf0)  }
0x2f: {  	v12 =	vadd.s32 v12, v13;
	v43 =	vsel vm11, $0xFFFFFFFF, v2;
	v11 =	vnsel vm9, $0x0, v11;
	v36, _, _ =	vpop (xrf0)  }
0x30: {  	v11 =	vadd.s32 v11, v12;
	v13 =	vadd.s32 v15, v29;
	v32 =	vbroadcast v30, $0xF;
	v38, _, _ =	vpop (xrf0)  }
0x31: {  	v35 =	vadd.s32 v31, v27;
	v34 =	vnsel vm12, $0x0, v13;
	v41 =	vadd.s32 v39, v33;
	v40, _, _ =	vpop (xrf0)  }
0x32: {  	v11 =	vadd.s32 v34, v11;
	v37 =	vadd.s32 v32, v35;
	v14 =	vbroadcast v36, $0xF;
	v42, _, _ =	vpop (xrf0)  }
0x33: {  	v12 =	vnsel vm13, $0x0, v37;
	v13 =	vadd.s32 v43, v38;
	v44 =	vbroadcast v40, $0xF;
	v45, _, _ =	vpop (xrf0)  }
0x34: {  	v11 =	vadd.s32 v12, v11;
	v12 =	vadd.s32 v14, v41;
	v17 =	vbroadcast v45, $0xF  }
0x35: {  	v12 =	vnsel vm10, $0x0, v12;
	v14 =	vadd.s32 v46, v42;
	v13 =	vadd.s32 v44, v13  }
0x36: {  	v11 =	vadd.s32 v12, v11;
	v47 =	vnsel vm11, $0x0, v13;
	v48 =	vadd.s32 v17, v14  }
0x37: {  	v11 =	vadd.s32 v47, v11;
	v49 =	vnsel vm14, $0x0, v48  }
0x38: {  	v11 =	vadd.s32 v49, v11  }
0x39: {  	[tilespmem:$0x1000] =	vst v11  }
0x3a: {  	v11 =	vld [tilespmem:s9+$0x10];
	_ =	sdelay $0x3  }
0x3b: {  	v50 =	vmpcnt.ones.xlane vm14  }
0x3c: {  	vm10 =	veq.s32 v11, $0x0  }
0x3d: {  	v12 =	vsel vm7, $0x0, v50;
	v51 =	vmpcnt.ones.xlane vm10  }
0x3e: {  	v10 =	vadd.s32 v12, v10;
	v52 =	vsel vm10, $0x1, v2  }
0x3f: {  	v53 =	vnsel vm0, $0x0, v10;
	vm11 =	veq.s32 v11, $0x1;
	(xrf0) =	vadd.scan.msk.s32 $0xffff, v52;
	v13 =	vnsel vm0, $0x0, v51  }
0x40: {  	v54 =	vsel vm11, $0x1, v2;
	(xrf0) =	vadd.scan.msk.s32 $0xffff, v53;
	v10 =	vadd.s32 v10, v13  }
0x41: {  	(xrf0) =	vadd.scan.msk.s32 $0xffff, v54;
	v55 =	vsel vm1, $0x0, v10  }
0x42: {  	(xrf0) =	vadd.scan.msk.s32 $0xffff, v55;
	_ =	sdelay $0x2  }
0x43: {  	vm9 =	veq.s32 v11, $0x2;
	vm12 =	veq.s32 v11, $0x3;
	v56, _, _ =	vpop (xrf0)  }
0x44: {  	vm13 =	veq.s32 v11, $0x4;
	v58 =	vsel vm9, $0x1, v2;
	v63 =	vmpcnt.ones.xlane vm11;
	v57, _, _ =	vpop (xrf0)  }
0x45: {  	v59 =	vsel vm10, $0xFFFFFFFF, v2;
	v62 =	vsel vm11, $0xFFFFFFFF, v2;
	v22 =	vmpcnt.ones.xlane vm9;
	v60, _, _ =	vpop (xrf0)  }
0x46: {  	v26 =	vmpcnt.ones.xlane vm12;
	v29 =	vmpcnt.ones.xlane vm13;
	v21 =	vsel vm1, $0x0, v63;
	v61, _, _ =	vpop (xrf0)  }
0x47: {  	v10 =	vadd.s32 v21, v10;
	v13 =	vbroadcast v57, $0xF;
	v14 =	vbroadcast v61, $0xF  }
0x48: {  	v25 =	vsel vm2, $0x0, v10;
	v12 =	vadd.s32 v59, v56;
	(xrf0) =	vadd.scan.msk.s32 $0xffff, v58;
	v20 =	vadd.s32 v62, v60  }
0x49: {  	v12 =	vadd.s32 v13, v12;
	v13 =	vadd.s32 v14, v20;
	v14 =	vsel vm2, $0x0, v22  }
0x4a: {  	v27 =	vsel vm12, $0x1, v2;
	v30 =	vsel vm13, $0x1, v2;
	(xrf0) =	vadd.scan.msk.s32 $0xffff, v25;
	v10 =	vadd.s32 v14, v10  }
0x4b: {  	v16 =	vsel vm3, $0x0, v26;
	v32 =	vsel vm4, $0x0, v29;
	(xrf0) =	vadd.scan.msk.s32 $0xffff, v27;
	v28 =	vsel vm3, $0x0, v10  }
0x4c: {  	v12 =	vnsel vm10, $0x0, v12;
	vm10 =	veq.s32 v11, $0x5;
	v10 =	vadd.s32 v16, v10;
	(xrf0) =	vadd.scan.msk.s32 $0xffff, v28  }
0x4d: {  	v33 =	vmpcnt.ones.xlane vm10;
	v34 =	vsel vm10, $0x1, v2;
	v31 =	vsel vm4, $0x0, v10;
	(xrf0) =	vadd.scan.msk.s32 $0xffff, v30  }
0x4e: {  	v13 =	vnsel vm11, $0x0, v13;
	v24, _, _ =	vpop (xrf0);
	vm11 =	veq.s32 v11, $0x6;
	v10 =	vadd.s32 v32, v10;
	(xrf0) =	vadd.scan.msk.s32 $0xffff, v31  }
0x4f: {  	v17 =	vsel vm5, $0x0, v33;
	v37 =	vmpcnt.ones.xlane vm11;
	v36 =	vsel vm5, $0x0, v10;
	(xrf0) =	vadd.scan.msk.s32 $0xffff, v34  }
0x50: {  	vm14 =	veq.s32 v11, $0x7;
	v38 =	vsel vm11, $0x1, v2;
	v35, _, _ =	vpop (xrf0);
	v10 =	vadd.s32 v17, v10;
	(xrf0) =	vadd.scan.msk.s32 $0xffff, v36  }
0x51: {  	v23 =	vsel vm9, $0xFFFFFFFF, v2;
	v39, _, _ =	vpop (xrf0);
	v18 =	vsel vm6, $0x0, v37;
	v40 =	vsel vm6, $0x0, v10;
	(xrf0) =	vadd.scan.msk.s32 $0xffff, v38  }
0x52: {  	v42 =	vsel vm14, $0x1, v2;
	v43 =	vsel vm12, $0xFFFFFFFF, v2;
	v10 =	vadd.s32 v18, v10;
	v41, _, _ =	vpop (xrf0);
	(xrf0) =	vadd.scan.msk.s32 $0xffff, v40  }
0x53: {  	v48 =	vsel vm13, $0xFFFFFFFF, v2;
	v16 =	vbroadcast v35, $0xF;
	v45 =	vsel vm7, $0x0, v10;
	v44, _, _ =	vpop (xrf0);
	(xrf0) =	vadd.scan.msk.s32 $0xffff, v42  }
0x54: {  	v63 =	vsel vm14, $0xFFFFFFFF, v2;
	v56 =	vsel vm10, $0xFFFFFFFF, v2;
	v15 =	vadd.s32 v23, v24;
	v47, _, _ =	vpop (xrf0);
	(xrf0) =	vadd.scan.msk.s32 $0xffff, v45  }
0x55: {  	v12 =	vadd.s32 v12, v13;
	v11 =	vadd.s32 v16, v15;
	v15 =	vbroadcast v41, $0xF;
	v50, _, _ =	vpop (xrf0)  }
0x56: {  	v60 =	vsel vm11, $0xFFFFFFFF, v2;
	v46 =	vadd.s32 v43, v39;
	v11 =	vnsel vm9, $0x0, v11;
	v53, _, _ =	vpop (xrf0)  }
0x57: {  	v11 =	vadd.s32 v11, v12;
	v13 =	vadd.s32 v15, v46;
	v49 =	vbroadcast v47, $0xF;
	v55, _, _ =	vpop (xrf0)  }
0x58: {  	v52 =	vadd.s32 v48, v44;
	v51 =	vnsel vm12, $0x0, v13;
	v58 =	vadd.s32 v56, v50;
	v57, _, _ =	vpop (xrf0)  }
0x59: {  	v11 =	vadd.s32 v51, v11;
	v54 =	vadd.s32 v49, v52;
	v14 =	vbroadcast v53, $0xF;
	v59, _, _ =	vpop (xrf0)  }
0x5a: {  	v12 =	vnsel vm13, $0x0, v54;
	v13 =	vadd.s32 v60, v55;
	v61 =	vbroadcast v57, $0xF;
	v62, _, _ =	vpop (xrf0)  }
0x5b: {  	v11 =	vadd.s32 v12, v11;
	v12 =	vadd.s32 v14, v58;
	v17 =	vbroadcast v62, $0xF  }
0x5c: {  	v12 =	vnsel vm10, $0x0, v12;
	v14 =	vadd.s32 v63, v59;
	v13 =	vadd.s32 v61, v13  }
0x5d: {  	v11 =	vadd.s32 v12, v11;
	v16 =	vnsel vm11, $0x0, v13;
	v17 =	vadd.s32 v17, v14  }
0x5e: {  	v11 =	vadd.s32 v16, v11;
	v18 =	vnsel vm14, $0x0, v17  }
0x5f: {  	v11 =	vadd.s32 v18, v11  }
0x60: {  	[tilespmem:$0x1010] =	vst v11  }
0x61: {  	v11 =	vld [tilespmem:s9+$0x20];
	_ =	sdelay $0x3  }
0x62: {  	v19 =	vmpcnt.ones.xlane vm14  }
0x63: {  	vm10 =	veq.s32 v11, $0x0  }
0x64: {  	v12 =	vsel vm7, $0x0, v19;
	v20 =	vmpcnt.ones.xlane vm10  }
0x65: {  	v10 =	vadd.s32 v12, v10;
	v21 =	vsel vm10, $0x1, v2  }
0x66: {  	v22 =	vnsel vm0, $0x0, v10;
	vm11 =	veq.s32 v11, $0x1;
	(xrf0) =	vadd.scan.msk.s32 $0xffff, v21;
	v13 =	vnsel vm0, $0x0, v20  }
0x67: {  	v23 =	vsel vm11, $0x1, v2;
	(xrf0) =	vadd.scan.msk.s32 $0xffff, v22;
	v10 =	vadd.s32 v10, v13  }
0x68: {  	(xrf0) =	vadd.scan.msk.s32 $0xffff, v23;
	v24 =	vsel vm1, $0x0, v10  }
0x69: {  	(xrf0) =	vadd.scan.msk.s32 $0xffff, v24;
	_ =	sdelay $0x2  }
0x6a: {  	vm9 =	veq.s32 v11, $0x2;
	vm12 =	veq.s32 v11, $0x3;
	v25, _, _ =	vpop (xrf0)  }
0x6b: {  	vm13 =	veq.s32 v11, $0x4;
	v27 =	vsel vm9, $0x1, v2;
	v32 =	vmpcnt.ones.xlane vm11;
	v26, _, _ =	vpop (xrf0)  }
0x6c: {  	v28 =	vsel vm10, $0xFFFFFFFF, v2;
	v31 =	vsel vm11, $0xFFFFFFFF, v2;
	v35 =	vmpcnt.ones.xlane vm9;
	v29, _, _ =	vpop (xrf0)  }
0x6d: {  	v39 =	vmpcnt.ones.xlane vm12;
	v42 =	vmpcnt.ones.xlane vm13;
	v34 =	vsel vm1, $0x0, v32;
	v30, _, _ =	vpop (xrf0)  }
0x6e: {  	v10 =	vadd.s32 v34, v10;
	v13 =	vbroadcast v26, $0xF;
	v14 =	vbroadcast v30, $0xF  }
0x6f: {  	v38 =	vsel vm2, $0x0, v10;
	v12 =	vadd.s32 v28, v25;
	(xrf0) =	vadd.scan.msk.s32 $0xffff, v27;
	v33 =	vadd.s32 v31, v29  }
0x70: {  	v12 =	vadd.s32 v13, v12;
	v13 =	vadd.s32 v14, v33;
	v14 =	vsel vm2, $0x0, v35  }
0x71: {  	v40 =	vsel vm12, $0x1, v2;
	v43 =	vsel vm13, $0x1, v2;
	(xrf0) =	vadd.scan.msk.s32 $0xffff, v38;
	v10 =	vadd.s32 v14, v10  }
0x72: {  	v16 =	vsel vm3, $0x0, v39;
	v45 =	vsel vm4, $0x0, v42;
	(xrf0) =	vadd.scan.msk.s32 $0xffff, v40;
	v41 =	vsel vm3, $0x0, v10  }
0x73: {  	v12 =	vnsel vm10, $0x0, v12;
	vm10 =	veq.s32 v11, $0x5;
	v10 =	vadd.s32 v16, v10;
	(xrf0) =	vadd.scan.msk.s32 $0xffff, v41  }
0x74: {  	v46 =	vmpcnt.ones.xlane vm10;
	v47 =	vsel vm10, $0x1, v2;
	v44 =	vsel vm4, $0x0, v10;
	(xrf0) =	vadd.scan.msk.s32 $0xffff, v43  }
0x75: {  	v13 =	vnsel vm11, $0x0, v13;
	v37, _, _ =	vpop (xrf0);
	vm11 =	veq.s32 v11, $0x6;
	v10 =	vadd.s32 v45, v10;
	(xrf0) =	vadd.scan.msk.s32 $0xffff, v44  }
0x76: {  	v17 =	vsel vm5, $0x0, v46;
	v50 =	vmpcnt.ones.xlane vm11;
	v49 =	vsel vm5, $0x0, v10;
	(xrf0) =	vadd.scan.msk.s32 $0xffff, v47  }
0x77: {  	vm14 =	veq.s32 v11, $0x7;
	v51 =	vsel vm11, $0x1, v2;
	v48, _, _ =	vpop (xrf0);
	v10 =	vadd.s32 v17, v10;
	(xrf0) =	vadd.scan.msk.s32 $0xffff, v49  }
0x78: {  	v36 =	vsel vm9, $0xFFFFFFFF, v2;
	v52, _, _ =	vpop (xrf0);
	v18 =	vsel vm6, $0x0, v50;
	v53 =	vsel vm6, $0x0, v10;
	(xrf0) =	vadd.scan.msk.s32 $0xffff, v51  }
0x79: {  	v55 =	vsel vm14, $0x1, v2;
	v56 =	vsel vm12, $0xFFFFFFFF, v2;
	v10 =	vadd.s32 v18, v10;
	v54, _, _ =	vpop (xrf0);
	(xrf0) =	vadd.scan.msk.s32 $0xffff, v53  }
0x7a: {  	v61 =	vsel vm13, $0xFFFFFFFF, v2;
	v16 =	vbroadcast v48, $0xF;
	v58 =	vsel vm7, $0x0, v10;
	v57, _, _ =	vpop (xrf0);
	(xrf0) =	vadd.scan.msk.s32 $0xffff, v55  }
0x7b: {  	v32 =	vsel vm14, $0xFFFFFFFF, v2;
	v25 =	vsel vm10, $0xFFFFFFFF, v2;
	v15 =	vadd.s32 v36, v37;
	v60, _, _ =	vpop (xrf0);
	(xrf0) =	vadd.scan.msk.s32 $0xffff, v58  }
0x7c: {  	v12 =	vadd.s32 v12, v13;
	v11 =	vadd.s32 v16, v15;
	v15 =	vbroadcast v54, $0xF;
	v63, _, _ =	vpop (xrf0)  }
0x7d: {  	v29 =	vsel vm11, $0xFFFFFFFF, v2;
	v59 =	vadd.s32 v56, v52;
	v11 =	vnsel vm9, $0x0, v11;
	v22, _, _ =	vpop (xrf0)  }
0x7e: {  	v11 =	vadd.s32 v11, v12;
	v13 =	vadd.s32 v15, v59;
	v62 =	vbroadcast v60, $0xF;
	v24, _, _ =	vpop (xrf0)  }
0x7f: {  	v21 =	vadd.s32 v61, v57;
	v20 =	vnsel vm12, $0x0, v13;
	v27 =	vadd.s32 v25, v63;
	v26, _, _ =	vpop (xrf0)  }
0x80: {  	v11 =	vadd.s32 v20, v11;
	v23 =	vadd.s32 v62, v21;
	v14 =	vbroadcast v22, $0xF;
	v28, _, _ =	vpop (xrf0)  }
0x81: {  	v12 =	vnsel vm13, $0x0, v23;
	v13 =	vadd.s32 v29, v24;
	v30 =	vbroadcast v26, $0xF;
	v31, _, _ =	vpop (xrf0)  }
0x82: {  	v11 =	vadd.s32 v12, v11;
	v12 =	vadd.s32 v14, v27;
	v17 =	vbroadcast v31, $0xF  }
0x83: {  	v12 =	vnsel vm10, $0x0, v12;
	v14 =	vadd.s32 v32, v28;
	v13 =	vadd.s32 v30, v13  }
0x84: {  	v11 =	vadd.s32 v12, v11;
	v33 =	vnsel vm11, $0x0, v13;
	v34 =	vadd.s32 v17, v14  }
0x85: {  	v11 =	vadd.s32 v33, v11;
	v35 =	vnsel vm14, $0x0, v34  }
0x86: {  	v11 =	vadd.s32 v35, v11  }
0x87: {  	[tilespmem:$0x1020] =	vst v11  }
0x88: {  	v11 =	vld [tilespmem:s9+$0x30];
	_ =	sdelay $0x3  }
0x89: {  	v36 =	vmpcnt.ones.xlane vm14  }
0x8a: {  	vm10 =	veq.s32 v11, $0x0  }
0x8b: {  	v12 =	vsel vm7, $0x0, v36;
	v37 =	vmpcnt.ones.xlane vm10  }
0x8c: {  	v10 =	vadd.s32 v12, v10;
	v38 =	vsel vm10, $0x1, v2  }
0x8d: {  	v39 =	vnsel vm0, $0x0, v10;
	vm11 =	veq.s32 v11, $0x1;
	(xrf0) =	vadd.scan.msk.s32 $0xffff, v38;
	v13 =	vnsel vm0, $0x0, v37  }
0x8e: {  	v40 =	vsel vm11, $0x1, v2;
	(xrf0) =	vadd.scan.msk.s32 $0xffff, v39;
	v10 =	vadd.s32 v10, v13  }
0x8f: {  	(xrf0) =	vadd.scan.msk.s32 $0xffff, v40;
	v41 =	vsel vm1, $0x0, v10  }
0x90: {  	(xrf0) =	vadd.scan.msk.s32 $0xffff, v41;
	_ =	sdelay $0x2  }
0x91: {  	vm9 =	veq.s32 v11, $0x2;
	vm12 =	veq.s32 v11, $0x3;
	v42, _, _ =	vpop (xrf0)  }
0x92: {  	vm13 =	veq.s32 v11, $0x4;
	v44 =	vsel vm9, $0x1, v2;
	v49 =	vmpcnt.ones.xlane vm11;
	v43, _, _ =	vpop (xrf0)  }
0x93: {  	v45 =	vsel vm10, $0xFFFFFFFF, v2;
	v48 =	vsel vm11, $0xFFFFFFFF, v2;
	v52 =	vmpcnt.ones.xlane vm9;
	v46, _, _ =	vpop (xrf0)  }
0x94: {  	v56 =	vmpcnt.ones.xlane vm12;
	v59 =	vmpcnt.ones.xlane vm13;
	v51 =	vsel vm1, $0x0, v49;
	v47, _, _ =	vpop (xrf0)  }
0x95: {  	v10 =	vadd.s32 v51, v10;
	v13 =	vbroadcast v43, $0xF;
	v14 =	vbroadcast v47, $0xF  }
0x96: {  	v55 =	vsel vm2, $0x0, v10;
	v12 =	vadd.s32 v45, v42;
	(xrf0) =	vadd.scan.msk.s32 $0xffff, v44;
	v50 =	vadd.s32 v48, v46  }
0x97: {  	v12 =	vadd.s32 v13, v12;
	v13 =	vadd.s32 v14, v50;
	v14 =	vsel vm2, $0x0, v52  }
0x98: {  	v57 =	vsel vm12, $0x1, v2;
	v60 =	vsel vm13, $0x1, v2;
	(xrf0) =	vadd.scan.msk.s32 $0xffff, v55;
	v10 =	vadd.s32 v14, v10  }
0x99: {  	v16 =	vsel vm3, $0x0, v56;
	v62 =	vsel vm4, $0x0, v59;
	(xrf0) =	vadd.scan.msk.s32 $0xffff, v57;
	v58 =	vsel vm3, $0x0, v10  }
0x9a: {  	v12 =	vnsel vm10, $0x0, v12;
	vm10 =	veq.s32 v11, $0x5;
	v10 =	vadd.s32 v16, v10;
	(xrf0) =	vadd.scan.msk.s32 $0xffff, v58  }
0x9b: {  	v63 =	vmpcnt.ones.xlane vm10;
	v20 =	vsel vm10, $0x1, v2;
	v61 =	vsel vm4, $0x0, v10;
	(xrf0) =	vadd.scan.msk.s32 $0xffff, v60  }
0x9c: {  	v13 =	vnsel vm11, $0x0, v13;
	v54, _, _ =	vpop (xrf0);
	vm11 =	veq.s32 v11, $0x6;
	v10 =	vadd.s32 v62, v10;
	(xrf0) =	vadd.scan.msk.s32 $0xffff, v61  }
0x9d: {  	v17 =	vsel vm5, $0x0, v63;
	v23 =	vmpcnt.ones.xlane vm11;
	v22 =	vsel vm5, $0x0, v10;
	(xrf0) =	vadd.scan.msk.s32 $0xffff, v20  }
0x9e: {  	vm14 =	veq.s32 v11, $0x7;
	v24 =	vsel vm11, $0x1, v2;
	v21, _, _ =	vpop (xrf0);
	v10 =	vadd.s32 v17, v10;
	(xrf0) =	vadd.scan.msk.s32 $0xffff, v22  }
0x9f: {  	v53 =	vsel vm9, $0xFFFFFFFF, v2;
	v25, _, _ =	vpop (xrf0);
	v18 =	vsel vm6, $0x0, v23;
	v26 =	vsel vm6, $0x0, v10;
	(xrf0) =	vadd.scan.msk.s32 $0xffff, v24  }
0xa0: {  	v28 =	vsel vm14, $0x1, v2;
	v29 =	vsel vm12, $0xFFFFFFFF, v2;
	v10 =	vadd.s32 v18, v10;
	v27, _, _ =	vpop (xrf0);
	(xrf0) =	vadd.scan.msk.s32 $0xffff, v26  }
0xa1: {  	v34 =	vsel vm13, $0xFFFFFFFF, v2;
	v16 =	vbroadcast v21, $0xF;
	v31 =	vsel vm7, $0x0, v10;
	v30, _, _ =	vpop (xrf0);
	(xrf0) =	vadd.scan.msk.s32 $0xffff, v28  }
0xa2: {  	v49 =	vsel vm14, $0xFFFFFFFF, v2;
	v42 =	vsel vm10, $0xFFFFFFFF, v2;
	v15 =	vadd.s32 v53, v54;
	v33, _, _ =	vpop (xrf0);
	(xrf0) =	vadd.scan.msk.s32 $0xffff, v31  }
0xa3: {  	v12 =	vadd.s32 v12, v13;
	v11 =	vadd.s32 v16, v15;
	v15 =	vbroadcast v27, $0xF;
	v36, _, _ =	vpop (xrf0)  }
0xa4: {  	v46 =	vsel vm11, $0xFFFFFFFF, v2;
	v32 =	vadd.s32 v29, v25;
	v11 =	vnsel vm9, $0x0, v11;
	v39, _, _ =	vpop (xrf0)  }
0xa5: {  	v11 =	vadd.s32 v11, v12;
	v13 =	vadd.s32 v15, v32;
	v35 =	vbroadcast v33, $0xF;
	v41, _, _ =	vpop (xrf0)  }
0xa6: {  	v38 =	vadd.s32 v34, v30;
	v37 =	vnsel vm12, $0x0, v13;
	v44 =	vadd.s32 v42, v36;
	v43, _, _ =	vpop (xrf0)  }
0xa7: {  	v11 =	vadd.s32 v37, v11;
	v40 =	vadd.s32 v35, v38;
	v14 =	vbroadcast v39, $0xF;
	v45, _, _ =	vpop (xrf0)  }
0xa8: {  	v12 =	vnsel vm13, $0x0, v40;
	v13 =	vadd.s32 v46, v41;
	v47 =	vbroadcast v43, $0xF;
	v48, _, _ =	vpop (xrf0)  }
0xa9: {  	v11 =	vadd.s32 v12, v11;
	v12 =	vadd.s32 v14, v44;
	v17 =	vbroadcast v48, $0xF  }
0xaa: {  	v12 =	vnsel vm10, $0x0, v12;
	v14 =	vadd.s32 v49, v45;
	v13 =	vadd.s32 v47, v13  }
0xab: {  	v11 =	vadd.s32 v12, v11;
	v50 =	vnsel vm11, $0x0, v13;
	v51 =	vadd.s32 v17, v14  }
0xac: {  	v11 =	vadd.s32 v50, v11;
	v52 =	vnsel vm14, $0x0, v51  }
0xad: {  	v11 =	vadd.s32 v52, v11  }
0xae: {  	[tilespmem:$0x1030] =	vst v11  }
0xaf: {  	v11 =	vld [tilespmem:s9+$0x40];
	_ =	sdelay $0x3  }
0xb0: {  	v53 =	vmpcnt.ones.xlane vm14  }
0xb1: {  	vm10 =	veq.s32 v11, $0x0  }
0xb2: {  	v12 =	vsel vm7, $0x0, v53;
	v54 =	vmpcnt.ones.xlane vm10  }
0xb3: {  	v10 =	vadd.s32 v12, v10;
	v55 =	vsel vm10, $0x1, v2  }
0xb4: {  	v56 =	vnsel vm0, $0x0, v10;
	vm11 =	veq.s32 v11, $0x1;
	(xrf0) =	vadd.scan.msk.s32 $0xffff, v55;
	v13 =	vnsel vm0, $0x0, v54  }
0xb5: {  	v57 =	vsel vm11, $0x1, v2;
	(xrf0) =	vadd.scan.msk.s32 $0xffff, v56;
	v10 =	vadd.s32 v10, v13  }
0xb6: {  	(xrf0) =	vadd.scan.msk.s32 $0xffff, v57;
	v58 =	vsel vm1, $0x0, v10  }
0xb7: {  	(xrf0) =	vadd.scan.msk.s32 $0xffff, v58;
	_ =	sdelay $0x2  }
0xb8: {  	vm9 =	veq.s32 v11, $0x2;
	vm12 =	veq.s32 v11, $0x3;
	v59, _, _ =	vpop (xrf0)  }
0xb9: {  	vm13 =	veq.s32 v11, $0x4;
	v61 =	vsel vm9, $0x1, v2;
	v21 =	vmpcnt.ones.xlane vm11;
	v60, _, _ =	vpop (xrf0)  }
0xba: {  	v62 =	vsel vm10, $0xFFFFFFFF, v2;
	v20 =	vsel vm11, $0xFFFFFFFF, v2;
	v24 =	vmpcnt.ones.xlane vm9;
	v63, _, _ =	vpop (xrf0)  }
0xbb: {  	v28 =	vmpcnt.ones.xlane vm12;
	v31 =	vmpcnt.ones.xlane vm13;
	v23 =	vsel vm1, $0x0, v21;
	v19, _, _ =	vpop (xrf0)  }
0xbc: {  	v10 =	vadd.s32 v23, v10;
	v13 =	vbroadcast v60, $0xF;
	v14 =	vbroadcast v19, $0xF  }
0xbd: {  	v27 =	vsel vm2, $0x0, v10;
	v12 =	vadd.s32 v62, v59;
	(xrf0) =	vadd.scan.msk.s32 $0xffff, v61;
	v22 =	vadd.s32 v20, v63  }
0xbe: {  	v12 =	vadd.s32 v13, v12;
	v13 =	vadd.s32 v14, v22;
	v14 =	vsel vm2, $0x0, v24  }
0xbf: {  	v29 =	vsel vm12, $0x1, v2;
	v32 =	vsel vm13, $0x1, v2;
	(xrf0) =	vadd.scan.msk.s32 $0xffff, v27;
	v10 =	vadd.s32 v14, v10  }
0xc0: {  	v16 =	vsel vm3, $0x0, v28;
	v34 =	vsel vm4, $0x0, v31;
	(xrf0) =	vadd.scan.msk.s32 $0xffff, v29;
	v30 =	vsel vm3, $0x0, v10  }
0xc1: {  	v12 =	vnsel vm10, $0x0, v12;
	vm10 =	veq.s32 v11, $0x5;
	v10 =	vadd.s32 v16, v10;
	(xrf0) =	vadd.scan.msk.s32 $0xffff, v30  }
0xc2: {  	v35 =	vmpcnt.ones.xlane vm10;
	v36 =	vsel vm10, $0x1, v2;
	v33 =	vsel vm4, $0x0, v10;
	(xrf0) =	vadd.scan.msk.s32 $0xffff, v32  }
0xc3: {  	v13 =	vnsel vm11, $0x0, v13;
	v26, _, _ =	vpop (xrf0);
	vm11 =	veq.s32 v11, $0x6;
	v10 =	vadd.s32 v34, v10;
	(xrf0) =	vadd.scan.msk.s32 $0xffff, v33  }
0xc4: {  	v17 =	vsel vm5, $0x0, v35;
	v39 =	vmpcnt.ones.xlane vm11;
	v38 =	vsel vm5, $0x0, v10;
	(xrf0) =	vadd.scan.msk.s32 $0xffff, v36  }
0xc5: {  	vm14 =	veq.s32 v11, $0x7;
	v40 =	vsel vm11, $0x1, v2;
	v37, _, _ =	vpop (xrf0);
	v10 =	vadd.s32 v17, v10;
	(xrf0) =	vadd.scan.msk.s32 $0xffff, v38  }
0xc6: {  	v25 =	vsel vm9, $0xFFFFFFFF, v2;
	v41, _, _ =	vpop (xrf0);
	v18 =	vsel vm6, $0x0, v39;
	v42 =	vsel vm6, $0x0, v10;
	(xrf0) =	vadd.scan.msk.s32 $0xffff, v40  }
0xc7: {  	v44 =	vsel vm14, $0x1, v2;
	v45 =	vsel vm12, $0xFFFFFFFF, v2;
	v10 =	vadd.s32 v18, v10;
	v43, _, _ =	vpop (xrf0);
	(xrf0) =	vadd.scan.msk.s32 $0xffff, v42  }
0xc8: {  	v50 =	vsel vm13, $0xFFFFFFFF, v2;
	v16 =	vbroadcast v37, $0xF;
	v47 =	vsel vm7, $0x0, v10;
	v46, _, _ =	vpop (xrf0);
	(xrf0) =	vadd.scan.msk.s32 $0xffff, v44  }
0xc9: {  	v21 =	vsel vm14, $0xFFFFFFFF, v2;
	v58 =	vsel vm10, $0xFFFFFFFF, v2;
	v15 =	vadd.s32 v25, v26;
	v49, _, _ =	vpop (xrf0);
	(xrf0) =	vadd.scan.msk.s32 $0xffff, v47  }
0xca: {  	v12 =	vadd.s32 v12, v13;
	v11 =	vadd.s32 v16, v15;
	v15 =	vbroadcast v43, $0xF;
	v52, _, _ =	vpop (xrf0)  }
0xcb: {  	v62 =	vsel vm11, $0xFFFFFFFF, v2;
	v48 =	vadd.s32 v45, v41;
	v11 =	vnsel vm9, $0x0, v11;
	v55, _, _ =	vpop (xrf0)  }
0xcc: {  	v11 =	vadd.s32 v11, v12;
	v13 =	vadd.s32 v15, v48;
	v51 =	vbroadcast v49, $0xF;
	v57, _, _ =	vpop (xrf0)  }
0xcd: {  	v54 =	vadd.s32 v50, v46;
	v53 =	vnsel vm12, $0x0, v13;
	v60 =	vadd.s32 v58, v52;
	v59, _, _ =	vpop (xrf0)  }
0xce: {  	v11 =	vadd.s32 v53, v11;
	v56 =	vadd.s32 v51, v54;
	v14 =	vbroadcast v55, $0xF;
	v61, _, _ =	vpop (xrf0)  }
0xcf: {  	v12 =	vnsel vm13, $0x0, v56;
	v13 =	vadd.s32 v62, v57;
	v63 =	vbroadcast v59, $0xF;
	v20, _, _ =	vpop (xrf0)  }
0xd0: {  	v11 =	vadd.s32 v12, v11;
	v12 =	vadd.s32 v14, v60;
	v17 =	vbroadcast v20, $0xF  }
0xd1: {  	v12 =	vnsel vm10, $0x0, v12;
	v14 =	vadd.s32 v21, v61;
	v13 =	vadd.s32 v63, v13  }
0xd2: {  	v11 =	vadd.s32 v12, v11;
	v22 =	vnsel vm11, $0x0, v13;
	v23 =	vadd.s32 v17, v14  }
0xd3: {  	v11 =	vadd.s32 v22, v11;
	v24 =	vnsel vm14, $0x0, v23  }
0xd4: {  	v11 =	vadd.s32 v24, v11  }
0xd5: {  	[tilespmem:$0x1040] =	vst v11  }
0xd6: {  	v11 =	vld [tilespmem:s9+$0x50];
	_ =	sdelay $0x3  }
0xd7: {  	v25 =	vmpcnt.ones.xlane vm14  }
0xd8: {  	vm10 =	veq.s32 v11, $0x0  }
0xd9: {  	v12 =	vsel vm7, $0x0, v25;
	v26 =	vmpcnt.ones.xlane vm10  }
0xda: {  	v10 =	vadd.s32 v12, v10;
	v27 =	vsel vm10, $0x1, v2  }
0xdb: {  	v28 =	vnsel vm0, $0x0, v10;
	vm11 =	veq.s32 v11, $0x1;
	(xrf0) =	vadd.scan.msk.s32 $0xffff, v27;
	v13 =	vnsel vm0, $0x0, v26  }
0xdc: {  	v29 =	vsel vm11, $0x1, v2;
	(xrf0) =	vadd.scan.msk.s32 $0xffff, v28;
	v10 =	vadd.s32 v10, v13  }
0xdd: {  	(xrf0) =	vadd.scan.msk.s32 $0xffff, v29;
	v30 =	vsel vm1, $0x0, v10  }
0xde: {  	(xrf0) =	vadd.scan.msk.s32 $0xffff, v30;
	_ =	sdelay $0x2  }
0xdf: {  	vm9 =	veq.s32 v11, $0x2;
	vm12 =	veq.s32 v11, $0x3;
	v31, _, _ =	vpop (xrf0)  }
0xe0: {  	vm13 =	veq.s32 v11, $0x4;
	v33 =	vsel vm9, $0x1, v2;
	v38 =	vmpcnt.ones.xlane vm11;
	v32, _, _ =	vpop (xrf0)  }
0xe1: {  	v34 =	vsel vm10, $0xFFFFFFFF, v2;
	v37 =	vsel vm11, $0xFFFFFFFF, v2;
	v41 =	vmpcnt.ones.xlane vm9;
	v35, _, _ =	vpop (xrf0)  }
0xe2: {  	v45 =	vmpcnt.ones.xlane vm12;
	v48 =	vmpcnt.ones.xlane vm13;
	v40 =	vsel vm1, $0x0, v38;
	v36, _, _ =	vpop (xrf0)  }
0xe3: {  	v10 =	vadd.s32 v40, v10;
	v13 =	vbroadcast v32, $0xF;
	v14 =	vbroadcast v36, $0xF  }
0xe4: {  	v44 =	vsel vm2, $0x0, v10;
	v12 =	vadd.s32 v34, v31;
	(xrf0) =	vadd.scan.msk.s32 $0xffff, v33;
	v39 =	vadd.s32 v37, v35  }
0xe5: {  	v12 =	vadd.s32 v13, v12;
	v13 =	vadd.s32 v14, v39;
	v14 =	vsel vm2, $0x0, v41  }
0xe6: {  	v46 =	vsel vm12, $0x1, v2;
	v49 =	vsel vm13, $0x1, v2;
	(xrf0) =	vadd.scan.msk.s32 $0xffff, v44;
	v10 =	vadd.s32 v14, v10  }
0xe7: {  	v16 =	vsel vm3, $0x0, v45;
	v51 =	vsel vm4, $0x0, v48;
	(xrf0) =	vadd.scan.msk.s32 $0xffff, v46;
	v47 =	vsel vm3, $0x0, v10  }
0xe8: {  	v12 =	vnsel vm10, $0x0, v12;
	vm10 =	veq.s32 v11, $0x5;
	v10 =	vadd.s32 v16, v10;
	(xrf0) =	vadd.scan.msk.s32 $0xffff, v47  }
0xe9: {  	v52 =	vmpcnt.ones.xlane vm10;
	v53 =	vsel vm10, $0x1, v2;
	v50 =	vsel vm4, $0x0, v10;
	(xrf0) =	vadd.scan.msk.s32 $0xffff, v49  }
0xea: {  	v13 =	vnsel vm11, $0x0, v13;
	v43, _, _ =	vpop (xrf0);
	vm11 =	veq.s32 v11, $0x6;
	v10 =	vadd.s32 v51, v10;
	(xrf0) =	vadd.scan.msk.s32 $0xffff, v50  }
0xeb: {  	v17 =	vsel vm5, $0x0, v52;
	v56 =	vmpcnt.ones.xlane vm11;
	v55 =	vsel vm5, $0x0, v10;
	(xrf0) =	vadd.scan.msk.s32 $0xffff, v53  }
0xec: {  	vm14 =	veq.s32 v11, $0x7;
	v57 =	vsel vm11, $0x1, v2;
	v54, _, _ =	vpop (xrf0);
	v10 =	vadd.s32 v17, v10;
	(xrf0) =	vadd.scan.msk.s32 $0xffff, v55  }
0xed: {  	v42 =	vsel vm9, $0xFFFFFFFF, v2;
	v58, _, _ =	vpop (xrf0);
	v18 =	vsel vm6, $0x0, v56;
	v59 =	vsel vm6, $0x0, v10;
	(xrf0) =	vadd.scan.msk.s32 $0xffff, v57  }
0xee: {  	v61 =	vsel vm14, $0x1, v2;
	v62 =	vsel vm12, $0xFFFFFFFF, v2;
	v10 =	vadd.s32 v18, v10;
	v60, _, _ =	vpop (xrf0);
	(xrf0) =	vadd.scan.msk.s32 $0xffff, v59  }
0xef: {  	v24 =	vsel vm13, $0xFFFFFFFF, v2;
	v16 =	vbroadcast v54, $0xF;
	v21 =	vsel vm7, $0x0, v10;
	v63, _, _ =	vpop (xrf0);
	(xrf0) =	vadd.scan.msk.s32 $0xffff, v61  }
0xf0: {  	v32 =	vsel vm10, $0xFFFFFFFF, v2;
	v39 =	vsel vm14, $0xFFFFFFFF, v2;
	v15 =	vadd.s32 v42, v43;
	v23, _, _ =	vpop (xrf0);
	(xrf0) =	vadd.scan.msk.s32 $0xffff, v21  }
0xf1: {  	v12 =	vadd.s32 v12, v13;
	v11 =	vadd.s32 v16, v15;
	v15 =	vbroadcast v60, $0xF;
	v26, _, _ =	vpop (xrf0)  }
0xf2: {  	v36 =	vsel vm11, $0xFFFFFFFF, v2;
	v22 =	vadd.s32 v62, v58;
	v11 =	vnsel vm9, $0x0, v11;
	v29, _, _ =	vpop (xrf0)  }
0xf3: {  	v11 =	vadd.s32 v11, v12;
	v13 =	vadd.s32 v15, v22;
	v25 =	vbroadcast v23, $0xF;
	v31, _, _ =	vpop (xrf0)  }
0xf4: {  	v28 =	vadd.s32 v24, v63;
	v27 =	vnsel vm12, $0x0, v13;
	v34 =	vadd.s32 v32, v26;
	v33, _, _ =	vpop (xrf0)  }
0xf5: {  	v11 =	vadd.s32 v27, v11;
	v30 =	vadd.s32 v25, v28;
	v14 =	vbroadcast v29, $0xF;
	v35, _, _ =	vpop (xrf0)  }
0xf6: {  	v12 =	vnsel vm13, $0x0, v30;
	v13 =	vadd.s32 v36, v31;
	v37 =	vbroadcast v33, $0xF;
	v38, _, _ =	vpop (xrf0)  }
0xf7: {  	v11 =	vadd.s32 v12, v11;
	v12 =	vadd.s32 v14, v34;
	v17 =	vbroadcast v38, $0xF  }
0xf8: {  	v12 =	vnsel vm10, $0x0, v12;
	v14 =	vadd.s32 v39, v35;
	v13 =	vadd.s32 v37, v13  }
0xf9: {  	v11 =	vadd.s32 v12, v11;
	v40 =	vnsel vm11, $0x0, v13;
	v41 =	vadd.s32 v17, v14  }
0xfa: {  	v11 =	vadd.s32 v40, v11;
	v42 =	vnsel vm14, $0x0, v41  }
0xfb: {  	v11 =	vadd.s32 v42, v11  }
0xfc: {  	[tilespmem:$0x1050] =	vst v11  }
0xfd: {  	v11 =	vld [tilespmem:s9+$0x60];
	_ =	sdelay $0x3  }
0xfe: {  	v43 =	vmpcnt.ones.xlane vm14  }
0xff: {  	vm10 =	veq.s32 v11, $0x0  }
0x100: {  	v12 =	vsel vm7, $0x0, v43;
	v44 =	vmpcnt.ones.xlane vm10  }
0x101: {  	v10 =	vadd.s32 v12, v10;
	v45 =	vsel vm10, $0x1, v2  }
0x102: {  	v46 =	vnsel vm0, $0x0, v10;
	vm11 =	veq.s32 v11, $0x1;
	(xrf0) =	vadd.scan.msk.s32 $0xffff, v45;
	v13 =	vnsel vm0, $0x0, v44  }
0x103: {  	v47 =	vsel vm11, $0x1, v2;
	(xrf0) =	vadd.scan.msk.s32 $0xffff, v46;
	v10 =	vadd.s32 v10, v13  }
0x104: {  	(xrf0) =	vadd.scan.msk.s32 $0xffff, v47;
	v48 =	vsel vm1, $0x0, v10  }
0x105: {  	(xrf0) =	vadd.scan.msk.s32 $0xffff, v48;
	_ =	sdelay $0x2  }
0x106: {  	vm9 =	veq.s32 v11, $0x2;
	vm12 =	veq.s32 v11, $0x3;
	v49, _, _ =	vpop (xrf0)  }
0x107: {  	vm13 =	veq.s32 v11, $0x4;
	v51 =	vsel vm9, $0x1, v2;
	v56 =	vmpcnt.ones.xlane vm11;
	v50, _, _ =	vpop (xrf0)  }
0x108: {  	v52 =	vsel vm10, $0xFFFFFFFF, v2;
	v55 =	vsel vm11, $0xFFFFFFFF, v2;
	v59 =	vmpcnt.ones.xlane vm9;
	v53, _, _ =	vpop (xrf0)  }
0x109: {  	v63 =	vmpcnt.ones.xlane vm12;
	v22 =	vmpcnt.ones.xlane vm13;
	v58 =	vsel vm1, $0x0, v56;
	v54, _, _ =	vpop (xrf0)  }
0x10a: {  	v10 =	vadd.s32 v58, v10;
	v13 =	vbroadcast v50, $0xF;
	v14 =	vbroadcast v54, $0xF  }
0x10b: {  	v62 =	vsel vm2, $0x0, v10;
	v12 =	vadd.s32 v52, v49;
	(xrf0) =	vadd.scan.msk.s32 $0xffff, v51;
	v57 =	vadd.s32 v55, v53  }
0x10c: {  	v12 =	vadd.s32 v13, v12;
	v13 =	vadd.s32 v14, v57;
	v14 =	vsel vm2, $0x0, v59  }
0x10d: {  	v20 =	vsel vm12, $0x1, v2;
	v23 =	vsel vm13, $0x1, v2;
	(xrf0) =	vadd.scan.msk.s32 $0xffff, v62;
	v10 =	vadd.s32 v14, v10  }
0x10e: {  	v16 =	vsel vm3, $0x0, v63;
	v25 =	vsel vm4, $0x0, v22;
	(xrf0) =	vadd.scan.msk.s32 $0xffff, v20;
	v21 =	vsel vm3, $0x0, v10  }
0x10f: {  	v12 =	vnsel vm10, $0x0, v12;
	vm10 =	veq.s32 v11, $0x5;
	v10 =	vadd.s32 v16, v10;
	(xrf0) =	vadd.scan.msk.s32 $0xffff, v21  }
0x110: {  	v26 =	vmpcnt.ones.xlane vm10;
	v27 =	vsel vm10, $0x1, v2;
	v24 =	vsel vm4, $0x0, v10;
	(xrf0) =	vadd.scan.msk.s32 $0xffff, v23  }
0x111: {  	v13 =	vnsel vm11, $0x0, v13;
	v61, _, _ =	vpop (xrf0);
	vm11 =	veq.s32 v11, $0x6;
	v10 =	vadd.s32 v25, v10;
	(xrf0) =	vadd.scan.msk.s32 $0xffff, v24  }
0x112: {  	v17 =	vsel vm5, $0x0, v26;
	v30 =	vmpcnt.ones.xlane vm11;
	v29 =	vsel vm5, $0x0, v10;
	(xrf0) =	vadd.scan.msk.s32 $0xffff, v27  }
0x113: {  	vm14 =	veq.s32 v11, $0x7;
	v31 =	vsel vm11, $0x1, v2;
	v28, _, _ =	vpop (xrf0);
	v10 =	vadd.s32 v17, v10;
	(xrf0) =	vadd.scan.msk.s32 $0xffff, v29  }
0x114: {  	v60 =	vsel vm9, $0xFFFFFFFF, v2;
	v32, _, _ =	vpop (xrf0);
	v18 =	vsel vm6, $0x0, v30;
	v33 =	vsel vm6, $0x0, v10;
	(xrf0) =	vadd.scan.msk.s32 $0xffff, v31  }
0x115: {  	v35 =	vsel vm14, $0x1, v2;
	v36 =	vsel vm12, $0xFFFFFFFF, v2;
	v10 =	vadd.s32 v18, v10;
	v34, _, _ =	vpop (xrf0);
	(xrf0) =	vadd.scan.msk.s32 $0xffff, v33  }
0x116: {  	v41 =	vsel vm13, $0xFFFFFFFF, v2;
	v16 =	vbroadcast v28, $0xF;
	v38 =	vsel vm7, $0x0, v10;
	v37, _, _ =	vpop (xrf0);
	(xrf0) =	vadd.scan.msk.s32 $0xffff, v35  }
0x117: {  	v56 =	vsel vm14, $0xFFFFFFFF, v2;
	v49 =	vsel vm10, $0xFFFFFFFF, v2;
	v15 =	vadd.s32 v60, v61;
	v40, _, _ =	vpop (xrf0);
	(xrf0) =	vadd.scan.msk.s32 $0xffff, v38  }
0x118: {  	v12 =	vadd.s32 v12, v13;
	v11 =	vadd.s32 v16, v15;
	v15 =	vbroadcast v34, $0xF;
	v43, _, _ =	vpop (xrf0)  }
0x119: {  	v53 =	vsel vm11, $0xFFFFFFFF, v2;
	v39 =	vadd.s32 v36, v32;
	v11 =	vnsel vm9, $0x0, v11;
	v46, _, _ =	vpop (xrf0)  }
0x11a: {  	v11 =	vadd.s32 v11, v12;
	v13 =	vadd.s32 v15, v39;
	v42 =	vbroadcast v40, $0xF;
	v48, _, _ =	vpop (xrf0)  }
0x11b: {  	v45 =	vadd.s32 v41, v37;
	v44 =	vnsel vm12, $0x0, v13;
	v51 =	vadd.s32 v49, v43;
	v50, _, _ =	vpop (xrf0)  }
0x11c: {  	v11 =	vadd.s32 v44, v11;
	v47 =	vadd.s32 v42, v45;
	v14 =	vbroadcast v46, $0xF;
	v52, _, _ =	vpop (xrf0)  }
0x11d: {  	v12 =	vnsel vm13, $0x0, v47;
	v13 =	vadd.s32 v53, v48;
	v54 =	vbroadcast v50, $0xF;
	v55, _, _ =	vpop (xrf0)  }
0x11e: {  	v11 =	vadd.s32 v12, v11;
	v12 =	vadd.s32 v14, v51;
	v17 =	vbroadcast v55, $0xF  }
0x11f: {  	v12 =	vnsel vm10, $0x0, v12;
	v14 =	vadd.s32 v56, v52;
	v13 =	vadd.s32 v54, v13  }
0x120: {  	v11 =	vadd.s32 v12, v11;
	v57 =	vnsel vm11, $0x0, v13;
	v58 =	vadd.s32 v17, v14  }
0x121: {  	v11 =	vadd.s32 v57, v11;
	v59 =	vnsel vm14, $0x0, v58  }
0x122: {  	v11 =	vadd.s32 v59, v11  }
0x123: {  	[tilespmem:$0x1060] =	vst v11  }
0x124: {  	v11 =	vld [tilespmem:s9+$0x70];
	_ =	sdelay $0x2  }
0x125: {  	v60 =	vmpcnt.ones.xlane vm14;
	_ =	sdelay $0x1  }
0x126: {  	v12 =	vsel vm7, $0x0, v60;
	vm13 =	veq.s32 v11, $0x0  }
0x127: {  	v10 =	vadd.s32 v12, v10;
	v61 =	vsel vm13, $0x1, v2  }
0x128: {  	v62 =	vnsel vm0, $0x0, v10;
	(xrf0) =	vadd.scan.msk.s32 $0xffff, v61  }
0x129: {  	vm9 =	veq.s32 v11, $0x1;
	v19 =	vmpcnt.ones.xlane vm13;
	(xrf0) =	vadd.scan.msk.s32 $0xffff, v62  }
0x12a: {  	vm10 =	veq.s32 v11, $0x2;
	vm11 =	veq.s32 v11, $0x3;
	vm12 =	veq.s32 v11, $0x4  }
0x12b: {  	vm14 =	veq.s32 v11, $0x6;
	v21 =	vmpcnt.ones.xlane vm9;
	v20 =	vnsel vm0, $0x0, v19  }
0x12c: {  	v18 =	vsel vm13, $0xFFFFFFFF, v2;
	v22 =	vsel vm9, $0x1, v2;
	v10 =	vadd.s32 v10, v20  }
0x12d: {  	v24 =	vmpcnt.ones.xlane vm10;
	v14 =	vsel vm1, $0x0, v21;
	(xrf0) =	vadd.scan.msk.s32 $0xffff, v22;
	v23 =	vsel vm1, $0x0, v10  }
0x12e: {  	v25 =	vsel vm10, $0x1, v2;
	v28 =	vmpcnt.ones.xlane vm11;
	v10 =	vadd.s32 v14, v10;
	(xrf0) =	vadd.scan.msk.s32 $0xffff, v23;
	v63, _, _ =	vpop (xrf0)  }
0x12f: {  	v29 =	vsel vm11, $0x1, v2;
	v27 =	vsel vm2, $0x0, v24;
	v26 =	vsel vm2, $0x0, v10;
	(xrf0) =	vadd.scan.msk.s32 $0xffff, v25;
	v17, _, _ =	vpop (xrf0)  }
0x130: {  	v32 =	vmpcnt.ones.xlane vm12;
	v10 =	vadd.s32 v27, v10;
	(xrf0) =	vadd.scan.msk.s32 $0xffff, v26;
	v13 =	vbroadcast v17, $0xF  }
0x131: {  	v31 =	vsel vm3, $0x0, v28;
	v30 =	vsel vm3, $0x0, v10;
	v12 =	vadd.s32 v18, v63;
	(xrf0) =	vadd.scan.msk.s32 $0xffff, v29  }
0x132: {  	v33 =	vsel vm12, $0x1, v2;
	v10 =	vadd.s32 v31, v10;
	(xrf0) =	vadd.scan.msk.s32 $0xffff, v30;
	v12 =	vadd.s32 v13, v12  }
0x133: {  	v35 =	vsel vm4, $0x0, v10;
	v34, _, _ =	vpop (xrf0);
	(xrf0) =	vadd.scan.msk.s32 $0xffff, v33;
	v12 =	vnsel vm13, $0x0, v12;
	vm13 =	veq.s32 v11, $0x5  }
0x134: {  	v15 =	vsel vm4, $0x0, v32;
	v36, _, _ =	vpop (xrf0);
	(xrf0) =	vadd.scan.msk.s32 $0xffff, v35;
	v37 =	vsel vm13, $0x1, v2;
	v38 =	vmpcnt.ones.xlane vm13  }
0x135: {  	vm15 =	veq.s32 v11, $0x7;
	v39 =	vsel vm9, $0xFFFFFFFF, v2;
	v10 =	vadd.s32 v15, v10;
	v40, _, _ =	vpop (xrf0);
	(xrf0) =	vadd.scan.msk.s32 $0xffff, v37  }
0x136: {  	v45 =	vsel vm14, $0x1, v2;
	v41 =	vsel vm5, $0x0, v10;
	v42, _, _ =	vpop (xrf0);
	v43 =	vsel vm5, $0x0, v38  }
0x137: {  	v46 =	vsel vm10, $0xFFFFFFFF, v2;
	v50 =	vsel vm15, $0x1, v2;
	v44, _, _ =	vpop (xrf0);
	(xrf0) =	vadd.scan.msk.s32 $0xffff, v41;
	v10 =	vadd.s32 v43, v10  }
0x138: {  	v52 =	vsel vm11, $0xFFFFFFFF, v2;
	v54 =	vsel vm12, $0xFFFFFFFF, v2;
	v19, _, _ =	vpop (xrf0);
	(xrf0) =	vadd.scan.msk.s32 $0xffff, v45;
	v47 =	vsel vm6, $0x0, v10  }
0x139: {  	v59 =	vsel vm14, $0xFFFFFFFF, v2;
	v62 =	vsel vm15, $0xFFFFFFFF, v2;
	v16 =	vbroadcast v36, $0xF;
	v49, _, _ =	vpop (xrf0);
	(xrf0) =	vadd.scan.msk.s32 $0xffff, v47  }
0x13a: {  	v14 =	vadd.s32 v39, v34;
	v11 =	vadd.s32 v46, v40;
	v51, _, _ =	vpop (xrf0);
	v10 =	vsel vm7, $0x0, v10;
	(xrf0) =	vadd.scan.msk.s32 $0xffff, v50  }
0x13b: {  	v55 =	vsel vm13, $0xFFFFFFFF, v2;
	v14 =	vadd.s32 v16, v14;
	v48 =	vbroadcast v42, $0xF;
	v53, _, _ =	vpop (xrf0);
	(xrf0) =	vadd.scan.msk.s32 $0xffff, v10  }
0x13c: {  	v14 =	vnsel vm9, $0x0, v14;
	v13 =	vadd.s32 v52, v44;
	v19 =	vbroadcast v19, $0xF  }
0x13d: {  	v11 =	vadd.s32 v48, v11;
	v12 =	vadd.s32 v12, v14;
	v18 =	vbroadcast v51, $0xF;
	v10, _, _ =	vpop (xrf0)  }
0x13e: {  	v11 =	vnsel vm10, $0x0, v11;
	v16 =	vadd.s32 v54, v49;
	v13 =	vadd.s32 v19, v13;
	v20, _, _ =	vpop (xrf0)  }
0x13f: {  	v11 =	vadd.s32 v11, v12;
	v13 =	vnsel vm11, $0x0, v13;
	v57 =	vadd.s32 v18, v16;
	v56, _, _ =	vpop (xrf0)  }
0x140: {  	v11 =	vadd.s32 v13, v11;
	v14 =	vnsel vm12, $0x0, v57;
	v10 =	vbroadcast v10, $0xF;
	v58, _, _ =	vpop (xrf0)  }
0x141: {  	v15 =	vadd.s32 v55, v53;
	v11 =	vadd.s32 v14, v11;
	v60 =	vbroadcast v56, $0xF;
	v61, _, _ =	vpop (xrf0)  }
0x142: {  	v12 =	vadd.s32 v59, v20;
	v10 =	vadd.s32 v10, v15;
	v16 =	vbroadcast v61, $0xF  }
0x143: {  	v10 =	vnsel vm13, $0x0, v10;
	v63 =	vadd.s32 v62, v58;
	v12 =	vadd.s32 v60, v12  }
0x144: {  	v10 =	vadd.s32 v10, v11;
	v12 =	vnsel vm14, $0x0, v12;
	v11 =	vadd.s32 v16, v63  }
0x145: {  	v10 =	vadd.s32 v12, v10;
	v11 =	vnsel vm15, $0x0, v11  }
0x146: {  	v10 =	vadd.s32 v11, v10  }
0x147: {  	s5 =	simm.s32 $0x1000;
	[tilespmem:$0x1070] =	vst v10  }
0x148: {  	[hbm4b:s10+s2] =	stream.linear.scatter [tilespmem:s5], [sflag:$0x2], $0x80, $0x38;
	[tilespmem:$0x11100] =	vst v63  }
0x149: {  	_ =	swait.ge [sflag:s15], $0x80  }
0x14a: {  	[sflag:s15] =	ssyncset.done $0x0  }
0x14b: {  	[sflag:s15] =	ssyncadd.s32 $0xFFFFFF80  }
0x14c: {  	_ =	swait.ge [sflag:s18], $0x10000  }
0x14d: {  	[sflag:s18] =	ssyncset.done $0x0  }
0x14e: {  	[sflag:s18] =	ssyncadd.s32 $0xFFFF0000  }
0x14f: {  	v10 =	vld [tilespmem:$0x1000];
	_ =	sdelay $0x4  }
0x150: {  	v11 =	vshll.u32 v10, $0x2  }
0x151: {  	v10 =	vand.u32 $0x7, v10;
	v11 =	vand.u32 $0xFFFFFFE0, v11  }
0x152: {  	v10 =	vor.u32 v10, v11  }
0x153: {  	v11 =	vperm.xlane v10, v7;
	_ =	sdelay $0x1  }
0x154: {  	v11 =	vadd.s32 v8, v11;
	_ =	sdelay $0x1  }
0x155: {  	v10 =	vperm.xlane v10, v9;
	_ =	sdelay $0x1  }
0x156: {  	v10 =	vadd.s32 v8, v10  }
0x157: {  	[hbm4b:s4+s2] =	stream.indirect_vreg.scatter [tilespmem:s14], [sflag:$0x1], $0x80, v11, vm8, $0xb8;
	[tilespmem:$0x11100] =	vst v63  }
0x158: {  	s7 =	simm.s32 $0x1880  }
0x159: {  	[hbm4b:s11+s2] =	stream.indirect_vreg.scatter [tilespmem:s7], [sflag:$0x1], $0x80, v11, vm8, $0xb8;
	[tilespmem:$0x11100] =	vst v63  }
0x15a: {  	s8 =	simm.s32 $0x2080  }
0x15b: {  	[hbm4b:s4+s2] =	stream.indirect_vreg.scatter [tilespmem:s8], [sflag:$0x1], $0x80, v10, vm8, $0xb8;
	[tilespmem:$0x11100] =	vst v63  }
0x15c: {  	s17 =	simm.s32 $0x2880  }
0x15d: {  	[hbm4b:s11+s2] =	stream.indirect_vreg.scatter [tilespmem:s17], [sflag:$0x1], $0x80, v10, vm8, $0xb8;
	[tilespmem:$0x11100] =	vst v63  }
0x15e: {  	v10 =	vld [tilespmem:$0x1010];
	_ =	sdelay $0x4  }
0x15f: {  	v11 =	vshll.u32 v10, $0x2  }
0x160: {  	v10 =	vand.u32 $0x7, v10;
	v11 =	vand.u32 $0xFFFFFFE0, v11  }
0x161: {  	v10 =	vor.u32 v10, v11  }
0x162: {  	v11 =	vperm.xlane v10, v7;
	_ =	sdelay $0x1  }
0x163: {  	v11 =	vadd.s32 v8, v11;
	_ =	sdelay $0x1  }
0x164: {  	v10 =	vperm.xlane v10, v9;
	_ =	sdelay $0x1  }
0x165: {  	s7 =	simm.s32 $0x3080;
	v10 =	vadd.s32 v8, v10  }
0x166: {  	[hbm4b:s4+s2] =	stream.indirect_vreg.scatter [tilespmem:s7], [sflag:$0x1], $0x80, v11, vm8, $0xb8;
	[tilespmem:$0x11100] =	vst v63  }
0x167: {  	s8 =	simm.s32 $0x3880  }
0x168: {  	[hbm4b:s11+s2] =	stream.indirect_vreg.scatter [tilespmem:s8], [sflag:$0x1], $0x80, v11, vm8, $0xb8;
	[tilespmem:$0x11100] =	vst v63  }
0x169: {  	s17 =	simm.s32 $0x4080  }
0x16a: {  	[hbm4b:s4+s2] =	stream.indirect_vreg.scatter [tilespmem:s17], [sflag:$0x1], $0x80, v10, vm8, $0xb8;
	[tilespmem:$0x11100] =	vst v63  }
0x16b: {  	s7 =	simm.s32 $0x4880  }
0x16c: {  	[hbm4b:s11+s2] =	stream.indirect_vreg.scatter [tilespmem:s7], [sflag:$0x1], $0x80, v10, vm8, $0xb8;
	[tilespmem:$0x11100] =	vst v63  }
0x16d: {  	v10 =	vld [tilespmem:$0x1020];
	_ =	sdelay $0x4  }
0x16e: {  	v11 =	vshll.u32 v10, $0x2  }
0x16f: {  	v10 =	vand.u32 $0x7, v10;
	v11 =	vand.u32 $0xFFFFFFE0, v11  }
0x170: {  	v10 =	vor.u32 v10, v11  }
0x171: {  	v11 =	vperm.xlane v10, v7;
	_ =	sdelay $0x1  }
0x172: {  	v11 =	vadd.s32 v8, v11;
	_ =	sdelay $0x1  }
0x173: {  	v10 =	vperm.xlane v10, v9;
	_ =	sdelay $0x1  }
0x174: {  	s8 =	simm.s32 $0x5080;
	v10 =	vadd.s32 v8, v10  }
0x175: {  	[hbm4b:s4+s2] =	stream.indirect_vreg.scatter [tilespmem:s8], [sflag:$0x1], $0x80, v11, vm8, $0xb8;
	[tilespmem:$0x11100] =	vst v63  }
0x176: {  	s17 =	simm.s32 $0x5880  }
0x177: {  	[hbm4b:s11+s2] =	stream.indirect_vreg.scatter [tilespmem:s17], [sflag:$0x1], $0x80, v11, vm8, $0xb8;
	[tilespmem:$0x11100] =	vst v63  }
0x178: {  	s7 =	simm.s32 $0x6080  }
0x179: {  	[hbm4b:s4+s2] =	stream.indirect_vreg.scatter [tilespmem:s7], [sflag:$0x1], $0x80, v10, vm8, $0xb8;
	[tilespmem:$0x11100] =	vst v63  }
0x17a: {  	s8 =	simm.s32 $0x6880  }
0x17b: {  	[hbm4b:s11+s2] =	stream.indirect_vreg.scatter [tilespmem:s8], [sflag:$0x1], $0x80, v10, vm8, $0xb8;
	[tilespmem:$0x11100] =	vst v63  }
0x17c: {  	v10 =	vld [tilespmem:$0x1030];
	_ =	sdelay $0x4  }
0x17d: {  	v11 =	vshll.u32 v10, $0x2  }
0x17e: {  	v10 =	vand.u32 $0x7, v10;
	v11 =	vand.u32 $0xFFFFFFE0, v11  }
0x17f: {  	v10 =	vor.u32 v10, v11  }
0x180: {  	v11 =	vperm.xlane v10, v7;
	_ =	sdelay $0x1  }
0x181: {  	v11 =	vadd.s32 v8, v11;
	_ =	sdelay $0x1  }
0x182: {  	v10 =	vperm.xlane v10, v9;
	_ =	sdelay $0x1  }
0x183: {  	s17 =	simm.s32 $0x7080;
	v10 =	vadd.s32 v8, v10  }
0x184: {  	[hbm4b:s4+s2] =	stream.indirect_vreg.scatter [tilespmem:s17], [sflag:$0x1], $0x80, v11, vm8, $0xb8;
	[tilespmem:$0x11100] =	vst v63  }
0x185: {  	s7 =	simm.s32 $0x7880  }
0x186: {  	[hbm4b:s11+s2] =	stream.indirect_vreg.scatter [tilespmem:s7], [sflag:$0x1], $0x80, v11, vm8, $0xb8;
	[tilespmem:$0x11100] =	vst v63  }
0x187: {  	s8 =	simm.s32 $0x8080  }
0x188: {  	[hbm4b:s4+s2] =	stream.indirect_vreg.scatter [tilespmem:s8], [sflag:$0x1], $0x80, v10, vm8, $0xb8;
	[tilespmem:$0x11100] =	vst v63  }
0x189: {  	s17 =	simm.s32 $0x8880  }
0x18a: {  	[hbm4b:s11+s2] =	stream.indirect_vreg.scatter [tilespmem:s17], [sflag:$0x1], $0x80, v10, vm8, $0xb8;
	[tilespmem:$0x11100] =	vst v63  }
0x18b: {  	v10 =	vld [tilespmem:$0x1040];
	_ =	sdelay $0x4  }
0x18c: {  	v11 =	vshll.u32 v10, $0x2  }
0x18d: {  	v10 =	vand.u32 $0x7, v10;
	v11 =	vand.u32 $0xFFFFFFE0, v11  }
0x18e: {  	v10 =	vor.u32 v10, v11  }
0x18f: {  	v11 =	vperm.xlane v10, v7;
	_ =	sdelay $0x1  }
0x190: {  	v11 =	vadd.s32 v8, v11;
	_ =	sdelay $0x1  }
0x191: {  	v10 =	vperm.xlane v10, v9;
	_ =	sdelay $0x1  }
0x192: {  	s7 =	simm.s32 $0x9080;
	v10 =	vadd.s32 v8, v10  }
0x193: {  	[hbm4b:s4+s2] =	stream.indirect_vreg.scatter [tilespmem:s7], [sflag:$0x1], $0x80, v11, vm8, $0xb8;
	[tilespmem:$0x11100] =	vst v63  }
0x194: {  	s8 =	simm.s32 $0x9880  }
0x195: {  	[hbm4b:s11+s2] =	stream.indirect_vreg.scatter [tilespmem:s8], [sflag:$0x1], $0x80, v11, vm8, $0xb8;
	[tilespmem:$0x11100] =	vst v63  }
0x196: {  	s17 =	simm.s32 $0xA080  }
0x197: {  	[hbm4b:s4+s2] =	stream.indirect_vreg.scatter [tilespmem:s17], [sflag:$0x1], $0x80, v10, vm8, $0xb8;
	[tilespmem:$0x11100] =	vst v63  }
0x198: {  	_ = 	snop  }
0x199: {  	[hbm4b:s11+s2] =	stream.indirect_vreg.scatter [tilespmem:s19], [sflag:$0x1], $0x80, v10, vm8, $0xb8;
	[tilespmem:$0x11100] =	vst v63  }
0x19a: {  	v10 =	vld [tilespmem:$0x1050];
	_ =	sdelay $0x4  }
0x19b: {  	v11 =	vshll.u32 v10, $0x2  }
0x19c: {  	v10 =	vand.u32 $0x7, v10;
	v11 =	vand.u32 $0xFFFFFFE0, v11  }
0x19d: {  	v10 =	vor.u32 v10, v11  }
0x19e: {  	v11 =	vperm.xlane v10, v7;
	_ =	sdelay $0x1  }
0x19f: {  	v11 =	vadd.s32 v8, v11;
	_ =	sdelay $0x1  }
0x1a0: {  	v10 =	vperm.xlane v10, v9;
	_ =	sdelay $0x1  }
0x1a1: {  	v10 =	vadd.s32 v8, v10  }
0x1a2: {  	[hbm4b:s4+s2] =	stream.indirect_vreg.scatter [tilespmem:s20], [sflag:$0x1], $0x80, v11, vm8, $0xb8;
	[tilespmem:$0x11100] =	vst v63  }
0x1a3: {  	_ = 	snop  }
0x1a4: {  	[hbm4b:s11+s2] =	stream.indirect_vreg.scatter [tilespmem:s21], [sflag:$0x1], $0x80, v11, vm8, $0xb8;
	[tilespmem:$0x11100] =	vst v63  }
0x1a5: {  	_ = 	snop  }
0x1a6: {  	[hbm4b:s4+s2] =	stream.indirect_vreg.scatter [tilespmem:s22], [sflag:$0x1], $0x80, v10, vm8, $0xb8;
	[tilespmem:$0x11100] =	vst v63  }
0x1a7: {  	_ = 	snop  }
0x1a8: {  	[hbm4b:s11+s2] =	stream.indirect_vreg.scatter [tilespmem:s23], [sflag:$0x1], $0x80, v10, vm8, $0xb8;
	[tilespmem:$0x11100] =	vst v63  }
0x1a9: {  	v10 =	vld [tilespmem:$0x1060];
	_ =	sdelay $0x4  }
0x1aa: {  	v11 =	vshll.u32 v10, $0x2  }
0x1ab: {  	v10 =	vand.u32 $0x7, v10;
	v11 =	vand.u32 $0xFFFFFFE0, v11  }
0x1ac: {  	v10 =	vor.u32 v10, v11  }
0x1ad: {  	v11 =	vperm.xlane v10, v7;
	_ =	sdelay $0x1  }
0x1ae: {  	v11 =	vadd.s32 v8, v11;
	_ =	sdelay $0x1  }
0x1af: {  	v10 =	vperm.xlane v10, v9;
	_ =	sdelay $0x1  }
0x1b0: {  	v10 =	vadd.s32 v8, v10  }
0x1b1: {  	[hbm4b:s4+s2] =	stream.indirect_vreg.scatter [tilespmem:s24], [sflag:$0x1], $0x80, v11, vm8, $0xb8;
	[tilespmem:$0x11100] =	vst v63  }
0x1b2: {  	_ = 	snop  }
0x1b3: {  	[hbm4b:s11+s2] =	stream.indirect_vreg.scatter [tilespmem:s25], [sflag:$0x1], $0x80, v11, vm8, $0xb8;
	[tilespmem:$0x11100] =	vst v63  }
0x1b4: {  	_ = 	snop  }
0x1b5: {  	[hbm4b:s4+s2] =	stream.indirect_vreg.scatter [tilespmem:s26], [sflag:$0x1], $0x80, v10, vm8, $0xb8;
	[tilespmem:$0x11100] =	vst v63  }
0x1b6: {  	_ = 	snop  }
0x1b7: {  	[hbm4b:s11+s2] =	stream.indirect_vreg.scatter [tilespmem:s28], [sflag:$0x1], $0x80, v10, vm8, $0xb8;
	[tilespmem:$0x11100] =	vst v63  }
0x1b8: {  	v10 =	vld [tilespmem:$0x1070];
	_ =	sdelay $0x4  }
0x1b9: {  	v11 =	vshll.u32 v10, $0x2  }
0x1ba: {  	v10 =	vand.u32 $0x7, v10;
	v11 =	vand.u32 $0xFFFFFFE0, v11  }
0x1bb: {  	v10 =	vor.u32 v10, v11  }
0x1bc: {  	v11 =	vperm.xlane v10, v7;
	_ =	sdelay $0x1  }
0x1bd: {  	v11 =	vadd.s32 v8, v11;
	_ =	sdelay $0x1  }
0x1be: {  	v10 =	vperm.xlane v10, v9;
	_ =	sdelay $0x1  }
0x1bf: {  	v10 =	vadd.s32 v8, v10  }
0x1c0: {  	[hbm4b:s4+s2] =	stream.indirect_vreg.scatter [tilespmem:s29], [sflag:$0x1], $0x80, v11, vm8, $0xb8;
	[tilespmem:$0x11100] =	vst v63  }
0x1c1: {  	s1 =	sadd.s32 $0x1, s1  }
0x1c2: {  	[hbm4b:s11+s2] =	stream.indirect_vreg.scatter [tilespmem:s30], [sflag:$0x1], $0x80, v11, vm8, $0xb8;
	[tilespmem:$0x11100] =	vst v63  }
0x1c3: {  	p1 =	sne.s32 s1, s12  }
0x1c4: {  	[hbm4b:s4+s2] =	stream.indirect_vreg.scatter [tilespmem:s31], [sflag:$0x1], $0x80, v10, vm8, $0xb8;
	[tilespmem:$0x11100] =	vst v63  }
.Ltmp1:
0x1c5: {  	_ = 	snop;
	(pc) =	sbr.rel @!p1 .LBB2_6-.Ltmp1, $4  }
0x1c6: {  	[hbm4b:s11+s2] =	stream.indirect_vreg.scatter [tilespmem:s0], [sflag:$0x1], $0x80, v10, vm8, $0xb8;
	[tilespmem:$0x11100] =	vst v63  }
0x1c7: {  	_ =	swait.ge [sflag:s18], $0x10000  }
0x1c8: {  	[sflag:s18] =	ssyncset.done $0x0  }
0x1c9: {  	[sflag:s18] =	ssyncadd.s32 $0xFFFF0000  }
.LBB2_1:
0x1ca: {  	[tilespmem:s14], [sflag:$0x1] =	stream.linear.gather [hbm4b:s6+s2], $0x10000, $0x38;
	[tilespmem:$0x11100] =	vst v63  }
0x1cb: {  	_ = 	snop  }
0x1cc: {  	[tilespmem:s2], [sflag:$0x2] =	stream.linear.gather [hbm4b:s3+s2], $0x1000, $0x38;
	[tilespmem:$0x11100] =	vst v63  }
0x1cd: {  	_ =	swait.ge [sflag:s15], $0x1000  }
0x1ce: {  	[sflag:s15] =	ssyncset.done $0x0  }
0x1cf: {  	[sflag:s15] =	ssyncadd.s32 $0xFFFFF000  }
0x1d0: {  	v10 =	vld [tilespmem:s2+$0x0];
	_ =	sdelay $0x4  }
0x1d1: {  	vm9 =	veq.s32 v10, $0x7;
	vm11 =	veq.s32 v10, $0x0  }
0x1d2: {  	vm10 =	veq.s32 v10, $0x6;
	v11 =	vmpcnt.ones.xlane vm11;
	vm11 =	veq.s32 v10, $0x1  }
0x1d3: {  	vm12 =	veq.s32 v10, $0x5;
	v12 =	vmpcnt.ones.xlane vm11;
	vm11 =	veq.s32 v10, $0x2  }
0x1d4: {  	v11 =	vnsel vm0, $0x0, v11;
	v13 =	vmpcnt.ones.xlane vm11;
	vm11 =	veq.s32 v10, $0x3  }
0x1d5: {  	v11 =	vadd.s32 v2, v11;
	v12 =	vsel vm1, $0x0, v12;
	v14 =	vmpcnt.ones.xlane vm11  }
0x1d6: {  	s8 =	simm.s32 $0x10;
	vm11 =	veq.s32 v10, $0x4;
	v10 =	vadd.s32 v12, v11;
	v11 =	vsel vm2, $0x0, v13  }
0x1d7: {  	v13 =	vmpcnt.ones.xlane vm11;
	v12 =	vld [tilespmem:s8+$0x0];
	v15 =	vadd.s32 v11, v10;
	v16 =	vsel vm3, $0x0, v14  }
0x1d8: {  	s5 =	simm.s32 $0x1;
	s17 =	simm.s32 $0x2;
	s7 =	simm.s32 $0x0;
	v14 =	vmpcnt.ones.xlane vm12;
	v11 =	vimm.s32 $0x0;
	v10 =	vimm.s32 $0x0  }
.LBB2_2:
0x1d9: {  	p1 =	sne.s32 s17, $0xFF;
	v15 =	vadd.s32 v16, v15;
	v13 =	vsel vm4, $0x0, v13;
	v16 =	vmpcnt.ones.xlane vm10  }
0x1da: {  	p2 =	seq.s32 s13, s7;
	s7 =	smov.u32 s5;
	s5 =	smov.u32 s17;
	v13 =	vadd.s32 v13, v15;
	v14 =	vsel vm5, $0x0, v14;
	v15 =	vmpcnt.ones.xlane vm9  }
0x1db: {  	v10 =	vpsel p2, v11, v10;
	v11 =	vadd.s32 v14, v13;
	v13 =	vsel vm6, $0x0, v16  }
0x1dc: {  	vm9 =	veq.s32 v12, $0x7;
	v11 =	vadd.s32 v13, v11;
	v13 =	vsel vm7, $0x0, v15  }
0x1dd: {  	vm11 =	veq.s32 v12, $0x0;
	vm10 =	veq.s32 v12, $0x6;
	v11 =	vadd.s32 v13, v11  }
0x1de: {  	vm12 =	veq.s32 v12, $0x5;
	v13 =	vmpcnt.ones.xlane vm11;
	vm11 =	veq.s32 v12, $0x1  }
.Ltmp2:
0x1df: {  	vm13 =	veq.s32 v12, $0x4;
	v14 =	vmpcnt.ones.xlane vm11;
	vm11 =	veq.s32 v12, $0x2;
	(pc) =	sbr.rel @p1 .LBB2_2-.Ltmp2, $4  }
0x1e0: {  	v13 =	vnsel vm0, $0x0, v13;
	v15 =	vmpcnt.ones.xlane vm11;
	vm11 =	veq.s32 v12, $0x3  }
0x1e1: {  	s8 =	sadd.s32 $0x10, s8;
	v13 =	vadd.s32 v11, v13;
	v14 =	vsel vm1, $0x0, v14;
	v16 =	vmpcnt.ones.xlane vm11  }
0x1e2: {  	v14 =	vadd.s32 v14, v13;
	v15 =	vsel vm2, $0x0, v15;
	v13 =	vmpcnt.ones.xlane vm13;
	v12 =	vld [tilespmem:s8+$0x0]  }
0x1e3: {  	s17 =	sadd.s32 $0x1, s17;
	v15 =	vadd.s32 v15, v14;
	v16 =	vsel vm3, $0x0, v16;
	v14 =	vmpcnt.ones.xlane vm12  }
0x1e4: {  	v15 =	vadd.s32 v16, v15;
	v13 =	vsel vm4, $0x0, v13;
	v59 =	vmpcnt.ones.xlane vm10  }
0x1e5: {  	v13 =	vadd.s32 v13, v15;
	v14 =	vsel vm5, $0x0, v14  }
0x1e6: {  	v15 =	vmpcnt.ones.xlane vm9;
	v13 =	vadd.s32 v14, v13;
	v14 =	vsel vm6, $0x0, v59  }
0x1e7: {  	vm9 =	veq.s32 v12, $0x7;
	v13 =	vadd.s32 v14, v13;
	vm10 =	veq.s32 v12, $0x0  }
0x1e8: {  	v14 =	vsel vm7, $0x0, v15;
	vm11 =	veq.s32 v12, $0x6;
	v15 =	vmpcnt.ones.xlane vm10  }
0x1e9: {  	vm12 =	veq.s32 v12, $0x4;
	vm10 =	veq.s32 v12, $0x1;
	v13 =	vadd.s32 v14, v13  }
0x1ea: {  	v60 =	vmpcnt.ones.xlane vm10;
	vm10 =	veq.s32 v12, $0x2;
	v14 =	vnsel vm0, $0x0, v15  }
0x1eb: {  	v15 =	vmpcnt.ones.xlane vm10;
	vm10 =	veq.s32 v12, $0x3;
	v14 =	vadd.s32 v13, v14  }
0x1ec: {  	v16 =	vsel vm1, $0x0, v60;
	v61 =	vmpcnt.ones.xlane vm10;
	vm10 =	veq.s32 v12, $0x5  }
0x1ed: {  	v14 =	vadd.s32 v16, v14;
	v12 =	vsel vm2, $0x0, v15;
	v15 =	vmpcnt.ones.xlane vm12  }
0x1ee: {  	v62 =	vmpcnt.ones.xlane vm10;
	v12 =	vadd.s32 v12, v14;
	v14 =	vsel vm3, $0x0, v61  }
0x1ef: {  	v12 =	vadd.s32 v14, v12;
	v14 =	vsel vm4, $0x0, v15;
	v15 =	vmpcnt.ones.xlane vm11  }
0x1f0: {  	v63 =	vmpcnt.ones.xlane vm9;
	v12 =	vadd.s32 v14, v12;
	v14 =	vsel vm5, $0x0, v62  }
0x1f1: {  	v12 =	vadd.s32 v14, v12;
	v14 =	vsel vm6, $0x0, v15  }
0x1f2: {  	v12 =	vadd.s32 v14, v12;
	v14 =	vsel vm7, $0x0, v63  }
0x1f3: {  	v12 =	vadd.s32 v14, v12  }
0x1f4: {  	v12 =	vadd.s32 $0xFF, v12  }
0x1f5: {  	v14 =	vand.u32 $0xFFFFFF00, v12  }
0x1f6: {  	(xrf0) =	vadd.scan.msk.s32 $0xffff, v14;
	_ =	sdelay $0x3  }
.Ltmp3:
0x1f7: {  	_ = 	snop;
	(pc) =	sbr.rel @p0 .LBB2_5-.Ltmp3, $4  }
0x1f8: {  	p1 =	seq.s32 s13, s7  }
0x1f9: {  	p6 =	seq.s32 s13, s5;
	v10 =	vpsel p1, v11, v10;
	v11, _, _ =	vpop (xrf0)  }
0x1fa: {  	v10 =	vpsel p6, v13, v10;
	v11 =	vsub.s32 v11, v14  }
0x1fb: {  	v10 =	vadd.s32 v10, v11  }
0x1fc: {  	v11 =	vshra.s32 v11, $0x8;
	v12 =	vshra.s32 v12, $0x8  }
0x1fd: {  	v12 =	vadd.s32 v12, v11;
	v13 =	vsel vm1, $0x0, v11  }
0x1fe: {  	(xrf0) =	vadd.scan.msk.s32 $0xffff, v13;
	v33 =	vsel vm1, $0x0, v12  }
0x1ff: {  	(xrf0) =	vadd.scan.msk.s32 $0xffff, v33  }
0x200: {  	v34 =	vsel vm2, $0x0, v11  }
0x201: {  	v35 =	vsel vm2, $0x0, v12;
	(xrf0) =	vadd.scan.msk.s32 $0xffff, v34  }
0x202: {  	(xrf0) =	vadd.scan.msk.s32 $0xffff, v35  }
0x203: {  	v36 =	vsel vm3, $0x0, v11  }
0x204: {  	v37 =	vsel vm3, $0x0, v12;
	v14, _, _ =	vpop (xrf0);
	(xrf0) =	vadd.scan.msk.s32 $0xffff, v36  }
0x205: {  	v15, _, _ =	vpop (xrf0);
	(xrf0) =	vadd.scan.msk.s32 $0xffff, v37  }
0x206: {  	v38 =	vsel vm4, $0x0, v11  }
0x207: {  	v40 =	vsel vm5, $0x0, v11;
	v39 =	vsel vm4, $0x0, v12;
	v16, _, _ =	vpop (xrf0);
	(xrf0) =	vadd.scan.msk.s32 $0xffff, v38  }
0x208: {  	v42 =	vsel vm6, $0x0, v11;
	v14 =	vbroadcast v14, $0xF;
	v15 =	vbroadcast v15, $0xF;
	v17, _, _ =	vpop (xrf0);
	(xrf0) =	vadd.scan.msk.s32 $0xffff, v39  }
0x209: {  	v11 =	vsel vm7, $0x0, v11;
	v41 =	vsel vm5, $0x0, v12;
	v16 =	vbroadcast v16, $0xF;
	(xrf0) =	vadd.scan.msk.s32 $0xffff, v40  }
0x20a: {  	vm9 =	vlt.s32 v14, v1;
	v17 =	vbroadcast v17, $0xF;
	vm10 =	vgt.s32 v15, v0;
	(xrf0) =	vadd.scan.msk.s32 $0xffff, v41;
	v18, _, _ =	vpop (xrf0)  }
0x20b: {  	v43 =	vsel vm6, $0x0, v12;
	vm11 =	vlt.s32 v16, v1;
	vm9 =	vmand vm9, vm10;
	(xrf0) =	vadd.scan.msk.s32 $0xffff, v42;
	v19, _, _ =	vpop (xrf0)  }
0x20c: {  	vm12 =	vgt.s32 v17, v0;
	(xrf0) =	vadd.scan.msk.s32 $0xffff, v43;
	v44 =	vbroadcast v18, $0xF;
	v45 =	vbroadcast v19, $0xF  }
0x20d: {  	v47 =	vsel vm9, $0x1, v2;
	vm10 =	vmand vm11, vm12;
	v46, _, _ =	vpop (xrf0);
	(xrf0) =	vadd.scan.msk.s32 $0xffff, v11;
	v11 =	vsel vm7, $0x0, v12  }
0x20e: {  	v20 =	vsel vm10, $0x2, v2;
	v21, _, _ =	vpop (xrf0);
	vm9 =	vlt.s32 v44, v1;
	vm10 =	vgt.s32 v45, v0  }
0x20f: {  	v19 =	vbroadcast v46, $0xF;
	v21 =	vbroadcast v21, $0xF;
	vm9 =	vmand vm9, vm10  }
0x210: {  	(xrf0) =	vadd.scan.msk.s32 $0xffff, v11;
	v11, _, _ =	vpop (xrf0);
	v23 =	vsel vm9, $0x3, v2  }
0x211: {  	v48, _, _ =	vpop (xrf0);
	v11 =	vbroadcast v11, $0xF;
	vm9 =	vlt.s32 v19, v1;
	vm10 =	vgt.s32 v21, v0  }
0x212: {  	v12 =	vor.u32 v47, v20;
	v22, _, _ =	vpop (xrf0);
	v20 =	vbroadcast v48, $0xF;
	vm9 =	vmand vm9, vm10  }
0x213: {  	v12 =	vadd.s32 v23, v12;
	v24, _, _ =	vpop (xrf0);
	v22 =	vbroadcast v22, $0xF;
	vm11 =	vlt.s32 v11, v1  }
0x214: {  	v27 =	vsel vm9, $0x4, v2;
	vm12 =	vgt.s32 v20, v0;
	v24 =	vbroadcast v24, $0xF  }
0x215: {  	vm13 =	vgt.s32 v45, v4;
	v25, _, _ =	vpop (xrf0);
	v12 =	vadd.s32 v27, v12;
	vm10 =	vmand vm11, vm12  }
0x216: {  	vm11 =	vlt.s32 v22, v1;
	v26, _, _ =	vpop (xrf0);
	v25 =	vbroadcast v25, $0xF;
	vm12 =	vgt.s32 v24, v0  }
0x217: {  	v26 =	vbroadcast v26, $0xF;
	v28 =	vsel vm10, $0x5, v2;
	vm9 =	vmand vm11, vm12  }
0x218: {  	vm11 =	vgt.s32 v15, v4;
	vm12 =	vlt.s32 v44, v3;
	v12 =	vadd.s32 v28, v12  }
0x219: {  	v29 =	vsel vm9, $0x6, v2;
	vm9 =	vlt.s32 v25, v1;
	vm10 =	vgt.s32 v26, v0  }
0x21a: {  	vm14 =	vgt.s32 v26, v4;
	vm9 =	vmand vm9, vm10;
	vm10 =	vlt.s32 v14, v3  }
0x21b: {  	v12 =	vadd.s32 v29, v12;
	v30 =	vsel vm9, $0x7, v2;
	vm9 =	vmand vm10, vm11  }
0x21c: {  	vm10 =	vlt.s32 v16, v3;
	vm11 =	vgt.s32 v17, v4;
	v31 =	vsel vm9, $0x1, v2  }
0x21d: {  	vm9 =	vmand vm10, vm11;
	vm10 =	vmand vm12, vm13;
	vm11 =	vlt.s32 v11, v3  }
0x21e: {  	vm12 =	vgt.s32 v20, v4;
	vm13 =	vlt.s32 v25, v3;
	v32 =	vsel vm9, $0x2, v2  }
0x21f: {  	v33 =	vsel vm10, $0x3, v2;
	vm9 =	vlt.s32 v19, v3;
	vm10 =	vgt.s32 v21, v4  }
0x220: {  	v12 =	vadd.s32 v30, v12;
	vm9 =	vmand vm9, vm10;
	vm10 =	vmand vm11, vm12  }
0x221: {  	vm11 =	vlt.s32 v22, v3;
	vm12 =	vgt.s32 v24, v4;
	v49 =	vor.u32 v31, v32  }
0x222: {  	vm11 =	vmand vm11, vm12;
	v50 =	vsel vm9, $0x4, v2;
	vm9 =	vlt.s32 v14, v5  }
0x223: {  	v51 =	vsel vm10, $0x5, v2;
	vm10 =	vgt.s32 v15, v6;
	v52 =	vadd.s32 v33, v49  }
0x224: {  	vm12 =	vmand vm13, vm14;
	vm9 =	vmand vm9, vm10;
	v15 =	vadd.s32 v50, v52  }
0x225: {  	vm10 =	vlt.s32 v16, v5;
	v54 =	vsel vm9, $0x1, v2;
	vm9 =	vgt.s32 v17, v6  }
0x226: {  	v53 =	vsel vm11, $0x6, v2;
	v59 =	vsel vm12, $0x7, v2;
	vm9 =	vmand vm10, vm9  }
0x227: {  	vm10 =	vgt.s32 v45, v6;
	v55 =	vsel vm9, $0x2, v2;
	vm9 =	vlt.s32 v44, v5  }
0x228: {  	s5 =	rddreg [dreg:$0x3];
	[tilespmem:$0x11080] =	vst v12;
	vm11 =	vgt.s32 v26, v6;
	v14 =	vadd.s32 v51, v15;
	vm9 =	vmand vm9, vm10  }
0x229: {  	[hbm4b:s5+s2] =	stream.linear.scatter [tilespmem:s16], [sflag:$0x2], $0x10, $0x38;
	vm10 =	vgt.s32 v21, v6;
	v58 =	vsel vm9, $0x3, v2;
	vm9 =	vlt.s32 v19, v5;
	[tilespmem:$0x11100] =	vst v63  }
0x22a: {  	_ =	swait.ge [sflag:s15], $0x10;
	v56 =	vadd.s32 v53, v14;
	v57 =	vor.u32 v54, v55;
	vm9 =	vmand vm9, vm10  }
0x22b: {  	[sflag:s15] =	ssyncset.done $0x0;
	vm10 =	vgt.s32 v20, v6;
	v60 =	vsel vm9, $0x4, v2;
	vm9 =	vlt.s32 v11, v5  }
0x22c: {  	[sflag:s15] =	ssyncadd.s32 $0xFFFFFFF0;
	v13 =	vadd.s32 v58, v57;
	v11 =	vadd.s32 v59, v56;
	vm9 =	vmand vm9, vm10  }
0x22d: {  	s8 =	rddreg [dreg:$0x4];
	[tilespmem:$0x11080] =	vst v11;
	vm10 =	vgt.s32 v24, v6;
	v11 =	vsel vm9, $0x5, v2;
	vm9 =	vlt.s32 v22, v5  }
0x22e: {  	v61 =	vadd.s32 v60, v13;
	[hbm4b:s8+s2] =	stream.linear.scatter [tilespmem:s16], [sflag:$0x2], $0x10, $0x38;
	vm9 =	vmand vm9, vm10;
	vm10 =	vlt.s32 v25, v5;
	[tilespmem:$0x11100] =	vst v63  }
0x22f: {  	_ =	swait.ge [sflag:s15], $0x10;
	v11 =	vadd.s32 v11, v61;
	v62 =	vsel vm9, $0x6, v2;
	vm9 =	vmand vm10, vm11  }
0x230: {  	[sflag:s15] =	ssyncset.done $0x0;
	v11 =	vadd.s32 v62, v11;
	v63 =	vsel vm9, $0x7, v2  }
0x231: {  	[sflag:s15] =	ssyncadd.s32 $0xFFFFFFF0;
	v11 =	vadd.s32 v63, v11  }
.Ltmp4:
0x232: {  	s17 =	rddreg [dreg:$0x5];
	[tilespmem:$0x11080] =	vst v11;
	(pc) =	sbr.rel .LBB2_5-.Ltmp4, $4  }
0x233: {  	[hbm4b:s17+s2] =	stream.linear.scatter [tilespmem:s16], [sflag:$0x2], $0x10, $0x38;
	[tilespmem:$0x11100] =	vst v63  }
0x234: {  	_ =	swait.ge [sflag:s15], $0x10  }
0x235: {  	[sflag:s15] =	ssyncset.done $0x0  }
0x236: {  	[sflag:s15] =	ssyncadd.s32 $0xFFFFFFF0  }
.LBB2_6:
0x237: {  	_ =	sfence.sel $0x180000  }
0x238: {  	[bflag:$0x0] =	sbarrier.arrive $0xFFFF  }
0x239: {  	_ =	strace $0x90000047  }
0x23a: {  	s0 =	stileid.u32;
	[bflag:$0x2] =	sbarrier.arrive $0xFFFF  }
0x23b: {  	p0 =	sne.s32 s0, $0x0;
	s0 =	rddreg [dreg:$0x2]  }
0x23c: {  	s0 =	sadd.s32 @!p0 $0x100000, s0  }
0x23d: {  	[sflag:s0] =	ssyncadd.tile.s32 @!p0 $0x1;
	_ =	shalt  }
.Lfunc_end2:
_tile_overlayer_lowered:
.L_overlay_start_2:
0x23e: {  	(tag) =	ssettag $0x2  }
0x23f: {  	s0 =	rddreg [dreg:$0x0];
	s2 =	stileid.u32  }
0x240: {  	s1 =	rddreg [dreg:$0x1];
	p0 =	sne.s32 s2, $0x0  }
0x241: {  	s3 =	rddreg [dreg:$0x2];
	[bflag:$0x3] =	sbarrier.arrive $0xFFFF;
	s2 =	simm.s32 @!p0 $0x1C02  }
0x242: {  	[timem:s3], [sflag:s2] =	dma.local @!p0 [hbm:s0], s1  }
0x243: {  	s0 =	simm.s32 @!p0 $0x2  }
0x244: {  	_ =	swait.ge @!p0 [sflag:s0], s1  }
0x245: {  	s1 =	ssub.s32 @!p0 $0x0, s1;
	[sflag:s0] =	ssyncset.done @!p0 $0x0  }
0x246: {  	[sflag:s0] =	ssyncadd.s32 @!p0 s1  }
0x247: {  	[bflag:$0x3] =	sbarrier.arrive $0xFFFF  }
0x248: {  	_ =	shalt  }

</sc_bundles>
